<compile_context>
chip_gen: v7x
topology: tpu7x:2x2x1
jax: 0.10.2.dev20260603
libtpu: 0.0.44.dev20260713+nightly
codegen_flags: <defaults>
</compile_context>

<pallas_src>
import functools

import jax
import jax.numpy as jnp
from jax import lax
from jax.experimental import pallas as pl
from jax.experimental.pallas import tpu as pltpu, tpu_sc as plsc

RANK = 4
RES = 512
NC = 2
NS = 16
L = 16
NW = NC * NS

CH = 512
NIDX = 3 * CH
IPT = 128
NDMA = NIDX // IPT
NREC = 3 * RES * RES


def _tri_body(cx_hbm, cy_hbm, cz_hbm, tab_hbm, out_hbm,
              cv0, cv1, idx0, idx1, w0, w1, rows0, rows1, ov,
              sem_c, sem_g, *, n_pts):
    np_w = n_pts // NW
    nchunk = np_w // CH
    wid = lax.axis_index("s") * NC + lax.axis_index("c")
    wbase = wid * np_w

    def fire_coords(chunk, cv):
        base = wbase + chunk * CH
        pltpu.async_copy(cx_hbm.at[pl.ds(base, CH)], cv.at[pl.ds(0, CH)], sem_c)
        pltpu.async_copy(cy_hbm.at[pl.ds(base, CH)], cv.at[pl.ds(CH, CH)], sem_c)
        pltpu.async_copy(cz_hbm.at[pl.ds(base, CH)], cv.at[pl.ds(2 * CH, CH)], sem_c)

    def wait_coords(cv):
        for a in range(3):
            pltpu.make_async_copy(cx_hbm.at[pl.ds(0, CH)],
                                  cv.at[pl.ds(a * CH, CH)], sem_c).wait()

    def phase_b(cv, idxv, wv):
        def idx_body(i, c2):
            o = i * L
            cx = cv[pl.ds(o, L)]
            cy = cv[pl.ds(CH + o, L)]
            cz = cv[pl.ds(2 * CH + o, L)]
            for ci, (ax, ay) in enumerate(((cx, cy), (cx, cz), (cy, cz))):
                x0 = jnp.clip(ax.astype(jnp.int32), 0, RES - 2)
                y0 = jnp.clip(ay.astype(jnp.int32), 0, RES - 2)
                fx = ax - x0.astype(jnp.float32)
                fy = ay - y0.astype(jnp.float32)
                idxv[pl.ds(ci * CH + o, L)] = y0 * RES + x0 + ci * (RES * RES)
                wv[pl.ds((2 * ci) * CH + o, L)] = fx
                wv[pl.ds((2 * ci + 1) * CH + o, L)] = fy
            return c2

        lax.fori_loop(0, CH // L, idx_body, 0)

    def fire_gathers(idxv, rowsv):
        for j in range(NDMA):
            pltpu.async_copy(tab_hbm.at[idxv.at[pl.ds(j * IPT, IPT)]],
                             rowsv.at[pl.ds(j * IPT, IPT)], sem_g)

    def drain_gathers(idxv, rowsv):
        for j in range(NDMA):
            pltpu.make_async_copy(tab_hbm.at[idxv.at[pl.ds(j * IPT, IPT)]],
                                  rowsv.at[pl.ds(j * IPT, IPT)], sem_g).wait()

    def phase_c(chunk, wv, rowsv):
        def grp_body(i, c2):
            o = i * L
            rb = lax.iota(jnp.int32, L) + o
            accs = [None] * RANK
            for ci in range(3):
                fx = wv[pl.ds((2 * ci) * CH + o, L)]
                fy = wv[pl.ds((2 * ci + 1) * CH + o, L)]
                wx0 = 1.0 - fx
                wy0 = 1.0 - fy
                rbp = rb + ci * CH
                for c in range(RANK):
                    v00 = plsc.load_gather(rowsv, [rbp, jnp.full((L,), c, jnp.int32)])
                    v01 = plsc.load_gather(rowsv, [rbp, jnp.full((L,), 4 + c, jnp.int32)])
                    v10 = plsc.load_gather(rowsv, [rbp, jnp.full((L,), 8 + c, jnp.int32)])
                    v11 = plsc.load_gather(rowsv, [rbp, jnp.full((L,), 12 + c, jnp.int32)])
                    val = (v00 * wx0 + v01 * fx) * wy0 + (v10 * wx0 + v11 * fx) * fy
                    accs[c] = val if ci == 0 else accs[c] * val
            s = (accs[0] + accs[1]) + (accs[2] + accs[3])
            ov[pl.ds(o, L)] = jnp.maximum(s * 0.25, 0.0)
            return c2

        lax.fori_loop(0, CH // L, grp_body, 0)
        pltpu.sync_copy(ov, out_hbm.at[pl.ds(wbase + chunk * CH, CH)])

    fire_coords(0, cv0)

    def pair_body(g2, carry):
        ga = 2 * g2
        wait_coords(cv0)
        phase_b(cv0, idx0, w0)

        @pl.when(g2 > 0)
        def _():
            drain_gathers(idx1, rows1)

        fire_gathers(idx0, rows0)
        fire_coords(ga + 1, cv1)

        @pl.when(g2 > 0)
        def _():
            phase_c(ga - 1, w1, rows1)

        wait_coords(cv1)
        phase_b(cv1, idx1, w1)
        drain_gathers(idx0, rows0)
        fire_gathers(idx1, rows1)
        fire_coords(jnp.minimum(ga + 2, nchunk - 1), cv0)
        phase_c(ga, w0, rows0)
        return carry

    lax.fori_loop(0, nchunk // 2, pair_body, 0)

    wait_coords(cv0)
    drain_gathers(idx1, rows1)
    phase_c(nchunk - 1, w1, rows1)


def _quad_table(g):
    t = jnp.transpose(g, (1, 2, 0))
    tx = jnp.concatenate([t[:, 1:], t[:, -1:]], axis=1)
    ty = jnp.concatenate([t[1:], t[-1:]], axis=0)
    txy = jnp.concatenate([ty[:, 1:], ty[:, -1:]], axis=1)
    return jnp.concatenate([t, tx, ty, txy], axis=-1).reshape(RES * RES, 4 * RANK)


def kernel(pts, G0, G1, G2, aabb):
    n_rays, n_samples = pts.shape[:2]
    n_pts = n_rays * n_samples

    lo = aabb[0]
    scale = (RES - 1.0) / (aabb[1] - lo)
    cx = ((pts[:, :, 0] - lo[0]) * scale[0]).reshape(-1)
    cy = ((pts[:, :, 1] - lo[1]) * scale[1]).reshape(-1)
    cz = ((pts[:, :, 2] - lo[2]) * scale[2]).reshape(-1)

    table = jnp.concatenate(
        [_quad_table(G0), _quad_table(G1), _quad_table(G2)], axis=0
    )

    mesh = plsc.VectorSubcoreMesh(core_axis_name="c", subcore_axis_name="s",
                                  num_cores=NC, num_subcores=NS)
    run = pl.kernel(
        functools.partial(_tri_body, n_pts=n_pts),
        out_type=jax.ShapeDtypeStruct((n_pts,), jnp.float32),
        mesh=mesh,
        compiler_params=pltpu.CompilerParams(needs_layout_passes=False,
                                             use_tc_tiling_on_sc=False),
        scratch_types=[
            pltpu.VMEM((CH * 3,), jnp.float32),
            pltpu.VMEM((CH * 3,), jnp.float32),
            pltpu.VMEM((NIDX,), jnp.int32),
            pltpu.VMEM((NIDX,), jnp.int32),
            pltpu.VMEM((6 * CH,), jnp.float32),
            pltpu.VMEM((6 * CH,), jnp.float32),
            pltpu.VMEM((NIDX, 4 * RANK), jnp.float32),
            pltpu.VMEM((NIDX, 4 * RANK), jnp.float32),
            pltpu.VMEM((CH,), jnp.float32),
            pltpu.SemaphoreType.DMA,
            pltpu.SemaphoreType.DMA,
        ],
    )
    out = run(cx, cy, cz, table)
    return out.reshape(n_rays, n_samples, 1)

# --- scband reference (transcript-rebuilt; emitter-appended) ---
"""Pipeline reference for scband-triplane-density-field-83202106458409 (READ-ONLY COPY).

The authoritative reference and input builder live on the scoring server;
editing this copy changes nothing except your own understanding.
"""

import jax, jax.numpy as jnp
import numpy as np

RANK = 4
RES = 512
N_RAYS = 4096
N_SAMPLES = 128


def grid_sample_2d(grid, coords):
    # grid: [C, H, W]; coords: [N, 2] in [-1, 1], (x, y) order like torch grid_sample,
    # align_corners=True, border clamp (all coords in-range for this setup).
    C, H, W = grid.shape
    x = (coords[:, 0] + 1.0) * 0.5 * (W - 1)
    y = (coords[:, 1] + 1.0) * 0.5 * (H - 1)
    x0 = jnp.floor(x)
    y0 = jnp.floor(y)
    wx1 = x - x0
    wx0 = 1.0 - wx1
    wy1 = y - y0
    wy0 = 1.0 - wy1
    x0i = jnp.clip(x0, 0, W - 1).astype(jnp.int32)
    x1i = jnp.clip(x0 + 1, 0, W - 1).astype(jnp.int32)
    y0i = jnp.clip(y0, 0, H - 1).astype(jnp.int32)
    y1i = jnp.clip(y0 + 1, 0, H - 1).astype(jnp.int32)
    v00 = grid[:, y0i, x0i]  # [C, N]
    v01 = grid[:, y0i, x1i]
    v10 = grid[:, y1i, x0i]
    v11 = grid[:, y1i, x1i]
    out = v00 * (wy0 * wx0) + v01 * (wy0 * wx1) + v10 * (wy1 * wx0) + v11 * (wy1 * wx1)
    return out.T  # [N, C]


def setup_inputs(seed: int = 0) -> dict:
    key = jax.random.key(seed)
    k1, k2, k3, k4 = jax.random.split(key, 4)
    pts = jax.random.uniform(k1, (N_RAYS, N_SAMPLES, 3), dtype=jnp.float32)
    G0 = jax.random.normal(k2, (RANK, RES, RES), dtype=jnp.float32) * 0.1 + 0.5
    G1 = jax.random.normal(k3, (RANK, RES, RES), dtype=jnp.float32) * 0.1 + 0.5
    G2 = jax.random.normal(k4, (RANK, RES, RES), dtype=jnp.float32) * 0.1 + 0.5
    aabb = jnp.array([[0.0, 0.0, 0.0], [1.0, 1.0, 1.0]], dtype=jnp.float32)
    return {"pts": pts, "G0": G0, "G1": G1, "G2": G2, "aabb": aabb}


def reference(pts, G0, G1, G2, aabb):
    n_rays, n_samples = pts.shape[:2]
    p = (pts - aabb[0]) * (2.0 / (aabb[1] - aabb[0])) - 1.0
    p = p.reshape(-1, 3)
    coo_combs = [(0, 1), (0, 2), (1, 2)]
    grids = [G0, G1, G2]
    interp_out = None
    for ci, cc in enumerate(coo_combs):
        plane = grid_sample_2d(grids[ci], p[:, jnp.array(cc)]).reshape(-1, 1, RANK)
        interp_out = plane if interp_out is None else interp_out * plane
    interp = interp_out.mean(axis=-1)  # [N, 1]
    interp = jax.nn.relu(interp.reshape(n_rays, n_samples, 1))
    return interp

if __name__ == "__main__":
    import jax
    _d = setup_inputs()
    print(jax.jit(kernel)(*tuple(_d.values())))

</pallas_src>

<mosaic_0001>
#map = affine_map<(d0, d1) -> (0)>
#map1 = affine_map<(d0, d1) -> (0, 0)>
module attributes {stable_mosaic.version = 14 : i64} {
  func.func @_tri_body(%arg0: i32, %arg1: i32, %arg2: memref<524288xf32, #tpu.memory_space<hbm>>, %arg3: memref<524288xf32, #tpu.memory_space<hbm>>, %arg4: memref<524288xf32, #tpu.memory_space<hbm>>, %arg5: memref<786432x16xf32, #tpu.memory_space<hbm>>, %arg6: memref<524288xf32, #tpu.memory_space<hbm>>, %arg7: memref<1536xf32, #tpu.memory_space<vmem>>, %arg8: memref<1536xf32, #tpu.memory_space<vmem>>, %arg9: memref<1536xi32, #tpu.memory_space<vmem>>, %arg10: memref<1536xi32, #tpu.memory_space<vmem>>, %arg11: memref<3072xf32, #tpu.memory_space<vmem>>, %arg12: memref<3072xf32, #tpu.memory_space<vmem>>, %arg13: memref<1536x16xf32, #tpu.memory_space<vmem>>, %arg14: memref<1536x16xf32, #tpu.memory_space<vmem>>, %arg15: memref<512xf32, #tpu.memory_space<vmem>>, %arg16: memref<!tpu.dma_semaphore, #tpu.memory_space<semaphore_mem>>, %arg17: memref<!tpu.dma_semaphore, #tpu.memory_space<semaphore_mem>>) attributes {dimension_semantics = [#tpu.dimension_semantics<core_parallel>, #tpu.dimension_semantics<subcore_parallel>], iteration_bounds = array<i64: 2, 16>, scalar_prefetch = 0 : i64, scratch_operands = 11 : i64, tpu.core_type = #tpu.core_type<sc_vector_subcore>, window_params = [{transform_indices = #map}, {transform_indices = #map}, {transform_indices = #map}, {transform_indices = #map1}, {transform_indices = #map}]} {
    %mul3A = arith.constant 2 : i32
    %mul3A_0 = arith.muli %arg1, %mul3A : i32
    %add3A = arith.addi %mul3A_0, %arg0 : i32
    %mul3A_1 = arith.constant 16384 : i32
    %mul3A_2 = arith.muli %add3A, %mul3A_1 : i32
    %add3A_3 = arith.constant 0 : i32
    %add3A_4 = arith.addi %mul3A_2, %add3A_3 : i32
    %dma_start3A = arith.constant 0 : i32
    %dma_start3A_5 = tpu.memref_slice %arg7[%dma_start3A] : memref<1536xf32, #tpu.memory_space<vmem>> -> memref<512xf32, #tpu.memory_space<vmem>>
    %dma_start3A_6 = tpu.memref_slice %arg2[%add3A_4] : memref<524288xf32, #tpu.memory_space<hbm>> -> memref<512xf32, #tpu.memory_space<hbm>>
    %dma_start3A_7 = arith.constant 0 : i32
    %dma_start3A_8 = tpu.memref_slice %arg7[%dma_start3A_7] : memref<1536xf32, #tpu.memory_space<vmem>> -> memref<512xf32, #tpu.memory_space<vmem>>
    %dma_start3A_9 = tpu.memref_slice %arg2[%add3A_4] : memref<524288xf32, #tpu.memory_space<hbm>> -> memref<512xf32, #tpu.memory_space<hbm>>
    tpu.enqueue_dma source(%dma_start3A_9 : memref<512xf32, #tpu.memory_space<hbm>>) target(%dma_start3A_8 : memref<512xf32, #tpu.memory_space<vmem>>) target_semaphore(%arg16 : memref<!tpu.dma_semaphore, #tpu.memory_space<semaphore_mem>>)
    %dma_start3A_10 = arith.constant 512 : i32
    %dma_start3A_11 = tpu.memref_slice %arg7[%dma_start3A_10] : memref<1536xf32, #tpu.memory_space<vmem>> -> memref<512xf32, #tpu.memory_space<vmem>>
    %dma_start3A_12 = tpu.memref_slice %arg3[%add3A_4] : memref<524288xf32, #tpu.memory_space<hbm>> -> memref<512xf32, #tpu.memory_space<hbm>>
    %dma_start3A_13 = arith.constant 512 : i32
    %dma_start3A_14 = tpu.memref_slice %arg7[%dma_start3A_13] : memref<1536xf32, #tpu.memory_space<vmem>> -> memref<512xf32, #tpu.memory_space<vmem>>
    %dma_start3A_15 = tpu.memref_slice %arg3[%add3A_4] : memref<524288xf32, #tpu.memory_space<hbm>> -> memref<512xf32, #tpu.memory_space<hbm>>
    tpu.enqueue_dma source(%dma_start3A_15 : memref<512xf32, #tpu.memory_space<hbm>>) target(%dma_start3A_14 : memref<512xf32, #tpu.memory_space<vmem>>) target_semaphore(%arg16 : memref<!tpu.dma_semaphore, #tpu.memory_space<semaphore_mem>>)
    %dma_start3A_16 = arith.constant 1024 : i32
    %dma_start3A_17 = tpu.memref_slice %arg7[%dma_start3A_16] : memref<1536xf32, #tpu.memory_space<vmem>> -> memref<512xf32, #tpu.memory_space<vmem>>
    %dma_start3A_18 = tpu.memref_slice %arg4[%add3A_4] : memref<524288xf32, #tpu.memory_space<hbm>> -> memref<512xf32, #tpu.memory_space<hbm>>
    %dma_start3A_19 = arith.constant 1024 : i32
    %dma_start3A_20 = tpu.memref_slice %arg7[%dma_start3A_19] : memref<1536xf32, #tpu.memory_space<vmem>> -> memref<512xf32, #tpu.memory_space<vmem>>
    %dma_start3A_21 = tpu.memref_slice %arg4[%add3A_4] : memref<524288xf32, #tpu.memory_space<hbm>> -> memref<512xf32, #tpu.memory_space<hbm>>
    tpu.enqueue_dma source(%dma_start3A_21 : memref<512xf32, #tpu.memory_space<hbm>>) target(%dma_start3A_20 : memref<512xf32, #tpu.memory_space<vmem>>) target_semaphore(%arg16 : memref<!tpu.dma_semaphore, #tpu.memory_space<semaphore_mem>>)
    %scan3A = arith.constant 0 : i32
    %scan3A_22 = arith.constant 0 : i32
    %scan3A_23 = arith.constant 16 : i32
    %scan3A_24 = arith.addi %scan3A_22, %scan3A_23 : i32
    %scan3A_25 = arith.constant 1 : i32
    scf.for %scan3A_154 = %scan3A_22 to %scan3A_24 step %scan3A_25  : i32 {
      %mul3A_155 = arith.constant 2 : i32
      %mul3A_156 = arith.muli %mul3A_155, %scan3A_154 : i32
      %dma_wait3A_157 = arith.constant 0 : i32
      %dma_wait3A_158 = tpu.memref_slice %arg7[%dma_wait3A_157] : memref<1536xf32, #tpu.memory_space<vmem>> -> memref<512xf32, #tpu.memory_space<vmem>>
      %dma_wait3A_159 = arith.constant 0 : i32
      %dma_wait3A_160 = tpu.memref_slice %arg2[%dma_wait3A_159] : memref<524288xf32, #tpu.memory_space<hbm>> -> memref<512xf32, #tpu.memory_space<hbm>>
      %dma_wait3A_161 = arith.constant 0 : i32
      %dma_wait3A_162 = tpu.memref_slice %arg7[%dma_wait3A_161] : memref<1536xf32, #tpu.memory_space<vmem>> -> memref<512xf32, #tpu.memory_space<vmem>>
      %dma_wait3A_163 = arith.constant 0 : i32
      %dma_wait3A_164 = tpu.memref_slice %arg2[%dma_wait3A_163] : memref<524288xf32, #tpu.memory_space<hbm>> -> memref<512xf32, #tpu.memory_space<hbm>>
      tpu.wait_dma2 semaphore(%arg16 : memref<!tpu.dma_semaphore, #tpu.memory_space<semaphore_mem>>) src(%dma_wait3A_164 : memref<512xf32, #tpu.memory_space<hbm>>) dst(%dma_wait3A_162 : memref<512xf32, #tpu.memory_space<vmem>>)
      %dma_wait3A_165 = arith.constant 512 : i32
      %dma_wait3A_166 = tpu.memref_slice %arg7[%dma_wait3A_165] : memref<1536xf32, #tpu.memory_space<vmem>> -> memref<512xf32, #tpu.memory_space<vmem>>
      %dma_wait3A_167 = arith.constant 0 : i32
      %dma_wait3A_168 = tpu.memref_slice %arg2[%dma_wait3A_167] : memref<524288xf32, #tpu.memory_space<hbm>> -> memref<512xf32, #tpu.memory_space<hbm>>
      %dma_wait3A_169 = arith.constant 512 : i32
      %dma_wait3A_170 = tpu.memref_slice %arg7[%dma_wait3A_169] : memref<1536xf32, #tpu.memory_space<vmem>> -> memref<512xf32, #tpu.memory_space<vmem>>
      %dma_wait3A_171 = arith.constant 0 : i32
      %dma_wait3A_172 = tpu.memref_slice %arg2[%dma_wait3A_171] : memref<524288xf32, #tpu.memory_space<hbm>> -> memref<512xf32, #tpu.memory_space<hbm>>
      tpu.wait_dma2 semaphore(%arg16 : memref<!tpu.dma_semaphore, #tpu.memory_space<semaphore_mem>>) src(%dma_wait3A_172 : memref<512xf32, #tpu.memory_space<hbm>>) dst(%dma_wait3A_170 : memref<512xf32, #tpu.memory_space<vmem>>)
      %dma_wait3A_173 = arith.constant 1024 : i32
      %dma_wait3A_174 = tpu.memref_slice %arg7[%dma_wait3A_173] : memref<1536xf32, #tpu.memory_space<vmem>> -> memref<512xf32, #tpu.memory_space<vmem>>
      %dma_wait3A_175 = arith.constant 0 : i32
      %dma_wait3A_176 = tpu.memref_slice %arg2[%dma_wait3A_175] : memref<524288xf32, #tpu.memory_space<hbm>> -> memref<512xf32, #tpu.memory_space<hbm>>
      %dma_wait3A_177 = arith.constant 1024 : i32
      %dma_wait3A_178 = tpu.memref_slice %arg7[%dma_wait3A_177] : memref<1536xf32, #tpu.memory_space<vmem>> -> memref<512xf32, #tpu.memory_space<vmem>>
      %dma_wait3A_179 = arith.constant 0 : i32
      %dma_wait3A_180 = tpu.memref_slice %arg2[%dma_wait3A_179] : memref<524288xf32, #tpu.memory_space<hbm>> -> memref<512xf32, #tpu.memory_space<hbm>>
      tpu.wait_dma2 semaphore(%arg16 : memref<!tpu.dma_semaphore, #tpu.memory_space<semaphore_mem>>) src(%dma_wait3A_180 : memref<512xf32, #tpu.memory_space<hbm>>) dst(%dma_wait3A_178 : memref<512xf32, #tpu.memory_space<vmem>>)
      %scan3A_181 = arith.constant 0 : i32
      %scan3A_182 = arith.constant 0 : i32
      %scan3A_183 = arith.constant 32 : i32
      %scan3A_184 = arith.addi %scan3A_182, %scan3A_183 : i32
      %scan3A_185 = arith.constant 1 : i32
      scf.for %scan3A_568 = %scan3A_182 to %scan3A_184 step %scan3A_185  : i32 {
        %mul3A_569 = arith.constant 16 : i32
        %mul3A_570 = arith.muli %scan3A_568, %mul3A_569 : i32
        %get3A = arith.index_cast %mul3A_570 : i32 to index
        %get3A_571 = tpu.vector_load %arg7[%get3A] {strides = array<i32>} : memref<1536xf32, #tpu.memory_space<vmem>>, vector<16xf32>,
        %add3A_572 = arith.constant 512 : i32
        %add3A_573 = arith.addi %add3A_572, %mul3A_570 : i32
        %get3A_574 = arith.index_cast %add3A_573 : i32 to index
        %get3A_575 = tpu.vector_load %arg7[%get3A_574] {strides = array<i32>} : memref<1536xf32, #tpu.memory_space<vmem>>, vector<16xf32>,
        %add3A_576 = arith.constant 1024 : i32
        %add3A_577 = arith.addi %add3A_576, %mul3A_570 : i32
        %get3A_578 = arith.index_cast %add3A_577 : i32 to index
        %get3A_579 = tpu.vector_load %arg7[%get3A_578] {strides = array<i32>} : memref<1536xf32, #tpu.memory_space<vmem>>, vector<16xf32>,
        %convert_element_type3A_580 = arith.fptosi %get3A_571 : vector<16xf32> to vector<16xi32>
        %jit3A = arith.constant 0 : i32
        %jit3A_581 = arith.constant 510 : i32
        %max3A = vector.broadcast %jit3A : i32 to vector<16xi32>
        %max3A_582 = arith.maxsi %max3A, %convert_element_type3A_580 : vector<16xi32>
        %min3A_583 = vector.broadcast %jit3A_581 : i32 to vector<16xi32>
        %min3A_584 = arith.minsi %min3A_583, %max3A_582 : vector<16xi32>
        %convert_element_type3A_585 = arith.fptosi %get3A_575 : vector<16xf32> to vector<16xi32>
        %jit3A_586 = arith.constant 0 : i32
        %jit3A_587 = arith.constant 510 : i32
        %max3A_588 = vector.broadcast %jit3A_586 : i32 to vector<16xi32>
        %max3A_589 = arith.maxsi %max3A_588, %convert_element_type3A_585 : vector<16xi32>
        %min3A_590 = vector.broadcast %jit3A_587 : i32 to vector<16xi32>
        %min3A_591 = arith.minsi %min3A_590, %max3A_589 : vector<16xi32>
        %convert_element_type3A_592 = arith.sitofp %min3A_584 : vector<16xi32> to vector<16xf32>
        %sub3A = arith.subf %get3A_571, %convert_element_type3A_592 : vector<16xf32>
        %convert_element_type3A_593 = arith.sitofp %min3A_591 : vector<16xi32> to vector<16xf32>
        %sub3A_594 = arith.subf %get3A_575, %convert_element_type3A_593 : vector<16xf32>
        %mul3A_595 = arith.constant 512 : i32
        %mul3A_596 = vector.broadcast %mul3A_595 : i32 to vector<16xi32>
        %mul3A_597 = arith.muli %min3A_591, %mul3A_596 : vector<16xi32>
        %add3A_598 = arith.addi %mul3A_597, %min3A_584 : vector<16xi32>
        %add3A_599 = arith.constant 0 : i32
        %add3A_600 = vector.broadcast %add3A_599 : i32 to vector<16xi32>
        %add3A_601 = arith.addi %add3A_598, %add3A_600 : vector<16xi32>
        %add3A_602 = arith.constant 0 : i32
        %add3A_603 = arith.addi %add3A_602, %mul3A_570 : i32
        %swap3A = arith.index_cast %add3A_603 : i32 to index
        %swap3A_604 = tpu.vector_load %arg9[%swap3A] {strides = array<i32>} : memref<1536xi32, #tpu.memory_space<vmem>>, vector<16xi32>,
        tpu.vector_store %arg9[%swap3A], %add3A_601 {strides = array<i32>} : memref<1536xi32, #tpu.memory_space<vmem>>, vector<16xi32>,
        %add3A_605 = arith.constant 0 : i32
        %add3A_606 = arith.addi %add3A_605, %mul3A_570 : i32
        %swap3A_607 = arith.index_cast %add3A_606 : i32 to index
        %swap3A_608 = tpu.vector_load %arg11[%swap3A_607] {strides = array<i32>} : memref<3072xf32, #tpu.memory_space<vmem>>, vector<16xf32>,
        tpu.vector_store %arg11[%swap3A_607], %sub3A {strides = array<i32>} : memref<3072xf32, #tpu.memory_space<vmem>>, vector<16xf32>,
        %add3A_609 = arith.constant 512 : i32
        %add3A_610 = arith.addi %add3A_609, %mul3A_570 : i32
        %swap3A_611 = arith.index_cast %add3A_610 : i32 to index
        %swap3A_612 = tpu.vector_load %arg11[%swap3A_611] {strides = array<i32>} : memref<3072xf32, #tpu.memory_space<vmem>>, vector<16xf32>,
        tpu.vector_store %arg11[%swap3A_611], %sub3A_594 {strides = array<i32>} : memref<3072xf32, #tpu.memory_space<vmem>>, vector<16xf32>,
        %convert_element_type3A_613 = arith.fptosi %get3A_571 : vector<16xf32> to vector<16xi32>
        %jit3A_614 = arith.constant 0 : i32
        %jit3A_615 = arith.constant 510 : i32
        %max3A_616 = vector.broadcast %jit3A_614 : i32 to vector<16xi32>
        %max3A_617 = arith.maxsi %max3A_616, %convert_element_type3A_613 : vector<16xi32>
        %min3A_618 = vector.broadcast %jit3A_615 : i32 to vector<16xi32>
        %min3A_619 = arith.minsi %min3A_618, %max3A_617 : vector<16xi32>
        %convert_element_type3A_620 = arith.fptosi %get3A_579 : vector<16xf32> to vector<16xi32>
        %jit3A_621 = arith.constant 0 : i32
        %jit3A_622 = arith.constant 510 : i32
        %max3A_623 = vector.broadcast %jit3A_621 : i32 to vector<16xi32>
        %max3A_624 = arith.maxsi %max3A_623, %convert_element_type3A_620 : vector<16xi32>
        %min3A_625 = vector.broadcast %jit3A_622 : i32 to vector<16xi32>
        %min3A_626 = arith.minsi %min3A_625, %max3A_624 : vector<16xi32>
        %convert_element_type3A_627 = arith.sitofp %min3A_619 : vector<16xi32> to vector<16xf32>
        %sub3A_628 = arith.subf %get3A_571, %convert_element_type3A_627 : vector<16xf32>
        %convert_element_type3A_629 = arith.sitofp %min3A_626 : vector<16xi32> to vector<16xf32>
        %sub3A_630 = arith.subf %get3A_579, %convert_element_type3A_629 : vector<16xf32>
        %mul3A_631 = arith.constant 512 : i32
        %mul3A_632 = vector.broadcast %mul3A_631 : i32 to vector<16xi32>
        %mul3A_633 = arith.muli %min3A_626, %mul3A_632 : vector<16xi32>
        %add3A_634 = arith.addi %mul3A_633, %min3A_619 : vector<16xi32>
        %add3A_635 = arith.constant 262144 : i32
        %add3A_636 = vector.broadcast %add3A_635 : i32 to vector<16xi32>
        %add3A_637 = arith.addi %add3A_634, %add3A_636 : vector<16xi32>
        %add3A_638 = arith.constant 512 : i32
        %add3A_639 = arith.addi %add3A_638, %mul3A_570 : i32
        %swap3A_640 = arith.index_cast %add3A_639 : i32 to index
        %swap3A_641 = tpu.vector_load %arg9[%swap3A_640] {strides = array<i32>} : memref<1536xi32, #tpu.memory_space<vmem>>, vector<16xi32>,
        tpu.vector_store %arg9[%swap3A_640], %add3A_637 {strides = array<i32>} : memref<1536xi32, #tpu.memory_space<vmem>>, vector<16xi32>,
        %add3A_642 = arith.constant 1024 : i32
        %add3A_643 = arith.addi %add3A_642, %mul3A_570 : i32
        %swap3A_644 = arith.index_cast %add3A_643 : i32 to index
        %swap3A_645 = tpu.vector_load %arg11[%swap3A_644] {strides = array<i32>} : memref<3072xf32, #tpu.memory_space<vmem>>, vector<16xf32>,
        tpu.vector_store %arg11[%swap3A_644], %sub3A_628 {strides = array<i32>} : memref<3072xf32, #tpu.memory_space<vmem>>, vector<16xf32>,
        %add3A_646 = arith.constant 1536 : i32
        %add3A_647 = arith.addi %add3A_646, %mul3A_570 : i32
        %swap3A_648 = arith.index_cast %add3A_647 : i32 to index
        %swap3A_649 = tpu.vector_load %arg11[%swap3A_648] {strides = array<i32>} : memref<3072xf32, #tpu.memory_space<vmem>>, vector<16xf32>,
        tpu.vector_store %arg11[%swap3A_648], %sub3A_630 {strides = array<i32>} : memref<3072xf32, #tpu.memory_space<vmem>>, vector<16xf32>,
        %convert_element_type3A_650 = arith.fptosi %get3A_575 : vector<16xf32> to vector<16xi32>
        %jit3A_651 = arith.constant 0 : i32
        %jit3A_652 = arith.constant 510 : i32
        %max3A_653 = vector.broadcast %jit3A_651 : i32 to vector<16xi32>
        %max3A_654 = arith.maxsi %max3A_653, %convert_element_type3A_650 : vector<16xi32>
        %min3A_655 = vector.broadcast %jit3A_652 : i32 to vector<16xi32>
        %min3A_656 = arith.minsi %min3A_655, %max3A_654 : vector<16xi32>
        %convert_element_type3A_657 = arith.fptosi %get3A_579 : vector<16xf32> to vector<16xi32>
        %jit3A_658 = arith.constant 0 : i32
        %jit3A_659 = arith.constant 510 : i32
        %max3A_660 = vector.broadcast %jit3A_658 : i32 to vector<16xi32>
        %max3A_661 = arith.maxsi %max3A_660, %convert_element_type3A_657 : vector<16xi32>
        %min3A_662 = vector.broadcast %jit3A_659 : i32 to vector<16xi32>
        %min3A_663 = arith.minsi %min3A_662, %max3A_661 : vector<16xi32>
        %convert_element_type3A_664 = arith.sitofp %min3A_656 : vector<16xi32> to vector<16xf32>
        %sub3A_665 = arith.subf %get3A_575, %convert_element_type3A_664 : vector<16xf32>
        %convert_element_type3A_666 = arith.sitofp %min3A_663 : vector<16xi32> to vector<16xf32>
        %sub3A_667 = arith.subf %get3A_579, %convert_element_type3A_666 : vector<16xf32>
        %mul3A_668 = arith.constant 512 : i32
        %mul3A_669 = vector.broadcast %mul3A_668 : i32 to vector<16xi32>
        %mul3A_670 = arith.muli %min3A_663, %mul3A_669 : vector<16xi32>
        %add3A_671 = arith.addi %mul3A_670, %min3A_656 : vector<16xi32>
        %add3A_672 = arith.constant 524288 : i32
        %add3A_673 = vector.broadcast %add3A_672 : i32 to vector<16xi32>
        %add3A_674 = arith.addi %add3A_671, %add3A_673 : vector<16xi32>
        %add3A_675 = arith.constant 1024 : i32
        %add3A_676 = arith.addi %add3A_675, %mul3A_570 : i32
        %swap3A_677 = arith.index_cast %add3A_676 : i32 to index
        %swap3A_678 = tpu.vector_load %arg9[%swap3A_677] {strides = array<i32>} : memref<1536xi32, #tpu.memory_space<vmem>>, vector<16xi32>,
        tpu.vector_store %arg9[%swap3A_677], %add3A_674 {strides = array<i32>} : memref<1536xi32, #tpu.memory_space<vmem>>, vector<16xi32>,
        %add3A_679 = arith.constant 2048 : i32
        %add3A_680 = arith.addi %add3A_679, %mul3A_570 : i32
        %swap3A_681 = arith.index_cast %add3A_680 : i32 to index
        %swap3A_682 = tpu.vector_load %arg11[%swap3A_681] {strides = array<i32>} : memref<3072xf32, #tpu.memory_space<vmem>>, vector<16xf32>,
        tpu.vector_store %arg11[%swap3A_681], %sub3A_665 {strides = array<i32>} : memref<3072xf32, #tpu.memory_space<vmem>>, vector<16xf32>,
        %add3A_683 = arith.constant 2560 : i32
        %add3A_684 = arith.addi %add3A_683, %mul3A_570 : i32
        %swap3A_685 = arith.index_cast %add3A_684 : i32 to index
        %swap3A_686 = tpu.vector_load %arg11[%swap3A_685] {strides = array<i32>} : memref<3072xf32, #tpu.memory_space<vmem>>, vector<16xf32>,
        tpu.vector_store %arg11[%swap3A_685], %sub3A_667 {strides = array<i32>} : memref<3072xf32, #tpu.memory_space<vmem>>, vector<16xf32>,
      }
      %scan3A_186 = arith.constant 32 : i32
      %gt3A = arith.constant 0 : i32
      %gt3A_187 = arith.cmpi sgt, %scan3A_154, %gt3A : i32
      %convert_element_type3A = arith.extui %gt3A_187 : i1 to i32
      %cond3A = arith.constant 0 : i32
      %cond3A_188 = arith.cmpi ne, %convert_element_type3A, %cond3A : i32
      scf.if %cond3A_188 {
        %dma_wait3A_568 = arith.constant 0 : i32
        %dma_wait3A_569 = arith.constant 0 : i32
        %dma_wait3A_570 = tpu.memref_slice %arg14[%dma_wait3A_568, %dma_wait3A_569] : memref<1536x16xf32, #tpu.memory_space<vmem>> -> memref<128x16xf32, #tpu.memory_space<vmem>>
        %dma_wait3A_571 = arith.constant 0 : i32
        %dma_wait3A_572 = tpu.memref_slice %arg10[%dma_wait3A_571] : memref<1536xi32, #tpu.memory_space<vmem>> -> memref<128xi32, #tpu.memory_space<vmem>>
        %dma_wait3A_573 = arith.constant 0 : i32
        %dma_wait3A_574 = arith.constant 0 : i32
        %dma_wait3A_575 = tpu.memref_slice %arg5[%dma_wait3A_573, %dma_wait3A_574] : memref<786432x16xf32, #tpu.memory_space<hbm>> -> memref<786432x16xf32, #tpu.memory_space<hbm>>
        tpu.wait_indirect_dma semaphore(%arg17 : memref<!tpu.dma_semaphore, #tpu.memory_space<semaphore_mem>>) src(%dma_wait3A_575 : memref<786432x16xf32, #tpu.memory_space<hbm>>) dst(%dma_wait3A_570 : memref<128x16xf32, #tpu.memory_space<vmem>>)
        %dma_wait3A_576 = arith.constant 128 : i32
        %dma_wait3A_577 = arith.constant 0 : i32
        %dma_wait3A_578 = tpu.memref_slice %arg14[%dma_wait3A_576, %dma_wait3A_577] : memref<1536x16xf32, #tpu.memory_space<vmem>> -> memref<128x16xf32, #tpu.memory_space<vmem>>
        %dma_wait3A_579 = arith.constant 128 : i32
        %dma_wait3A_580 = tpu.memref_slice %arg10[%dma_wait3A_579] : memref<1536xi32, #tpu.memory_space<vmem>> -> memref<128xi32, #tpu.memory_space<vmem>>
        %dma_wait3A_581 = arith.constant 0 : i32
        %dma_wait3A_582 = arith.constant 0 : i32
        %dma_wait3A_583 = tpu.memref_slice %arg5[%dma_wait3A_581, %dma_wait3A_582] : memref<786432x16xf32, #tpu.memory_space<hbm>> -> memref<786432x16xf32, #tpu.memory_space<hbm>>
        tpu.wait_indirect_dma semaphore(%arg17 : memref<!tpu.dma_semaphore, #tpu.memory_space<semaphore_mem>>) src(%dma_wait3A_583 : memref<786432x16xf32, #tpu.memory_space<hbm>>) dst(%dma_wait3A_578 : memref<128x16xf32, #tpu.memory_space<vmem>>)
        %dma_wait3A_584 = arith.constant 256 : i32
        %dma_wait3A_585 = arith.constant 0 : i32
        %dma_wait3A_586 = tpu.memref_slice %arg14[%dma_wait3A_584, %dma_wait3A_585] : memref<1536x16xf32, #tpu.memory_space<vmem>> -> memref<128x16xf32, #tpu.memory_space<vmem>>
        %dma_wait3A_587 = arith.constant 256 : i32
        %dma_wait3A_588 = tpu.memref_slice %arg10[%dma_wait3A_587] : memref<1536xi32, #tpu.memory_space<vmem>> -> memref<128xi32, #tpu.memory_space<vmem>>
        %dma_wait3A_589 = arith.constant 0 : i32
        %dma_wait3A_590 = arith.constant 0 : i32
        %dma_wait3A_591 = tpu.memref_slice %arg5[%dma_wait3A_589, %dma_wait3A_590] : memref<786432x16xf32, #tpu.memory_space<hbm>> -> memref<786432x16xf32, #tpu.memory_space<hbm>>
        tpu.wait_indirect_dma semaphore(%arg17 : memref<!tpu.dma_semaphore, #tpu.memory_space<semaphore_mem>>) src(%dma_wait3A_591 : memref<786432x16xf32, #tpu.memory_space<hbm>>) dst(%dma_wait3A_586 : memref<128x16xf32, #tpu.memory_space<vmem>>)
        %dma_wait3A_592 = arith.constant 384 : i32
        %dma_wait3A_593 = arith.constant 0 : i32
        %dma_wait3A_594 = tpu.memref_slice %arg14[%dma_wait3A_592, %dma_wait3A_593] : memref<1536x16xf32, #tpu.memory_space<vmem>> -> memref<128x16xf32, #tpu.memory_space<vmem>>
        %dma_wait3A_595 = arith.constant 384 : i32
        %dma_wait3A_596 = tpu.memref_slice %arg10[%dma_wait3A_595] : memref<1536xi32, #tpu.memory_space<vmem>> -> memref<128xi32, #tpu.memory_space<vmem>>
        %dma_wait3A_597 = arith.constant 0 : i32
        %dma_wait3A_598 = arith.constant 0 : i32
        %dma_wait3A_599 = tpu.memref_slice %arg5[%dma_wait3A_597, %dma_wait3A_598] : memref<786432x16xf32, #tpu.memory_space<hbm>> -> memref<786432x16xf32, #tpu.memory_space<hbm>>
        tpu.wait_indirect_dma semaphore(%arg17 : memref<!tpu.dma_semaphore, #tpu.memory_space<semaphore_mem>>) src(%dma_wait3A_599 : memref<786432x16xf32, #tpu.memory_space<hbm>>) dst(%dma_wait3A_594 : memref<128x16xf32, #tpu.memory_space<vmem>>)
        %dma_wait3A_600 = arith.constant 512 : i32
        %dma_wait3A_601 = arith.constant 0 : i32
        %dma_wait3A_602 = tpu.memref_slice %arg14[%dma_wait3A_600, %dma_wait3A_601] : memref<1536x16xf32, #tpu.memory_space<vmem>> -> memref<128x16xf32, #tpu.memory_space<vmem>>
        %dma_wait3A_603 = arith.constant 512 : i32
        %dma_wait3A_604 = tpu.memref_slice %arg10[%dma_wait3A_603] : memref<1536xi32, #tpu.memory_space<vmem>> -> memref<128xi32, #tpu.memory_space<vmem>>
        %dma_wait3A_605 = arith.constant 0 : i32
        %dma_wait3A_606 = arith.constant 0 : i32
        %dma_wait3A_607 = tpu.memref_slice %arg5[%dma_wait3A_605, %dma_wait3A_606] : memref<786432x16xf32, #tpu.memory_space<hbm>> -> memref<786432x16xf32, #tpu.memory_space<hbm>>
        tpu.wait_indirect_dma semaphore(%arg17 : memref<!tpu.dma_semaphore, #tpu.memory_space<semaphore_mem>>) src(%dma_wait3A_607 : memref<786432x16xf32, #tpu.memory_space<hbm>>) dst(%dma_wait3A_602 : memref<128x16xf32, #tpu.memory_space<vmem>>)
        %dma_wait3A_608 = arith.constant 640 : i32
        %dma_wait3A_609 = arith.constant 0 : i32
        %dma_wait3A_610 = tpu.memref_slice %arg14[%dma_wait3A_608, %dma_wait3A_609] : memref<1536x16xf32, #tpu.memory_space<vmem>> -> memref<128x16xf32, #tpu.memory_space<vmem>>
        %dma_wait3A_611 = arith.constant 640 : i32
        %dma_wait3A_612 = tpu.memref_slice %arg10[%dma_wait3A_611] : memref<1536xi32, #tpu.memory_space<vmem>> -> memref<128xi32, #tpu.memory_space<vmem>>
        %dma_wait3A_613 = arith.constant 0 : i32
        %dma_wait3A_614 = arith.constant 0 : i32
        %dma_wait3A_615 = tpu.memref_slice %arg5[%dma_wait3A_613, %dma_wait3A_614] : memref<786432x16xf32, #tpu.memory_space<hbm>> -> memref<786432x16xf32, #tpu.memory_space<hbm>>
        tpu.wait_indirect_dma semaphore(%arg17 : memref<!tpu.dma_semaphore, #tpu.memory_space<semaphore_mem>>) src(%dma_wait3A_615 : memref<786432x16xf32, #tpu.memory_space<hbm>>) dst(%dma_wait3A_610 : memref<128x16xf32, #tpu.memory_space<vmem>>)
        %dma_wait3A_616 = arith.constant 768 : i32
        %dma_wait3A_617 = arith.constant 0 : i32
        %dma_wait3A_618 = tpu.memref_slice %arg14[%dma_wait3A_616, %dma_wait3A_617] : memref<1536x16xf32, #tpu.memory_space<vmem>> -> memref<128x16xf32, #tpu.memory_space<vmem>>
        %dma_wait3A_619 = arith.constant 768 : i32
        %dma_wait3A_620 = tpu.memref_slice %arg10[%dma_wait3A_619] : memref<1536xi32, #tpu.memory_space<vmem>> -> memref<128xi32, #tpu.memory_space<vmem>>
        %dma_wait3A_621 = arith.constant 0 : i32
        %dma_wait3A_622 = arith.constant 0 : i32
        %dma_wait3A_623 = tpu.memref_slice %arg5[%dma_wait3A_621, %dma_wait3A_622] : memref<786432x16xf32, #tpu.memory_space<hbm>> -> memref<786432x16xf32, #tpu.memory_space<hbm>>
        tpu.wait_indirect_dma semaphore(%arg17 : memref<!tpu.dma_semaphore, #tpu.memory_space<semaphore_mem>>) src(%dma_wait3A_623 : memref<786432x16xf32, #tpu.memory_space<hbm>>) dst(%dma_wait3A_618 : memref<128x16xf32, #tpu.memory_space<vmem>>)
        %dma_wait3A_624 = arith.constant 896 : i32
        %dma_wait3A_625 = arith.constant 0 : i32
        %dma_wait3A_626 = tpu.memref_slice %arg14[%dma_wait3A_624, %dma_wait3A_625] : memref<1536x16xf32, #tpu.memory_space<vmem>> -> memref<128x16xf32, #tpu.memory_space<vmem>>
        %dma_wait3A_627 = arith.constant 896 : i32
        %dma_wait3A_628 = tpu.memref_slice %arg10[%dma_wait3A_627] : memref<1536xi32, #tpu.memory_space<vmem>> -> memref<128xi32, #tpu.memory_space<vmem>>
        %dma_wait3A_629 = arith.constant 0 : i32
        %dma_wait3A_630 = arith.constant 0 : i32
        %dma_wait3A_631 = tpu.memref_slice %arg5[%dma_wait3A_629, %dma_wait3A_630] : memref<786432x16xf32, #tpu.memory_space<hbm>> -> memref<786432x16xf32, #tpu.memory_space<hbm>>
        tpu.wait_indirect_dma semaphore(%arg17 : memref<!tpu.dma_semaphore, #tpu.memory_space<semaphore_mem>>) src(%dma_wait3A_631 : memref<786432x16xf32, #tpu.memory_space<hbm>>) dst(%dma_wait3A_626 : memref<128x16xf32, #tpu.memory_space<vmem>>)
        %dma_wait3A_632 = arith.constant 1024 : i32
        %dma_wait3A_633 = arith.constant 0 : i32
        %dma_wait3A_634 = tpu.memref_slice %arg14[%dma_wait3A_632, %dma_wait3A_633] : memref<1536x16xf32, #tpu.memory_space<vmem>> -> memref<128x16xf32, #tpu.memory_space<vmem>>
        %dma_wait3A_635 = arith.constant 1024 : i32
        %dma_wait3A_636 = tpu.memref_slice %arg10[%dma_wait3A_635] : memref<1536xi32, #tpu.memory_space<vmem>> -> memref<128xi32, #tpu.memory_space<vmem>>
        %dma_wait3A_637 = arith.constant 0 : i32
        %dma_wait3A_638 = arith.constant 0 : i32
        %dma_wait3A_639 = tpu.memref_slice %arg5[%dma_wait3A_637, %dma_wait3A_638] : memref<786432x16xf32, #tpu.memory_space<hbm>> -> memref<786432x16xf32, #tpu.memory_space<hbm>>
        tpu.wait_indirect_dma semaphore(%arg17 : memref<!tpu.dma_semaphore, #tpu.memory_space<semaphore_mem>>) src(%dma_wait3A_639 : memref<786432x16xf32, #tpu.memory_space<hbm>>) dst(%dma_wait3A_634 : memref<128x16xf32, #tpu.memory_space<vmem>>)
        %dma_wait3A_640 = arith.constant 1152 : i32
        %dma_wait3A_641 = arith.constant 0 : i32
        %dma_wait3A_642 = tpu.memref_slice %arg14[%dma_wait3A_640, %dma_wait3A_641] : memref<1536x16xf32, #tpu.memory_space<vmem>> -> memref<128x16xf32, #tpu.memory_space<vmem>>
        %dma_wait3A_643 = arith.constant 1152 : i32
        %dma_wait3A_644 = tpu.memref_slice %arg10[%dma_wait3A_643] : memref<1536xi32, #tpu.memory_space<vmem>> -> memref<128xi32, #tpu.memory_space<vmem>>
        %dma_wait3A_645 = arith.constant 0 : i32
        %dma_wait3A_646 = arith.constant 0 : i32
        %dma_wait3A_647 = tpu.memref_slice %arg5[%dma_wait3A_645, %dma_wait3A_646] : memref<786432x16xf32, #tpu.memory_space<hbm>> -> memref<786432x16xf32, #tpu.memory_space<hbm>>
        tpu.wait_indirect_dma semaphore(%arg17 : memref<!tpu.dma_semaphore, #tpu.memory_space<semaphore_mem>>) src(%dma_wait3A_647 : memref<786432x16xf32, #tpu.memory_space<hbm>>) dst(%dma_wait3A_642 : memref<128x16xf32, #tpu.memory_space<vmem>>)
        %dma_wait3A_648 = arith.constant 1280 : i32
        %dma_wait3A_649 = arith.constant 0 : i32
        %dma_wait3A_650 = tpu.memref_slice %arg14[%dma_wait3A_648, %dma_wait3A_649] : memref<1536x16xf32, #tpu.memory_space<vmem>> -> memref<128x16xf32, #tpu.memory_space<vmem>>
        %dma_wait3A_651 = arith.constant 1280 : i32
        %dma_wait3A_652 = tpu.memref_slice %arg10[%dma_wait3A_651] : memref<1536xi32, #tpu.memory_space<vmem>> -> memref<128xi32, #tpu.memory_space<vmem>>
        %dma_wait3A_653 = arith.constant 0 : i32
        %dma_wait3A_654 = arith.constant 0 : i32
        %dma_wait3A_655 = tpu.memref_slice %arg5[%dma_wait3A_653, %dma_wait3A_654] : memref<786432x16xf32, #tpu.memory_space<hbm>> -> memref<786432x16xf32, #tpu.memory_space<hbm>>
        tpu.wait_indirect_dma semaphore(%arg17 : memref<!tpu.dma_semaphore, #tpu.memory_space<semaphore_mem>>) src(%dma_wait3A_655 : memref<786432x16xf32, #tpu.memory_space<hbm>>) dst(%dma_wait3A_650 : memref<128x16xf32, #tpu.memory_space<vmem>>)
        %dma_wait3A_656 = arith.constant 1408 : i32
        %dma_wait3A_657 = arith.constant 0 : i32
        %dma_wait3A_658 = tpu.memref_slice %arg14[%dma_wait3A_656, %dma_wait3A_657] : memref<1536x16xf32, #tpu.memory_space<vmem>> -> memref<128x16xf32, #tpu.memory_space<vmem>>
        %dma_wait3A_659 = arith.constant 1408 : i32
        %dma_wait3A_660 = tpu.memref_slice %arg10[%dma_wait3A_659] : memref<1536xi32, #tpu.memory_space<vmem>> -> memref<128xi32, #tpu.memory_space<vmem>>
        %dma_wait3A_661 = arith.constant 0 : i32
        %dma_wait3A_662 = arith.constant 0 : i32
        %dma_wait3A_663 = tpu.memref_slice %arg5[%dma_wait3A_661, %dma_wait3A_662] : memref<786432x16xf32, #tpu.memory_space<hbm>> -> memref<786432x16xf32, #tpu.memory_space<hbm>>
        tpu.wait_indirect_dma semaphore(%arg17 : memref<!tpu.dma_semaphore, #tpu.memory_space<semaphore_mem>>) src(%dma_wait3A_663 : memref<786432x16xf32, #tpu.memory_space<hbm>>) dst(%dma_wait3A_658 : memref<128x16xf32, #tpu.memory_space<vmem>>)
      } else {
      }
      %dma_start3A_189 = arith.constant 0 : i32
      %dma_start3A_190 = arith.constant 0 : i32
      %dma_start3A_191 = tpu.memref_slice %arg13[%dma_start3A_189, %dma_start3A_190] : memref<1536x16xf32, #tpu.memory_space<vmem>> -> memref<128x16xf32, #tpu.memory_space<vmem>>
      %dma_start3A_192 = arith.constant 0 : i32
      %dma_start3A_193 = tpu.memref_slice %arg9[%dma_start3A_192] : memref<1536xi32, #tpu.memory_space<vmem>> -> memref<128xi32, #tpu.memory_space<vmem>>
      %dma_start3A_194 = arith.constant 0 : i32
      %dma_start3A_195 = arith.constant 0 : i32
      %dma_start3A_196 = tpu.memref_slice %arg5[%dma_start3A_194, %dma_start3A_195] : memref<786432x16xf32, #tpu.memory_space<hbm>> -> memref<786432x16xf32, #tpu.memory_space<hbm>>
      tpu.enqueue_indirect_dma source(%dma_start3A_196 : memref<786432x16xf32, #tpu.memory_space<hbm>>) target(%dma_start3A_191 : memref<128x16xf32, #tpu.memory_space<vmem>>) offsets(%dma_start3A_193 : memref<128xi32, #tpu.memory_space<vmem>>) semaphore(%arg17 : memref<!tpu.dma_semaphore, #tpu.memory_space<semaphore_mem>>)
      %dma_start3A_197 = arith.constant 128 : i32
      %dma_start3A_198 = arith.constant 0 : i32
      %dma_start3A_199 = tpu.memref_slice %arg13[%dma_start3A_197, %dma_start3A_198] : memref<1536x16xf32, #tpu.memory_space<vmem>> -> memref<128x16xf32, #tpu.memory_space<vmem>>
      %dma_start3A_200 = arith.constant 128 : i32
      %dma_start3A_201 = tpu.memref_slice %arg9[%dma_start3A_200] : memref<1536xi32, #tpu.memory_space<vmem>> -> memref<128xi32, #tpu.memory_space<vmem>>
      %dma_start3A_202 = arith.constant 0 : i32
      %dma_start3A_203 = arith.constant 0 : i32
      %dma_start3A_204 = tpu.memref_slice %arg5[%dma_start3A_202, %dma_start3A_203] : memref<786432x16xf32, #tpu.memory_space<hbm>> -> memref<786432x16xf32, #tpu.memory_space<hbm>>
      tpu.enqueue_indirect_dma source(%dma_start3A_204 : memref<786432x16xf32, #tpu.memory_space<hbm>>) target(%dma_start3A_199 : memref<128x16xf32, #tpu.memory_space<vmem>>) offsets(%dma_start3A_201 : memref<128xi32, #tpu.memory_space<vmem>>) semaphore(%arg17 : memref<!tpu.dma_semaphore, #tpu.memory_space<semaphore_mem>>)
      %dma_start3A_205 = arith.constant 256 : i32
      %dma_start3A_206 = arith.constant 0 : i32
      %dma_start3A_207 = tpu.memref_slice %arg13[%dma_start3A_205, %dma_start3A_206] : memref<1536x16xf32, #tpu.memory_space<vmem>> -> memref<128x16xf32, #tpu.memory_space<vmem>>
      %dma_start3A_208 = arith.constant 256 : i32
      %dma_start3A_209 = tpu.memref_slice %arg9[%dma_start3A_208] : memref<1536xi32, #tpu.memory_space<vmem>> -> memref<128xi32, #tpu.memory_space<vmem>>
      %dma_start3A_210 = arith.constant 0 : i32
      %dma_start3A_211 = arith.constant 0 : i32
      %dma_start3A_212 = tpu.memref_slice %arg5[%dma_start3A_210, %dma_start3A_211] : memref<786432x16xf32, #tpu.memory_space<hbm>> -> memref<786432x16xf32, #tpu.memory_space<hbm>>
      tpu.enqueue_indirect_dma source(%dma_start3A_212 : memref<786432x16xf32, #tpu.memory_space<hbm>>) target(%dma_start3A_207 : memref<128x16xf32, #tpu.memory_space<vmem>>) offsets(%dma_start3A_209 : memref<128xi32, #tpu.memory_space<vmem>>) semaphore(%arg17 : memref<!tpu.dma_semaphore, #tpu.memory_space<semaphore_mem>>)
      %dma_start3A_213 = arith.constant 384 : i32
      %dma_start3A_214 = arith.constant 0 : i32
      %dma_start3A_215 = tpu.memref_slice %arg13[%dma_start3A_213, %dma_start3A_214] : memref<1536x16xf32, #tpu.memory_space<vmem>> -> memref<128x16xf32, #tpu.memory_space<vmem>>
      %dma_start3A_216 = arith.constant 384 : i32
      %dma_start3A_217 = tpu.memref_slice %arg9[%dma_start3A_216] : memref<1536xi32, #tpu.memory_space<vmem>> -> memref<128xi32, #tpu.memory_space<vmem>>
      %dma_start3A_218 = arith.constant 0 : i32
      %dma_start3A_219 = arith.constant 0 : i32
      %dma_start3A_220 = tpu.memref_slice %arg5[%dma_start3A_218, %dma_start3A_219] : memref<786432x16xf32, #tpu.memory_space<hbm>> -> memref<786432x16xf32, #tpu.memory_space<hbm>>
      tpu.enqueue_indirect_dma source(%dma_start3A_220 : memref<786432x16xf32, #tpu.memory_space<hbm>>) target(%dma_start3A_215 : memref<128x16xf32, #tpu.memory_space<vmem>>) offsets(%dma_start3A_217 : memref<128xi32, #tpu.memory_space<vmem>>) semaphore(%arg17 : memref<!tpu.dma_semaphore, #tpu.memory_space<semaphore_mem>>)
      %dma_start3A_221 = arith.constant 512 : i32
      %dma_start3A_222 = arith.constant 0 : i32
      %dma_start3A_223 = tpu.memref_slice %arg13[%dma_start3A_221, %dma_start3A_222] : memref<1536x16xf32, #tpu.memory_space<vmem>> -> memref<128x16xf32, #tpu.memory_space<vmem>>
      %dma_start3A_224 = arith.constant 512 : i32
      %dma_start3A_225 = tpu.memref_slice %arg9[%dma_start3A_224] : memref<1536xi32, #tpu.memory_space<vmem>> -> memref<128xi32, #tpu.memory_space<vmem>>
      %dma_start3A_226 = arith.constant 0 : i32
      %dma_start3A_227 = arith.constant 0 : i32
      %dma_start3A_228 = tpu.memref_slice %arg5[%dma_start3A_226, %dma_start3A_227] : memref<786432x16xf32, #tpu.memory_space<hbm>> -> memref<786432x16xf32, #tpu.memory_space<hbm>>
      tpu.enqueue_indirect_dma source(%dma_start3A_228 : memref<786432x16xf32, #tpu.memory_space<hbm>>) target(%dma_start3A_223 : memref<128x16xf32, #tpu.memory_space<vmem>>) offsets(%dma_start3A_225 : memref<128xi32, #tpu.memory_space<vmem>>) semaphore(%arg17 : memref<!tpu.dma_semaphore, #tpu.memory_space<semaphore_mem>>)
      %dma_start3A_229 = arith.constant 640 : i32
      %dma_start3A_230 = arith.constant 0 : i32
      %dma_start3A_231 = tpu.memref_slice %arg13[%dma_start3A_229, %dma_start3A_230] : memref<1536x16xf32, #tpu.memory_space<vmem>> -> memref<128x16xf32, #tpu.memory_space<vmem>>
      %dma_start3A_232 = arith.constant 640 : i32
      %dma_start3A_233 = tpu.memref_slice %arg9[%dma_start3A_232] : memref<1536xi32, #tpu.memory_space<vmem>> -> memref<128xi32, #tpu.memory_space<vmem>>
      %dma_start3A_234 = arith.constant 0 : i32
      %dma_start3A_235 = arith.constant 0 : i32
      %dma_start3A_236 = tpu.memref_slice %arg5[%dma_start3A_234, %dma_start3A_235] : memref<786432x16xf32, #tpu.memory_space<hbm>> -> memref<786432x16xf32, #tpu.memory_space<hbm>>
      tpu.enqueue_indirect_dma source(%dma_start3A_236 : memref<786432x16xf32, #tpu.memory_space<hbm>>) target(%dma_start3A_231 : memref<128x16xf32, #tpu.memory_space<vmem>>) offsets(%dma_start3A_233 : memref<128xi32, #tpu.memory_space<vmem>>) semaphore(%arg17 : memref<!tpu.dma_semaphore, #tpu.memory_space<semaphore_mem>>)
      %dma_start3A_237 = arith.constant 768 : i32
      %dma_start3A_238 = arith.constant 0 : i32
      %dma_start3A_239 = tpu.memref_slice %arg13[%dma_start3A_237, %dma_start3A_238] : memref<1536x16xf32, #tpu.memory_space<vmem>> -> memref<128x16xf32, #tpu.memory_space<vmem>>
      %dma_start3A_240 = arith.constant 768 : i32
      %dma_start3A_241 = tpu.memref_slice %arg9[%dma_start3A_240] : memref<1536xi32, #tpu.memory_space<vmem>> -> memref<128xi32, #tpu.memory_space<vmem>>
      %dma_start3A_242 = arith.constant 0 : i32
      %dma_start3A_243 = arith.constant 0 : i32
      %dma_start3A_244 = tpu.memref_slice %arg5[%dma_start3A_242, %dma_start3A_243] : memref<786432x16xf32, #tpu.memory_space<hbm>> -> memref<786432x16xf32, #tpu.memory_space<hbm>>
      tpu.enqueue_indirect_dma source(%dma_start3A_244 : memref<786432x16xf32, #tpu.memory_space<hbm>>) target(%dma_start3A_239 : memref<128x16xf32, #tpu.memory_space<vmem>>) offsets(%dma_start3A_241 : memref<128xi32, #tpu.memory_space<vmem>>) semaphore(%arg17 : memref<!tpu.dma_semaphore, #tpu.memory_space<semaphore_mem>>)
      %dma_start3A_245 = arith.constant 896 : i32
      %dma_start3A_246 = arith.constant 0 : i32
      %dma_start3A_247 = tpu.memref_slice %arg13[%dma_start3A_245, %dma_start3A_246] : memref<1536x16xf32, #tpu.memory_space<vmem>> -> memref<128x16xf32, #tpu.memory_space<vmem>>
      %dma_start3A_248 = arith.constant 896 : i32
      %dma_start3A_249 = tpu.memref_slice %arg9[%dma_start3A_248] : memref<1536xi32, #tpu.memory_space<vmem>> -> memref<128xi32, #tpu.memory_space<vmem>>
      %dma_start3A_250 = arith.constant 0 : i32
      %dma_start3A_251 = arith.constant 0 : i32
      %dma_start3A_252 = tpu.memref_slice %arg5[%dma_start3A_250, %dma_start3A_251] : memref<786432x16xf32, #tpu.memory_space<hbm>> -> memref<786432x16xf32, #tpu.memory_space<hbm>>
      tpu.enqueue_indirect_dma source(%dma_start3A_252 : memref<786432x16xf32, #tpu.memory_space<hbm>>) target(%dma_start3A_247 : memref<128x16xf32, #tpu.memory_space<vmem>>) offsets(%dma_start3A_249 : memref<128xi32, #tpu.memory_space<vmem>>) semaphore(%arg17 : memref<!tpu.dma_semaphore, #tpu.memory_space<semaphore_mem>>)
      %dma_start3A_253 = arith.constant 1024 : i32
      %dma_start3A_254 = arith.constant 0 : i32
      %dma_start3A_255 = tpu.memref_slice %arg13[%dma_start3A_253, %dma_start3A_254] : memref<1536x16xf32, #tpu.memory_space<vmem>> -> memref<128x16xf32, #tpu.memory_space<vmem>>
      %dma_start3A_256 = arith.constant 1024 : i32
      %dma_start3A_257 = tpu.memref_slice %arg9[%dma_start3A_256] : memref<1536xi32, #tpu.memory_space<vmem>> -> memref<128xi32, #tpu.memory_space<vmem>>
      %dma_start3A_258 = arith.constant 0 : i32
      %dma_start3A_259 = arith.constant 0 : i32
      %dma_start3A_260 = tpu.memref_slice %arg5[%dma_start3A_258, %dma_start3A_259] : memref<786432x16xf32, #tpu.memory_space<hbm>> -> memref<786432x16xf32, #tpu.memory_space<hbm>>
      tpu.enqueue_indirect_dma source(%dma_start3A_260 : memref<786432x16xf32, #tpu.memory_space<hbm>>) target(%dma_start3A_255 : memref<128x16xf32, #tpu.memory_space<vmem>>) offsets(%dma_start3A_257 : memref<128xi32, #tpu.memory_space<vmem>>) semaphore(%arg17 : memref<!tpu.dma_semaphore, #tpu.memory_space<semaphore_mem>>)
      %dma_start3A_261 = arith.constant 1152 : i32
      %dma_start3A_262 = arith.constant 0 : i32
      %dma_start3A_263 = tpu.memref_slice %arg13[%dma_start3A_261, %dma_start3A_262] : memref<1536x16xf32, #tpu.memory_space<vmem>> -> memref<128x16xf32, #tpu.memory_space<vmem>>
      %dma_start3A_264 = arith.constant 1152 : i32
      %dma_start3A_265 = tpu.memref_slice %arg9[%dma_start3A_264] : memref<1536xi32, #tpu.memory_space<vmem>> -> memref<128xi32, #tpu.memory_space<vmem>>
      %dma_start3A_266 = arith.constant 0 : i32
      %dma_start3A_267 = arith.constant 0 : i32
      %dma_start3A_268 = tpu.memref_slice %arg5[%dma_start3A_266, %dma_start3A_267] : memref<786432x16xf32, #tpu.memory_space<hbm>> -> memref<786432x16xf32, #tpu.memory_space<hbm>>
      tpu.enqueue_indirect_dma source(%dma_start3A_268 : memref<786432x16xf32, #tpu.memory_space<hbm>>) target(%dma_start3A_263 : memref<128x16xf32, #tpu.memory_space<vmem>>) offsets(%dma_start3A_265 : memref<128xi32, #tpu.memory_space<vmem>>) semaphore(%arg17 : memref<!tpu.dma_semaphore, #tpu.memory_space<semaphore_mem>>)
      %dma_start3A_269 = arith.constant 1280 : i32
      %dma_start3A_270 = arith.constant 0 : i32
      %dma_start3A_271 = tpu.memref_slice %arg13[%dma_start3A_269, %dma_start3A_270] : memref<1536x16xf32, #tpu.memory_space<vmem>> -> memref<128x16xf32, #tpu.memory_space<vmem>>
      %dma_start3A_272 = arith.constant 1280 : i32
      %dma_start3A_273 = tpu.memref_slice %arg9[%dma_start3A_272] : memref<1536xi32, #tpu.memory_space<vmem>> -> memref<128xi32, #tpu.memory_space<vmem>>
      %dma_start3A_274 = arith.constant 0 : i32
      %dma_start3A_275 = arith.constant 0 : i32
      %dma_start3A_276 = tpu.memref_slice %arg5[%dma_start3A_274, %dma_start3A_275] : memref<786432x16xf32, #tpu.memory_space<hbm>> -> memref<786432x16xf32, #tpu.memory_space<hbm>>
      tpu.enqueue_indirect_dma source(%dma_start3A_276 : memref<786432x16xf32, #tpu.memory_space<hbm>>) target(%dma_start3A_271 : memref<128x16xf32, #tpu.memory_space<vmem>>) offsets(%dma_start3A_273 : memref<128xi32, #tpu.memory_space<vmem>>) semaphore(%arg17 : memref<!tpu.dma_semaphore, #tpu.memory_space<semaphore_mem>>)
      %dma_start3A_277 = arith.constant 1408 : i32
      %dma_start3A_278 = arith.constant 0 : i32
      %dma_start3A_279 = tpu.memref_slice %arg13[%dma_start3A_277, %dma_start3A_278] : memref<1536x16xf32, #tpu.memory_space<vmem>> -> memref<128x16xf32, #tpu.memory_space<vmem>>
      %dma_start3A_280 = arith.constant 1408 : i32
      %dma_start3A_281 = tpu.memref_slice %arg9[%dma_start3A_280] : memref<1536xi32, #tpu.memory_space<vmem>> -> memref<128xi32, #tpu.memory_space<vmem>>
      %dma_start3A_282 = arith.constant 0 : i32
      %dma_start3A_283 = arith.constant 0 : i32
      %dma_start3A_284 = tpu.memref_slice %arg5[%dma_start3A_282, %dma_start3A_283] : memref<786432x16xf32, #tpu.memory_space<hbm>> -> memref<786432x16xf32, #tpu.memory_space<hbm>>
      tpu.enqueue_indirect_dma source(%dma_start3A_284 : memref<786432x16xf32, #tpu.memory_space<hbm>>) target(%dma_start3A_279 : memref<128x16xf32, #tpu.memory_space<vmem>>) offsets(%dma_start3A_281 : memref<128xi32, #tpu.memory_space<vmem>>) semaphore(%arg17 : memref<!tpu.dma_semaphore, #tpu.memory_space<semaphore_mem>>)
      %add3A_285 = arith.constant 1 : i32
      %add3A_286 = arith.addi %mul3A_156, %add3A_285 : i32
      %mul3A_287 = arith.constant 512 : i32
      %mul3A_288 = arith.muli %add3A_286, %mul3A_287 : i32
      %add3A_289 = arith.addi %mul3A_2, %mul3A_288 : i32
      %dma_start3A_290 = arith.constant 0 : i32
      %dma_start3A_291 = tpu.memref_slice %arg8[%dma_start3A_290] : memref<1536xf32, #tpu.memory_space<vmem>> -> memref<512xf32, #tpu.memory_space<vmem>>
      %dma_start3A_292 = tpu.memref_slice %arg2[%add3A_289] : memref<524288xf32, #tpu.memory_space<hbm>> -> memref<512xf32, #tpu.memory_space<hbm>>
      %dma_start3A_293 = arith.constant 0 : i32
      %dma_start3A_294 = tpu.memref_slice %arg8[%dma_start3A_293] : memref<1536xf32, #tpu.memory_space<vmem>> -> memref<512xf32, #tpu.memory_space<vmem>>
      %dma_start3A_295 = tpu.memref_slice %arg2[%add3A_289] : memref<524288xf32, #tpu.memory_space<hbm>> -> memref<512xf32, #tpu.memory_space<hbm>>
      tpu.enqueue_dma source(%dma_start3A_295 : memref<512xf32, #tpu.memory_space<hbm>>) target(%dma_start3A_294 : memref<512xf32, #tpu.memory_space<vmem>>) target_semaphore(%arg16 : memref<!tpu.dma_semaphore, #tpu.memory_space<semaphore_mem>>)
      %dma_start3A_296 = arith.constant 512 : i32
      %dma_start3A_297 = tpu.memref_slice %arg8[%dma_start3A_296] : memref<1536xf32, #tpu.memory_space<vmem>> -> memref<512xf32, #tpu.memory_space<vmem>>
      %dma_start3A_298 = tpu.memref_slice %arg3[%add3A_289] : memref<524288xf32, #tpu.memory_space<hbm>> -> memref<512xf32, #tpu.memory_space<hbm>>
      %dma_start3A_299 = arith.constant 512 : i32
      %dma_start3A_300 = tpu.memref_slice %arg8[%dma_start3A_299] : memref<1536xf32, #tpu.memory_space<vmem>> -> memref<512xf32, #tpu.memory_space<vmem>>
      %dma_start3A_301 = tpu.memref_slice %arg3[%add3A_289] : memref<524288xf32, #tpu.memory_space<hbm>> -> memref<512xf32, #tpu.memory_space<hbm>>
      tpu.enqueue_dma source(%dma_start3A_301 : memref<512xf32, #tpu.memory_space<hbm>>) target(%dma_start3A_300 : memref<512xf32, #tpu.memory_space<vmem>>) target_semaphore(%arg16 : memref<!tpu.dma_semaphore, #tpu.memory_space<semaphore_mem>>)
      %dma_start3A_302 = arith.constant 1024 : i32
      %dma_start3A_303 = tpu.memref_slice %arg8[%dma_start3A_302] : memref<1536xf32, #tpu.memory_space<vmem>> -> memref<512xf32, #tpu.memory_space<vmem>>
      %dma_start3A_304 = tpu.memref_slice %arg4[%add3A_289] : memref<524288xf32, #tpu.memory_space<hbm>> -> memref<512xf32, #tpu.memory_space<hbm>>
      %dma_start3A_305 = arith.constant 1024 : i32
      %dma_start3A_306 = tpu.memref_slice %arg8[%dma_start3A_305] : memref<1536xf32, #tpu.memory_space<vmem>> -> memref<512xf32, #tpu.memory_space<vmem>>
      %dma_start3A_307 = tpu.memref_slice %arg4[%add3A_289] : memref<524288xf32, #tpu.memory_space<hbm>> -> memref<512xf32, #tpu.memory_space<hbm>>
      tpu.enqueue_dma source(%dma_start3A_307 : memref<512xf32, #tpu.memory_space<hbm>>) target(%dma_start3A_306 : memref<512xf32, #tpu.memory_space<vmem>>) target_semaphore(%arg16 : memref<!tpu.dma_semaphore, #tpu.memory_space<semaphore_mem>>)
      %gt3A_308 = arith.constant 0 : i32
      %gt3A_309 = arith.cmpi sgt, %scan3A_154, %gt3A_308 : i32
      %convert_element_type3A_310 = arith.extui %gt3A_309 : i1 to i32
      %cond3A_311 = arith.constant 0 : i32
      %cond3A_312 = arith.cmpi ne, %convert_element_type3A_310, %cond3A_311 : i32
      scf.if %cond3A_312 {
        %sub3A = arith.constant 1 : i32
        %sub3A_568 = arith.subi %mul3A_156, %sub3A : i32
        %scan3A_569 = arith.constant 0 : i32
        %scan3A_570 = arith.constant 0 : i32
        %scan3A_571 = arith.constant 32 : i32
        %scan3A_572 = arith.addi %scan3A_570, %scan3A_571 : i32
        %scan3A_573 = arith.constant 1 : i32
        scf.for %scan3A_578 = %scan3A_570 to %scan3A_572 step %scan3A_573  : i32 {
          %mul3A_579 = arith.constant 16 : i32
          %mul3A_580 = arith.muli %scan3A_578, %mul3A_579 : i32
          %iota3A = tpu.iota {dimensions = array<i32: 0>} : vector<16xi32>
          %add3A_581 = vector.broadcast %mul3A_580 : i32 to vector<16xi32>
          %add3A_582 = arith.addi %iota3A, %add3A_581 : vector<16xi32>
          %add3A_583 = arith.constant 0 : i32
          %add3A_584 = arith.addi %add3A_583, %mul3A_580 : i32
          %get3A = arith.index_cast %add3A_584 : i32 to index
          %get3A_585 = tpu.vector_load %arg12[%get3A] {strides = array<i32>} : memref<3072xf32, #tpu.memory_space<vmem>>, vector<16xf32>,
          %add3A_586 = arith.constant 512 : i32
          %add3A_587 = arith.addi %add3A_586, %mul3A_580 : i32
          %get3A_588 = arith.index_cast %add3A_587 : i32 to index
          %get3A_589 = tpu.vector_load %arg12[%get3A_588] {strides = array<i32>} : memref<3072xf32, #tpu.memory_space<vmem>>, vector<16xf32>,
          %sub3A_590 = arith.constant 1.000000e+00 : f32
          %sub3A_591 = vector.broadcast %sub3A_590 : f32 to vector<16xf32>
          %sub3A_592 = arith.subf %sub3A_591, %get3A_585 : vector<16xf32>
          %sub3A_593 = arith.constant 1.000000e+00 : f32
          %sub3A_594 = vector.broadcast %sub3A_593 : f32 to vector<16xf32>
          %sub3A_595 = arith.subf %sub3A_594, %get3A_589 : vector<16xf32>
          %add3A_596 = arith.constant 0 : i32
          %add3A_597 = vector.broadcast %add3A_596 : i32 to vector<16xi32>
          %add3A_598 = arith.addi %add3A_582, %add3A_597 : vector<16xi32>
          %broadcast_in_dim3A = arith.constant 0 : i32
          %broadcast_in_dim3A_599 = vector.broadcast %broadcast_in_dim3A : i32 to vector<16xi32>
          %gather3A = tpu.vector_load_idx %arg14[%add3A_598, %broadcast_in_dim3A_599] : memref<1536x16xf32, #tpu.memory_space<vmem>>[vector<16xi32>, vector<16xi32>], vector<16xf32>,
          %broadcast_in_dim3A_600 = arith.constant 4 : i32
          %broadcast_in_dim3A_601 = vector.broadcast %broadcast_in_dim3A_600 : i32 to vector<16xi32>
          %gather3A_602 = tpu.vector_load_idx %arg14[%add3A_598, %broadcast_in_dim3A_601] : memref<1536x16xf32, #tpu.memory_space<vmem>>[vector<16xi32>, vector<16xi32>], vector<16xf32>,
          %broadcast_in_dim3A_603 = arith.constant 8 : i32
          %broadcast_in_dim3A_604 = vector.broadcast %broadcast_in_dim3A_603 : i32 to vector<16xi32>
          %gather3A_605 = tpu.vector_load_idx %arg14[%add3A_598, %broadcast_in_dim3A_604] : memref<1536x16xf32, #tpu.memory_space<vmem>>[vector<16xi32>, vector<16xi32>], vector<16xf32>,
          %broadcast_in_dim3A_606 = arith.constant 12 : i32
          %broadcast_in_dim3A_607 = vector.broadcast %broadcast_in_dim3A_606 : i32 to vector<16xi32>
          %gather3A_608 = tpu.vector_load_idx %arg14[%add3A_598, %broadcast_in_dim3A_607] : memref<1536x16xf32, #tpu.memory_space<vmem>>[vector<16xi32>, vector<16xi32>], vector<16xf32>,
          %mul3A_609 = arith.mulf %gather3A, %sub3A_592 : vector<16xf32>
          %mul3A_610 = arith.mulf %gather3A_602, %get3A_585 : vector<16xf32>
          %add3A_611 = arith.addf %mul3A_609, %mul3A_610 : vector<16xf32>
          %mul3A_612 = arith.mulf %add3A_611, %sub3A_595 : vector<16xf32>
          %mul3A_613 = arith.mulf %gather3A_605, %sub3A_592 : vector<16xf32>
          %mul3A_614 = arith.mulf %gather3A_608, %get3A_585 : vector<16xf32>
          %add3A_615 = arith.addf %mul3A_613, %mul3A_614 : vector<16xf32>
          %mul3A_616 = arith.mulf %add3A_615, %get3A_589 : vector<16xf32>
          %add3A_617 = arith.addf %mul3A_612, %mul3A_616 : vector<16xf32>
          %broadcast_in_dim3A_618 = arith.constant 1 : i32
          %broadcast_in_dim3A_619 = vector.broadcast %broadcast_in_dim3A_618 : i32 to vector<16xi32>
          %gather3A_620 = tpu.vector_load_idx %arg14[%add3A_598, %broadcast_in_dim3A_619] : memref<1536x16xf32, #tpu.memory_space<vmem>>[vector<16xi32>, vector<16xi32>], vector<16xf32>,
          %broadcast_in_dim3A_621 = arith.constant 5 : i32
          %broadcast_in_dim3A_622 = vector.broadcast %broadcast_in_dim3A_621 : i32 to vector<16xi32>
          %gather3A_623 = tpu.vector_load_idx %arg14[%add3A_598, %broadcast_in_dim3A_622] : memref<1536x16xf32, #tpu.memory_space<vmem>>[vector<16xi32>, vector<16xi32>], vector<16xf32>,
          %broadcast_in_dim3A_624 = arith.constant 9 : i32
          %broadcast_in_dim3A_625 = vector.broadcast %broadcast_in_dim3A_624 : i32 to vector<16xi32>
          %gather3A_626 = tpu.vector_load_idx %arg14[%add3A_598, %broadcast_in_dim3A_625] : memref<1536x16xf32, #tpu.memory_space<vmem>>[vector<16xi32>, vector<16xi32>], vector<16xf32>,
          %broadcast_in_dim3A_627 = arith.constant 13 : i32
          %broadcast_in_dim3A_628 = vector.broadcast %broadcast_in_dim3A_627 : i32 to vector<16xi32>
          %gather3A_629 = tpu.vector_load_idx %arg14[%add3A_598, %broadcast_in_dim3A_628] : memref<1536x16xf32, #tpu.memory_space<vmem>>[vector<16xi32>, vector<16xi32>], vector<16xf32>,
          %mul3A_630 = arith.mulf %gather3A_620, %sub3A_592 : vector<16xf32>
          %mul3A_631 = arith.mulf %gather3A_623, %get3A_585 : vector<16xf32>
          %add3A_632 = arith.addf %mul3A_630, %mul3A_631 : vector<16xf32>
          %mul3A_633 = arith.mulf %add3A_632, %sub3A_595 : vector<16xf32>
          %mul3A_634 = arith.mulf %gather3A_626, %sub3A_592 : vector<16xf32>
          %mul3A_635 = arith.mulf %gather3A_629, %get3A_585 : vector<16xf32>
          %add3A_636 = arith.addf %mul3A_634, %mul3A_635 : vector<16xf32>
          %mul3A_637 = arith.mulf %add3A_636, %get3A_589 : vector<16xf32>
          %add3A_638 = arith.addf %mul3A_633, %mul3A_637 : vector<16xf32>
          %broadcast_in_dim3A_639 = arith.constant 2 : i32
          %broadcast_in_dim3A_640 = vector.broadcast %broadcast_in_dim3A_639 : i32 to vector<16xi32>
          %gather3A_641 = tpu.vector_load_idx %arg14[%add3A_598, %broadcast_in_dim3A_640] : memref<1536x16xf32, #tpu.memory_space<vmem>>[vector<16xi32>, vector<16xi32>], vector<16xf32>,
          %broadcast_in_dim3A_642 = arith.constant 6 : i32
          %broadcast_in_dim3A_643 = vector.broadcast %broadcast_in_dim3A_642 : i32 to vector<16xi32>
          %gather3A_644 = tpu.vector_load_idx %arg14[%add3A_598, %broadcast_in_dim3A_643] : memref<1536x16xf32, #tpu.memory_space<vmem>>[vector<16xi32>, vector<16xi32>], vector<16xf32>,
          %broadcast_in_dim3A_645 = arith.constant 10 : i32
          %broadcast_in_dim3A_646 = vector.broadcast %broadcast_in_dim3A_645 : i32 to vector<16xi32>
          %gather3A_647 = tpu.vector_load_idx %arg14[%add3A_598, %broadcast_in_dim3A_646] : memref<1536x16xf32, #tpu.memory_space<vmem>>[vector<16xi32>, vector<16xi32>], vector<16xf32>,
          %broadcast_in_dim3A_648 = arith.constant 14 : i32
          %broadcast_in_dim3A_649 = vector.broadcast %broadcast_in_dim3A_648 : i32 to vector<16xi32>
          %gather3A_650 = tpu.vector_load_idx %arg14[%add3A_598, %broadcast_in_dim3A_649] : memref<1536x16xf32, #tpu.memory_space<vmem>>[vector<16xi32>, vector<16xi32>], vector<16xf32>,
          %mul3A_651 = arith.mulf %gather3A_641, %sub3A_592 : vector<16xf32>
          %mul3A_652 = arith.mulf %gather3A_644, %get3A_585 : vector<16xf32>
          %add3A_653 = arith.addf %mul3A_651, %mul3A_652 : vector<16xf32>
          %mul3A_654 = arith.mulf %add3A_653, %sub3A_595 : vector<16xf32>
          %mul3A_655 = arith.mulf %gather3A_647, %sub3A_592 : vector<16xf32>
          %mul3A_656 = arith.mulf %gather3A_650, %get3A_585 : vector<16xf32>
          %add3A_657 = arith.addf %mul3A_655, %mul3A_656 : vector<16xf32>
          %mul3A_658 = arith.mulf %add3A_657, %get3A_589 : vector<16xf32>
          %add3A_659 = arith.addf %mul3A_654, %mul3A_658 : vector<16xf32>
          %broadcast_in_dim3A_660 = arith.constant 3 : i32
          %broadcast_in_dim3A_661 = vector.broadcast %broadcast_in_dim3A_660 : i32 to vector<16xi32>
          %gather3A_662 = tpu.vector_load_idx %arg14[%add3A_598, %broadcast_in_dim3A_661] : memref<1536x16xf32, #tpu.memory_space<vmem>>[vector<16xi32>, vector<16xi32>], vector<16xf32>,
          %broadcast_in_dim3A_663 = arith.constant 7 : i32
          %broadcast_in_dim3A_664 = vector.broadcast %broadcast_in_dim3A_663 : i32 to vector<16xi32>
          %gather3A_665 = tpu.vector_load_idx %arg14[%add3A_598, %broadcast_in_dim3A_664] : memref<1536x16xf32, #tpu.memory_space<vmem>>[vector<16xi32>, vector<16xi32>], vector<16xf32>,
          %broadcast_in_dim3A_666 = arith.constant 11 : i32
          %broadcast_in_dim3A_667 = vector.broadcast %broadcast_in_dim3A_666 : i32 to vector<16xi32>
          %gather3A_668 = tpu.vector_load_idx %arg14[%add3A_598, %broadcast_in_dim3A_667] : memref<1536x16xf32, #tpu.memory_space<vmem>>[vector<16xi32>, vector<16xi32>], vector<16xf32>,
          %broadcast_in_dim3A_669 = arith.constant 15 : i32
          %broadcast_in_dim3A_670 = vector.broadcast %broadcast_in_dim3A_669 : i32 to vector<16xi32>
          %gather3A_671 = tpu.vector_load_idx %arg14[%add3A_598, %broadcast_in_dim3A_670] : memref<1536x16xf32, #tpu.memory_space<vmem>>[vector<16xi32>, vector<16xi32>], vector<16xf32>,
          %mul3A_672 = arith.mulf %gather3A_662, %sub3A_592 : vector<16xf32>
          %mul3A_673 = arith.mulf %gather3A_665, %get3A_585 : vector<16xf32>
          %add3A_674 = arith.addf %mul3A_672, %mul3A_673 : vector<16xf32>
          %mul3A_675 = arith.mulf %add3A_674, %sub3A_595 : vector<16xf32>
          %mul3A_676 = arith.mulf %gather3A_668, %sub3A_592 : vector<16xf32>
          %mul3A_677 = arith.mulf %gather3A_671, %get3A_585 : vector<16xf32>
          %add3A_678 = arith.addf %mul3A_676, %mul3A_677 : vector<16xf32>
          %mul3A_679 = arith.mulf %add3A_678, %get3A_589 : vector<16xf32>
          %add3A_680 = arith.addf %mul3A_675, %mul3A_679 : vector<16xf32>
          %add3A_681 = arith.constant 1024 : i32
          %add3A_682 = arith.addi %add3A_681, %mul3A_580 : i32
          %get3A_683 = arith.index_cast %add3A_682 : i32 to index
          %get3A_684 = tpu.vector_load %arg12[%get3A_683] {strides = array<i32>} : memref<3072xf32, #tpu.memory_space<vmem>>, vector<16xf32>,
          %add3A_685 = arith.constant 1536 : i32
          %add3A_686 = arith.addi %add3A_685, %mul3A_580 : i32
          %get3A_687 = arith.index_cast %add3A_686 : i32 to index
          %get3A_688 = tpu.vector_load %arg12[%get3A_687] {strides = array<i32>} : memref<3072xf32, #tpu.memory_space<vmem>>, vector<16xf32>,
          %sub3A_689 = arith.constant 1.000000e+00 : f32
          %sub3A_690 = vector.broadcast %sub3A_689 : f32 to vector<16xf32>
          %sub3A_691 = arith.subf %sub3A_690, %get3A_684 : vector<16xf32>
          %sub3A_692 = arith.constant 1.000000e+00 : f32
          %sub3A_693 = vector.broadcast %sub3A_692 : f32 to vector<16xf32>
          %sub3A_694 = arith.subf %sub3A_693, %get3A_688 : vector<16xf32>
          %add3A_695 = arith.constant 512 : i32
          %add3A_696 = vector.broadcast %add3A_695 : i32 to vector<16xi32>
          %add3A_697 = arith.addi %add3A_582, %add3A_696 : vector<16xi32>
          %broadcast_in_dim3A_698 = arith.constant 0 : i32
          %broadcast_in_dim3A_699 = vector.broadcast %broadcast_in_dim3A_698 : i32 to vector<16xi32>
          %gather3A_700 = tpu.vector_load_idx %arg14[%add3A_697, %broadcast_in_dim3A_699] : memref<1536x16xf32, #tpu.memory_space<vmem>>[vector<16xi32>, vector<16xi32>], vector<16xf32>,
          %broadcast_in_dim3A_701 = arith.constant 4 : i32
          %broadcast_in_dim3A_702 = vector.broadcast %broadcast_in_dim3A_701 : i32 to vector<16xi32>
          %gather3A_703 = tpu.vector_load_idx %arg14[%add3A_697, %broadcast_in_dim3A_702] : memref<1536x16xf32, #tpu.memory_space<vmem>>[vector<16xi32>, vector<16xi32>], vector<16xf32>,
          %broadcast_in_dim3A_704 = arith.constant 8 : i32
          %broadcast_in_dim3A_705 = vector.broadcast %broadcast_in_dim3A_704 : i32 to vector<16xi32>
          %gather3A_706 = tpu.vector_load_idx %arg14[%add3A_697, %broadcast_in_dim3A_705] : memref<1536x16xf32, #tpu.memory_space<vmem>>[vector<16xi32>, vector<16xi32>], vector<16xf32>,
          %broadcast_in_dim3A_707 = arith.constant 12 : i32
          %broadcast_in_dim3A_708 = vector.broadcast %broadcast_in_dim3A_707 : i32 to vector<16xi32>
          %gather3A_709 = tpu.vector_load_idx %arg14[%add3A_697, %broadcast_in_dim3A_708] : memref<1536x16xf32, #tpu.memory_space<vmem>>[vector<16xi32>, vector<16xi32>], vector<16xf32>,
          %mul3A_710 = arith.mulf %gather3A_700, %sub3A_691 : vector<16xf32>
          %mul3A_711 = arith.mulf %gather3A_703, %get3A_684 : vector<16xf32>
          %add3A_712 = arith.addf %mul3A_710, %mul3A_711 : vector<16xf32>
          %mul3A_713 = arith.mulf %add3A_712, %sub3A_694 : vector<16xf32>
          %mul3A_714 = arith.mulf %gather3A_706, %sub3A_691 : vector<16xf32>
          %mul3A_715 = arith.mulf %gather3A_709, %get3A_684 : vector<16xf32>
          %add3A_716 = arith.addf %mul3A_714, %mul3A_715 : vector<16xf32>
          %mul3A_717 = arith.mulf %add3A_716, %get3A_688 : vector<16xf32>
          %add3A_718 = arith.addf %mul3A_713, %mul3A_717 : vector<16xf32>
          %mul3A_719 = arith.mulf %add3A_617, %add3A_718 : vector<16xf32>
          %broadcast_in_dim3A_720 = arith.constant 1 : i32
          %broadcast_in_dim3A_721 = vector.broadcast %broadcast_in_dim3A_720 : i32 to vector<16xi32>
          %gather3A_722 = tpu.vector_load_idx %arg14[%add3A_697, %broadcast_in_dim3A_721] : memref<1536x16xf32, #tpu.memory_space<vmem>>[vector<16xi32>, vector<16xi32>], vector<16xf32>,
          %broadcast_in_dim3A_723 = arith.constant 5 : i32
          %broadcast_in_dim3A_724 = vector.broadcast %broadcast_in_dim3A_723 : i32 to vector<16xi32>
          %gather3A_725 = tpu.vector_load_idx %arg14[%add3A_697, %broadcast_in_dim3A_724] : memref<1536x16xf32, #tpu.memory_space<vmem>>[vector<16xi32>, vector<16xi32>], vector<16xf32>,
          %broadcast_in_dim3A_726 = arith.constant 9 : i32
          %broadcast_in_dim3A_727 = vector.broadcast %broadcast_in_dim3A_726 : i32 to vector<16xi32>
          %gather3A_728 = tpu.vector_load_idx %arg14[%add3A_697, %broadcast_in_dim3A_727] : memref<1536x16xf32, #tpu.memory_space<vmem>>[vector<16xi32>, vector<16xi32>], vector<16xf32>,
          %broadcast_in_dim3A_729 = arith.constant 13 : i32
          %broadcast_in_dim3A_730 = vector.broadcast %broadcast_in_dim3A_729 : i32 to vector<16xi32>
          %gather3A_731 = tpu.vector_load_idx %arg14[%add3A_697, %broadcast_in_dim3A_730] : memref<1536x16xf32, #tpu.memory_space<vmem>>[vector<16xi32>, vector<16xi32>], vector<16xf32>,
          %mul3A_732 = arith.mulf %gather3A_722, %sub3A_691 : vector<16xf32>
          %mul3A_733 = arith.mulf %gather3A_725, %get3A_684 : vector<16xf32>
          %add3A_734 = arith.addf %mul3A_732, %mul3A_733 : vector<16xf32>
          %mul3A_735 = arith.mulf %add3A_734, %sub3A_694 : vector<16xf32>
          %mul3A_736 = arith.mulf %gather3A_728, %sub3A_691 : vector<16xf32>
          %mul3A_737 = arith.mulf %gather3A_731, %get3A_684 : vector<16xf32>
          %add3A_738 = arith.addf %mul3A_736, %mul3A_737 : vector<16xf32>
          %mul3A_739 = arith.mulf %add3A_738, %get3A_688 : vector<16xf32>
          %add3A_740 = arith.addf %mul3A_735, %mul3A_739 : vector<16xf32>
          %mul3A_741 = arith.mulf %add3A_638, %add3A_740 : vector<16xf32>
          %broadcast_in_dim3A_742 = arith.constant 2 : i32
          %broadcast_in_dim3A_743 = vector.broadcast %broadcast_in_dim3A_742 : i32 to vector<16xi32>
          %gather3A_744 = tpu.vector_load_idx %arg14[%add3A_697, %broadcast_in_dim3A_743] : memref<1536x16xf32, #tpu.memory_space<vmem>>[vector<16xi32>, vector<16xi32>], vector<16xf32>,
          %broadcast_in_dim3A_745 = arith.constant 6 : i32
          %broadcast_in_dim3A_746 = vector.broadcast %broadcast_in_dim3A_745 : i32 to vector<16xi32>
          %gather3A_747 = tpu.vector_load_idx %arg14[%add3A_697, %broadcast_in_dim3A_746] : memref<1536x16xf32, #tpu.memory_space<vmem>>[vector<16xi32>, vector<16xi32>], vector<16xf32>,
          %broadcast_in_dim3A_748 = arith.constant 10 : i32
          %broadcast_in_dim3A_749 = vector.broadcast %broadcast_in_dim3A_748 : i32 to vector<16xi32>
          %gather3A_750 = tpu.vector_load_idx %arg14[%add3A_697, %broadcast_in_dim3A_749] : memref<1536x16xf32, #tpu.memory_space<vmem>>[vector<16xi32>, vector<16xi32>], vector<16xf32>,
          %broadcast_in_dim3A_751 = arith.constant 14 : i32
          %broadcast_in_dim3A_752 = vector.broadcast %broadcast_in_dim3A_751 : i32 to vector<16xi32>
          %gather3A_753 = tpu.vector_load_idx %arg14[%add3A_697, %broadcast_in_dim3A_752] : memref<1536x16xf32, #tpu.memory_space<vmem>>[vector<16xi32>, vector<16xi32>], vector<16xf32>,
          %mul3A_754 = arith.mulf %gather3A_744, %sub3A_691 : vector<16xf32>
          %mul3A_755 = arith.mulf %gather3A_747, %get3A_684 : vector<16xf32>
          %add3A_756 = arith.addf %mul3A_754, %mul3A_755 : vector<16xf32>
          %mul3A_757 = arith.mulf %add3A_756, %sub3A_694 : vector<16xf32>
          %mul3A_758 = arith.mulf %gather3A_750, %sub3A_691 : vector<16xf32>
          %mul3A_759 = arith.mulf %gather3A_753, %get3A_684 : vector<16xf32>
          %add3A_760 = arith.addf %mul3A_758, %mul3A_759 : vector<16xf32>
          %mul3A_761 = arith.mulf %add3A_760, %get3A_688 : vector<16xf32>
          %add3A_762 = arith.addf %mul3A_757, %mul3A_761 : vector<16xf32>
          %mul3A_763 = arith.mulf %add3A_659, %add3A_762 : vector<16xf32>
          %broadcast_in_dim3A_764 = arith.constant 3 : i32
          %broadcast_in_dim3A_765 = vector.broadcast %broadcast_in_dim3A_764 : i32 to vector<16xi32>
          %gather3A_766 = tpu.vector_load_idx %arg14[%add3A_697, %broadcast_in_dim3A_765] : memref<1536x16xf32, #tpu.memory_space<vmem>>[vector<16xi32>, vector<16xi32>], vector<16xf32>,
          %broadcast_in_dim3A_767 = arith.constant 7 : i32
          %broadcast_in_dim3A_768 = vector.broadcast %broadcast_in_dim3A_767 : i32 to vector<16xi32>
          %gather3A_769 = tpu.vector_load_idx %arg14[%add3A_697, %broadcast_in_dim3A_768] : memref<1536x16xf32, #tpu.memory_space<vmem>>[vector<16xi32>, vector<16xi32>], vector<16xf32>,
          %broadcast_in_dim3A_770 = arith.constant 11 : i32
          %broadcast_in_dim3A_771 = vector.broadcast %broadcast_in_dim3A_770 : i32 to vector<16xi32>
          %gather3A_772 = tpu.vector_load_idx %arg14[%add3A_697, %broadcast_in_dim3A_771] : memref<1536x16xf32, #tpu.memory_space<vmem>>[vector<16xi32>, vector<16xi32>], vector<16xf32>,
          %broadcast_in_dim3A_773 = arith.constant 15 : i32
          %broadcast_in_dim3A_774 = vector.broadcast %broadcast_in_dim3A_773 : i32 to vector<16xi32>
          %gather3A_775 = tpu.vector_load_idx %arg14[%add3A_697, %broadcast_in_dim3A_774] : memref<1536x16xf32, #tpu.memory_space<vmem>>[vector<16xi32>, vector<16xi32>], vector<16xf32>,
          %mul3A_776 = arith.mulf %gather3A_766, %sub3A_691 : vector<16xf32>
          %mul3A_777 = arith.mulf %gather3A_769, %get3A_684 : vector<16xf32>
          %add3A_778 = arith.addf %mul3A_776, %mul3A_777 : vector<16xf32>
          %mul3A_779 = arith.mulf %add3A_778, %sub3A_694 : vector<16xf32>
          %mul3A_780 = arith.mulf %gather3A_772, %sub3A_691 : vector<16xf32>
          %mul3A_781 = arith.mulf %gather3A_775, %get3A_684 : vector<16xf32>
          %add3A_782 = arith.addf %mul3A_780, %mul3A_781 : vector<16xf32>
          %mul3A_783 = arith.mulf %add3A_782, %get3A_688 : vector<16xf32>
          %add3A_784 = arith.addf %mul3A_779, %mul3A_783 : vector<16xf32>
          %mul3A_785 = arith.mulf %add3A_680, %add3A_784 : vector<16xf32>
          %add3A_786 = arith.constant 2048 : i32
          %add3A_787 = arith.addi %add3A_786, %mul3A_580 : i32
          %get3A_788 = arith.index_cast %add3A_787 : i32 to index
          %get3A_789 = tpu.vector_load %arg12[%get3A_788] {strides = array<i32>} : memref<3072xf32, #tpu.memory_space<vmem>>, vector<16xf32>,
          %add3A_790 = arith.constant 2560 : i32
          %add3A_791 = arith.addi %add3A_790, %mul3A_580 : i32
          %get3A_792 = arith.index_cast %add3A_791 : i32 to index
          %get3A_793 = tpu.vector_load %arg12[%get3A_792] {strides = array<i32>} : memref<3072xf32, #tpu.memory_space<vmem>>, vector<16xf32>,
          %sub3A_794 = arith.constant 1.000000e+00 : f32
          %sub3A_795 = vector.broadcast %sub3A_794 : f32 to vector<16xf32>
          %sub3A_796 = arith.subf %sub3A_795, %get3A_789 : vector<16xf32>
          %sub3A_797 = arith.constant 1.000000e+00 : f32
          %sub3A_798 = vector.broadcast %sub3A_797 : f32 to vector<16xf32>
          %sub3A_799 = arith.subf %sub3A_798, %get3A_793 : vector<16xf32>
          %add3A_800 = arith.constant 1024 : i32
          %add3A_801 = vector.broadcast %add3A_800 : i32 to vector<16xi32>
          %add3A_802 = arith.addi %add3A_582, %add3A_801 : vector<16xi32>
          %broadcast_in_dim3A_803 = arith.constant 0 : i32
          %broadcast_in_dim3A_804 = vector.broadcast %broadcast_in_dim3A_803 : i32 to vector<16xi32>
          %gather3A_805 = tpu.vector_load_idx %arg14[%add3A_802, %broadcast_in_dim3A_804] : memref<1536x16xf32, #tpu.memory_space<vmem>>[vector<16xi32>, vector<16xi32>], vector<16xf32>,
          %broadcast_in_dim3A_806 = arith.constant 4 : i32
          %broadcast_in_dim3A_807 = vector.broadcast %broadcast_in_dim3A_806 : i32 to vector<16xi32>
          %gather3A_808 = tpu.vector_load_idx %arg14[%add3A_802, %broadcast_in_dim3A_807] : memref<1536x16xf32, #tpu.memory_space<vmem>>[vector<16xi32>, vector<16xi32>], vector<16xf32>,
          %broadcast_in_dim3A_809 = arith.constant 8 : i32
          %broadcast_in_dim3A_810 = vector.broadcast %broadcast_in_dim3A_809 : i32 to vector<16xi32>
          %gather3A_811 = tpu.vector_load_idx %arg14[%add3A_802, %broadcast_in_dim3A_810] : memref<1536x16xf32, #tpu.memory_space<vmem>>[vector<16xi32>, vector<16xi32>], vector<16xf32>,
          %broadcast_in_dim3A_812 = arith.constant 12 : i32
          %broadcast_in_dim3A_813 = vector.broadcast %broadcast_in_dim3A_812 : i32 to vector<16xi32>
          %gather3A_814 = tpu.vector_load_idx %arg14[%add3A_802, %broadcast_in_dim3A_813] : memref<1536x16xf32, #tpu.memory_space<vmem>>[vector<16xi32>, vector<16xi32>], vector<16xf32>,
          %mul3A_815 = arith.mulf %gather3A_805, %sub3A_796 : vector<16xf32>
          %mul3A_816 = arith.mulf %gather3A_808, %get3A_789 : vector<16xf32>
          %add3A_817 = arith.addf %mul3A_815, %mul3A_816 : vector<16xf32>
          %mul3A_818 = arith.mulf %add3A_817, %sub3A_799 : vector<16xf32>
          %mul3A_819 = arith.mulf %gather3A_811, %sub3A_796 : vector<16xf32>
          %mul3A_820 = arith.mulf %gather3A_814, %get3A_789 : vector<16xf32>
          %add3A_821 = arith.addf %mul3A_819, %mul3A_820 : vector<16xf32>
          %mul3A_822 = arith.mulf %add3A_821, %get3A_793 : vector<16xf32>
          %add3A_823 = arith.addf %mul3A_818, %mul3A_822 : vector<16xf32>
          %mul3A_824 = arith.mulf %mul3A_719, %add3A_823 : vector<16xf32>
          %broadcast_in_dim3A_825 = arith.constant 1 : i32
          %broadcast_in_dim3A_826 = vector.broadcast %broadcast_in_dim3A_825 : i32 to vector<16xi32>
          %gather3A_827 = tpu.vector_load_idx %arg14[%add3A_802, %broadcast_in_dim3A_826] : memref<1536x16xf32, #tpu.memory_space<vmem>>[vector<16xi32>, vector<16xi32>], vector<16xf32>,
          %broadcast_in_dim3A_828 = arith.constant 5 : i32
          %broadcast_in_dim3A_829 = vector.broadcast %broadcast_in_dim3A_828 : i32 to vector<16xi32>
          %gather3A_830 = tpu.vector_load_idx %arg14[%add3A_802, %broadcast_in_dim3A_829] : memref<1536x16xf32, #tpu.memory_space<vmem>>[vector<16xi32>, vector<16xi32>], vector<16xf32>,
          %broadcast_in_dim3A_831 = arith.constant 9 : i32
          %broadcast_in_dim3A_832 = vector.broadcast %broadcast_in_dim3A_831 : i32 to vector<16xi32>
          %gather3A_833 = tpu.vector_load_idx %arg14[%add3A_802, %broadcast_in_dim3A_832] : memref<1536x16xf32, #tpu.memory_space<vmem>>[vector<16xi32>, vector<16xi32>], vector<16xf32>,
          %broadcast_in_dim3A_834 = arith.constant 13 : i32
          %broadcast_in_dim3A_835 = vector.broadcast %broadcast_in_dim3A_834 : i32 to vector<16xi32>
          %gather3A_836 = tpu.vector_load_idx %arg14[%add3A_802, %broadcast_in_dim3A_835] : memref<1536x16xf32, #tpu.memory_space<vmem>>[vector<16xi32>, vector<16xi32>], vector<16xf32>,
          %mul3A_837 = arith.mulf %gather3A_827, %sub3A_796 : vector<16xf32>
          %mul3A_838 = arith.mulf %gather3A_830, %get3A_789 : vector<16xf32>
          %add3A_839 = arith.addf %mul3A_837, %mul3A_838 : vector<16xf32>
          %mul3A_840 = arith.mulf %add3A_839, %sub3A_799 : vector<16xf32>
          %mul3A_841 = arith.mulf %gather3A_833, %sub3A_796 : vector<16xf32>
          %mul3A_842 = arith.mulf %gather3A_836, %get3A_789 : vector<16xf32>
          %add3A_843 = arith.addf %mul3A_841, %mul3A_842 : vector<16xf32>
          %mul3A_844 = arith.mulf %add3A_843, %get3A_793 : vector<16xf32>
          %add3A_845 = arith.addf %mul3A_840, %mul3A_844 : vector<16xf32>
          %mul3A_846 = arith.mulf %mul3A_741, %add3A_845 : vector<16xf32>
          %broadcast_in_dim3A_847 = arith.constant 2 : i32
          %broadcast_in_dim3A_848 = vector.broadcast %broadcast_in_dim3A_847 : i32 to vector<16xi32>
          %gather3A_849 = tpu.vector_load_idx %arg14[%add3A_802, %broadcast_in_dim3A_848] : memref<1536x16xf32, #tpu.memory_space<vmem>>[vector<16xi32>, vector<16xi32>], vector<16xf32>,
          %broadcast_in_dim3A_850 = arith.constant 6 : i32
          %broadcast_in_dim3A_851 = vector.broadcast %broadcast_in_dim3A_850 : i32 to vector<16xi32>
          %gather3A_852 = tpu.vector_load_idx %arg14[%add3A_802, %broadcast_in_dim3A_851] : memref<1536x16xf32, #tpu.memory_space<vmem>>[vector<16xi32>, vector<16xi32>], vector<16xf32>,
          %broadcast_in_dim3A_853 = arith.constant 10 : i32
          %broadcast_in_dim3A_854 = vector.broadcast %broadcast_in_dim3A_853 : i32 to vector<16xi32>
          %gather3A_855 = tpu.vector_load_idx %arg14[%add3A_802, %broadcast_in_dim3A_854] : memref<1536x16xf32, #tpu.memory_space<vmem>>[vector<16xi32>, vector<16xi32>], vector<16xf32>,
          %broadcast_in_dim3A_856 = arith.constant 14 : i32
          %broadcast_in_dim3A_857 = vector.broadcast %broadcast_in_dim3A_856 : i32 to vector<16xi32>
          %gather3A_858 = tpu.vector_load_idx %arg14[%add3A_802, %broadcast_in_dim3A_857] : memref<1536x16xf32, #tpu.memory_space<vmem>>[vector<16xi32>, vector<16xi32>], vector<16xf32>,
          %mul3A_859 = arith.mulf %gather3A_849, %sub3A_796 : vector<16xf32>
          %mul3A_860 = arith.mulf %gather3A_852, %get3A_789 : vector<16xf32>
          %add3A_861 = arith.addf %mul3A_859, %mul3A_860 : vector<16xf32>
          %mul3A_862 = arith.mulf %add3A_861, %sub3A_799 : vector<16xf32>
          %mul3A_863 = arith.mulf %gather3A_855, %sub3A_796 : vector<16xf32>
          %mul3A_864 = arith.mulf %gather3A_858, %get3A_789 : vector<16xf32>
          %add3A_865 = arith.addf %mul3A_863, %mul3A_864 : vector<16xf32>
          %mul3A_866 = arith.mulf %add3A_865, %get3A_793 : vector<16xf32>
          %add3A_867 = arith.addf %mul3A_862, %mul3A_866 : vector<16xf32>
          %mul3A_868 = arith.mulf %mul3A_763, %add3A_867 : vector<16xf32>
          %broadcast_in_dim3A_869 = arith.constant 3 : i32
          %broadcast_in_dim3A_870 = vector.broadcast %broadcast_in_dim3A_869 : i32 to vector<16xi32>
          %gather3A_871 = tpu.vector_load_idx %arg14[%add3A_802, %broadcast_in_dim3A_870] : memref<1536x16xf32, #tpu.memory_space<vmem>>[vector<16xi32>, vector<16xi32>], vector<16xf32>,
          %broadcast_in_dim3A_872 = arith.constant 7 : i32
          %broadcast_in_dim3A_873 = vector.broadcast %broadcast_in_dim3A_872 : i32 to vector<16xi32>
          %gather3A_874 = tpu.vector_load_idx %arg14[%add3A_802, %broadcast_in_dim3A_873] : memref<1536x16xf32, #tpu.memory_space<vmem>>[vector<16xi32>, vector<16xi32>], vector<16xf32>,
          %broadcast_in_dim3A_875 = arith.constant 11 : i32
          %broadcast_in_dim3A_876 = vector.broadcast %broadcast_in_dim3A_875 : i32 to vector<16xi32>
          %gather3A_877 = tpu.vector_load_idx %arg14[%add3A_802, %broadcast_in_dim3A_876] : memref<1536x16xf32, #tpu.memory_space<vmem>>[vector<16xi32>, vector<16xi32>], vector<16xf32>,
          %broadcast_in_dim3A_878 = arith.constant 15 : i32
          %broadcast_in_dim3A_879 = vector.broadcast %broadcast_in_dim3A_878 : i32 to vector<16xi32>
          %gather3A_880 = tpu.vector_load_idx %arg14[%add3A_802, %broadcast_in_dim3A_879] : memref<1536x16xf32, #tpu.memory_space<vmem>>[vector<16xi32>, vector<16xi32>], vector<16xf32>,
          %mul3A_881 = arith.mulf %gather3A_871, %sub3A_796 : vector<16xf32>
          %mul3A_882 = arith.mulf %gather3A_874, %get3A_789 : vector<16xf32>
          %add3A_883 = arith.addf %mul3A_881, %mul3A_882 : vector<16xf32>
          %mul3A_884 = arith.mulf %add3A_883, %sub3A_799 : vector<16xf32>
          %mul3A_885 = arith.mulf %gather3A_877, %sub3A_796 : vector<16xf32>
          %mul3A_886 = arith.mulf %gather3A_880, %get3A_789 : vector<16xf32>
          %add3A_887 = arith.addf %mul3A_885, %mul3A_886 : vector<16xf32>
          %mul3A_888 = arith.mulf %add3A_887, %get3A_793 : vector<16xf32>
          %add3A_889 = arith.addf %mul3A_884, %mul3A_888 : vector<16xf32>
          %mul3A_890 = arith.mulf %mul3A_785, %add3A_889 : vector<16xf32>
          %add3A_891 = arith.addf %mul3A_824, %mul3A_846 : vector<16xf32>
          %add3A_892 = arith.addf %mul3A_868, %mul3A_890 : vector<16xf32>
          %add3A_893 = arith.addf %add3A_891, %add3A_892 : vector<16xf32>
          %mul3A_894 = arith.constant 2.500000e-01 : f32
          %mul3A_895 = vector.broadcast %mul3A_894 : f32 to vector<16xf32>
          %mul3A_896 = arith.mulf %add3A_893, %mul3A_895 : vector<16xf32>
          %max3A = arith.constant 0.000000e+00 : f32
          %max3A_897 = vector.broadcast %max3A : f32 to vector<16xf32>
          %max3A_898 = arith.maximumf %mul3A_896, %max3A_897 : vector<16xf32>
          %swap3A = arith.index_cast %mul3A_580 : i32 to index
          %swap3A_899 = tpu.vector_load %arg15[%swap3A] {strides = array<i32>} : memref<512xf32, #tpu.memory_space<vmem>>, vector<16xf32>,
          tpu.vector_store %arg15[%swap3A], %max3A_898 {strides = array<i32>} : memref<512xf32, #tpu.memory_space<vmem>>, vector<16xf32>,
        }
        %scan3A_574 = arith.constant 32 : i32
        %mul3A_575 = arith.constant 512 : i32
        %mul3A_576 = arith.muli %sub3A_568, %mul3A_575 : i32
        %add3A_577 = arith.addi %mul3A_2, %mul3A_576 : i32
        "tpu.region"() ({
          %run_scoped3A = tpu.sem_alloc : memref<!tpu.dma_semaphore, #tpu.memory_space<semaphore_mem>>
          %dma_start3A_578 = tpu.memref_slice %arg6[%add3A_577] : memref<524288xf32, #tpu.memory_space<hbm>> -> memref<512xf32, #tpu.memory_space<hbm>>
          %dma_start3A_579 = tpu.memref_slice %arg6[%add3A_577] : memref<524288xf32, #tpu.memory_space<hbm>> -> memref<512xf32, #tpu.memory_space<hbm>>
          tpu.enqueue_dma source(%arg15 : memref<512xf32, #tpu.memory_space<vmem>>) target(%dma_start3A_579 : memref<512xf32, #tpu.memory_space<hbm>>) target_semaphore(%run_scoped3A : memref<!tpu.dma_semaphore, #tpu.memory_space<semaphore_mem>>)
          %dma_wait3A_580 = tpu.memref_slice %arg6[%add3A_577] : memref<524288xf32, #tpu.memory_space<hbm>> -> memref<512xf32, #tpu.memory_space<hbm>>
          %dma_wait3A_581 = tpu.memref_slice %arg6[%add3A_577] : memref<524288xf32, #tpu.memory_space<hbm>> -> memref<512xf32, #tpu.memory_space<hbm>>
          tpu.wait_dma2 semaphore(%run_scoped3A : memref<!tpu.dma_semaphore, #tpu.memory_space<semaphore_mem>>) src(%arg15 : memref<512xf32, #tpu.memory_space<vmem>>) dst(%dma_wait3A_581 : memref<512xf32, #tpu.memory_space<hbm>>)
          tpu.yield
        }) : () -> ()
      } else {
      }
      %dma_wait3A_313 = arith.constant 0 : i32
      %dma_wait3A_314 = tpu.memref_slice %arg8[%dma_wait3A_313] : memref<1536xf32, #tpu.memory_space<vmem>> -> memref<512xf32, #tpu.memory_space<vmem>>
      %dma_wait3A_315 = arith.constant 0 : i32
      %dma_wait3A_316 = tpu.memref_slice %arg2[%dma_wait3A_315] : memref<524288xf32, #tpu.memory_space<hbm>> -> memref<512xf32, #tpu.memory_space<hbm>>
      %dma_wait3A_317 = arith.constant 0 : i32
      %dma_wait3A_318 = tpu.memref_slice %arg8[%dma_wait3A_317] : memref<1536xf32, #tpu.memory_space<vmem>> -> memref<512xf32, #tpu.memory_space<vmem>>
      %dma_wait3A_319 = arith.constant 0 : i32
      %dma_wait3A_320 = tpu.memref_slice %arg2[%dma_wait3A_319] : memref<524288xf32, #tpu.memory_space<hbm>> -> memref<512xf32, #tpu.memory_space<hbm>>
      tpu.wait_dma2 semaphore(%arg16 : memref<!tpu.dma_semaphore, #tpu.memory_space<semaphore_mem>>) src(%dma_wait3A_320 : memref<512xf32, #tpu.memory_space<hbm>>) dst(%dma_wait3A_318 : memref<512xf32, #tpu.memory_space<vmem>>)
      %dma_wait3A_321 = arith.constant 512 : i32
      %dma_wait3A_322 = tpu.memref_slice %arg8[%dma_wait3A_321] : memref<1536xf32, #tpu.memory_space<vmem>> -> memref<512xf32, #tpu.memory_space<vmem>>
      %dma_wait3A_323 = arith.constant 0 : i32
      %dma_wait3A_324 = tpu.memref_slice %arg2[%dma_wait3A_323] : memref<524288xf32, #tpu.memory_space<hbm>> -> memref<512xf32, #tpu.memory_space<hbm>>
      %dma_wait3A_325 = arith.constant 512 : i32
      %dma_wait3A_326 = tpu.memref_slice %arg8[%dma_wait3A_325] : memref<1536xf32, #tpu.memory_space<vmem>> -> memref<512xf32, #tpu.memory_space<vmem>>
      %dma_wait3A_327 = arith.constant 0 : i32
      %dma_wait3A_328 = tpu.memref_slice %arg2[%dma_wait3A_327] : memref<524288xf32, #tpu.memory_space<hbm>> -> memref<512xf32, #tpu.memory_space<hbm>>
      tpu.wait_dma2 semaphore(%arg16 : memref<!tpu.dma_semaphore, #tpu.memory_space<semaphore_mem>>) src(%dma_wait3A_328 : memref<512xf32, #tpu.memory_space<hbm>>) dst(%dma_wait3A_326 : memref<512xf32, #tpu.memory_space<vmem>>)
      %dma_wait3A_329 = arith.constant 1024 : i32
      %dma_wait3A_330 = tpu.memref_slice %arg8[%dma_wait3A_329] : memref<1536xf32, #tpu.memory_space<vmem>> -> memref<512xf32, #tpu.memory_space<vmem>>
      %dma_wait3A_331 = arith.constant 0 : i32
      %dma_wait3A_332 = tpu.memref_slice %arg2[%dma_wait3A_331] : memref<524288xf32, #tpu.memory_space<hbm>> -> memref<512xf32, #tpu.memory_space<hbm>>
      %dma_wait3A_333 = arith.constant 1024 : i32
      %dma_wait3A_334 = tpu.memref_slice %arg8[%dma_wait3A_333] : memref<1536xf32, #tpu.memory_space<vmem>> -> memref<512xf32, #tpu.memory_space<vmem>>
      %dma_wait3A_335 = arith.constant 0 : i32
      %dma_wait3A_336 = tpu.memref_slice %arg2[%dma_wait3A_335] : memref<524288xf32, #tpu.memory_space<hbm>> -> memref<512xf32, #tpu.memory_space<hbm>>
      tpu.wait_dma2 semaphore(%arg16 : memref<!tpu.dma_semaphore, #tpu.memory_space<semaphore_mem>>) src(%dma_wait3A_336 : memref<512xf32, #tpu.memory_space<hbm>>) dst(%dma_wait3A_334 : memref<512xf32, #tpu.memory_space<vmem>>)
      %scan3A_337 = arith.constant 0 : i32
      %scan3A_338 = arith.constant 0 : i32
      %scan3A_339 = arith.constant 32 : i32
      %scan3A_340 = arith.addi %scan3A_338, %scan3A_339 : i32
      %scan3A_341 = arith.constant 1 : i32
      scf.for %scan3A_568 = %scan3A_338 to %scan3A_340 step %scan3A_341  : i32 {
        %mul3A_569 = arith.constant 16 : i32
        %mul3A_570 = arith.muli %scan3A_568, %mul3A_569 : i32
        %get3A = arith.index_cast %mul3A_570 : i32 to index
        %get3A_571 = tpu.vector_load %arg8[%get3A] {strides = array<i32>} : memref<1536xf32, #tpu.memory_space<vmem>>, vector<16xf32>,
        %add3A_572 = arith.constant 512 : i32
        %add3A_573 = arith.addi %add3A_572, %mul3A_570 : i32
        %get3A_574 = arith.index_cast %add3A_573 : i32 to index
        %get3A_575 = tpu.vector_load %arg8[%get3A_574] {strides = array<i32>} : memref<1536xf32, #tpu.memory_space<vmem>>, vector<16xf32>,
        %add3A_576 = arith.constant 1024 : i32
        %add3A_577 = arith.addi %add3A_576, %mul3A_570 : i32
        %get3A_578 = arith.index_cast %add3A_577 : i32 to index
        %get3A_579 = tpu.vector_load %arg8[%get3A_578] {strides = array<i32>} : memref<1536xf32, #tpu.memory_space<vmem>>, vector<16xf32>,
        %convert_element_type3A_580 = arith.fptosi %get3A_571 : vector<16xf32> to vector<16xi32>
        %jit3A = arith.constant 0 : i32
        %jit3A_581 = arith.constant 510 : i32
        %max3A = vector.broadcast %jit3A : i32 to vector<16xi32>
        %max3A_582 = arith.maxsi %max3A, %convert_element_type3A_580 : vector<16xi32>
        %min3A_583 = vector.broadcast %jit3A_581 : i32 to vector<16xi32>
        %min3A_584 = arith.minsi %min3A_583, %max3A_582 : vector<16xi32>
        %convert_element_type3A_585 = arith.fptosi %get3A_575 : vector<16xf32> to vector<16xi32>
        %jit3A_586 = arith.constant 0 : i32
        %jit3A_587 = arith.constant 510 : i32
        %max3A_588 = vector.broadcast %jit3A_586 : i32 to vector<16xi32>
        %max3A_589 = arith.maxsi %max3A_588, %convert_element_type3A_585 : vector<16xi32>
        %min3A_590 = vector.broadcast %jit3A_587 : i32 to vector<16xi32>
        %min3A_591 = arith.minsi %min3A_590, %max3A_589 : vector<16xi32>
        %convert_element_type3A_592 = arith.sitofp %min3A_584 : vector<16xi32> to vector<16xf32>
        %sub3A = arith.subf %get3A_571, %convert_element_type3A_592 : vector<16xf32>
        %convert_element_type3A_593 = arith.sitofp %min3A_591 : vector<16xi32> to vector<16xf32>
        %sub3A_594 = arith.subf %get3A_575, %convert_element_type3A_593 : vector<16xf32>
        %mul3A_595 = arith.constant 512 : i32
        %mul3A_596 = vector.broadcast %mul3A_595 : i32 to vector<16xi32>
        %mul3A_597 = arith.muli %min3A_591, %mul3A_596 : vector<16xi32>
        %add3A_598 = arith.addi %mul3A_597, %min3A_584 : vector<16xi32>
        %add3A_599 = arith.constant 0 : i32
        %add3A_600 = vector.broadcast %add3A_599 : i32 to vector<16xi32>
        %add3A_601 = arith.addi %add3A_598, %add3A_600 : vector<16xi32>
        %add3A_602 = arith.constant 0 : i32
        %add3A_603 = arith.addi %add3A_602, %mul3A_570 : i32
        %swap3A = arith.index_cast %add3A_603 : i32 to index
        %swap3A_604 = tpu.vector_load %arg10[%swap3A] {strides = array<i32>} : memref<1536xi32, #tpu.memory_space<vmem>>, vector<16xi32>,
        tpu.vector_store %arg10[%swap3A], %add3A_601 {strides = array<i32>} : memref<1536xi32, #tpu.memory_space<vmem>>, vector<16xi32>,
        %add3A_605 = arith.constant 0 : i32
        %add3A_606 = arith.addi %add3A_605, %mul3A_570 : i32
        %swap3A_607 = arith.index_cast %add3A_606 : i32 to index
        %swap3A_608 = tpu.vector_load %arg12[%swap3A_607] {strides = array<i32>} : memref<3072xf32, #tpu.memory_space<vmem>>, vector<16xf32>,
        tpu.vector_store %arg12[%swap3A_607], %sub3A {strides = array<i32>} : memref<3072xf32, #tpu.memory_space<vmem>>, vector<16xf32>,
        %add3A_609 = arith.constant 512 : i32
        %add3A_610 = arith.addi %add3A_609, %mul3A_570 : i32
        %swap3A_611 = arith.index_cast %add3A_610 : i32 to index
        %swap3A_612 = tpu.vector_load %arg12[%swap3A_611] {strides = array<i32>} : memref<3072xf32, #tpu.memory_space<vmem>>, vector<16xf32>,
        tpu.vector_store %arg12[%swap3A_611], %sub3A_594 {strides = array<i32>} : memref<3072xf32, #tpu.memory_space<vmem>>, vector<16xf32>,
        %convert_element_type3A_613 = arith.fptosi %get3A_571 : vector<16xf32> to vector<16xi32>
        %jit3A_614 = arith.constant 0 : i32
        %jit3A_615 = arith.constant 510 : i32
        %max3A_616 = vector.broadcast %jit3A_614 : i32 to vector<16xi32>
        %max3A_617 = arith.maxsi %max3A_616, %convert_element_type3A_613 : vector<16xi32>
        %min3A_618 = vector.broadcast %jit3A_615 : i32 to vector<16xi32>
        %min3A_619 = arith.minsi %min3A_618, %max3A_617 : vector<16xi32>
        %convert_element_type3A_620 = arith.fptosi %get3A_579 : vector<16xf32> to vector<16xi32>
        %jit3A_621 = arith.constant 0 : i32
        %jit3A_622 = arith.constant 510 : i32
        %max3A_623 = vector.broadcast %jit3A_621 : i32 to vector<16xi32>
        %max3A_624 = arith.maxsi %max3A_623, %convert_element_type3A_620 : vector<16xi32>
        %min3A_625 = vector.broadcast %jit3A_622 : i32 to vector<16xi32>
        %min3A_626 = arith.minsi %min3A_625, %max3A_624 : vector<16xi32>
        %convert_element_type3A_627 = arith.sitofp %min3A_619 : vector<16xi32> to vector<16xf32>
        %sub3A_628 = arith.subf %get3A_571, %convert_element_type3A_627 : vector<16xf32>
        %convert_element_type3A_629 = arith.sitofp %min3A_626 : vector<16xi32> to vector<16xf32>
        %sub3A_630 = arith.subf %get3A_579, %convert_element_type3A_629 : vector<16xf32>
        %mul3A_631 = arith.constant 512 : i32
        %mul3A_632 = vector.broadcast %mul3A_631 : i32 to vector<16xi32>
        %mul3A_633 = arith.muli %min3A_626, %mul3A_632 : vector<16xi32>
        %add3A_634 = arith.addi %mul3A_633, %min3A_619 : vector<16xi32>
        %add3A_635 = arith.constant 262144 : i32
        %add3A_636 = vector.broadcast %add3A_635 : i32 to vector<16xi32>
        %add3A_637 = arith.addi %add3A_634, %add3A_636 : vector<16xi32>
        %add3A_638 = arith.constant 512 : i32
        %add3A_639 = arith.addi %add3A_638, %mul3A_570 : i32
        %swap3A_640 = arith.index_cast %add3A_639 : i32 to index
        %swap3A_641 = tpu.vector_load %arg10[%swap3A_640] {strides = array<i32>} : memref<1536xi32, #tpu.memory_space<vmem>>, vector<16xi32>,
        tpu.vector_store %arg10[%swap3A_640], %add3A_637 {strides = array<i32>} : memref<1536xi32, #tpu.memory_space<vmem>>, vector<16xi32>,
        %add3A_642 = arith.constant 1024 : i32
        %add3A_643 = arith.addi %add3A_642, %mul3A_570 : i32
        %swap3A_644 = arith.index_cast %add3A_643 : i32 to index
        %swap3A_645 = tpu.vector_load %arg12[%swap3A_644] {strides = array<i32>} : memref<3072xf32, #tpu.memory_space<vmem>>, vector<16xf32>,
        tpu.vector_store %arg12[%swap3A_644], %sub3A_628 {strides = array<i32>} : memref<3072xf32, #tpu.memory_space<vmem>>, vector<16xf32>,
        %add3A_646 = arith.constant 1536 : i32
        %add3A_647 = arith.addi %add3A_646, %mul3A_570 : i32
        %swap3A_648 = arith.index_cast %add3A_647 : i32 to index
        %swap3A_649 = tpu.vector_load %arg12[%swap3A_648] {strides = array<i32>} : memref<3072xf32, #tpu.memory_space<vmem>>, vector<16xf32>,
        tpu.vector_store %arg12[%swap3A_648], %sub3A_630 {strides = array<i32>} : memref<3072xf32, #tpu.memory_space<vmem>>, vector<16xf32>,
        %convert_element_type3A_650 = arith.fptosi %get3A_575 : vector<16xf32> to vector<16xi32>
        %jit3A_651 = arith.constant 0 : i32
        %jit3A_652 = arith.constant 510 : i32
        %max3A_653 = vector.broadcast %jit3A_651 : i32 to vector<16xi32>
        %max3A_654 = arith.maxsi %max3A_653, %convert_element_type3A_650 : vector<16xi32>
        %min3A_655 = vector.broadcast %jit3A_652 : i32 to vector<16xi32>
        %min3A_656 = arith.minsi %min3A_655, %max3A_654 : vector<16xi32>
        %convert_element_type3A_657 = arith.fptosi %get3A_579 : vector<16xf32> to vector<16xi32>
        %jit3A_658 = arith.constant 0 : i32
        %jit3A_659 = arith.constant 510 : i32
        %max3A_660 = vector.broadcast %jit3A_658 : i32 to vector<16xi32>
        %max3A_661 = arith.maxsi %max3A_660, %convert_element_type3A_657 : vector<16xi32>
        %min3A_662 = vector.broadcast %jit3A_659 : i32 to vector<16xi32>
        %min3A_663 = arith.minsi %min3A_662, %max3A_661 : vector<16xi32>
        %convert_element_type3A_664 = arith.sitofp %min3A_656 : vector<16xi32> to vector<16xf32>
        %sub3A_665 = arith.subf %get3A_575, %convert_element_type3A_664 : vector<16xf32>
        %convert_element_type3A_666 = arith.sitofp %min3A_663 : vector<16xi32> to vector<16xf32>
        %sub3A_667 = arith.subf %get3A_579, %convert_element_type3A_666 : vector<16xf32>
        %mul3A_668 = arith.constant 512 : i32
        %mul3A_669 = vector.broadcast %mul3A_668 : i32 to vector<16xi32>
        %mul3A_670 = arith.muli %min3A_663, %mul3A_669 : vector<16xi32>
        %add3A_671 = arith.addi %mul3A_670, %min3A_656 : vector<16xi32>
        %add3A_672 = arith.constant 524288 : i32
        %add3A_673 = vector.broadcast %add3A_672 : i32 to vector<16xi32>
        %add3A_674 = arith.addi %add3A_671, %add3A_673 : vector<16xi32>
        %add3A_675 = arith.constant 1024 : i32
        %add3A_676 = arith.addi %add3A_675, %mul3A_570 : i32
        %swap3A_677 = arith.index_cast %add3A_676 : i32 to index
        %swap3A_678 = tpu.vector_load %arg10[%swap3A_677] {strides = array<i32>} : memref<1536xi32, #tpu.memory_space<vmem>>, vector<16xi32>,
        tpu.vector_store %arg10[%swap3A_677], %add3A_674 {strides = array<i32>} : memref<1536xi32, #tpu.memory_space<vmem>>, vector<16xi32>,
        %add3A_679 = arith.constant 2048 : i32
        %add3A_680 = arith.addi %add3A_679, %mul3A_570 : i32
        %swap3A_681 = arith.index_cast %add3A_680 : i32 to index
        %swap3A_682 = tpu.vector_load %arg12[%swap3A_681] {strides = array<i32>} : memref<3072xf32, #tpu.memory_space<vmem>>, vector<16xf32>,
        tpu.vector_store %arg12[%swap3A_681], %sub3A_665 {strides = array<i32>} : memref<3072xf32, #tpu.memory_space<vmem>>, vector<16xf32>,
        %add3A_683 = arith.constant 2560 : i32
        %add3A_684 = arith.addi %add3A_683, %mul3A_570 : i32
        %swap3A_685 = arith.index_cast %add3A_684 : i32 to index
        %swap3A_686 = tpu.vector_load %arg12[%swap3A_685] {strides = array<i32>} : memref<3072xf32, #tpu.memory_space<vmem>>, vector<16xf32>,
        tpu.vector_store %arg12[%swap3A_685], %sub3A_667 {strides = array<i32>} : memref<3072xf32, #tpu.memory_space<vmem>>, vector<16xf32>,
      }
      %scan3A_342 = arith.constant 32 : i32
      %dma_wait3A_343 = arith.constant 0 : i32
      %dma_wait3A_344 = arith.constant 0 : i32
      %dma_wait3A_345 = tpu.memref_slice %arg13[%dma_wait3A_343, %dma_wait3A_344] : memref<1536x16xf32, #tpu.memory_space<vmem>> -> memref<128x16xf32, #tpu.memory_space<vmem>>
      %dma_wait3A_346 = arith.constant 0 : i32
      %dma_wait3A_347 = tpu.memref_slice %arg9[%dma_wait3A_346] : memref<1536xi32, #tpu.memory_space<vmem>> -> memref<128xi32, #tpu.memory_space<vmem>>
      %dma_wait3A_348 = arith.constant 0 : i32
      %dma_wait3A_349 = arith.constant 0 : i32
      %dma_wait3A_350 = tpu.memref_slice %arg5[%dma_wait3A_348, %dma_wait3A_349] : memref<786432x16xf32, #tpu.memory_space<hbm>> -> memref<786432x16xf32, #tpu.memory_space<hbm>>
      tpu.wait_indirect_dma semaphore(%arg17 : memref<!tpu.dma_semaphore, #tpu.memory_space<semaphore_mem>>) src(%dma_wait3A_350 : memref<786432x16xf32, #tpu.memory_space<hbm>>) dst(%dma_wait3A_345 : memref<128x16xf32, #tpu.memory_space<vmem>>)
      %dma_wait3A_351 = arith.constant 128 : i32
      %dma_wait3A_352 = arith.constant 0 : i32
      %dma_wait3A_353 = tpu.memref_slice %arg13[%dma_wait3A_351, %dma_wait3A_352] : memref<1536x16xf32, #tpu.memory_space<vmem>> -> memref<128x16xf32, #tpu.memory_space<vmem>>
      %dma_wait3A_354 = arith.constant 128 : i32
      %dma_wait3A_355 = tpu.memref_slice %arg9[%dma_wait3A_354] : memref<1536xi32, #tpu.memory_space<vmem>> -> memref<128xi32, #tpu.memory_space<vmem>>
      %dma_wait3A_356 = arith.constant 0 : i32
      %dma_wait3A_357 = arith.constant 0 : i32
      %dma_wait3A_358 = tpu.memref_slice %arg5[%dma_wait3A_356, %dma_wait3A_357] : memref<786432x16xf32, #tpu.memory_space<hbm>> -> memref<786432x16xf32, #tpu.memory_space<hbm>>
      tpu.wait_indirect_dma semaphore(%arg17 : memref<!tpu.dma_semaphore, #tpu.memory_space<semaphore_mem>>) src(%dma_wait3A_358 : memref<786432x16xf32, #tpu.memory_space<hbm>>) dst(%dma_wait3A_353 : memref<128x16xf32, #tpu.memory_space<vmem>>)
      %dma_wait3A_359 = arith.constant 256 : i32
      %dma_wait3A_360 = arith.constant 0 : i32
      %dma_wait3A_361 = tpu.memref_slice %arg13[%dma_wait3A_359, %dma_wait3A_360] : memref<1536x16xf32, #tpu.memory_space<vmem>> -> memref<128x16xf32, #tpu.memory_space<vmem>>
      %dma_wait3A_362 = arith.constant 256 : i32
      %dma_wait3A_363 = tpu.memref_slice %arg9[%dma_wait3A_362] : memref<1536xi32, #tpu.memory_space<vmem>> -> memref<128xi32, #tpu.memory_space<vmem>>
      %dma_wait3A_364 = arith.constant 0 : i32
      %dma_wait3A_365 = arith.constant 0 : i32
      %dma_wait3A_366 = tpu.memref_slice %arg5[%dma_wait3A_364, %dma_wait3A_365] : memref<786432x16xf32, #tpu.memory_space<hbm>> -> memref<786432x16xf32, #tpu.memory_space<hbm>>
      tpu.wait_indirect_dma semaphore(%arg17 : memref<!tpu.dma_semaphore, #tpu.memory_space<semaphore_mem>>) src(%dma_wait3A_366 : memref<786432x16xf32, #tpu.memory_space<hbm>>) dst(%dma_wait3A_361 : memref<128x16xf32, #tpu.memory_space<vmem>>)
      %dma_wait3A_367 = arith.constant 384 : i32
      %dma_wait3A_368 = arith.constant 0 : i32
      %dma_wait3A_369 = tpu.memref_slice %arg13[%dma_wait3A_367, %dma_wait3A_368] : memref<1536x16xf32, #tpu.memory_space<vmem>> -> memref<128x16xf32, #tpu.memory_space<vmem>>
      %dma_wait3A_370 = arith.constant 384 : i32
      %dma_wait3A_371 = tpu.memref_slice %arg9[%dma_wait3A_370] : memref<1536xi32, #tpu.memory_space<vmem>> -> memref<128xi32, #tpu.memory_space<vmem>>
      %dma_wait3A_372 = arith.constant 0 : i32
      %dma_wait3A_373 = arith.constant 0 : i32
      %dma_wait3A_374 = tpu.memref_slice %arg5[%dma_wait3A_372, %dma_wait3A_373] : memref<786432x16xf32, #tpu.memory_space<hbm>> -> memref<786432x16xf32, #tpu.memory_space<hbm>>
      tpu.wait_indirect_dma semaphore(%arg17 : memref<!tpu.dma_semaphore, #tpu.memory_space<semaphore_mem>>) src(%dma_wait3A_374 : memref<786432x16xf32, #tpu.memory_space<hbm>>) dst(%dma_wait3A_369 : memref<128x16xf32, #tpu.memory_space<vmem>>)
      %dma_wait3A_375 = arith.constant 512 : i32
      %dma_wait3A_376 = arith.constant 0 : i32
      %dma_wait3A_377 = tpu.memref_slice %arg13[%dma_wait3A_375, %dma_wait3A_376] : memref<1536x16xf32, #tpu.memory_space<vmem>> -> memref<128x16xf32, #tpu.memory_space<vmem>>
      %dma_wait3A_378 = arith.constant 512 : i32
      %dma_wait3A_379 = tpu.memref_slice %arg9[%dma_wait3A_378] : memref<1536xi32, #tpu.memory_space<vmem>> -> memref<128xi32, #tpu.memory_space<vmem>>
      %dma_wait3A_380 = arith.constant 0 : i32
      %dma_wait3A_381 = arith.constant 0 : i32
      %dma_wait3A_382 = tpu.memref_slice %arg5[%dma_wait3A_380, %dma_wait3A_381] : memref<786432x16xf32, #tpu.memory_space<hbm>> -> memref<786432x16xf32, #tpu.memory_space<hbm>>
      tpu.wait_indirect_dma semaphore(%arg17 : memref<!tpu.dma_semaphore, #tpu.memory_space<semaphore_mem>>) src(%dma_wait3A_382 : memref<786432x16xf32, #tpu.memory_space<hbm>>) dst(%dma_wait3A_377 : memref<128x16xf32, #tpu.memory_space<vmem>>)
      %dma_wait3A_383 = arith.constant 640 : i32
      %dma_wait3A_384 = arith.constant 0 : i32
      %dma_wait3A_385 = tpu.memref_slice %arg13[%dma_wait3A_383, %dma_wait3A_384] : memref<1536x16xf32, #tpu.memory_space<vmem>> -> memref<128x16xf32, #tpu.memory_space<vmem>>
      %dma_wait3A_386 = arith.constant 640 : i32
      %dma_wait3A_387 = tpu.memref_slice %arg9[%dma_wait3A_386] : memref<1536xi32, #tpu.memory_space<vmem>> -> memref<128xi32, #tpu.memory_space<vmem>>
      %dma_wait3A_388 = arith.constant 0 : i32
      %dma_wait3A_389 = arith.constant 0 : i32
      %dma_wait3A_390 = tpu.memref_slice %arg5[%dma_wait3A_388, %dma_wait3A_389] : memref<786432x16xf32, #tpu.memory_space<hbm>> -> memref<786432x16xf32, #tpu.memory_space<hbm>>
      tpu.wait_indirect_dma semaphore(%arg17 : memref<!tpu.dma_semaphore, #tpu.memory_space<semaphore_mem>>) src(%dma_wait3A_390 : memref<786432x16xf32, #tpu.memory_space<hbm>>) dst(%dma_wait3A_385 : memref<128x16xf32, #tpu.memory_space<vmem>>)
      %dma_wait3A_391 = arith.constant 768 : i32
      %dma_wait3A_392 = arith.constant 0 : i32
      %dma_wait3A_393 = tpu.memref_slice %arg13[%dma_wait3A_391, %dma_wait3A_392] : memref<1536x16xf32, #tpu.memory_space<vmem>> -> memref<128x16xf32, #tpu.memory_space<vmem>>
      %dma_wait3A_394 = arith.constant 768 : i32
      %dma_wait3A_395 = tpu.memref_slice %arg9[%dma_wait3A_394] : memref<1536xi32, #tpu.memory_space<vmem>> -> memref<128xi32, #tpu.memory_space<vmem>>
      %dma_wait3A_396 = arith.constant 0 : i32
      %dma_wait3A_397 = arith.constant 0 : i32
      %dma_wait3A_398 = tpu.memref_slice %arg5[%dma_wait3A_396, %dma_wait3A_397] : memref<786432x16xf32, #tpu.memory_space<hbm>> -> memref<786432x16xf32, #tpu.memory_space<hbm>>
      tpu.wait_indirect_dma semaphore(%arg17 : memref<!tpu.dma_semaphore, #tpu.memory_space<semaphore_mem>>) src(%dma_wait3A_398 : memref<786432x16xf32, #tpu.memory_space<hbm>>) dst(%dma_wait3A_393 : memref<128x16xf32, #tpu.memory_space<vmem>>)
      %dma_wait3A_399 = arith.constant 896 : i32
      %dma_wait3A_400 = arith.constant 0 : i32
      %dma_wait3A_401 = tpu.memref_slice %arg13[%dma_wait3A_399, %dma_wait3A_400] : memref<1536x16xf32, #tpu.memory_space<vmem>> -> memref<128x16xf32, #tpu.memory_space<vmem>>
      %dma_wait3A_402 = arith.constant 896 : i32
      %dma_wait3A_403 = tpu.memref_slice %arg9[%dma_wait3A_402] : memref<1536xi32, #tpu.memory_space<vmem>> -> memref<128xi32, #tpu.memory_space<vmem>>
      %dma_wait3A_404 = arith.constant 0 : i32
      %dma_wait3A_405 = arith.constant 0 : i32
      %dma_wait3A_406 = tpu.memref_slice %arg5[%dma_wait3A_404, %dma_wait3A_405] : memref<786432x16xf32, #tpu.memory_space<hbm>> -> memref<786432x16xf32, #tpu.memory_space<hbm>>
      tpu.wait_indirect_dma semaphore(%arg17 : memref<!tpu.dma_semaphore, #tpu.memory_space<semaphore_mem>>) src(%dma_wait3A_406 : memref<786432x16xf32, #tpu.memory_space<hbm>>) dst(%dma_wait3A_401 : memref<128x16xf32, #tpu.memory_space<vmem>>)
      %dma_wait3A_407 = arith.constant 1024 : i32
      %dma_wait3A_408 = arith.constant 0 : i32
      %dma_wait3A_409 = tpu.memref_slice %arg13[%dma_wait3A_407, %dma_wait3A_408] : memref<1536x16xf32, #tpu.memory_space<vmem>> -> memref<128x16xf32, #tpu.memory_space<vmem>>
      %dma_wait3A_410 = arith.constant 1024 : i32
      %dma_wait3A_411 = tpu.memref_slice %arg9[%dma_wait3A_410] : memref<1536xi32, #tpu.memory_space<vmem>> -> memref<128xi32, #tpu.memory_space<vmem>>
      %dma_wait3A_412 = arith.constant 0 : i32
      %dma_wait3A_413 = arith.constant 0 : i32
      %dma_wait3A_414 = tpu.memref_slice %arg5[%dma_wait3A_412, %dma_wait3A_413] : memref<786432x16xf32, #tpu.memory_space<hbm>> -> memref<786432x16xf32, #tpu.memory_space<hbm>>
      tpu.wait_indirect_dma semaphore(%arg17 : memref<!tpu.dma_semaphore, #tpu.memory_space<semaphore_mem>>) src(%dma_wait3A_414 : memref<786432x16xf32, #tpu.memory_space<hbm>>) dst(%dma_wait3A_409 : memref<128x16xf32, #tpu.memory_space<vmem>>)
      %dma_wait3A_415 = arith.constant 1152 : i32
      %dma_wait3A_416 = arith.constant 0 : i32
      %dma_wait3A_417 = tpu.memref_slice %arg13[%dma_wait3A_415, %dma_wait3A_416] : memref<1536x16xf32, #tpu.memory_space<vmem>> -> memref<128x16xf32, #tpu.memory_space<vmem>>
      %dma_wait3A_418 = arith.constant 1152 : i32
      %dma_wait3A_419 = tpu.memref_slice %arg9[%dma_wait3A_418] : memref<1536xi32, #tpu.memory_space<vmem>> -> memref<128xi32, #tpu.memory_space<vmem>>
      %dma_wait3A_420 = arith.constant 0 : i32
      %dma_wait3A_421 = arith.constant 0 : i32
      %dma_wait3A_422 = tpu.memref_slice %arg5[%dma_wait3A_420, %dma_wait3A_421] : memref<786432x16xf32, #tpu.memory_space<hbm>> -> memref<786432x16xf32, #tpu.memory_space<hbm>>
      tpu.wait_indirect_dma semaphore(%arg17 : memref<!tpu.dma_semaphore, #tpu.memory_space<semaphore_mem>>) src(%dma_wait3A_422 : memref<786432x16xf32, #tpu.memory_space<hbm>>) dst(%dma_wait3A_417 : memref<128x16xf32, #tpu.memory_space<vmem>>)
      %dma_wait3A_423 = arith.constant 1280 : i32
      %dma_wait3A_424 = arith.constant 0 : i32
      %dma_wait3A_425 = tpu.memref_slice %arg13[%dma_wait3A_423, %dma_wait3A_424] : memref<1536x16xf32, #tpu.memory_space<vmem>> -> memref<128x16xf32, #tpu.memory_space<vmem>>
      %dma_wait3A_426 = arith.constant 1280 : i32
      %dma_wait3A_427 = tpu.memref_slice %arg9[%dma_wait3A_426] : memref<1536xi32, #tpu.memory_space<vmem>> -> memref<128xi32, #tpu.memory_space<vmem>>
      %dma_wait3A_428 = arith.constant 0 : i32
      %dma_wait3A_429 = arith.constant 0 : i32
      %dma_wait3A_430 = tpu.memref_slice %arg5[%dma_wait3A_428, %dma_wait3A_429] : memref<786432x16xf32, #tpu.memory_space<hbm>> -> memref<786432x16xf32, #tpu.memory_space<hbm>>
      tpu.wait_indirect_dma semaphore(%arg17 : memref<!tpu.dma_semaphore, #tpu.memory_space<semaphore_mem>>) src(%dma_wait3A_430 : memref<786432x16xf32, #tpu.memory_space<hbm>>) dst(%dma_wait3A_425 : memref<128x16xf32, #tpu.memory_space<vmem>>)
      %dma_wait3A_431 = arith.constant 1408 : i32
      %dma_wait3A_432 = arith.constant 0 : i32
      %dma_wait3A_433 = tpu.memref_slice %arg13[%dma_wait3A_431, %dma_wait3A_432] : memref<1536x16xf32, #tpu.memory_space<vmem>> -> memref<128x16xf32, #tpu.memory_space<vmem>>
      %dma_wait3A_434 = arith.constant 1408 : i32
      %dma_wait3A_435 = tpu.memref_slice %arg9[%dma_wait3A_434] : memref<1536xi32, #tpu.memory_space<vmem>> -> memref<128xi32, #tpu.memory_space<vmem>>
      %dma_wait3A_436 = arith.constant 0 : i32
      %dma_wait3A_437 = arith.constant 0 : i32
      %dma_wait3A_438 = tpu.memref_slice %arg5[%dma_wait3A_436, %dma_wait3A_437] : memref<786432x16xf32, #tpu.memory_space<hbm>> -> memref<786432x16xf32, #tpu.memory_space<hbm>>
      tpu.wait_indirect_dma semaphore(%arg17 : memref<!tpu.dma_semaphore, #tpu.memory_space<semaphore_mem>>) src(%dma_wait3A_438 : memref<786432x16xf32, #tpu.memory_space<hbm>>) dst(%dma_wait3A_433 : memref<128x16xf32, #tpu.memory_space<vmem>>)
      %dma_start3A_439 = arith.constant 0 : i32
      %dma_start3A_440 = arith.constant 0 : i32
      %dma_start3A_441 = tpu.memref_slice %arg14[%dma_start3A_439, %dma_start3A_440] : memref<1536x16xf32, #tpu.memory_space<vmem>> -> memref<128x16xf32, #tpu.memory_space<vmem>>
      %dma_start3A_442 = arith.constant 0 : i32
      %dma_start3A_443 = tpu.memref_slice %arg10[%dma_start3A_442] : memref<1536xi32, #tpu.memory_space<vmem>> -> memref<128xi32, #tpu.memory_space<vmem>>
      %dma_start3A_444 = arith.constant 0 : i32
      %dma_start3A_445 = arith.constant 0 : i32
      %dma_start3A_446 = tpu.memref_slice %arg5[%dma_start3A_444, %dma_start3A_445] : memref<786432x16xf32, #tpu.memory_space<hbm>> -> memref<786432x16xf32, #tpu.memory_space<hbm>>
      tpu.enqueue_indirect_dma source(%dma_start3A_446 : memref<786432x16xf32, #tpu.memory_space<hbm>>) target(%dma_start3A_441 : memref<128x16xf32, #tpu.memory_space<vmem>>) offsets(%dma_start3A_443 : memref<128xi32, #tpu.memory_space<vmem>>) semaphore(%arg17 : memref<!tpu.dma_semaphore, #tpu.memory_space<semaphore_mem>>)
      %dma_start3A_447 = arith.constant 128 : i32
      %dma_start3A_448 = arith.constant 0 : i32
      %dma_start3A_449 = tpu.memref_slice %arg14[%dma_start3A_447, %dma_start3A_448] : memref<1536x16xf32, #tpu.memory_space<vmem>> -> memref<128x16xf32, #tpu.memory_space<vmem>>
      %dma_start3A_450 = arith.constant 128 : i32
      %dma_start3A_451 = tpu.memref_slice %arg10[%dma_start3A_450] : memref<1536xi32, #tpu.memory_space<vmem>> -> memref<128xi32, #tpu.memory_space<vmem>>
      %dma_start3A_452 = arith.constant 0 : i32
      %dma_start3A_453 = arith.constant 0 : i32
      %dma_start3A_454 = tpu.memref_slice %arg5[%dma_start3A_452, %dma_start3A_453] : memref<786432x16xf32, #tpu.memory_space<hbm>> -> memref<786432x16xf32, #tpu.memory_space<hbm>>
      tpu.enqueue_indirect_dma source(%dma_start3A_454 : memref<786432x16xf32, #tpu.memory_space<hbm>>) target(%dma_start3A_449 : memref<128x16xf32, #tpu.memory_space<vmem>>) offsets(%dma_start3A_451 : memref<128xi32, #tpu.memory_space<vmem>>) semaphore(%arg17 : memref<!tpu.dma_semaphore, #tpu.memory_space<semaphore_mem>>)
      %dma_start3A_455 = arith.constant 256 : i32
      %dma_start3A_456 = arith.constant 0 : i32
      %dma_start3A_457 = tpu.memref_slice %arg14[%dma_start3A_455, %dma_start3A_456] : memref<1536x16xf32, #tpu.memory_space<vmem>> -> memref<128x16xf32, #tpu.memory_space<vmem>>
      %dma_start3A_458 = arith.constant 256 : i32
      %dma_start3A_459 = tpu.memref_slice %arg10[%dma_start3A_458] : memref<1536xi32, #tpu.memory_space<vmem>> -> memref<128xi32, #tpu.memory_space<vmem>>
      %dma_start3A_460 = arith.constant 0 : i32
      %dma_start3A_461 = arith.constant 0 : i32
      %dma_start3A_462 = tpu.memref_slice %arg5[%dma_start3A_460, %dma_start3A_461] : memref<786432x16xf32, #tpu.memory_space<hbm>> -> memref<786432x16xf32, #tpu.memory_space<hbm>>
      tpu.enqueue_indirect_dma source(%dma_start3A_462 : memref<786432x16xf32, #tpu.memory_space<hbm>>) target(%dma_start3A_457 : memref<128x16xf32, #tpu.memory_space<vmem>>) offsets(%dma_start3A_459 : memref<128xi32, #tpu.memory_space<vmem>>) semaphore(%arg17 : memref<!tpu.dma_semaphore, #tpu.memory_space<semaphore_mem>>)
      %dma_start3A_463 = arith.constant 384 : i32
      %dma_start3A_464 = arith.constant 0 : i32
      %dma_start3A_465 = tpu.memref_slice %arg14[%dma_start3A_463, %dma_start3A_464] : memref<1536x16xf32, #tpu.memory_space<vmem>> -> memref<128x16xf32, #tpu.memory_space<vmem>>
      %dma_start3A_466 = arith.constant 384 : i32
      %dma_start3A_467 = tpu.memref_slice %arg10[%dma_start3A_466] : memref<1536xi32, #tpu.memory_space<vmem>> -> memref<128xi32, #tpu.memory_space<vmem>>
      %dma_start3A_468 = arith.constant 0 : i32
      %dma_start3A_469 = arith.constant 0 : i32
      %dma_start3A_470 = tpu.memref_slice %arg5[%dma_start3A_468, %dma_start3A_469] : memref<786432x16xf32, #tpu.memory_space<hbm>> -> memref<786432x16xf32, #tpu.memory_space<hbm>>
      tpu.enqueue_indirect_dma source(%dma_start3A_470 : memref<786432x16xf32, #tpu.memory_space<hbm>>) target(%dma_start3A_465 : memref<128x16xf32, #tpu.memory_space<vmem>>) offsets(%dma_start3A_467 : memref<128xi32, #tpu.memory_space<vmem>>) semaphore(%arg17 : memref<!tpu.dma_semaphore, #tpu.memory_space<semaphore_mem>>)
      %dma_start3A_471 = arith.constant 512 : i32
      %dma_start3A_472 = arith.constant 0 : i32
      %dma_start3A_473 = tpu.memref_slice %arg14[%dma_start3A_471, %dma_start3A_472] : memref<1536x16xf32, #tpu.memory_space<vmem>> -> memref<128x16xf32, #tpu.memory_space<vmem>>
      %dma_start3A_474 = arith.constant 512 : i32
      %dma_start3A_475 = tpu.memref_slice %arg10[%dma_start3A_474] : memref<1536xi32, #tpu.memory_space<vmem>> -> memref<128xi32, #tpu.memory_space<vmem>>
      %dma_start3A_476 = arith.constant 0 : i32
      %dma_start3A_477 = arith.constant 0 : i32
      %dma_start3A_478 = tpu.memref_slice %arg5[%dma_start3A_476, %dma_start3A_477] : memref<786432x16xf32, #tpu.memory_space<hbm>> -> memref<786432x16xf32, #tpu.memory_space<hbm>>
      tpu.enqueue_indirect_dma source(%dma_start3A_478 : memref<786432x16xf32, #tpu.memory_space<hbm>>) target(%dma_start3A_473 : memref<128x16xf32, #tpu.memory_space<vmem>>) offsets(%dma_start3A_475 : memref<128xi32, #tpu.memory_space<vmem>>) semaphore(%arg17 : memref<!tpu.dma_semaphore, #tpu.memory_space<semaphore_mem>>)
      %dma_start3A_479 = arith.constant 640 : i32
      %dma_start3A_480 = arith.constant 0 : i32
      %dma_start3A_481 = tpu.memref_slice %arg14[%dma_start3A_479, %dma_start3A_480] : memref<1536x16xf32, #tpu.memory_space<vmem>> -> memref<128x16xf32, #tpu.memory_space<vmem>>
      %dma_start3A_482 = arith.constant 640 : i32
      %dma_start3A_483 = tpu.memref_slice %arg10[%dma_start3A_482] : memref<1536xi32, #tpu.memory_space<vmem>> -> memref<128xi32, #tpu.memory_space<vmem>>
      %dma_start3A_484 = arith.constant 0 : i32
      %dma_start3A_485 = arith.constant 0 : i32
      %dma_start3A_486 = tpu.memref_slice %arg5[%dma_start3A_484, %dma_start3A_485] : memref<786432x16xf32, #tpu.memory_space<hbm>> -> memref<786432x16xf32, #tpu.memory_space<hbm>>
      tpu.enqueue_indirect_dma source(%dma_start3A_486 : memref<786432x16xf32, #tpu.memory_space<hbm>>) target(%dma_start3A_481 : memref<128x16xf32, #tpu.memory_space<vmem>>) offsets(%dma_start3A_483 : memref<128xi32, #tpu.memory_space<vmem>>) semaphore(%arg17 : memref<!tpu.dma_semaphore, #tpu.memory_space<semaphore_mem>>)
      %dma_start3A_487 = arith.constant 768 : i32
      %dma_start3A_488 = arith.constant 0 : i32
      %dma_start3A_489 = tpu.memref_slice %arg14[%dma_start3A_487, %dma_start3A_488] : memref<1536x16xf32, #tpu.memory_space<vmem>> -> memref<128x16xf32, #tpu.memory_space<vmem>>
      %dma_start3A_490 = arith.constant 768 : i32
      %dma_start3A_491 = tpu.memref_slice %arg10[%dma_start3A_490] : memref<1536xi32, #tpu.memory_space<vmem>> -> memref<128xi32, #tpu.memory_space<vmem>>
      %dma_start3A_492 = arith.constant 0 : i32
      %dma_start3A_493 = arith.constant 0 : i32
      %dma_start3A_494 = tpu.memref_slice %arg5[%dma_start3A_492, %dma_start3A_493] : memref<786432x16xf32, #tpu.memory_space<hbm>> -> memref<786432x16xf32, #tpu.memory_space<hbm>>
      tpu.enqueue_indirect_dma source(%dma_start3A_494 : memref<786432x16xf32, #tpu.memory_space<hbm>>) target(%dma_start3A_489 : memref<128x16xf32, #tpu.memory_space<vmem>>) offsets(%dma_start3A_491 : memref<128xi32, #tpu.memory_space<vmem>>) semaphore(%arg17 : memref<!tpu.dma_semaphore, #tpu.memory_space<semaphore_mem>>)
      %dma_start3A_495 = arith.constant 896 : i32
      %dma_start3A_496 = arith.constant 0 : i32
      %dma_start3A_497 = tpu.memref_slice %arg14[%dma_start3A_495, %dma_start3A_496] : memref<1536x16xf32, #tpu.memory_space<vmem>> -> memref<128x16xf32, #tpu.memory_space<vmem>>
      %dma_start3A_498 = arith.constant 896 : i32
      %dma_start3A_499 = tpu.memref_slice %arg10[%dma_start3A_498] : memref<1536xi32, #tpu.memory_space<vmem>> -> memref<128xi32, #tpu.memory_space<vmem>>
      %dma_start3A_500 = arith.constant 0 : i32
      %dma_start3A_501 = arith.constant 0 : i32
      %dma_start3A_502 = tpu.memref_slice %arg5[%dma_start3A_500, %dma_start3A_501] : memref<786432x16xf32, #tpu.memory_space<hbm>> -> memref<786432x16xf32, #tpu.memory_space<hbm>>
      tpu.enqueue_indirect_dma source(%dma_start3A_502 : memref<786432x16xf32, #tpu.memory_space<hbm>>) target(%dma_start3A_497 : memref<128x16xf32, #tpu.memory_space<vmem>>) offsets(%dma_start3A_499 : memref<128xi32, #tpu.memory_space<vmem>>) semaphore(%arg17 : memref<!tpu.dma_semaphore, #tpu.memory_space<semaphore_mem>>)
      %dma_start3A_503 = arith.constant 1024 : i32
      %dma_start3A_504 = arith.constant 0 : i32
      %dma_start3A_505 = tpu.memref_slice %arg14[%dma_start3A_503, %dma_start3A_504] : memref<1536x16xf32, #tpu.memory_space<vmem>> -> memref<128x16xf32, #tpu.memory_space<vmem>>
      %dma_start3A_506 = arith.constant 1024 : i32
      %dma_start3A_507 = tpu.memref_slice %arg10[%dma_start3A_506] : memref<1536xi32, #tpu.memory_space<vmem>> -> memref<128xi32, #tpu.memory_space<vmem>>
      %dma_start3A_508 = arith.constant 0 : i32
      %dma_start3A_509 = arith.constant 0 : i32
      %dma_start3A_510 = tpu.memref_slice %arg5[%dma_start3A_508, %dma_start3A_509] : memref<786432x16xf32, #tpu.memory_space<hbm>> -> memref<786432x16xf32, #tpu.memory_space<hbm>>
      tpu.enqueue_indirect_dma source(%dma_start3A_510 : memref<786432x16xf32, #tpu.memory_space<hbm>>) target(%dma_start3A_505 : memref<128x16xf32, #tpu.memory_space<vmem>>) offsets(%dma_start3A_507 : memref<128xi32, #tpu.memory_space<vmem>>) semaphore(%arg17 : memref<!tpu.dma_semaphore, #tpu.memory_space<semaphore_mem>>)
      %dma_start3A_511 = arith.constant 1152 : i32
      %dma_start3A_512 = arith.constant 0 : i32
      %dma_start3A_513 = tpu.memref_slice %arg14[%dma_start3A_511, %dma_start3A_512] : memref<1536x16xf32, #tpu.memory_space<vmem>> -> memref<128x16xf32, #tpu.memory_space<vmem>>
      %dma_start3A_514 = arith.constant 1152 : i32
      %dma_start3A_515 = tpu.memref_slice %arg10[%dma_start3A_514] : memref<1536xi32, #tpu.memory_space<vmem>> -> memref<128xi32, #tpu.memory_space<vmem>>
      %dma_start3A_516 = arith.constant 0 : i32
      %dma_start3A_517 = arith.constant 0 : i32
      %dma_start3A_518 = tpu.memref_slice %arg5[%dma_start3A_516, %dma_start3A_517] : memref<786432x16xf32, #tpu.memory_space<hbm>> -> memref<786432x16xf32, #tpu.memory_space<hbm>>
      tpu.enqueue_indirect_dma source(%dma_start3A_518 : memref<786432x16xf32, #tpu.memory_space<hbm>>) target(%dma_start3A_513 : memref<128x16xf32, #tpu.memory_space<vmem>>) offsets(%dma_start3A_515 : memref<128xi32, #tpu.memory_space<vmem>>) semaphore(%arg17 : memref<!tpu.dma_semaphore, #tpu.memory_space<semaphore_mem>>)
      %dma_start3A_519 = arith.constant 1280 : i32
      %dma_start3A_520 = arith.constant 0 : i32
      %dma_start3A_521 = tpu.memref_slice %arg14[%dma_start3A_519, %dma_start3A_520] : memref<1536x16xf32, #tpu.memory_space<vmem>> -> memref<128x16xf32, #tpu.memory_space<vmem>>
      %dma_start3A_522 = arith.constant 1280 : i32
      %dma_start3A_523 = tpu.memref_slice %arg10[%dma_start3A_522] : memref<1536xi32, #tpu.memory_space<vmem>> -> memref<128xi32, #tpu.memory_space<vmem>>
      %dma_start3A_524 = arith.constant 0 : i32
      %dma_start3A_525 = arith.constant 0 : i32
      %dma_start3A_526 = tpu.memref_slice %arg5[%dma_start3A_524, %dma_start3A_525] : memref<786432x16xf32, #tpu.memory_space<hbm>> -> memref<786432x16xf32, #tpu.memory_space<hbm>>
      tpu.enqueue_indirect_dma source(%dma_start3A_526 : memref<786432x16xf32, #tpu.memory_space<hbm>>) target(%dma_start3A_521 : memref<128x16xf32, #tpu.memory_space<vmem>>) offsets(%dma_start3A_523 : memref<128xi32, #tpu.memory_space<vmem>>) semaphore(%arg17 : memref<!tpu.dma_semaphore, #tpu.memory_space<semaphore_mem>>)
      %dma_start3A_527 = arith.constant 1408 : i32
      %dma_start3A_528 = arith.constant 0 : i32
      %dma_start3A_529 = tpu.memref_slice %arg14[%dma_start3A_527, %dma_start3A_528] : memref<1536x16xf32, #tpu.memory_space<vmem>> -> memref<128x16xf32, #tpu.memory_space<vmem>>
      %dma_start3A_530 = arith.constant 1408 : i32
      %dma_start3A_531 = tpu.memref_slice %arg10[%dma_start3A_530] : memref<1536xi32, #tpu.memory_space<vmem>> -> memref<128xi32, #tpu.memory_space<vmem>>
      %dma_start3A_532 = arith.constant 0 : i32
      %dma_start3A_533 = arith.constant 0 : i32
      %dma_start3A_534 = tpu.memref_slice %arg5[%dma_start3A_532, %dma_start3A_533] : memref<786432x16xf32, #tpu.memory_space<hbm>> -> memref<786432x16xf32, #tpu.memory_space<hbm>>
      tpu.enqueue_indirect_dma source(%dma_start3A_534 : memref<786432x16xf32, #tpu.memory_space<hbm>>) target(%dma_start3A_529 : memref<128x16xf32, #tpu.memory_space<vmem>>) offsets(%dma_start3A_531 : memref<128xi32, #tpu.memory_space<vmem>>) semaphore(%arg17 : memref<!tpu.dma_semaphore, #tpu.memory_space<semaphore_mem>>)
      %add3A_535 = arith.constant 2 : i32
      %add3A_536 = arith.addi %mul3A_156, %add3A_535 : i32
      %min3A = arith.constant 31 : i32
      %min3A_537 = arith.minsi %add3A_536, %min3A : i32
      %mul3A_538 = arith.constant 512 : i32
      %mul3A_539 = arith.muli %min3A_537, %mul3A_538 : i32
      %add3A_540 = arith.addi %mul3A_2, %mul3A_539 : i32
      %dma_start3A_541 = arith.constant 0 : i32
      %dma_start3A_542 = tpu.memref_slice %arg7[%dma_start3A_541] : memref<1536xf32, #tpu.memory_space<vmem>> -> memref<512xf32, #tpu.memory_space<vmem>>
      %dma_start3A_543 = tpu.memref_slice %arg2[%add3A_540] : memref<524288xf32, #tpu.memory_space<hbm>> -> memref<512xf32, #tpu.memory_space<hbm>>
      %dma_start3A_544 = arith.constant 0 : i32
      %dma_start3A_545 = tpu.memref_slice %arg7[%dma_start3A_544] : memref<1536xf32, #tpu.memory_space<vmem>> -> memref<512xf32, #tpu.memory_space<vmem>>
      %dma_start3A_546 = tpu.memref_slice %arg2[%add3A_540] : memref<524288xf32, #tpu.memory_space<hbm>> -> memref<512xf32, #tpu.memory_space<hbm>>
      tpu.enqueue_dma source(%dma_start3A_546 : memref<512xf32, #tpu.memory_space<hbm>>) target(%dma_start3A_545 : memref<512xf32, #tpu.memory_space<vmem>>) target_semaphore(%arg16 : memref<!tpu.dma_semaphore, #tpu.memory_space<semaphore_mem>>)
      %dma_start3A_547 = arith.constant 512 : i32
      %dma_start3A_548 = tpu.memref_slice %arg7[%dma_start3A_547] : memref<1536xf32, #tpu.memory_space<vmem>> -> memref<512xf32, #tpu.memory_space<vmem>>
      %dma_start3A_549 = tpu.memref_slice %arg3[%add3A_540] : memref<524288xf32, #tpu.memory_space<hbm>> -> memref<512xf32, #tpu.memory_space<hbm>>
      %dma_start3A_550 = arith.constant 512 : i32
      %dma_start3A_551 = tpu.memref_slice %arg7[%dma_start3A_550] : memref<1536xf32, #tpu.memory_space<vmem>> -> memref<512xf32, #tpu.memory_space<vmem>>
      %dma_start3A_552 = tpu.memref_slice %arg3[%add3A_540] : memref<524288xf32, #tpu.memory_space<hbm>> -> memref<512xf32, #tpu.memory_space<hbm>>
      tpu.enqueue_dma source(%dma_start3A_552 : memref<512xf32, #tpu.memory_space<hbm>>) target(%dma_start3A_551 : memref<512xf32, #tpu.memory_space<vmem>>) target_semaphore(%arg16 : memref<!tpu.dma_semaphore, #tpu.memory_space<semaphore_mem>>)
      %dma_start3A_553 = arith.constant 1024 : i32
      %dma_start3A_554 = tpu.memref_slice %arg7[%dma_start3A_553] : memref<1536xf32, #tpu.memory_space<vmem>> -> memref<512xf32, #tpu.memory_space<vmem>>
      %dma_start3A_555 = tpu.memref_slice %arg4[%add3A_540] : memref<524288xf32, #tpu.memory_space<hbm>> -> memref<512xf32, #tpu.memory_space<hbm>>
      %dma_start3A_556 = arith.constant 1024 : i32
      %dma_start3A_557 = tpu.memref_slice %arg7[%dma_start3A_556] : memref<1536xf32, #tpu.memory_space<vmem>> -> memref<512xf32, #tpu.memory_space<vmem>>
      %dma_start3A_558 = tpu.memref_slice %arg4[%add3A_540] : memref<524288xf32, #tpu.memory_space<hbm>> -> memref<512xf32, #tpu.memory_space<hbm>>
      tpu.enqueue_dma source(%dma_start3A_558 : memref<512xf32, #tpu.memory_space<hbm>>) target(%dma_start3A_557 : memref<512xf32, #tpu.memory_space<vmem>>) target_semaphore(%arg16 : memref<!tpu.dma_semaphore, #tpu.memory_space<semaphore_mem>>)
      %scan3A_559 = arith.constant 0 : i32
      %scan3A_560 = arith.constant 0 : i32
      %scan3A_561 = arith.constant 32 : i32
      %scan3A_562 = arith.addi %scan3A_560, %scan3A_561 : i32
      %scan3A_563 = arith.constant 1 : i32
      scf.for %scan3A_568 = %scan3A_560 to %scan3A_562 step %scan3A_563  : i32 {
        %mul3A_569 = arith.constant 16 : i32
        %mul3A_570 = arith.muli %scan3A_568, %mul3A_569 : i32
        %iota3A = tpu.iota {dimensions = array<i32: 0>} : vector<16xi32>
        %add3A_571 = vector.broadcast %mul3A_570 : i32 to vector<16xi32>
        %add3A_572 = arith.addi %iota3A, %add3A_571 : vector<16xi32>
        %add3A_573 = arith.constant 0 : i32
        %add3A_574 = arith.addi %add3A_573, %mul3A_570 : i32
        %get3A = arith.index_cast %add3A_574 : i32 to index
        %get3A_575 = tpu.vector_load %arg11[%get3A] {strides = array<i32>} : memref<3072xf32, #tpu.memory_space<vmem>>, vector<16xf32>,
        %add3A_576 = arith.constant 512 : i32
        %add3A_577 = arith.addi %add3A_576, %mul3A_570 : i32
        %get3A_578 = arith.index_cast %add3A_577 : i32 to index
        %get3A_579 = tpu.vector_load %arg11[%get3A_578] {strides = array<i32>} : memref<3072xf32, #tpu.memory_space<vmem>>, vector<16xf32>,
        %sub3A = arith.constant 1.000000e+00 : f32
        %sub3A_580 = vector.broadcast %sub3A : f32 to vector<16xf32>
        %sub3A_581 = arith.subf %sub3A_580, %get3A_575 : vector<16xf32>
        %sub3A_582 = arith.constant 1.000000e+00 : f32
        %sub3A_583 = vector.broadcast %sub3A_582 : f32 to vector<16xf32>
        %sub3A_584 = arith.subf %sub3A_583, %get3A_579 : vector<16xf32>
        %add3A_585 = arith.constant 0 : i32
        %add3A_586 = vector.broadcast %add3A_585 : i32 to vector<16xi32>
        %add3A_587 = arith.addi %add3A_572, %add3A_586 : vector<16xi32>
        %broadcast_in_dim3A = arith.constant 0 : i32
        %broadcast_in_dim3A_588 = vector.broadcast %broadcast_in_dim3A : i32 to vector<16xi32>
        %gather3A = tpu.vector_load_idx %arg13[%add3A_587, %broadcast_in_dim3A_588] : memref<1536x16xf32, #tpu.memory_space<vmem>>[vector<16xi32>, vector<16xi32>], vector<16xf32>,
        %broadcast_in_dim3A_589 = arith.constant 4 : i32
        %broadcast_in_dim3A_590 = vector.broadcast %broadcast_in_dim3A_589 : i32 to vector<16xi32>
        %gather3A_591 = tpu.vector_load_idx %arg13[%add3A_587, %broadcast_in_dim3A_590] : memref<1536x16xf32, #tpu.memory_space<vmem>>[vector<16xi32>, vector<16xi32>], vector<16xf32>,
        %broadcast_in_dim3A_592 = arith.constant 8 : i32
        %broadcast_in_dim3A_593 = vector.broadcast %broadcast_in_dim3A_592 : i32 to vector<16xi32>
        %gather3A_594 = tpu.vector_load_idx %arg13[%add3A_587, %broadcast_in_dim3A_593] : memref<1536x16xf32, #tpu.memory_space<vmem>>[vector<16xi32>, vector<16xi32>], vector<16xf32>,
        %broadcast_in_dim3A_595 = arith.constant 12 : i32
        %broadcast_in_dim3A_596 = vector.broadcast %broadcast_in_dim3A_595 : i32 to vector<16xi32>
        %gather3A_597 = tpu.vector_load_idx %arg13[%add3A_587, %broadcast_in_dim3A_596] : memref<1536x16xf32, #tpu.memory_space<vmem>>[vector<16xi32>, vector<16xi32>], vector<16xf32>,
        %mul3A_598 = arith.mulf %gather3A, %sub3A_581 : vector<16xf32>
        %mul3A_599 = arith.mulf %gather3A_591, %get3A_575 : vector<16xf32>
        %add3A_600 = arith.addf %mul3A_598, %mul3A_599 : vector<16xf32>
        %mul3A_601 = arith.mulf %add3A_600, %sub3A_584 : vector<16xf32>
        %mul3A_602 = arith.mulf %gather3A_594, %sub3A_581 : vector<16xf32>
        %mul3A_603 = arith.mulf %gather3A_597, %get3A_575 : vector<16xf32>
        %add3A_604 = arith.addf %mul3A_602, %mul3A_603 : vector<16xf32>
        %mul3A_605 = arith.mulf %add3A_604, %get3A_579 : vector<16xf32>
        %add3A_606 = arith.addf %mul3A_601, %mul3A_605 : vector<16xf32>
        %broadcast_in_dim3A_607 = arith.constant 1 : i32
        %broadcast_in_dim3A_608 = vector.broadcast %broadcast_in_dim3A_607 : i32 to vector<16xi32>
        %gather3A_609 = tpu.vector_load_idx %arg13[%add3A_587, %broadcast_in_dim3A_608] : memref<1536x16xf32, #tpu.memory_space<vmem>>[vector<16xi32>, vector<16xi32>], vector<16xf32>,
        %broadcast_in_dim3A_610 = arith.constant 5 : i32
        %broadcast_in_dim3A_611 = vector.broadcast %broadcast_in_dim3A_610 : i32 to vector<16xi32>
        %gather3A_612 = tpu.vector_load_idx %arg13[%add3A_587, %broadcast_in_dim3A_611] : memref<1536x16xf32, #tpu.memory_space<vmem>>[vector<16xi32>, vector<16xi32>], vector<16xf32>,
        %broadcast_in_dim3A_613 = arith.constant 9 : i32
        %broadcast_in_dim3A_614 = vector.broadcast %broadcast_in_dim3A_613 : i32 to vector<16xi32>
        %gather3A_615 = tpu.vector_load_idx %arg13[%add3A_587, %broadcast_in_dim3A_614] : memref<1536x16xf32, #tpu.memory_space<vmem>>[vector<16xi32>, vector<16xi32>], vector<16xf32>,
        %broadcast_in_dim3A_616 = arith.constant 13 : i32
        %broadcast_in_dim3A_617 = vector.broadcast %broadcast_in_dim3A_616 : i32 to vector<16xi32>
        %gather3A_618 = tpu.vector_load_idx %arg13[%add3A_587, %broadcast_in_dim3A_617] : memref<1536x16xf32, #tpu.memory_space<vmem>>[vector<16xi32>, vector<16xi32>], vector<16xf32>,
        %mul3A_619 = arith.mulf %gather3A_609, %sub3A_581 : vector<16xf32>
        %mul3A_620 = arith.mulf %gather3A_612, %get3A_575 : vector<16xf32>
        %add3A_621 = arith.addf %mul3A_619, %mul3A_620 : vector<16xf32>
        %mul3A_622 = arith.mulf %add3A_621, %sub3A_584 : vector<16xf32>
        %mul3A_623 = arith.mulf %gather3A_615, %sub3A_581 : vector<16xf32>
        %mul3A_624 = arith.mulf %gather3A_618, %get3A_575 : vector<16xf32>
        %add3A_625 = arith.addf %mul3A_623, %mul3A_624 : vector<16xf32>
        %mul3A_626 = arith.mulf %add3A_625, %get3A_579 : vector<16xf32>
        %add3A_627 = arith.addf %mul3A_622, %mul3A_626 : vector<16xf32>
        %broadcast_in_dim3A_628 = arith.constant 2 : i32
        %broadcast_in_dim3A_629 = vector.broadcast %broadcast_in_dim3A_628 : i32 to vector<16xi32>
        %gather3A_630 = tpu.vector_load_idx %arg13[%add3A_587, %broadcast_in_dim3A_629] : memref<1536x16xf32, #tpu.memory_space<vmem>>[vector<16xi32>, vector<16xi32>], vector<16xf32>,
        %broadcast_in_dim3A_631 = arith.constant 6 : i32
        %broadcast_in_dim3A_632 = vector.broadcast %broadcast_in_dim3A_631 : i32 to vector<16xi32>
        %gather3A_633 = tpu.vector_load_idx %arg13[%add3A_587, %broadcast_in_dim3A_632] : memref<1536x16xf32, #tpu.memory_space<vmem>>[vector<16xi32>, vector<16xi32>], vector<16xf32>,
        %broadcast_in_dim3A_634 = arith.constant 10 : i32
        %broadcast_in_dim3A_635 = vector.broadcast %broadcast_in_dim3A_634 : i32 to vector<16xi32>
        %gather3A_636 = tpu.vector_load_idx %arg13[%add3A_587, %broadcast_in_dim3A_635] : memref<1536x16xf32, #tpu.memory_space<vmem>>[vector<16xi32>, vector<16xi32>], vector<16xf32>,
        %broadcast_in_dim3A_637 = arith.constant 14 : i32
        %broadcast_in_dim3A_638 = vector.broadcast %broadcast_in_dim3A_637 : i32 to vector<16xi32>
        %gather3A_639 = tpu.vector_load_idx %arg13[%add3A_587, %broadcast_in_dim3A_638] : memref<1536x16xf32, #tpu.memory_space<vmem>>[vector<16xi32>, vector<16xi32>], vector<16xf32>,
        %mul3A_640 = arith.mulf %gather3A_630, %sub3A_581 : vector<16xf32>
        %mul3A_641 = arith.mulf %gather3A_633, %get3A_575 : vector<16xf32>
        %add3A_642 = arith.addf %mul3A_640, %mul3A_641 : vector<16xf32>
        %mul3A_643 = arith.mulf %add3A_642, %sub3A_584 : vector<16xf32>
        %mul3A_644 = arith.mulf %gather3A_636, %sub3A_581 : vector<16xf32>
        %mul3A_645 = arith.mulf %gather3A_639, %get3A_575 : vector<16xf32>
        %add3A_646 = arith.addf %mul3A_644, %mul3A_645 : vector<16xf32>
        %mul3A_647 = arith.mulf %add3A_646, %get3A_579 : vector<16xf32>
        %add3A_648 = arith.addf %mul3A_643, %mul3A_647 : vector<16xf32>
        %broadcast_in_dim3A_649 = arith.constant 3 : i32
        %broadcast_in_dim3A_650 = vector.broadcast %broadcast_in_dim3A_649 : i32 to vector<16xi32>
        %gather3A_651 = tpu.vector_load_idx %arg13[%add3A_587, %broadcast_in_dim3A_650] : memref<1536x16xf32, #tpu.memory_space<vmem>>[vector<16xi32>, vector<16xi32>], vector<16xf32>,
        %broadcast_in_dim3A_652 = arith.constant 7 : i32
        %broadcast_in_dim3A_653 = vector.broadcast %broadcast_in_dim3A_652 : i32 to vector<16xi32>
        %gather3A_654 = tpu.vector_load_idx %arg13[%add3A_587, %broadcast_in_dim3A_653] : memref<1536x16xf32, #tpu.memory_space<vmem>>[vector<16xi32>, vector<16xi32>], vector<16xf32>,
        %broadcast_in_dim3A_655 = arith.constant 11 : i32
        %broadcast_in_dim3A_656 = vector.broadcast %broadcast_in_dim3A_655 : i32 to vector<16xi32>
        %gather3A_657 = tpu.vector_load_idx %arg13[%add3A_587, %broadcast_in_dim3A_656] : memref<1536x16xf32, #tpu.memory_space<vmem>>[vector<16xi32>, vector<16xi32>], vector<16xf32>,
        %broadcast_in_dim3A_658 = arith.constant 15 : i32
        %broadcast_in_dim3A_659 = vector.broadcast %broadcast_in_dim3A_658 : i32 to vector<16xi32>
        %gather3A_660 = tpu.vector_load_idx %arg13[%add3A_587, %broadcast_in_dim3A_659] : memref<1536x16xf32, #tpu.memory_space<vmem>>[vector<16xi32>, vector<16xi32>], vector<16xf32>,
        %mul3A_661 = arith.mulf %gather3A_651, %sub3A_581 : vector<16xf32>
        %mul3A_662 = arith.mulf %gather3A_654, %get3A_575 : vector<16xf32>
        %add3A_663 = arith.addf %mul3A_661, %mul3A_662 : vector<16xf32>
        %mul3A_664 = arith.mulf %add3A_663, %sub3A_584 : vector<16xf32>
        %mul3A_665 = arith.mulf %gather3A_657, %sub3A_581 : vector<16xf32>
        %mul3A_666 = arith.mulf %gather3A_660, %get3A_575 : vector<16xf32>
        %add3A_667 = arith.addf %mul3A_665, %mul3A_666 : vector<16xf32>
        %mul3A_668 = arith.mulf %add3A_667, %get3A_579 : vector<16xf32>
        %add3A_669 = arith.addf %mul3A_664, %mul3A_668 : vector<16xf32>
        %add3A_670 = arith.constant 1024 : i32
        %add3A_671 = arith.addi %add3A_670, %mul3A_570 : i32
        %get3A_672 = arith.index_cast %add3A_671 : i32 to index
        %get3A_673 = tpu.vector_load %arg11[%get3A_672] {strides = array<i32>} : memref<3072xf32, #tpu.memory_space<vmem>>, vector<16xf32>,
        %add3A_674 = arith.constant 1536 : i32
        %add3A_675 = arith.addi %add3A_674, %mul3A_570 : i32
        %get3A_676 = arith.index_cast %add3A_675 : i32 to index
        %get3A_677 = tpu.vector_load %arg11[%get3A_676] {strides = array<i32>} : memref<3072xf32, #tpu.memory_space<vmem>>, vector<16xf32>,
        %sub3A_678 = arith.constant 1.000000e+00 : f32
        %sub3A_679 = vector.broadcast %sub3A_678 : f32 to vector<16xf32>
        %sub3A_680 = arith.subf %sub3A_679, %get3A_673 : vector<16xf32>
        %sub3A_681 = arith.constant 1.000000e+00 : f32
        %sub3A_682 = vector.broadcast %sub3A_681 : f32 to vector<16xf32>
        %sub3A_683 = arith.subf %sub3A_682, %get3A_677 : vector<16xf32>
        %add3A_684 = arith.constant 512 : i32
        %add3A_685 = vector.broadcast %add3A_684 : i32 to vector<16xi32>
        %add3A_686 = arith.addi %add3A_572, %add3A_685 : vector<16xi32>
        %broadcast_in_dim3A_687 = arith.constant 0 : i32
        %broadcast_in_dim3A_688 = vector.broadcast %broadcast_in_dim3A_687 : i32 to vector<16xi32>
        %gather3A_689 = tpu.vector_load_idx %arg13[%add3A_686, %broadcast_in_dim3A_688] : memref<1536x16xf32, #tpu.memory_space<vmem>>[vector<16xi32>, vector<16xi32>], vector<16xf32>,
        %broadcast_in_dim3A_690 = arith.constant 4 : i32
        %broadcast_in_dim3A_691 = vector.broadcast %broadcast_in_dim3A_690 : i32 to vector<16xi32>
        %gather3A_692 = tpu.vector_load_idx %arg13[%add3A_686, %broadcast_in_dim3A_691] : memref<1536x16xf32, #tpu.memory_space<vmem>>[vector<16xi32>, vector<16xi32>], vector<16xf32>,
        %broadcast_in_dim3A_693 = arith.constant 8 : i32
        %broadcast_in_dim3A_694 = vector.broadcast %broadcast_in_dim3A_693 : i32 to vector<16xi32>
        %gather3A_695 = tpu.vector_load_idx %arg13[%add3A_686, %broadcast_in_dim3A_694] : memref<1536x16xf32, #tpu.memory_space<vmem>>[vector<16xi32>, vector<16xi32>], vector<16xf32>,
        %broadcast_in_dim3A_696 = arith.constant 12 : i32
        %broadcast_in_dim3A_697 = vector.broadcast %broadcast_in_dim3A_696 : i32 to vector<16xi32>
        %gather3A_698 = tpu.vector_load_idx %arg13[%add3A_686, %broadcast_in_dim3A_697] : memref<1536x16xf32, #tpu.memory_space<vmem>>[vector<16xi32>, vector<16xi32>], vector<16xf32>,
        %mul3A_699 = arith.mulf %gather3A_689, %sub3A_680 : vector<16xf32>
        %mul3A_700 = arith.mulf %gather3A_692, %get3A_673 : vector<16xf32>
        %add3A_701 = arith.addf %mul3A_699, %mul3A_700 : vector<16xf32>
        %mul3A_702 = arith.mulf %add3A_701, %sub3A_683 : vector<16xf32>
        %mul3A_703 = arith.mulf %gather3A_695, %sub3A_680 : vector<16xf32>
        %mul3A_704 = arith.mulf %gather3A_698, %get3A_673 : vector<16xf32>
        %add3A_705 = arith.addf %mul3A_703, %mul3A_704 : vector<16xf32>
        %mul3A_706 = arith.mulf %add3A_705, %get3A_677 : vector<16xf32>
        %add3A_707 = arith.addf %mul3A_702, %mul3A_706 : vector<16xf32>
        %mul3A_708 = arith.mulf %add3A_606, %add3A_707 : vector<16xf32>
        %broadcast_in_dim3A_709 = arith.constant 1 : i32
        %broadcast_in_dim3A_710 = vector.broadcast %broadcast_in_dim3A_709 : i32 to vector<16xi32>
        %gather3A_711 = tpu.vector_load_idx %arg13[%add3A_686, %broadcast_in_dim3A_710] : memref<1536x16xf32, #tpu.memory_space<vmem>>[vector<16xi32>, vector<16xi32>], vector<16xf32>,
        %broadcast_in_dim3A_712 = arith.constant 5 : i32
        %broadcast_in_dim3A_713 = vector.broadcast %broadcast_in_dim3A_712 : i32 to vector<16xi32>
        %gather3A_714 = tpu.vector_load_idx %arg13[%add3A_686, %broadcast_in_dim3A_713] : memref<1536x16xf32, #tpu.memory_space<vmem>>[vector<16xi32>, vector<16xi32>], vector<16xf32>,
        %broadcast_in_dim3A_715 = arith.constant 9 : i32
        %broadcast_in_dim3A_716 = vector.broadcast %broadcast_in_dim3A_715 : i32 to vector<16xi32>
        %gather3A_717 = tpu.vector_load_idx %arg13[%add3A_686, %broadcast_in_dim3A_716] : memref<1536x16xf32, #tpu.memory_space<vmem>>[vector<16xi32>, vector<16xi32>], vector<16xf32>,
        %broadcast_in_dim3A_718 = arith.constant 13 : i32
        %broadcast_in_dim3A_719 = vector.broadcast %broadcast_in_dim3A_718 : i32 to vector<16xi32>
        %gather3A_720 = tpu.vector_load_idx %arg13[%add3A_686, %broadcast_in_dim3A_719] : memref<1536x16xf32, #tpu.memory_space<vmem>>[vector<16xi32>, vector<16xi32>], vector<16xf32>,
        %mul3A_721 = arith.mulf %gather3A_711, %sub3A_680 : vector<16xf32>
        %mul3A_722 = arith.mulf %gather3A_714, %get3A_673 : vector<16xf32>
        %add3A_723 = arith.addf %mul3A_721, %mul3A_722 : vector<16xf32>
        %mul3A_724 = arith.mulf %add3A_723, %sub3A_683 : vector<16xf32>
        %mul3A_725 = arith.mulf %gather3A_717, %sub3A_680 : vector<16xf32>
        %mul3A_726 = arith.mulf %gather3A_720, %get3A_673 : vector<16xf32>
        %add3A_727 = arith.addf %mul3A_725, %mul3A_726 : vector<16xf32>
        %mul3A_728 = arith.mulf %add3A_727, %get3A_677 : vector<16xf32>
        %add3A_729 = arith.addf %mul3A_724, %mul3A_728 : vector<16xf32>
        %mul3A_730 = arith.mulf %add3A_627, %add3A_729 : vector<16xf32>
        %broadcast_in_dim3A_731 = arith.constant 2 : i32
        %broadcast_in_dim3A_732 = vector.broadcast %broadcast_in_dim3A_731 : i32 to vector<16xi32>
        %gather3A_733 = tpu.vector_load_idx %arg13[%add3A_686, %broadcast_in_dim3A_732] : memref<1536x16xf32, #tpu.memory_space<vmem>>[vector<16xi32>, vector<16xi32>], vector<16xf32>,
        %broadcast_in_dim3A_734 = arith.constant 6 : i32
        %broadcast_in_dim3A_735 = vector.broadcast %broadcast_in_dim3A_734 : i32 to vector<16xi32>
        %gather3A_736 = tpu.vector_load_idx %arg13[%add3A_686, %broadcast_in_dim3A_735] : memref<1536x16xf32, #tpu.memory_space<vmem>>[vector<16xi32>, vector<16xi32>], vector<16xf32>,
        %broadcast_in_dim3A_737 = arith.constant 10 : i32
        %broadcast_in_dim3A_738 = vector.broadcast %broadcast_in_dim3A_737 : i32 to vector<16xi32>
        %gather3A_739 = tpu.vector_load_idx %arg13[%add3A_686, %broadcast_in_dim3A_738] : memref<1536x16xf32, #tpu.memory_space<vmem>>[vector<16xi32>, vector<16xi32>], vector<16xf32>,
        %broadcast_in_dim3A_740 = arith.constant 14 : i32
        %broadcast_in_dim3A_741 = vector.broadcast %broadcast_in_dim3A_740 : i32 to vector<16xi32>
        %gather3A_742 = tpu.vector_load_idx %arg13[%add3A_686, %broadcast_in_dim3A_741] : memref<1536x16xf32, #tpu.memory_space<vmem>>[vector<16xi32>, vector<16xi32>], vector<16xf32>,
        %mul3A_743 = arith.mulf %gather3A_733, %sub3A_680 : vector<16xf32>
        %mul3A_744 = arith.mulf %gather3A_736, %get3A_673 : vector<16xf32>
        %add3A_745 = arith.addf %mul3A_743, %mul3A_744 : vector<16xf32>
        %mul3A_746 = arith.mulf %add3A_745, %sub3A_683 : vector<16xf32>
        %mul3A_747 = arith.mulf %gather3A_739, %sub3A_680 : vector<16xf32>
        %mul3A_748 = arith.mulf %gather3A_742, %get3A_673 : vector<16xf32>
        %add3A_749 = arith.addf %mul3A_747, %mul3A_748 : vector<16xf32>
        %mul3A_750 = arith.mulf %add3A_749, %get3A_677 : vector<16xf32>
        %add3A_751 = arith.addf %mul3A_746, %mul3A_750 : vector<16xf32>
        %mul3A_752 = arith.mulf %add3A_648, %add3A_751 : vector<16xf32>
        %broadcast_in_dim3A_753 = arith.constant 3 : i32
        %broadcast_in_dim3A_754 = vector.broadcast %broadcast_in_dim3A_753 : i32 to vector<16xi32>
        %gather3A_755 = tpu.vector_load_idx %arg13[%add3A_686, %broadcast_in_dim3A_754] : memref<1536x16xf32, #tpu.memory_space<vmem>>[vector<16xi32>, vector<16xi32>], vector<16xf32>,
        %broadcast_in_dim3A_756 = arith.constant 7 : i32
        %broadcast_in_dim3A_757 = vector.broadcast %broadcast_in_dim3A_756 : i32 to vector<16xi32>
        %gather3A_758 = tpu.vector_load_idx %arg13[%add3A_686, %broadcast_in_dim3A_757] : memref<1536x16xf32, #tpu.memory_space<vmem>>[vector<16xi32>, vector<16xi32>], vector<16xf32>,
        %broadcast_in_dim3A_759 = arith.constant 11 : i32
        %broadcast_in_dim3A_760 = vector.broadcast %broadcast_in_dim3A_759 : i32 to vector<16xi32>
        %gather3A_761 = tpu.vector_load_idx %arg13[%add3A_686, %broadcast_in_dim3A_760] : memref<1536x16xf32, #tpu.memory_space<vmem>>[vector<16xi32>, vector<16xi32>], vector<16xf32>,
        %broadcast_in_dim3A_762 = arith.constant 15 : i32
        %broadcast_in_dim3A_763 = vector.broadcast %broadcast_in_dim3A_762 : i32 to vector<16xi32>
        %gather3A_764 = tpu.vector_load_idx %arg13[%add3A_686, %broadcast_in_dim3A_763] : memref<1536x16xf32, #tpu.memory_space<vmem>>[vector<16xi32>, vector<16xi32>], vector<16xf32>,
        %mul3A_765 = arith.mulf %gather3A_755, %sub3A_680 : vector<16xf32>
        %mul3A_766 = arith.mulf %gather3A_758, %get3A_673 : vector<16xf32>
        %add3A_767 = arith.addf %mul3A_765, %mul3A_766 : vector<16xf32>
        %mul3A_768 = arith.mulf %add3A_767, %sub3A_683 : vector<16xf32>
        %mul3A_769 = arith.mulf %gather3A_761, %sub3A_680 : vector<16xf32>
        %mul3A_770 = arith.mulf %gather3A_764, %get3A_673 : vector<16xf32>
        %add3A_771 = arith.addf %mul3A_769, %mul3A_770 : vector<16xf32>
        %mul3A_772 = arith.mulf %add3A_771, %get3A_677 : vector<16xf32>
        %add3A_773 = arith.addf %mul3A_768, %mul3A_772 : vector<16xf32>
        %mul3A_774 = arith.mulf %add3A_669, %add3A_773 : vector<16xf32>
        %add3A_775 = arith.constant 2048 : i32
        %add3A_776 = arith.addi %add3A_775, %mul3A_570 : i32
        %get3A_777 = arith.index_cast %add3A_776 : i32 to index
        %get3A_778 = tpu.vector_load %arg11[%get3A_777] {strides = array<i32>} : memref<3072xf32, #tpu.memory_space<vmem>>, vector<16xf32>,
        %add3A_779 = arith.constant 2560 : i32
        %add3A_780 = arith.addi %add3A_779, %mul3A_570 : i32
        %get3A_781 = arith.index_cast %add3A_780 : i32 to index
        %get3A_782 = tpu.vector_load %arg11[%get3A_781] {strides = array<i32>} : memref<3072xf32, #tpu.memory_space<vmem>>, vector<16xf32>,
        %sub3A_783 = arith.constant 1.000000e+00 : f32
        %sub3A_784 = vector.broadcast %sub3A_783 : f32 to vector<16xf32>
        %sub3A_785 = arith.subf %sub3A_784, %get3A_778 : vector<16xf32>
        %sub3A_786 = arith.constant 1.000000e+00 : f32
        %sub3A_787 = vector.broadcast %sub3A_786 : f32 to vector<16xf32>
        %sub3A_788 = arith.subf %sub3A_787, %get3A_782 : vector<16xf32>
        %add3A_789 = arith.constant 1024 : i32
        %add3A_790 = vector.broadcast %add3A_789 : i32 to vector<16xi32>
        %add3A_791 = arith.addi %add3A_572, %add3A_790 : vector<16xi32>
        %broadcast_in_dim3A_792 = arith.constant 0 : i32
        %broadcast_in_dim3A_793 = vector.broadcast %broadcast_in_dim3A_792 : i32 to vector<16xi32>
        %gather3A_794 = tpu.vector_load_idx %arg13[%add3A_791, %broadcast_in_dim3A_793] : memref<1536x16xf32, #tpu.memory_space<vmem>>[vector<16xi32>, vector<16xi32>], vector<16xf32>,
        %broadcast_in_dim3A_795 = arith.constant 4 : i32
        %broadcast_in_dim3A_796 = vector.broadcast %broadcast_in_dim3A_795 : i32 to vector<16xi32>
        %gather3A_797 = tpu.vector_load_idx %arg13[%add3A_791, %broadcast_in_dim3A_796] : memref<1536x16xf32, #tpu.memory_space<vmem>>[vector<16xi32>, vector<16xi32>], vector<16xf32>,
        %broadcast_in_dim3A_798 = arith.constant 8 : i32
        %broadcast_in_dim3A_799 = vector.broadcast %broadcast_in_dim3A_798 : i32 to vector<16xi32>
        %gather3A_800 = tpu.vector_load_idx %arg13[%add3A_791, %broadcast_in_dim3A_799] : memref<1536x16xf32, #tpu.memory_space<vmem>>[vector<16xi32>, vector<16xi32>], vector<16xf32>,
        %broadcast_in_dim3A_801 = arith.constant 12 : i32
        %broadcast_in_dim3A_802 = vector.broadcast %broadcast_in_dim3A_801 : i32 to vector<16xi32>
        %gather3A_803 = tpu.vector_load_idx %arg13[%add3A_791, %broadcast_in_dim3A_802] : memref<1536x16xf32, #tpu.memory_space<vmem>>[vector<16xi32>, vector<16xi32>], vector<16xf32>,
        %mul3A_804 = arith.mulf %gather3A_794, %sub3A_785 : vector<16xf32>
        %mul3A_805 = arith.mulf %gather3A_797, %get3A_778 : vector<16xf32>
        %add3A_806 = arith.addf %mul3A_804, %mul3A_805 : vector<16xf32>
        %mul3A_807 = arith.mulf %add3A_806, %sub3A_788 : vector<16xf32>
        %mul3A_808 = arith.mulf %gather3A_800, %sub3A_785 : vector<16xf32>
        %mul3A_809 = arith.mulf %gather3A_803, %get3A_778 : vector<16xf32>
        %add3A_810 = arith.addf %mul3A_808, %mul3A_809 : vector<16xf32>
        %mul3A_811 = arith.mulf %add3A_810, %get3A_782 : vector<16xf32>
        %add3A_812 = arith.addf %mul3A_807, %mul3A_811 : vector<16xf32>
        %mul3A_813 = arith.mulf %mul3A_708, %add3A_812 : vector<16xf32>
        %broadcast_in_dim3A_814 = arith.constant 1 : i32
        %broadcast_in_dim3A_815 = vector.broadcast %broadcast_in_dim3A_814 : i32 to vector<16xi32>
        %gather3A_816 = tpu.vector_load_idx %arg13[%add3A_791, %broadcast_in_dim3A_815] : memref<1536x16xf32, #tpu.memory_space<vmem>>[vector<16xi32>, vector<16xi32>], vector<16xf32>,
        %broadcast_in_dim3A_817 = arith.constant 5 : i32
        %broadcast_in_dim3A_818 = vector.broadcast %broadcast_in_dim3A_817 : i32 to vector<16xi32>
        %gather3A_819 = tpu.vector_load_idx %arg13[%add3A_791, %broadcast_in_dim3A_818] : memref<1536x16xf32, #tpu.memory_space<vmem>>[vector<16xi32>, vector<16xi32>], vector<16xf32>,
        %broadcast_in_dim3A_820 = arith.constant 9 : i32
        %broadcast_in_dim3A_821 = vector.broadcast %broadcast_in_dim3A_820 : i32 to vector<16xi32>
        %gather3A_822 = tpu.vector_load_idx %arg13[%add3A_791, %broadcast_in_dim3A_821] : memref<1536x16xf32, #tpu.memory_space<vmem>>[vector<16xi32>, vector<16xi32>], vector<16xf32>,
        %broadcast_in_dim3A_823 = arith.constant 13 : i32
        %broadcast_in_dim3A_824 = vector.broadcast %broadcast_in_dim3A_823 : i32 to vector<16xi32>
        %gather3A_825 = tpu.vector_load_idx %arg13[%add3A_791, %broadcast_in_dim3A_824] : memref<1536x16xf32, #tpu.memory_space<vmem>>[vector<16xi32>, vector<16xi32>], vector<16xf32>,
        %mul3A_826 = arith.mulf %gather3A_816, %sub3A_785 : vector<16xf32>
        %mul3A_827 = arith.mulf %gather3A_819, %get3A_778 : vector<16xf32>
        %add3A_828 = arith.addf %mul3A_826, %mul3A_827 : vector<16xf32>
        %mul3A_829 = arith.mulf %add3A_828, %sub3A_788 : vector<16xf32>
        %mul3A_830 = arith.mulf %gather3A_822, %sub3A_785 : vector<16xf32>
        %mul3A_831 = arith.mulf %gather3A_825, %get3A_778 : vector<16xf32>
        %add3A_832 = arith.addf %mul3A_830, %mul3A_831 : vector<16xf32>
        %mul3A_833 = arith.mulf %add3A_832, %get3A_782 : vector<16xf32>
        %add3A_834 = arith.addf %mul3A_829, %mul3A_833 : vector<16xf32>
        %mul3A_835 = arith.mulf %mul3A_730, %add3A_834 : vector<16xf32>
        %broadcast_in_dim3A_836 = arith.constant 2 : i32
        %broadcast_in_dim3A_837 = vector.broadcast %broadcast_in_dim3A_836 : i32 to vector<16xi32>
        %gather3A_838 = tpu.vector_load_idx %arg13[%add3A_791, %broadcast_in_dim3A_837] : memref<1536x16xf32, #tpu.memory_space<vmem>>[vector<16xi32>, vector<16xi32>], vector<16xf32>,
        %broadcast_in_dim3A_839 = arith.constant 6 : i32
        %broadcast_in_dim3A_840 = vector.broadcast %broadcast_in_dim3A_839 : i32 to vector<16xi32>
        %gather3A_841 = tpu.vector_load_idx %arg13[%add3A_791, %broadcast_in_dim3A_840] : memref<1536x16xf32, #tpu.memory_space<vmem>>[vector<16xi32>, vector<16xi32>], vector<16xf32>,
        %broadcast_in_dim3A_842 = arith.constant 10 : i32
        %broadcast_in_dim3A_843 = vector.broadcast %broadcast_in_dim3A_842 : i32 to vector<16xi32>
        %gather3A_844 = tpu.vector_load_idx %arg13[%add3A_791, %broadcast_in_dim3A_843] : memref<1536x16xf32, #tpu.memory_space<vmem>>[vector<16xi32>, vector<16xi32>], vector<16xf32>,
        %broadcast_in_dim3A_845 = arith.constant 14 : i32
        %broadcast_in_dim3A_846 = vector.broadcast %broadcast_in_dim3A_845 : i32 to vector<16xi32>
        %gather3A_847 = tpu.vector_load_idx %arg13[%add3A_791, %broadcast_in_dim3A_846] : memref<1536x16xf32, #tpu.memory_space<vmem>>[vector<16xi32>, vector<16xi32>], vector<16xf32>,
        %mul3A_848 = arith.mulf %gather3A_838, %sub3A_785 : vector<16xf32>
        %mul3A_849 = arith.mulf %gather3A_841, %get3A_778 : vector<16xf32>
        %add3A_850 = arith.addf %mul3A_848, %mul3A_849 : vector<16xf32>
        %mul3A_851 = arith.mulf %add3A_850, %sub3A_788 : vector<16xf32>
        %mul3A_852 = arith.mulf %gather3A_844, %sub3A_785 : vector<16xf32>
        %mul3A_853 = arith.mulf %gather3A_847, %get3A_778 : vector<16xf32>
        %add3A_854 = arith.addf %mul3A_852, %mul3A_853 : vector<16xf32>
        %mul3A_855 = arith.mulf %add3A_854, %get3A_782 : vector<16xf32>
        %add3A_856 = arith.addf %mul3A_851, %mul3A_855 : vector<16xf32>
        %mul3A_857 = arith.mulf %mul3A_752, %add3A_856 : vector<16xf32>
        %broadcast_in_dim3A_858 = arith.constant 3 : i32
        %broadcast_in_dim3A_859 = vector.broadcast %broadcast_in_dim3A_858 : i32 to vector<16xi32>
        %gather3A_860 = tpu.vector_load_idx %arg13[%add3A_791, %broadcast_in_dim3A_859] : memref<1536x16xf32, #tpu.memory_space<vmem>>[vector<16xi32>, vector<16xi32>], vector<16xf32>,
        %broadcast_in_dim3A_861 = arith.constant 7 : i32
        %broadcast_in_dim3A_862 = vector.broadcast %broadcast_in_dim3A_861 : i32 to vector<16xi32>
        %gather3A_863 = tpu.vector_load_idx %arg13[%add3A_791, %broadcast_in_dim3A_862] : memref<1536x16xf32, #tpu.memory_space<vmem>>[vector<16xi32>, vector<16xi32>], vector<16xf32>,
        %broadcast_in_dim3A_864 = arith.constant 11 : i32
        %broadcast_in_dim3A_865 = vector.broadcast %broadcast_in_dim3A_864 : i32 to vector<16xi32>
        %gather3A_866 = tpu.vector_load_idx %arg13[%add3A_791, %broadcast_in_dim3A_865] : memref<1536x16xf32, #tpu.memory_space<vmem>>[vector<16xi32>, vector<16xi32>], vector<16xf32>,
        %broadcast_in_dim3A_867 = arith.constant 15 : i32
        %broadcast_in_dim3A_868 = vector.broadcast %broadcast_in_dim3A_867 : i32 to vector<16xi32>
        %gather3A_869 = tpu.vector_load_idx %arg13[%add3A_791, %broadcast_in_dim3A_868] : memref<1536x16xf32, #tpu.memory_space<vmem>>[vector<16xi32>, vector<16xi32>], vector<16xf32>,
        %mul3A_870 = arith.mulf %gather3A_860, %sub3A_785 : vector<16xf32>
        %mul3A_871 = arith.mulf %gather3A_863, %get3A_778 : vector<16xf32>
        %add3A_872 = arith.addf %mul3A_870, %mul3A_871 : vector<16xf32>
        %mul3A_873 = arith.mulf %add3A_872, %sub3A_788 : vector<16xf32>
        %mul3A_874 = arith.mulf %gather3A_866, %sub3A_785 : vector<16xf32>
        %mul3A_875 = arith.mulf %gather3A_869, %get3A_778 : vector<16xf32>
        %add3A_876 = arith.addf %mul3A_874, %mul3A_875 : vector<16xf32>
        %mul3A_877 = arith.mulf %add3A_876, %get3A_782 : vector<16xf32>
        %add3A_878 = arith.addf %mul3A_873, %mul3A_877 : vector<16xf32>
        %mul3A_879 = arith.mulf %mul3A_774, %add3A_878 : vector<16xf32>
        %add3A_880 = arith.addf %mul3A_813, %mul3A_835 : vector<16xf32>
        %add3A_881 = arith.addf %mul3A_857, %mul3A_879 : vector<16xf32>
        %add3A_882 = arith.addf %add3A_880, %add3A_881 : vector<16xf32>
        %mul3A_883 = arith.constant 2.500000e-01 : f32
        %mul3A_884 = vector.broadcast %mul3A_883 : f32 to vector<16xf32>
        %mul3A_885 = arith.mulf %add3A_882, %mul3A_884 : vector<16xf32>
        %max3A = arith.constant 0.000000e+00 : f32
        %max3A_886 = vector.broadcast %max3A : f32 to vector<16xf32>
        %max3A_887 = arith.maximumf %mul3A_885, %max3A_886 : vector<16xf32>
        %swap3A = arith.index_cast %mul3A_570 : i32 to index
        %swap3A_888 = tpu.vector_load %arg15[%swap3A] {strides = array<i32>} : memref<512xf32, #tpu.memory_space<vmem>>, vector<16xf32>,
        tpu.vector_store %arg15[%swap3A], %max3A_887 {strides = array<i32>} : memref<512xf32, #tpu.memory_space<vmem>>, vector<16xf32>,
      }
      %scan3A_564 = arith.constant 32 : i32
      %mul3A_565 = arith.constant 512 : i32
      %mul3A_566 = arith.muli %mul3A_156, %mul3A_565 : i32
      %add3A_567 = arith.addi %mul3A_2, %mul3A_566 : i32
      "tpu.region"() ({
        %run_scoped3A = tpu.sem_alloc : memref<!tpu.dma_semaphore, #tpu.memory_space<semaphore_mem>>
        %dma_start3A_568 = tpu.memref_slice %arg6[%add3A_567] : memref<524288xf32, #tpu.memory_space<hbm>> -> memref<512xf32, #tpu.memory_space<hbm>>
        %dma_start3A_569 = tpu.memref_slice %arg6[%add3A_567] : memref<524288xf32, #tpu.memory_space<hbm>> -> memref<512xf32, #tpu.memory_space<hbm>>
        tpu.enqueue_dma source(%arg15 : memref<512xf32, #tpu.memory_space<vmem>>) target(%dma_start3A_569 : memref<512xf32, #tpu.memory_space<hbm>>) target_semaphore(%run_scoped3A : memref<!tpu.dma_semaphore, #tpu.memory_space<semaphore_mem>>)
        %dma_wait3A_570 = tpu.memref_slice %arg6[%add3A_567] : memref<524288xf32, #tpu.memory_space<hbm>> -> memref<512xf32, #tpu.memory_space<hbm>>
        %dma_wait3A_571 = tpu.memref_slice %arg6[%add3A_567] : memref<524288xf32, #tpu.memory_space<hbm>> -> memref<512xf32, #tpu.memory_space<hbm>>
        tpu.wait_dma2 semaphore(%run_scoped3A : memref<!tpu.dma_semaphore, #tpu.memory_space<semaphore_mem>>) src(%arg15 : memref<512xf32, #tpu.memory_space<vmem>>) dst(%dma_wait3A_571 : memref<512xf32, #tpu.memory_space<hbm>>)
        tpu.yield
      }) : () -> ()
    }
    %scan3A_26 = arith.constant 16 : i32
    %dma_wait3A = arith.constant 0 : i32
    %dma_wait3A_27 = tpu.memref_slice %arg7[%dma_wait3A] : memref<1536xf32, #tpu.memory_space<vmem>> -> memref<512xf32, #tpu.memory_space<vmem>>
    %dma_wait3A_28 = arith.constant 0 : i32
    %dma_wait3A_29 = tpu.memref_slice %arg2[%dma_wait3A_28] : memref<524288xf32, #tpu.memory_space<hbm>> -> memref<512xf32, #tpu.memory_space<hbm>>
    %dma_wait3A_30 = arith.constant 0 : i32
    %dma_wait3A_31 = tpu.memref_slice %arg7[%dma_wait3A_30] : memref<1536xf32, #tpu.memory_space<vmem>> -> memref<512xf32, #tpu.memory_space<vmem>>
    %dma_wait3A_32 = arith.constant 0 : i32
    %dma_wait3A_33 = tpu.memref_slice %arg2[%dma_wait3A_32] : memref<524288xf32, #tpu.memory_space<hbm>> -> memref<512xf32, #tpu.memory_space<hbm>>
    tpu.wait_dma2 semaphore(%arg16 : memref<!tpu.dma_semaphore, #tpu.memory_space<semaphore_mem>>) src(%dma_wait3A_33 : memref<512xf32, #tpu.memory_space<hbm>>) dst(%dma_wait3A_31 : memref<512xf32, #tpu.memory_space<vmem>>)
    %dma_wait3A_34 = arith.constant 512 : i32
    %dma_wait3A_35 = tpu.memref_slice %arg7[%dma_wait3A_34] : memref<1536xf32, #tpu.memory_space<vmem>> -> memref<512xf32, #tpu.memory_space<vmem>>
    %dma_wait3A_36 = arith.constant 0 : i32
    %dma_wait3A_37 = tpu.memref_slice %arg2[%dma_wait3A_36] : memref<524288xf32, #tpu.memory_space<hbm>> -> memref<512xf32, #tpu.memory_space<hbm>>
    %dma_wait3A_38 = arith.constant 512 : i32
    %dma_wait3A_39 = tpu.memref_slice %arg7[%dma_wait3A_38] : memref<1536xf32, #tpu.memory_space<vmem>> -> memref<512xf32, #tpu.memory_space<vmem>>
    %dma_wait3A_40 = arith.constant 0 : i32
    %dma_wait3A_41 = tpu.memref_slice %arg2[%dma_wait3A_40] : memref<524288xf32, #tpu.memory_space<hbm>> -> memref<512xf32, #tpu.memory_space<hbm>>
    tpu.wait_dma2 semaphore(%arg16 : memref<!tpu.dma_semaphore, #tpu.memory_space<semaphore_mem>>) src(%dma_wait3A_41 : memref<512xf32, #tpu.memory_space<hbm>>) dst(%dma_wait3A_39 : memref<512xf32, #tpu.memory_space<vmem>>)
    %dma_wait3A_42 = arith.constant 1024 : i32
    %dma_wait3A_43 = tpu.memref_slice %arg7[%dma_wait3A_42] : memref<1536xf32, #tpu.memory_space<vmem>> -> memref<512xf32, #tpu.memory_space<vmem>>
    %dma_wait3A_44 = arith.constant 0 : i32
    %dma_wait3A_45 = tpu.memref_slice %arg2[%dma_wait3A_44] : memref<524288xf32, #tpu.memory_space<hbm>> -> memref<512xf32, #tpu.memory_space<hbm>>
    %dma_wait3A_46 = arith.constant 1024 : i32
    %dma_wait3A_47 = tpu.memref_slice %arg7[%dma_wait3A_46] : memref<1536xf32, #tpu.memory_space<vmem>> -> memref<512xf32, #tpu.memory_space<vmem>>
    %dma_wait3A_48 = arith.constant 0 : i32
    %dma_wait3A_49 = tpu.memref_slice %arg2[%dma_wait3A_48] : memref<524288xf32, #tpu.memory_space<hbm>> -> memref<512xf32, #tpu.memory_space<hbm>>
    tpu.wait_dma2 semaphore(%arg16 : memref<!tpu.dma_semaphore, #tpu.memory_space<semaphore_mem>>) src(%dma_wait3A_49 : memref<512xf32, #tpu.memory_space<hbm>>) dst(%dma_wait3A_47 : memref<512xf32, #tpu.memory_space<vmem>>)
    %dma_wait3A_50 = arith.constant 0 : i32
    %dma_wait3A_51 = arith.constant 0 : i32
    %dma_wait3A_52 = tpu.memref_slice %arg14[%dma_wait3A_50, %dma_wait3A_51] : memref<1536x16xf32, #tpu.memory_space<vmem>> -> memref<128x16xf32, #tpu.memory_space<vmem>>
    %dma_wait3A_53 = arith.constant 0 : i32
    %dma_wait3A_54 = tpu.memref_slice %arg10[%dma_wait3A_53] : memref<1536xi32, #tpu.memory_space<vmem>> -> memref<128xi32, #tpu.memory_space<vmem>>
    %dma_wait3A_55 = arith.constant 0 : i32
    %dma_wait3A_56 = arith.constant 0 : i32
    %dma_wait3A_57 = tpu.memref_slice %arg5[%dma_wait3A_55, %dma_wait3A_56] : memref<786432x16xf32, #tpu.memory_space<hbm>> -> memref<786432x16xf32, #tpu.memory_space<hbm>>
    tpu.wait_indirect_dma semaphore(%arg17 : memref<!tpu.dma_semaphore, #tpu.memory_space<semaphore_mem>>) src(%dma_wait3A_57 : memref<786432x16xf32, #tpu.memory_space<hbm>>) dst(%dma_wait3A_52 : memref<128x16xf32, #tpu.memory_space<vmem>>)
    %dma_wait3A_58 = arith.constant 128 : i32
    %dma_wait3A_59 = arith.constant 0 : i32
    %dma_wait3A_60 = tpu.memref_slice %arg14[%dma_wait3A_58, %dma_wait3A_59] : memref<1536x16xf32, #tpu.memory_space<vmem>> -> memref<128x16xf32, #tpu.memory_space<vmem>>
    %dma_wait3A_61 = arith.constant 128 : i32
    %dma_wait3A_62 = tpu.memref_slice %arg10[%dma_wait3A_61] : memref<1536xi32, #tpu.memory_space<vmem>> -> memref<128xi32, #tpu.memory_space<vmem>>
    %dma_wait3A_63 = arith.constant 0 : i32
    %dma_wait3A_64 = arith.constant 0 : i32
    %dma_wait3A_65 = tpu.memref_slice %arg5[%dma_wait3A_63, %dma_wait3A_64] : memref<786432x16xf32, #tpu.memory_space<hbm>> -> memref<786432x16xf32, #tpu.memory_space<hbm>>
    tpu.wait_indirect_dma semaphore(%arg17 : memref<!tpu.dma_semaphore, #tpu.memory_space<semaphore_mem>>) src(%dma_wait3A_65 : memref<786432x16xf32, #tpu.memory_space<hbm>>) dst(%dma_wait3A_60 : memref<128x16xf32, #tpu.memory_space<vmem>>)
    %dma_wait3A_66 = arith.constant 256 : i32
    %dma_wait3A_67 = arith.constant 0 : i32
    %dma_wait3A_68 = tpu.memref_slice %arg14[%dma_wait3A_66, %dma_wait3A_67] : memref<1536x16xf32, #tpu.memory_space<vmem>> -> memref<128x16xf32, #tpu.memory_space<vmem>>
    %dma_wait3A_69 = arith.constant 256 : i32
    %dma_wait3A_70 = tpu.memref_slice %arg10[%dma_wait3A_69] : memref<1536xi32, #tpu.memory_space<vmem>> -> memref<128xi32, #tpu.memory_space<vmem>>
    %dma_wait3A_71 = arith.constant 0 : i32
    %dma_wait3A_72 = arith.constant 0 : i32
    %dma_wait3A_73 = tpu.memref_slice %arg5[%dma_wait3A_71, %dma_wait3A_72] : memref<786432x16xf32, #tpu.memory_space<hbm>> -> memref<786432x16xf32, #tpu.memory_space<hbm>>
    tpu.wait_indirect_dma semaphore(%arg17 : memref<!tpu.dma_semaphore, #tpu.memory_space<semaphore_mem>>) src(%dma_wait3A_73 : memref<786432x16xf32, #tpu.memory_space<hbm>>) dst(%dma_wait3A_68 : memref<128x16xf32, #tpu.memory_space<vmem>>)
    %dma_wait3A_74 = arith.constant 384 : i32
    %dma_wait3A_75 = arith.constant 0 : i32
    %dma_wait3A_76 = tpu.memref_slice %arg14[%dma_wait3A_74, %dma_wait3A_75] : memref<1536x16xf32, #tpu.memory_space<vmem>> -> memref<128x16xf32, #tpu.memory_space<vmem>>
    %dma_wait3A_77 = arith.constant 384 : i32
    %dma_wait3A_78 = tpu.memref_slice %arg10[%dma_wait3A_77] : memref<1536xi32, #tpu.memory_space<vmem>> -> memref<128xi32, #tpu.memory_space<vmem>>
    %dma_wait3A_79 = arith.constant 0 : i32
    %dma_wait3A_80 = arith.constant 0 : i32
    %dma_wait3A_81 = tpu.memref_slice %arg5[%dma_wait3A_79, %dma_wait3A_80] : memref<786432x16xf32, #tpu.memory_space<hbm>> -> memref<786432x16xf32, #tpu.memory_space<hbm>>
    tpu.wait_indirect_dma semaphore(%arg17 : memref<!tpu.dma_semaphore, #tpu.memory_space<semaphore_mem>>) src(%dma_wait3A_81 : memref<786432x16xf32, #tpu.memory_space<hbm>>) dst(%dma_wait3A_76 : memref<128x16xf32, #tpu.memory_space<vmem>>)
    %dma_wait3A_82 = arith.constant 512 : i32
    %dma_wait3A_83 = arith.constant 0 : i32
    %dma_wait3A_84 = tpu.memref_slice %arg14[%dma_wait3A_82, %dma_wait3A_83] : memref<1536x16xf32, #tpu.memory_space<vmem>> -> memref<128x16xf32, #tpu.memory_space<vmem>>
    %dma_wait3A_85 = arith.constant 512 : i32
    %dma_wait3A_86 = tpu.memref_slice %arg10[%dma_wait3A_85] : memref<1536xi32, #tpu.memory_space<vmem>> -> memref<128xi32, #tpu.memory_space<vmem>>
    %dma_wait3A_87 = arith.constant 0 : i32
    %dma_wait3A_88 = arith.constant 0 : i32
    %dma_wait3A_89 = tpu.memref_slice %arg5[%dma_wait3A_87, %dma_wait3A_88] : memref<786432x16xf32, #tpu.memory_space<hbm>> -> memref<786432x16xf32, #tpu.memory_space<hbm>>
    tpu.wait_indirect_dma semaphore(%arg17 : memref<!tpu.dma_semaphore, #tpu.memory_space<semaphore_mem>>) src(%dma_wait3A_89 : memref<786432x16xf32, #tpu.memory_space<hbm>>) dst(%dma_wait3A_84 : memref<128x16xf32, #tpu.memory_space<vmem>>)
    %dma_wait3A_90 = arith.constant 640 : i32
    %dma_wait3A_91 = arith.constant 0 : i32
    %dma_wait3A_92 = tpu.memref_slice %arg14[%dma_wait3A_90, %dma_wait3A_91] : memref<1536x16xf32, #tpu.memory_space<vmem>> -> memref<128x16xf32, #tpu.memory_space<vmem>>
    %dma_wait3A_93 = arith.constant 640 : i32
    %dma_wait3A_94 = tpu.memref_slice %arg10[%dma_wait3A_93] : memref<1536xi32, #tpu.memory_space<vmem>> -> memref<128xi32, #tpu.memory_space<vmem>>
    %dma_wait3A_95 = arith.constant 0 : i32
    %dma_wait3A_96 = arith.constant 0 : i32
    %dma_wait3A_97 = tpu.memref_slice %arg5[%dma_wait3A_95, %dma_wait3A_96] : memref<786432x16xf32, #tpu.memory_space<hbm>> -> memref<786432x16xf32, #tpu.memory_space<hbm>>
    tpu.wait_indirect_dma semaphore(%arg17 : memref<!tpu.dma_semaphore, #tpu.memory_space<semaphore_mem>>) src(%dma_wait3A_97 : memref<786432x16xf32, #tpu.memory_space<hbm>>) dst(%dma_wait3A_92 : memref<128x16xf32, #tpu.memory_space<vmem>>)
    %dma_wait3A_98 = arith.constant 768 : i32
    %dma_wait3A_99 = arith.constant 0 : i32
    %dma_wait3A_100 = tpu.memref_slice %arg14[%dma_wait3A_98, %dma_wait3A_99] : memref<1536x16xf32, #tpu.memory_space<vmem>> -> memref<128x16xf32, #tpu.memory_space<vmem>>
    %dma_wait3A_101 = arith.constant 768 : i32
    %dma_wait3A_102 = tpu.memref_slice %arg10[%dma_wait3A_101] : memref<1536xi32, #tpu.memory_space<vmem>> -> memref<128xi32, #tpu.memory_space<vmem>>
    %dma_wait3A_103 = arith.constant 0 : i32
    %dma_wait3A_104 = arith.constant 0 : i32
    %dma_wait3A_105 = tpu.memref_slice %arg5[%dma_wait3A_103, %dma_wait3A_104] : memref<786432x16xf32, #tpu.memory_space<hbm>> -> memref<786432x16xf32, #tpu.memory_space<hbm>>
    tpu.wait_indirect_dma semaphore(%arg17 : memref<!tpu.dma_semaphore, #tpu.memory_space<semaphore_mem>>) src(%dma_wait3A_105 : memref<786432x16xf32, #tpu.memory_space<hbm>>) dst(%dma_wait3A_100 : memref<128x16xf32, #tpu.memory_space<vmem>>)
    %dma_wait3A_106 = arith.constant 896 : i32
    %dma_wait3A_107 = arith.constant 0 : i32
    %dma_wait3A_108 = tpu.memref_slice %arg14[%dma_wait3A_106, %dma_wait3A_107] : memref<1536x16xf32, #tpu.memory_space<vmem>> -> memref<128x16xf32, #tpu.memory_space<vmem>>
    %dma_wait3A_109 = arith.constant 896 : i32
    %dma_wait3A_110 = tpu.memref_slice %arg10[%dma_wait3A_109] : memref<1536xi32, #tpu.memory_space<vmem>> -> memref<128xi32, #tpu.memory_space<vmem>>
    %dma_wait3A_111 = arith.constant 0 : i32
    %dma_wait3A_112 = arith.constant 0 : i32
    %dma_wait3A_113 = tpu.memref_slice %arg5[%dma_wait3A_111, %dma_wait3A_112] : memref<786432x16xf32, #tpu.memory_space<hbm>> -> memref<786432x16xf32, #tpu.memory_space<hbm>>
    tpu.wait_indirect_dma semaphore(%arg17 : memref<!tpu.dma_semaphore, #tpu.memory_space<semaphore_mem>>) src(%dma_wait3A_113 : memref<786432x16xf32, #tpu.memory_space<hbm>>) dst(%dma_wait3A_108 : memref<128x16xf32, #tpu.memory_space<vmem>>)
    %dma_wait3A_114 = arith.constant 1024 : i32
    %dma_wait3A_115 = arith.constant 0 : i32
    %dma_wait3A_116 = tpu.memref_slice %arg14[%dma_wait3A_114, %dma_wait3A_115] : memref<1536x16xf32, #tpu.memory_space<vmem>> -> memref<128x16xf32, #tpu.memory_space<vmem>>
    %dma_wait3A_117 = arith.constant 1024 : i32
    %dma_wait3A_118 = tpu.memref_slice %arg10[%dma_wait3A_117] : memref<1536xi32, #tpu.memory_space<vmem>> -> memref<128xi32, #tpu.memory_space<vmem>>
    %dma_wait3A_119 = arith.constant 0 : i32
    %dma_wait3A_120 = arith.constant 0 : i32
    %dma_wait3A_121 = tpu.memref_slice %arg5[%dma_wait3A_119, %dma_wait3A_120] : memref<786432x16xf32, #tpu.memory_space<hbm>> -> memref<786432x16xf32, #tpu.memory_space<hbm>>
    tpu.wait_indirect_dma semaphore(%arg17 : memref<!tpu.dma_semaphore, #tpu.memory_space<semaphore_mem>>) src(%dma_wait3A_121 : memref<786432x16xf32, #tpu.memory_space<hbm>>) dst(%dma_wait3A_116 : memref<128x16xf32, #tpu.memory_space<vmem>>)
    %dma_wait3A_122 = arith.constant 1152 : i32
    %dma_wait3A_123 = arith.constant 0 : i32
    %dma_wait3A_124 = tpu.memref_slice %arg14[%dma_wait3A_122, %dma_wait3A_123] : memref<1536x16xf32, #tpu.memory_space<vmem>> -> memref<128x16xf32, #tpu.memory_space<vmem>>
    %dma_wait3A_125 = arith.constant 1152 : i32
    %dma_wait3A_126 = tpu.memref_slice %arg10[%dma_wait3A_125] : memref<1536xi32, #tpu.memory_space<vmem>> -> memref<128xi32, #tpu.memory_space<vmem>>
    %dma_wait3A_127 = arith.constant 0 : i32
    %dma_wait3A_128 = arith.constant 0 : i32
    %dma_wait3A_129 = tpu.memref_slice %arg5[%dma_wait3A_127, %dma_wait3A_128] : memref<786432x16xf32, #tpu.memory_space<hbm>> -> memref<786432x16xf32, #tpu.memory_space<hbm>>
    tpu.wait_indirect_dma semaphore(%arg17 : memref<!tpu.dma_semaphore, #tpu.memory_space<semaphore_mem>>) src(%dma_wait3A_129 : memref<786432x16xf32, #tpu.memory_space<hbm>>) dst(%dma_wait3A_124 : memref<128x16xf32, #tpu.memory_space<vmem>>)
    %dma_wait3A_130 = arith.constant 1280 : i32
    %dma_wait3A_131 = arith.constant 0 : i32
    %dma_wait3A_132 = tpu.memref_slice %arg14[%dma_wait3A_130, %dma_wait3A_131] : memref<1536x16xf32, #tpu.memory_space<vmem>> -> memref<128x16xf32, #tpu.memory_space<vmem>>
    %dma_wait3A_133 = arith.constant 1280 : i32
    %dma_wait3A_134 = tpu.memref_slice %arg10[%dma_wait3A_133] : memref<1536xi32, #tpu.memory_space<vmem>> -> memref<128xi32, #tpu.memory_space<vmem>>
    %dma_wait3A_135 = arith.constant 0 : i32
    %dma_wait3A_136 = arith.constant 0 : i32
    %dma_wait3A_137 = tpu.memref_slice %arg5[%dma_wait3A_135, %dma_wait3A_136] : memref<786432x16xf32, #tpu.memory_space<hbm>> -> memref<786432x16xf32, #tpu.memory_space<hbm>>
    tpu.wait_indirect_dma semaphore(%arg17 : memref<!tpu.dma_semaphore, #tpu.memory_space<semaphore_mem>>) src(%dma_wait3A_137 : memref<786432x16xf32, #tpu.memory_space<hbm>>) dst(%dma_wait3A_132 : memref<128x16xf32, #tpu.memory_space<vmem>>)
    %dma_wait3A_138 = arith.constant 1408 : i32
    %dma_wait3A_139 = arith.constant 0 : i32
    %dma_wait3A_140 = tpu.memref_slice %arg14[%dma_wait3A_138, %dma_wait3A_139] : memref<1536x16xf32, #tpu.memory_space<vmem>> -> memref<128x16xf32, #tpu.memory_space<vmem>>
    %dma_wait3A_141 = arith.constant 1408 : i32
    %dma_wait3A_142 = tpu.memref_slice %arg10[%dma_wait3A_141] : memref<1536xi32, #tpu.memory_space<vmem>> -> memref<128xi32, #tpu.memory_space<vmem>>
    %dma_wait3A_143 = arith.constant 0 : i32
    %dma_wait3A_144 = arith.constant 0 : i32
    %dma_wait3A_145 = tpu.memref_slice %arg5[%dma_wait3A_143, %dma_wait3A_144] : memref<786432x16xf32, #tpu.memory_space<hbm>> -> memref<786432x16xf32, #tpu.memory_space<hbm>>
    tpu.wait_indirect_dma semaphore(%arg17 : memref<!tpu.dma_semaphore, #tpu.memory_space<semaphore_mem>>) src(%dma_wait3A_145 : memref<786432x16xf32, #tpu.memory_space<hbm>>) dst(%dma_wait3A_140 : memref<128x16xf32, #tpu.memory_space<vmem>>)
    %scan3A_146 = arith.constant 0 : i32
    %scan3A_147 = arith.constant 0 : i32
    %scan3A_148 = arith.constant 32 : i32
    %scan3A_149 = arith.addi %scan3A_147, %scan3A_148 : i32
    %scan3A_150 = arith.constant 1 : i32
    scf.for %scan3A_154 = %scan3A_147 to %scan3A_149 step %scan3A_150  : i32 {
      %mul3A_155 = arith.constant 16 : i32
      %mul3A_156 = arith.muli %scan3A_154, %mul3A_155 : i32
      %iota3A = tpu.iota {dimensions = array<i32: 0>} : vector<16xi32>
      %add3A_157 = vector.broadcast %mul3A_156 : i32 to vector<16xi32>
      %add3A_158 = arith.addi %iota3A, %add3A_157 : vector<16xi32>
      %add3A_159 = arith.constant 0 : i32
      %add3A_160 = arith.addi %add3A_159, %mul3A_156 : i32
      %get3A = arith.index_cast %add3A_160 : i32 to index
      %get3A_161 = tpu.vector_load %arg12[%get3A] {strides = array<i32>} : memref<3072xf32, #tpu.memory_space<vmem>>, vector<16xf32>,
      %add3A_162 = arith.constant 512 : i32
      %add3A_163 = arith.addi %add3A_162, %mul3A_156 : i32
      %get3A_164 = arith.index_cast %add3A_163 : i32 to index
      %get3A_165 = tpu.vector_load %arg12[%get3A_164] {strides = array<i32>} : memref<3072xf32, #tpu.memory_space<vmem>>, vector<16xf32>,
      %sub3A = arith.constant 1.000000e+00 : f32
      %sub3A_166 = vector.broadcast %sub3A : f32 to vector<16xf32>
      %sub3A_167 = arith.subf %sub3A_166, %get3A_161 : vector<16xf32>
      %sub3A_168 = arith.constant 1.000000e+00 : f32
      %sub3A_169 = vector.broadcast %sub3A_168 : f32 to vector<16xf32>
      %sub3A_170 = arith.subf %sub3A_169, %get3A_165 : vector<16xf32>
      %add3A_171 = arith.constant 0 : i32
      %add3A_172 = vector.broadcast %add3A_171 : i32 to vector<16xi32>
      %add3A_173 = arith.addi %add3A_158, %add3A_172 : vector<16xi32>
      %broadcast_in_dim3A = arith.constant 0 : i32
      %broadcast_in_dim3A_174 = vector.broadcast %broadcast_in_dim3A : i32 to vector<16xi32>
      %gather3A = tpu.vector_load_idx %arg14[%add3A_173, %broadcast_in_dim3A_174] : memref<1536x16xf32, #tpu.memory_space<vmem>>[vector<16xi32>, vector<16xi32>], vector<16xf32>,
      %broadcast_in_dim3A_175 = arith.constant 4 : i32
      %broadcast_in_dim3A_176 = vector.broadcast %broadcast_in_dim3A_175 : i32 to vector<16xi32>
      %gather3A_177 = tpu.vector_load_idx %arg14[%add3A_173, %broadcast_in_dim3A_176] : memref<1536x16xf32, #tpu.memory_space<vmem>>[vector<16xi32>, vector<16xi32>], vector<16xf32>,
      %broadcast_in_dim3A_178 = arith.constant 8 : i32
      %broadcast_in_dim3A_179 = vector.broadcast %broadcast_in_dim3A_178 : i32 to vector<16xi32>
      %gather3A_180 = tpu.vector_load_idx %arg14[%add3A_173, %broadcast_in_dim3A_179] : memref<1536x16xf32, #tpu.memory_space<vmem>>[vector<16xi32>, vector<16xi32>], vector<16xf32>,
      %broadcast_in_dim3A_181 = arith.constant 12 : i32
      %broadcast_in_dim3A_182 = vector.broadcast %broadcast_in_dim3A_181 : i32 to vector<16xi32>
      %gather3A_183 = tpu.vector_load_idx %arg14[%add3A_173, %broadcast_in_dim3A_182] : memref<1536x16xf32, #tpu.memory_space<vmem>>[vector<16xi32>, vector<16xi32>], vector<16xf32>,
      %mul3A_184 = arith.mulf %gather3A, %sub3A_167 : vector<16xf32>
      %mul3A_185 = arith.mulf %gather3A_177, %get3A_161 : vector<16xf32>
      %add3A_186 = arith.addf %mul3A_184, %mul3A_185 : vector<16xf32>
      %mul3A_187 = arith.mulf %add3A_186, %sub3A_170 : vector<16xf32>
      %mul3A_188 = arith.mulf %gather3A_180, %sub3A_167 : vector<16xf32>
      %mul3A_189 = arith.mulf %gather3A_183, %get3A_161 : vector<16xf32>
      %add3A_190 = arith.addf %mul3A_188, %mul3A_189 : vector<16xf32>
      %mul3A_191 = arith.mulf %add3A_190, %get3A_165 : vector<16xf32>
      %add3A_192 = arith.addf %mul3A_187, %mul3A_191 : vector<16xf32>
      %broadcast_in_dim3A_193 = arith.constant 1 : i32
      %broadcast_in_dim3A_194 = vector.broadcast %broadcast_in_dim3A_193 : i32 to vector<16xi32>
      %gather3A_195 = tpu.vector_load_idx %arg14[%add3A_173, %broadcast_in_dim3A_194] : memref<1536x16xf32, #tpu.memory_space<vmem>>[vector<16xi32>, vector<16xi32>], vector<16xf32>,
      %broadcast_in_dim3A_196 = arith.constant 5 : i32
      %broadcast_in_dim3A_197 = vector.broadcast %broadcast_in_dim3A_196 : i32 to vector<16xi32>
      %gather3A_198 = tpu.vector_load_idx %arg14[%add3A_173, %broadcast_in_dim3A_197] : memref<1536x16xf32, #tpu.memory_space<vmem>>[vector<16xi32>, vector<16xi32>], vector<16xf32>,
      %broadcast_in_dim3A_199 = arith.constant 9 : i32
      %broadcast_in_dim3A_200 = vector.broadcast %broadcast_in_dim3A_199 : i32 to vector<16xi32>
      %gather3A_201 = tpu.vector_load_idx %arg14[%add3A_173, %broadcast_in_dim3A_200] : memref<1536x16xf32, #tpu.memory_space<vmem>>[vector<16xi32>, vector<16xi32>], vector<16xf32>,
      %broadcast_in_dim3A_202 = arith.constant 13 : i32
      %broadcast_in_dim3A_203 = vector.broadcast %broadcast_in_dim3A_202 : i32 to vector<16xi32>
      %gather3A_204 = tpu.vector_load_idx %arg14[%add3A_173, %broadcast_in_dim3A_203] : memref<1536x16xf32, #tpu.memory_space<vmem>>[vector<16xi32>, vector<16xi32>], vector<16xf32>,
      %mul3A_205 = arith.mulf %gather3A_195, %sub3A_167 : vector<16xf32>
      %mul3A_206 = arith.mulf %gather3A_198, %get3A_161 : vector<16xf32>
      %add3A_207 = arith.addf %mul3A_205, %mul3A_206 : vector<16xf32>
      %mul3A_208 = arith.mulf %add3A_207, %sub3A_170 : vector<16xf32>
      %mul3A_209 = arith.mulf %gather3A_201, %sub3A_167 : vector<16xf32>
      %mul3A_210 = arith.mulf %gather3A_204, %get3A_161 : vector<16xf32>
      %add3A_211 = arith.addf %mul3A_209, %mul3A_210 : vector<16xf32>
      %mul3A_212 = arith.mulf %add3A_211, %get3A_165 : vector<16xf32>
      %add3A_213 = arith.addf %mul3A_208, %mul3A_212 : vector<16xf32>
      %broadcast_in_dim3A_214 = arith.constant 2 : i32
      %broadcast_in_dim3A_215 = vector.broadcast %broadcast_in_dim3A_214 : i32 to vector<16xi32>
      %gather3A_216 = tpu.vector_load_idx %arg14[%add3A_173, %broadcast_in_dim3A_215] : memref<1536x16xf32, #tpu.memory_space<vmem>>[vector<16xi32>, vector<16xi32>], vector<16xf32>,
      %broadcast_in_dim3A_217 = arith.constant 6 : i32
      %broadcast_in_dim3A_218 = vector.broadcast %broadcast_in_dim3A_217 : i32 to vector<16xi32>
      %gather3A_219 = tpu.vector_load_idx %arg14[%add3A_173, %broadcast_in_dim3A_218] : memref<1536x16xf32, #tpu.memory_space<vmem>>[vector<16xi32>, vector<16xi32>], vector<16xf32>,
      %broadcast_in_dim3A_220 = arith.constant 10 : i32
      %broadcast_in_dim3A_221 = vector.broadcast %broadcast_in_dim3A_220 : i32 to vector<16xi32>
      %gather3A_222 = tpu.vector_load_idx %arg14[%add3A_173, %broadcast_in_dim3A_221] : memref<1536x16xf32, #tpu.memory_space<vmem>>[vector<16xi32>, vector<16xi32>], vector<16xf32>,
      %broadcast_in_dim3A_223 = arith.constant 14 : i32
      %broadcast_in_dim3A_224 = vector.broadcast %broadcast_in_dim3A_223 : i32 to vector<16xi32>
      %gather3A_225 = tpu.vector_load_idx %arg14[%add3A_173, %broadcast_in_dim3A_224] : memref<1536x16xf32, #tpu.memory_space<vmem>>[vector<16xi32>, vector<16xi32>], vector<16xf32>,
      %mul3A_226 = arith.mulf %gather3A_216, %sub3A_167 : vector<16xf32>
      %mul3A_227 = arith.mulf %gather3A_219, %get3A_161 : vector<16xf32>
      %add3A_228 = arith.addf %mul3A_226, %mul3A_227 : vector<16xf32>
      %mul3A_229 = arith.mulf %add3A_228, %sub3A_170 : vector<16xf32>
      %mul3A_230 = arith.mulf %gather3A_222, %sub3A_167 : vector<16xf32>
      %mul3A_231 = arith.mulf %gather3A_225, %get3A_161 : vector<16xf32>
      %add3A_232 = arith.addf %mul3A_230, %mul3A_231 : vector<16xf32>
      %mul3A_233 = arith.mulf %add3A_232, %get3A_165 : vector<16xf32>
      %add3A_234 = arith.addf %mul3A_229, %mul3A_233 : vector<16xf32>
      %broadcast_in_dim3A_235 = arith.constant 3 : i32
      %broadcast_in_dim3A_236 = vector.broadcast %broadcast_in_dim3A_235 : i32 to vector<16xi32>
      %gather3A_237 = tpu.vector_load_idx %arg14[%add3A_173, %broadcast_in_dim3A_236] : memref<1536x16xf32, #tpu.memory_space<vmem>>[vector<16xi32>, vector<16xi32>], vector<16xf32>,
      %broadcast_in_dim3A_238 = arith.constant 7 : i32
      %broadcast_in_dim3A_239 = vector.broadcast %broadcast_in_dim3A_238 : i32 to vector<16xi32>
      %gather3A_240 = tpu.vector_load_idx %arg14[%add3A_173, %broadcast_in_dim3A_239] : memref<1536x16xf32, #tpu.memory_space<vmem>>[vector<16xi32>, vector<16xi32>], vector<16xf32>,
      %broadcast_in_dim3A_241 = arith.constant 11 : i32
      %broadcast_in_dim3A_242 = vector.broadcast %broadcast_in_dim3A_241 : i32 to vector<16xi32>
      %gather3A_243 = tpu.vector_load_idx %arg14[%add3A_173, %broadcast_in_dim3A_242] : memref<1536x16xf32, #tpu.memory_space<vmem>>[vector<16xi32>, vector<16xi32>], vector<16xf32>,
      %broadcast_in_dim3A_244 = arith.constant 15 : i32
      %broadcast_in_dim3A_245 = vector.broadcast %broadcast_in_dim3A_244 : i32 to vector<16xi32>
      %gather3A_246 = tpu.vector_load_idx %arg14[%add3A_173, %broadcast_in_dim3A_245] : memref<1536x16xf32, #tpu.memory_space<vmem>>[vector<16xi32>, vector<16xi32>], vector<16xf32>,
      %mul3A_247 = arith.mulf %gather3A_237, %sub3A_167 : vector<16xf32>
      %mul3A_248 = arith.mulf %gather3A_240, %get3A_161 : vector<16xf32>
      %add3A_249 = arith.addf %mul3A_247, %mul3A_248 : vector<16xf32>
      %mul3A_250 = arith.mulf %add3A_249, %sub3A_170 : vector<16xf32>
      %mul3A_251 = arith.mulf %gather3A_243, %sub3A_167 : vector<16xf32>
      %mul3A_252 = arith.mulf %gather3A_246, %get3A_161 : vector<16xf32>
      %add3A_253 = arith.addf %mul3A_251, %mul3A_252 : vector<16xf32>
      %mul3A_254 = arith.mulf %add3A_253, %get3A_165 : vector<16xf32>
      %add3A_255 = arith.addf %mul3A_250, %mul3A_254 : vector<16xf32>
      %add3A_256 = arith.constant 1024 : i32
      %add3A_257 = arith.addi %add3A_256, %mul3A_156 : i32
      %get3A_258 = arith.index_cast %add3A_257 : i32 to index
      %get3A_259 = tpu.vector_load %arg12[%get3A_258] {strides = array<i32>} : memref<3072xf32, #tpu.memory_space<vmem>>, vector<16xf32>,
      %add3A_260 = arith.constant 1536 : i32
      %add3A_261 = arith.addi %add3A_260, %mul3A_156 : i32
      %get3A_262 = arith.index_cast %add3A_261 : i32 to index
      %get3A_263 = tpu.vector_load %arg12[%get3A_262] {strides = array<i32>} : memref<3072xf32, #tpu.memory_space<vmem>>, vector<16xf32>,
      %sub3A_264 = arith.constant 1.000000e+00 : f32
      %sub3A_265 = vector.broadcast %sub3A_264 : f32 to vector<16xf32>
      %sub3A_266 = arith.subf %sub3A_265, %get3A_259 : vector<16xf32>
      %sub3A_267 = arith.constant 1.000000e+00 : f32
      %sub3A_268 = vector.broadcast %sub3A_267 : f32 to vector<16xf32>
      %sub3A_269 = arith.subf %sub3A_268, %get3A_263 : vector<16xf32>
      %add3A_270 = arith.constant 512 : i32
      %add3A_271 = vector.broadcast %add3A_270 : i32 to vector<16xi32>
      %add3A_272 = arith.addi %add3A_158, %add3A_271 : vector<16xi32>
      %broadcast_in_dim3A_273 = arith.constant 0 : i32
      %broadcast_in_dim3A_274 = vector.broadcast %broadcast_in_dim3A_273 : i32 to vector<16xi32>
      %gather3A_275 = tpu.vector_load_idx %arg14[%add3A_272, %broadcast_in_dim3A_274] : memref<1536x16xf32, #tpu.memory_space<vmem>>[vector<16xi32>, vector<16xi32>], vector<16xf32>,
      %broadcast_in_dim3A_276 = arith.constant 4 : i32
      %broadcast_in_dim3A_277 = vector.broadcast %broadcast_in_dim3A_276 : i32 to vector<16xi32>
      %gather3A_278 = tpu.vector_load_idx %arg14[%add3A_272, %broadcast_in_dim3A_277] : memref<1536x16xf32, #tpu.memory_space<vmem>>[vector<16xi32>, vector<16xi32>], vector<16xf32>,
      %broadcast_in_dim3A_279 = arith.constant 8 : i32
      %broadcast_in_dim3A_280 = vector.broadcast %broadcast_in_dim3A_279 : i32 to vector<16xi32>
      %gather3A_281 = tpu.vector_load_idx %arg14[%add3A_272, %broadcast_in_dim3A_280] : memref<1536x16xf32, #tpu.memory_space<vmem>>[vector<16xi32>, vector<16xi32>], vector<16xf32>,
      %broadcast_in_dim3A_282 = arith.constant 12 : i32
      %broadcast_in_dim3A_283 = vector.broadcast %broadcast_in_dim3A_282 : i32 to vector<16xi32>
      %gather3A_284 = tpu.vector_load_idx %arg14[%add3A_272, %broadcast_in_dim3A_283] : memref<1536x16xf32, #tpu.memory_space<vmem>>[vector<16xi32>, vector<16xi32>], vector<16xf32>,
      %mul3A_285 = arith.mulf %gather3A_275, %sub3A_266 : vector<16xf32>
      %mul3A_286 = arith.mulf %gather3A_278, %get3A_259 : vector<16xf32>
      %add3A_287 = arith.addf %mul3A_285, %mul3A_286 : vector<16xf32>
      %mul3A_288 = arith.mulf %add3A_287, %sub3A_269 : vector<16xf32>
      %mul3A_289 = arith.mulf %gather3A_281, %sub3A_266 : vector<16xf32>
      %mul3A_290 = arith.mulf %gather3A_284, %get3A_259 : vector<16xf32>
      %add3A_291 = arith.addf %mul3A_289, %mul3A_290 : vector<16xf32>
      %mul3A_292 = arith.mulf %add3A_291, %get3A_263 : vector<16xf32>
      %add3A_293 = arith.addf %mul3A_288, %mul3A_292 : vector<16xf32>
      %mul3A_294 = arith.mulf %add3A_192, %add3A_293 : vector<16xf32>
      %broadcast_in_dim3A_295 = arith.constant 1 : i32
      %broadcast_in_dim3A_296 = vector.broadcast %broadcast_in_dim3A_295 : i32 to vector<16xi32>
      %gather3A_297 = tpu.vector_load_idx %arg14[%add3A_272, %broadcast_in_dim3A_296] : memref<1536x16xf32, #tpu.memory_space<vmem>>[vector<16xi32>, vector<16xi32>], vector<16xf32>,
      %broadcast_in_dim3A_298 = arith.constant 5 : i32
      %broadcast_in_dim3A_299 = vector.broadcast %broadcast_in_dim3A_298 : i32 to vector<16xi32>
      %gather3A_300 = tpu.vector_load_idx %arg14[%add3A_272, %broadcast_in_dim3A_299] : memref<1536x16xf32, #tpu.memory_space<vmem>>[vector<16xi32>, vector<16xi32>], vector<16xf32>,
      %broadcast_in_dim3A_301 = arith.constant 9 : i32
      %broadcast_in_dim3A_302 = vector.broadcast %broadcast_in_dim3A_301 : i32 to vector<16xi32>
      %gather3A_303 = tpu.vector_load_idx %arg14[%add3A_272, %broadcast_in_dim3A_302] : memref<1536x16xf32, #tpu.memory_space<vmem>>[vector<16xi32>, vector<16xi32>], vector<16xf32>,
      %broadcast_in_dim3A_304 = arith.constant 13 : i32
      %broadcast_in_dim3A_305 = vector.broadcast %broadcast_in_dim3A_304 : i32 to vector<16xi32>
      %gather3A_306 = tpu.vector_load_idx %arg14[%add3A_272, %broadcast_in_dim3A_305] : memref<1536x16xf32, #tpu.memory_space<vmem>>[vector<16xi32>, vector<16xi32>], vector<16xf32>,
      %mul3A_307 = arith.mulf %gather3A_297, %sub3A_266 : vector<16xf32>
      %mul3A_308 = arith.mulf %gather3A_300, %get3A_259 : vector<16xf32>
      %add3A_309 = arith.addf %mul3A_307, %mul3A_308 : vector<16xf32>
      %mul3A_310 = arith.mulf %add3A_309, %sub3A_269 : vector<16xf32>
      %mul3A_311 = arith.mulf %gather3A_303, %sub3A_266 : vector<16xf32>
      %mul3A_312 = arith.mulf %gather3A_306, %get3A_259 : vector<16xf32>
      %add3A_313 = arith.addf %mul3A_311, %mul3A_312 : vector<16xf32>
      %mul3A_314 = arith.mulf %add3A_313, %get3A_263 : vector<16xf32>
      %add3A_315 = arith.addf %mul3A_310, %mul3A_314 : vector<16xf32>
      %mul3A_316 = arith.mulf %add3A_213, %add3A_315 : vector<16xf32>
      %broadcast_in_dim3A_317 = arith.constant 2 : i32
      %broadcast_in_dim3A_318 = vector.broadcast %broadcast_in_dim3A_317 : i32 to vector<16xi32>
      %gather3A_319 = tpu.vector_load_idx %arg14[%add3A_272, %broadcast_in_dim3A_318] : memref<1536x16xf32, #tpu.memory_space<vmem>>[vector<16xi32>, vector<16xi32>], vector<16xf32>,
      %broadcast_in_dim3A_320 = arith.constant 6 : i32
      %broadcast_in_dim3A_321 = vector.broadcast %broadcast_in_dim3A_320 : i32 to vector<16xi32>
      %gather3A_322 = tpu.vector_load_idx %arg14[%add3A_272, %broadcast_in_dim3A_321] : memref<1536x16xf32, #tpu.memory_space<vmem>>[vector<16xi32>, vector<16xi32>], vector<16xf32>,
      %broadcast_in_dim3A_323 = arith.constant 10 : i32
      %broadcast_in_dim3A_324 = vector.broadcast %broadcast_in_dim3A_323 : i32 to vector<16xi32>
      %gather3A_325 = tpu.vector_load_idx %arg14[%add3A_272, %broadcast_in_dim3A_324] : memref<1536x16xf32, #tpu.memory_space<vmem>>[vector<16xi32>, vector<16xi32>], vector<16xf32>,
      %broadcast_in_dim3A_326 = arith.constant 14 : i32
      %broadcast_in_dim3A_327 = vector.broadcast %broadcast_in_dim3A_326 : i32 to vector<16xi32>
      %gather3A_328 = tpu.vector_load_idx %arg14[%add3A_272, %broadcast_in_dim3A_327] : memref<1536x16xf32, #tpu.memory_space<vmem>>[vector<16xi32>, vector<16xi32>], vector<16xf32>,
      %mul3A_329 = arith.mulf %gather3A_319, %sub3A_266 : vector<16xf32>
      %mul3A_330 = arith.mulf %gather3A_322, %get3A_259 : vector<16xf32>
      %add3A_331 = arith.addf %mul3A_329, %mul3A_330 : vector<16xf32>
      %mul3A_332 = arith.mulf %add3A_331, %sub3A_269 : vector<16xf32>
      %mul3A_333 = arith.mulf %gather3A_325, %sub3A_266 : vector<16xf32>
      %mul3A_334 = arith.mulf %gather3A_328, %get3A_259 : vector<16xf32>
      %add3A_335 = arith.addf %mul3A_333, %mul3A_334 : vector<16xf32>
      %mul3A_336 = arith.mulf %add3A_335, %get3A_263 : vector<16xf32>
      %add3A_337 = arith.addf %mul3A_332, %mul3A_336 : vector<16xf32>
      %mul3A_338 = arith.mulf %add3A_234, %add3A_337 : vector<16xf32>
      %broadcast_in_dim3A_339 = arith.constant 3 : i32
      %broadcast_in_dim3A_340 = vector.broadcast %broadcast_in_dim3A_339 : i32 to vector<16xi32>
      %gather3A_341 = tpu.vector_load_idx %arg14[%add3A_272, %broadcast_in_dim3A_340] : memref<1536x16xf32, #tpu.memory_space<vmem>>[vector<16xi32>, vector<16xi32>], vector<16xf32>,
      %broadcast_in_dim3A_342 = arith.constant 7 : i32
      %broadcast_in_dim3A_343 = vector.broadcast %broadcast_in_dim3A_342 : i32 to vector<16xi32>
      %gather3A_344 = tpu.vector_load_idx %arg14[%add3A_272, %broadcast_in_dim3A_343] : memref<1536x16xf32, #tpu.memory_space<vmem>>[vector<16xi32>, vector<16xi32>], vector<16xf32>,
      %broadcast_in_dim3A_345 = arith.constant 11 : i32
      %broadcast_in_dim3A_346 = vector.broadcast %broadcast_in_dim3A_345 : i32 to vector<16xi32>
      %gather3A_347 = tpu.vector_load_idx %arg14[%add3A_272, %broadcast_in_dim3A_346] : memref<1536x16xf32, #tpu.memory_space<vmem>>[vector<16xi32>, vector<16xi32>], vector<16xf32>,
      %broadcast_in_dim3A_348 = arith.constant 15 : i32
      %broadcast_in_dim3A_349 = vector.broadcast %broadcast_in_dim3A_348 : i32 to vector<16xi32>
      %gather3A_350 = tpu.vector_load_idx %arg14[%add3A_272, %broadcast_in_dim3A_349] : memref<1536x16xf32, #tpu.memory_space<vmem>>[vector<16xi32>, vector<16xi32>], vector<16xf32>,
      %mul3A_351 = arith.mulf %gather3A_341, %sub3A_266 : vector<16xf32>
      %mul3A_352 = arith.mulf %gather3A_344, %get3A_259 : vector<16xf32>
      %add3A_353 = arith.addf %mul3A_351, %mul3A_352 : vector<16xf32>
      %mul3A_354 = arith.mulf %add3A_353, %sub3A_269 : vector<16xf32>
      %mul3A_355 = arith.mulf %gather3A_347, %sub3A_266 : vector<16xf32>
      %mul3A_356 = arith.mulf %gather3A_350, %get3A_259 : vector<16xf32>
      %add3A_357 = arith.addf %mul3A_355, %mul3A_356 : vector<16xf32>
      %mul3A_358 = arith.mulf %add3A_357, %get3A_263 : vector<16xf32>
      %add3A_359 = arith.addf %mul3A_354, %mul3A_358 : vector<16xf32>
      %mul3A_360 = arith.mulf %add3A_255, %add3A_359 : vector<16xf32>
      %add3A_361 = arith.constant 2048 : i32
      %add3A_362 = arith.addi %add3A_361, %mul3A_156 : i32
      %get3A_363 = arith.index_cast %add3A_362 : i32 to index
      %get3A_364 = tpu.vector_load %arg12[%get3A_363] {strides = array<i32>} : memref<3072xf32, #tpu.memory_space<vmem>>, vector<16xf32>,
      %add3A_365 = arith.constant 2560 : i32
      %add3A_366 = arith.addi %add3A_365, %mul3A_156 : i32
      %get3A_367 = arith.index_cast %add3A_366 : i32 to index
      %get3A_368 = tpu.vector_load %arg12[%get3A_367] {strides = array<i32>} : memref<3072xf32, #tpu.memory_space<vmem>>, vector<16xf32>,
      %sub3A_369 = arith.constant 1.000000e+00 : f32
      %sub3A_370 = vector.broadcast %sub3A_369 : f32 to vector<16xf32>
      %sub3A_371 = arith.subf %sub3A_370, %get3A_364 : vector<16xf32>
      %sub3A_372 = arith.constant 1.000000e+00 : f32
      %sub3A_373 = vector.broadcast %sub3A_372 : f32 to vector<16xf32>
      %sub3A_374 = arith.subf %sub3A_373, %get3A_368 : vector<16xf32>
      %add3A_375 = arith.constant 1024 : i32
      %add3A_376 = vector.broadcast %add3A_375 : i32 to vector<16xi32>
      %add3A_377 = arith.addi %add3A_158, %add3A_376 : vector<16xi32>
      %broadcast_in_dim3A_378 = arith.constant 0 : i32
      %broadcast_in_dim3A_379 = vector.broadcast %broadcast_in_dim3A_378 : i32 to vector<16xi32>
      %gather3A_380 = tpu.vector_load_idx %arg14[%add3A_377, %broadcast_in_dim3A_379] : memref<1536x16xf32, #tpu.memory_space<vmem>>[vector<16xi32>, vector<16xi32>], vector<16xf32>,
      %broadcast_in_dim3A_381 = arith.constant 4 : i32
      %broadcast_in_dim3A_382 = vector.broadcast %broadcast_in_dim3A_381 : i32 to vector<16xi32>
      %gather3A_383 = tpu.vector_load_idx %arg14[%add3A_377, %broadcast_in_dim3A_382] : memref<1536x16xf32, #tpu.memory_space<vmem>>[vector<16xi32>, vector<16xi32>], vector<16xf32>,
      %broadcast_in_dim3A_384 = arith.constant 8 : i32
      %broadcast_in_dim3A_385 = vector.broadcast %broadcast_in_dim3A_384 : i32 to vector<16xi32>
      %gather3A_386 = tpu.vector_load_idx %arg14[%add3A_377, %broadcast_in_dim3A_385] : memref<1536x16xf32, #tpu.memory_space<vmem>>[vector<16xi32>, vector<16xi32>], vector<16xf32>,
      %broadcast_in_dim3A_387 = arith.constant 12 : i32
      %broadcast_in_dim3A_388 = vector.broadcast %broadcast_in_dim3A_387 : i32 to vector<16xi32>
      %gather3A_389 = tpu.vector_load_idx %arg14[%add3A_377, %broadcast_in_dim3A_388] : memref<1536x16xf32, #tpu.memory_space<vmem>>[vector<16xi32>, vector<16xi32>], vector<16xf32>,
      %mul3A_390 = arith.mulf %gather3A_380, %sub3A_371 : vector<16xf32>
      %mul3A_391 = arith.mulf %gather3A_383, %get3A_364 : vector<16xf32>
      %add3A_392 = arith.addf %mul3A_390, %mul3A_391 : vector<16xf32>
      %mul3A_393 = arith.mulf %add3A_392, %sub3A_374 : vector<16xf32>
      %mul3A_394 = arith.mulf %gather3A_386, %sub3A_371 : vector<16xf32>
      %mul3A_395 = arith.mulf %gather3A_389, %get3A_364 : vector<16xf32>
      %add3A_396 = arith.addf %mul3A_394, %mul3A_395 : vector<16xf32>
      %mul3A_397 = arith.mulf %add3A_396, %get3A_368 : vector<16xf32>
      %add3A_398 = arith.addf %mul3A_393, %mul3A_397 : vector<16xf32>
      %mul3A_399 = arith.mulf %mul3A_294, %add3A_398 : vector<16xf32>
      %broadcast_in_dim3A_400 = arith.constant 1 : i32
      %broadcast_in_dim3A_401 = vector.broadcast %broadcast_in_dim3A_400 : i32 to vector<16xi32>
      %gather3A_402 = tpu.vector_load_idx %arg14[%add3A_377, %broadcast_in_dim3A_401] : memref<1536x16xf32, #tpu.memory_space<vmem>>[vector<16xi32>, vector<16xi32>], vector<16xf32>,
      %broadcast_in_dim3A_403 = arith.constant 5 : i32
      %broadcast_in_dim3A_404 = vector.broadcast %broadcast_in_dim3A_403 : i32 to vector<16xi32>
      %gather3A_405 = tpu.vector_load_idx %arg14[%add3A_377, %broadcast_in_dim3A_404] : memref<1536x16xf32, #tpu.memory_space<vmem>>[vector<16xi32>, vector<16xi32>], vector<16xf32>,
      %broadcast_in_dim3A_406 = arith.constant 9 : i32
      %broadcast_in_dim3A_407 = vector.broadcast %broadcast_in_dim3A_406 : i32 to vector<16xi32>
      %gather3A_408 = tpu.vector_load_idx %arg14[%add3A_377, %broadcast_in_dim3A_407] : memref<1536x16xf32, #tpu.memory_space<vmem>>[vector<16xi32>, vector<16xi32>], vector<16xf32>,
      %broadcast_in_dim3A_409 = arith.constant 13 : i32
      %broadcast_in_dim3A_410 = vector.broadcast %broadcast_in_dim3A_409 : i32 to vector<16xi32>
      %gather3A_411 = tpu.vector_load_idx %arg14[%add3A_377, %broadcast_in_dim3A_410] : memref<1536x16xf32, #tpu.memory_space<vmem>>[vector<16xi32>, vector<16xi32>], vector<16xf32>,
      %mul3A_412 = arith.mulf %gather3A_402, %sub3A_371 : vector<16xf32>
      %mul3A_413 = arith.mulf %gather3A_405, %get3A_364 : vector<16xf32>
      %add3A_414 = arith.addf %mul3A_412, %mul3A_413 : vector<16xf32>
      %mul3A_415 = arith.mulf %add3A_414, %sub3A_374 : vector<16xf32>
      %mul3A_416 = arith.mulf %gather3A_408, %sub3A_371 : vector<16xf32>
      %mul3A_417 = arith.mulf %gather3A_411, %get3A_364 : vector<16xf32>
      %add3A_418 = arith.addf %mul3A_416, %mul3A_417 : vector<16xf32>
      %mul3A_419 = arith.mulf %add3A_418, %get3A_368 : vector<16xf32>
      %add3A_420 = arith.addf %mul3A_415, %mul3A_419 : vector<16xf32>
      %mul3A_421 = arith.mulf %mul3A_316, %add3A_420 : vector<16xf32>
      %broadcast_in_dim3A_422 = arith.constant 2 : i32
      %broadcast_in_dim3A_423 = vector.broadcast %broadcast_in_dim3A_422 : i32 to vector<16xi32>
      %gather3A_424 = tpu.vector_load_idx %arg14[%add3A_377, %broadcast_in_dim3A_423] : memref<1536x16xf32, #tpu.memory_space<vmem>>[vector<16xi32>, vector<16xi32>], vector<16xf32>,
      %broadcast_in_dim3A_425 = arith.constant 6 : i32
      %broadcast_in_dim3A_426 = vector.broadcast %broadcast_in_dim3A_425 : i32 to vector<16xi32>
      %gather3A_427 = tpu.vector_load_idx %arg14[%add3A_377, %broadcast_in_dim3A_426] : memref<1536x16xf32, #tpu.memory_space<vmem>>[vector<16xi32>, vector<16xi32>], vector<16xf32>,
      %broadcast_in_dim3A_428 = arith.constant 10 : i32
      %broadcast_in_dim3A_429 = vector.broadcast %broadcast_in_dim3A_428 : i32 to vector<16xi32>
      %gather3A_430 = tpu.vector_load_idx %arg14[%add3A_377, %broadcast_in_dim3A_429] : memref<1536x16xf32, #tpu.memory_space<vmem>>[vector<16xi32>, vector<16xi32>], vector<16xf32>,
      %broadcast_in_dim3A_431 = arith.constant 14 : i32
      %broadcast_in_dim3A_432 = vector.broadcast %broadcast_in_dim3A_431 : i32 to vector<16xi32>
      %gather3A_433 = tpu.vector_load_idx %arg14[%add3A_377, %broadcast_in_dim3A_432] : memref<1536x16xf32, #tpu.memory_space<vmem>>[vector<16xi32>, vector<16xi32>], vector<16xf32>,
      %mul3A_434 = arith.mulf %gather3A_424, %sub3A_371 : vector<16xf32>
      %mul3A_435 = arith.mulf %gather3A_427, %get3A_364 : vector<16xf32>
      %add3A_436 = arith.addf %mul3A_434, %mul3A_435 : vector<16xf32>
      %mul3A_437 = arith.mulf %add3A_436, %sub3A_374 : vector<16xf32>
      %mul3A_438 = arith.mulf %gather3A_430, %sub3A_371 : vector<16xf32>
      %mul3A_439 = arith.mulf %gather3A_433, %get3A_364 : vector<16xf32>
      %add3A_440 = arith.addf %mul3A_438, %mul3A_439 : vector<16xf32>
      %mul3A_441 = arith.mulf %add3A_440, %get3A_368 : vector<16xf32>
      %add3A_442 = arith.addf %mul3A_437, %mul3A_441 : vector<16xf32>
      %mul3A_443 = arith.mulf %mul3A_338, %add3A_442 : vector<16xf32>
      %broadcast_in_dim3A_444 = arith.constant 3 : i32
      %broadcast_in_dim3A_445 = vector.broadcast %broadcast_in_dim3A_444 : i32 to vector<16xi32>
      %gather3A_446 = tpu.vector_load_idx %arg14[%add3A_377, %broadcast_in_dim3A_445] : memref<1536x16xf32, #tpu.memory_space<vmem>>[vector<16xi32>, vector<16xi32>], vector<16xf32>,
      %broadcast_in_dim3A_447 = arith.constant 7 : i32
      %broadcast_in_dim3A_448 = vector.broadcast %broadcast_in_dim3A_447 : i32 to vector<16xi32>
      %gather3A_449 = tpu.vector_load_idx %arg14[%add3A_377, %broadcast_in_dim3A_448] : memref<1536x16xf32, #tpu.memory_space<vmem>>[vector<16xi32>, vector<16xi32>], vector<16xf32>,
      %broadcast_in_dim3A_450 = arith.constant 11 : i32
      %broadcast_in_dim3A_451 = vector.broadcast %broadcast_in_dim3A_450 : i32 to vector<16xi32>
      %gather3A_452 = tpu.vector_load_idx %arg14[%add3A_377, %broadcast_in_dim3A_451] : memref<1536x16xf32, #tpu.memory_space<vmem>>[vector<16xi32>, vector<16xi32>], vector<16xf32>,
      %broadcast_in_dim3A_453 = arith.constant 15 : i32
      %broadcast_in_dim3A_454 = vector.broadcast %broadcast_in_dim3A_453 : i32 to vector<16xi32>
      %gather3A_455 = tpu.vector_load_idx %arg14[%add3A_377, %broadcast_in_dim3A_454] : memref<1536x16xf32, #tpu.memory_space<vmem>>[vector<16xi32>, vector<16xi32>], vector<16xf32>,
      %mul3A_456 = arith.mulf %gather3A_446, %sub3A_371 : vector<16xf32>
      %mul3A_457 = arith.mulf %gather3A_449, %get3A_364 : vector<16xf32>
      %add3A_458 = arith.addf %mul3A_456, %mul3A_457 : vector<16xf32>
      %mul3A_459 = arith.mulf %add3A_458, %sub3A_374 : vector<16xf32>
      %mul3A_460 = arith.mulf %gather3A_452, %sub3A_371 : vector<16xf32>
      %mul3A_461 = arith.mulf %gather3A_455, %get3A_364 : vector<16xf32>
      %add3A_462 = arith.addf %mul3A_460, %mul3A_461 : vector<16xf32>
      %mul3A_463 = arith.mulf %add3A_462, %get3A_368 : vector<16xf32>
      %add3A_464 = arith.addf %mul3A_459, %mul3A_463 : vector<16xf32>
      %mul3A_465 = arith.mulf %mul3A_360, %add3A_464 : vector<16xf32>
      %add3A_466 = arith.addf %mul3A_399, %mul3A_421 : vector<16xf32>
      %add3A_467 = arith.addf %mul3A_443, %mul3A_465 : vector<16xf32>
      %add3A_468 = arith.addf %add3A_466, %add3A_467 : vector<16xf32>
      %mul3A_469 = arith.constant 2.500000e-01 : f32
      %mul3A_470 = vector.broadcast %mul3A_469 : f32 to vector<16xf32>
      %mul3A_471 = arith.mulf %add3A_468, %mul3A_470 : vector<16xf32>
      %max3A = arith.constant 0.000000e+00 : f32
      %max3A_472 = vector.broadcast %max3A : f32 to vector<16xf32>
      %max3A_473 = arith.maximumf %mul3A_471, %max3A_472 : vector<16xf32>
      %swap3A = arith.index_cast %mul3A_156 : i32 to index
      %swap3A_474 = tpu.vector_load %arg15[%swap3A] {strides = array<i32>} : memref<512xf32, #tpu.memory_space<vmem>>, vector<16xf32>,
      tpu.vector_store %arg15[%swap3A], %max3A_473 {strides = array<i32>} : memref<512xf32, #tpu.memory_space<vmem>>, vector<16xf32>,
    }
    %scan3A_151 = arith.constant 32 : i32
    %add3A_152 = arith.constant 15872 : i32
    %add3A_153 = arith.addi %mul3A_2, %add3A_152 : i32
    "tpu.region"() ({
      %run_scoped3A = tpu.sem_alloc : memref<!tpu.dma_semaphore, #tpu.memory_space<semaphore_mem>>
      %dma_start3A_154 = tpu.memref_slice %arg6[%add3A_153] : memref<524288xf32, #tpu.memory_space<hbm>> -> memref<512xf32, #tpu.memory_space<hbm>>
      %dma_start3A_155 = tpu.memref_slice %arg6[%add3A_153] : memref<524288xf32, #tpu.memory_space<hbm>> -> memref<512xf32, #tpu.memory_space<hbm>>
      tpu.enqueue_dma source(%arg15 : memref<512xf32, #tpu.memory_space<vmem>>) target(%dma_start3A_155 : memref<512xf32, #tpu.memory_space<hbm>>) target_semaphore(%run_scoped3A : memref<!tpu.dma_semaphore, #tpu.memory_space<semaphore_mem>>)
      %dma_wait3A_156 = tpu.memref_slice %arg6[%add3A_153] : memref<524288xf32, #tpu.memory_space<hbm>> -> memref<512xf32, #tpu.memory_space<hbm>>
      %dma_wait3A_157 = tpu.memref_slice %arg6[%add3A_153] : memref<524288xf32, #tpu.memory_space<hbm>> -> memref<512xf32, #tpu.memory_space<hbm>>
      tpu.wait_dma2 semaphore(%run_scoped3A : memref<!tpu.dma_semaphore, #tpu.memory_space<semaphore_mem>>) src(%arg15 : memref<512xf32, #tpu.memory_space<vmem>>) dst(%dma_wait3A_157 : memref<512xf32, #tpu.memory_space<hbm>>)
      tpu.yield
    }) : () -> ()
    return
  }
}

</mosaic_0001>

<sc_bundles>
// kernel: kernel.3.cloned.1.call-start
scs
__scs_entry_jumppad:
0x0: {  	(pc) =	sbr.rel $0x88, $3  }
0x1: {  	(tag) =	ssettag $0x0;
	lr =	simm.s32 $0x1  }
0x2: {  	[smem:$0x3F9C] =	sst lr;
	_ =	strace $0xD0000000  }
0x3: {  	_ = 	snop  }
0x4: {  	_ = 	snop  }
0x5: {  	_ = 	snop  }
0x6: {  	_ = 	snop  }
0x7: {  	_ = 	snop  }
__scs_overlays_trampoline_lowered:
0x8: {  	[smem:$0x3FAB] =	sst s0  }
0x9: {  	[smem:$0x3FAC] =	sst s1  }
0xa: {  	[smem:$0x3FAD] =	sst s2  }
0xb: {  	[smem:$0x3FAE] =	sst s3  }
0xc: {  	[smem:$0x3FAF] =	sst s4  }
0xd: {  	[smem:$0x3FB0] =	sst s5  }
0xe: {  	[smem:$0x3FB1] =	sst s6  }
0xf: {  	[smem:$0x3FB2] =	sst s7  }
0x10: {  	[smem:$0x3FB3] =	sst s8  }
0x11: {  	[smem:$0x3FB4] =	sst s9;
	s0 =	simm.s32 @!p0 $0x0  }
0x12: {  	s1 =	sld [smem:$0x3F9A];
	s0 =	simm.s32 @p0 $0x1  }
0x13: {  	[smem:$0x3FB5] =	sst s0;
	s0 =	simm.s32 @!p1 $0x0  }
0x14: {  	s2 =	sld [smem:$0x3F99];
	s0 =	simm.s32 @p1 $0x1  }
0x15: {  	[smem:$0x3FB6] =	sst s0;
	s0 =	simm.s32 @!p2 $0x0  }
0x16: {  	s3 =	sld [smem:$0x3FDB];
	s0 =	simm.s32 @p2 $0x1  }
0x17: {  	s4 =	simm.s32 $0x1BF5;
	[smem:$0x3FB8] =	sst s0  }
0x18: {  	s0 =	sld [smem:$0x3F9B];
	_ =	swait.ge [sflag:s4], $0x0  }
0x19: {  	s7 =	sld [smem:$0x3F9C]  }
0x1a: {  	s8 =	sadd.s32 $0xFFFFE003, lr  }
0x1b: {  	s9 =	sadd.s32 $0xFFFFFEF7, lr;
	s5 =	simm.s32 $0xFFFFFFFF;
	p2 =	slt.u32 s8, $0xFFFFF086  }
0x1c: {  	p1 =	slt.u32 s9, $0xF7A;
	s5 =	simm.s32 @!p2 $0x0  }
0x1d: {  	s5 =	simm.s32 @p1 $0x1;
	p0 =	seq.s32 s7, s2  }
0x1e: {  	s7 =	smul.u32 @!p0 $0xF7A, s2;
	p2 =	seq.s32 @!p0 s5, $0x0  }
0x1f: {  	s9 =	smul.u32 $0xF7A, s1;
	s8 =	simm.s32 @!p0 $0x1BF5;
	p2 =	por !p2, p0  }
0x20: {  	[sflag:s8] =	ssyncset.s32 @!p0 $0xFFFFF086;
	s6 =	sadd.s32 @!p0 s3, s7;
	s7 =	simm.s32 @!p0 $0x108  }
0x21: {  	s3 =	sadd.s32 s3, s9;
	s6 =	sadd.s32 @!p0 $0x88, s6;
	s7 =	simm.s32 @p2 $0x1082  }
0x22: {  	[simem:s7], [sflag:s8] =	dma.local @!p0 [hbm:s6], $0xF7A  }
0x23: {  	s9 =	sor.u32 $0xD0000000, s2;
	s6 =	simm.s32 $0x108;
	_ =	swait.ge @!p0 [sflag:s8], $0x0  }
0x24: {  	s3 =	sadd.s32 $0x88, s3;
	s6 =	simm.s32 @!p1 $0x1082;
	[sflag:s4] =	ssyncset.s32 $0xFFFFF086  }
0x25: {  	[simem:s6], [sflag:s4] =	dma.local [hbm:s3], $0xF7A  }
0x26: {  	[smem:$0x3F9C] =	sst s1;
	(tag) =	ssettag s2;
	_ =	strace s9  }
0x27: {  	s1 =	sld [smem:$0x3FAC]  }
0x28: {  	s2 =	sld [smem:$0x3FAD]  }
0x29: {  	s4 =	sld [smem:$0x3FAF]  }
0x2a: {  	p0 =	seq.s32 s5, $0x0;
	s5 =	sld [smem:$0x3FB0]  }
0x2b: {  	s6 =	sld [smem:$0x3FB1]  }
0x2c: {  	s7 =	sld [smem:$0x3FB2]  }
0x2d: {  	s3 =	simm.s32 $0x108;
	s8 =	sld [smem:$0x3FB3]  }
0x2e: {  	s3 =	simm.s32 @!p0 $0x1082;
	s9 =	sld [smem:$0x3FB4]  }
0x2f: {  	lr =	sadd.s32 s0, s3;
	s0 =	sld [smem:$0x3FAB]  }
0x30: {  	s3 =	sld [smem:$0x3FAE]  }
0x31: {  	[smem:$0x3FB7] =	sst s10  }
0x32: {  	s10 =	sld [smem:$0x3FB5];
	_ =	sdelay $0x3  }
0x33: {  	p0 =	seq.s32 s10, $0x1;
	s10 =	sld [smem:$0x3FB7];
	_ =	sdelay $0x3  }
0x34: {  	[smem:$0x3FB7] =	sst s10  }
0x35: {  	s10 =	sld [smem:$0x3FB6];
	_ =	sdelay $0x3  }
0x36: {  	p1 =	seq.s32 s10, $0x1;
	s10 =	sld [smem:$0x3FB7];
	_ =	sdelay $0x3  }
0x37: {  	[smem:$0x3FB7] =	sst s10  }
0x38: {  	s10 =	sld [smem:$0x3FB8]  }
0x39: {  	_ = 	snop;
	(pc) =	sbr.ind lr, $3  }
0x3a: {  	_ = 	snop  }
0x3b: {  	_ = 	snop  }
0x3c: {  	p2 =	seq.s32 s10, $0x1;
	s10 =	sld [smem:$0x3FB7]  }
0x3d: {  	_ =	shalt  }
0x3e: {  	_ =	shalt  }
0x3f: {  	_ =	shalt  }
0x40: {  	_ =	shalt  }
0x41: {  	_ =	shalt  }
0x42: {  	_ =	shalt  }
0x43: {  	_ =	shalt  }
0x44: {  	_ =	shalt  }
0x45: {  	_ =	shalt  }
0x46: {  	_ =	shalt  }
0x47: {  	_ =	shalt  }
0x48: {  	_ =	shalt  }
0x49: {  	_ =	shalt  }
0x4a: {  	_ =	shalt  }
0x4b: {  	_ =	shalt  }
0x4c: {  	_ =	shalt  }
0x4d: {  	_ =	shalt  }
0x4e: {  	_ =	shalt  }
0x4f: {  	_ =	shalt  }
0x50: {  	_ =	shalt  }
0x51: {  	_ =	shalt  }
0x52: {  	_ =	shalt  }
0x53: {  	_ =	shalt  }
0x54: {  	_ =	shalt  }
0x55: {  	_ =	shalt  }
0x56: {  	_ =	shalt  }
0x57: {  	_ =	shalt  }
0x58: {  	_ =	shalt  }
0x59: {  	_ =	shalt  }
0x5a: {  	_ =	shalt  }
0x5b: {  	_ =	shalt  }
0x5c: {  	_ =	shalt  }
0x5d: {  	_ =	shalt  }
0x5e: {  	_ =	shalt  }
0x5f: {  	_ =	shalt  }
0x60: {  	_ =	shalt  }
0x61: {  	_ =	shalt  }
0x62: {  	_ =	shalt  }
0x63: {  	_ =	shalt  }
0x64: {  	_ =	shalt  }
0x65: {  	_ =	shalt  }
0x66: {  	_ =	shalt  }
0x67: {  	_ =	shalt  }
0x68: {  	_ =	shalt  }
0x69: {  	_ =	shalt  }
0x6a: {  	_ =	shalt  }
0x6b: {  	_ =	shalt  }
0x6c: {  	_ =	shalt  }
0x6d: {  	_ =	shalt  }
0x6e: {  	_ =	shalt  }
0x6f: {  	_ =	shalt  }
0x70: {  	_ =	shalt  }
0x71: {  	_ =	shalt  }
0x72: {  	_ =	shalt  }
0x73: {  	_ =	shalt  }
0x74: {  	_ =	shalt  }
0x75: {  	_ =	shalt  }
0x76: {  	_ =	shalt  }
0x77: {  	_ =	shalt  }
0x78: {  	_ =	shalt  }
0x79: {  	_ =	shalt  }
0x7a: {  	_ =	shalt  }
0x7b: {  	_ =	shalt  }
0x7c: {  	_ =	shalt  }
0x7d: {  	_ =	shalt  }
0x7e: {  	_ =	shalt  }
0x7f: {  	_ =	shalt  }
0x80: {  	_ =	shalt  }
0x81: {  	_ =	shalt  }
0x82: {  	_ =	shalt  }
0x83: {  	_ =	shalt  }
0x84: {  	_ =	shalt  }
0x85: {  	_ =	shalt  }
0x86: {  	_ =	shalt  }
0x87: {  	_ =	shalt  }
.Lfunc_end0:
.L_simem_size_0:
called_computation.1_lowered:
.L_overlay_start_0:
0x88: {  	s2 =	sld [smem:$0x3FD9]  }
0x89: {  	s3 =	sld [smem:$0x3FFE];
	_ =	sdelay $0x1  }
0x8a: {  	s1 =	srdreg.scid  }
0x8b: {  	s0 =	sand.u32 $0x1, s1  }
0x8c: {  	s17 =	sshll.u32 s0, $0xA;
	s2 =	sadd.s32 s3, s2  }
0x8d: {  	s2 =	sadd.s32 s2, s17  }
0x8e: {  	[smem:$0x3FC3] =	sst s2  }
0x8f: {  	_ = 	snop  }
0x90: {  	s2 =	sld [smem:$0x3FD0];
	(tm) =	ssettm $0x1  }
0x91: {  	s18 =	sld [smem:$0x3FFB];
	_ =	sdelay $0x3  }
0x92: {  	_ =	strace s18  }
0x93: {  	s3 =	sld [smem:$0x3FFC];
	_ =	sdelay $0x3  }
0x94: {  	_ =	strace s3  }
0x95: {  	s3 =	sld [smem:$0x3FFD];
	_ =	sdelay $0x3  }
0x96: {  	_ =	strace s3  }
0x97: {  	_ =	strace $0x8FFFFFFF  }
0x98: {  	s19 =	sld [smem:$0x3FDB];
	_ =	sdelay $0x1  }
0x99: {  	s4 =	simm.s32 $_scs_section_size  }
0x9a: {  	s5 =	simm.s32 $_size__tile_overlayer_lowered;
	s6 =	simm.s32 $_tile_overlayer_lowered  }
0x9b: {  	s22 =	simm.s32 $0x1BFF;
	s21 =	sshll.u32 s6, $0x1;
	s3 =	sadd.s32 s4, s19  }
0x9c: {  	s7 =	simm.s32 $0x0;
	s20 =	sshll.u32 s5, $0x1;
	s5 =	sadd.s32 s21, s3  }
0x9d: {  	[timem:s7], [sflag:s22] =	dma.local [hbm:s5], s20  }
0x9e: {  	_ =	swait.ge [sflag:s22], s20  }
0x9f: {  	s4 =	ssub.s32 $0x0, s20;
	[sflag:s22] =	ssyncset.done $0x0  }
0xa0: {  	[sflag:s22] =	ssyncadd.s32 s4;
	_ =	sdelay $0x1  }
0xa1: {  	s23 =	simm.s32 $0x1B8B  }
0xa2: {  	_ =	swait.ge [sflag:s23], $0x1  }
0xa3: {  	[sflag:s23] =	ssyncset.done $0x0  }
0xa4: {  	s25 =	simm.s32 $0x1B8E;
	s24 =	sld [smem:$0x3FFE];
	[sflag:s23] =	ssyncadd.s32 $0xFFFFFFFF  }
0xa5: {  	s26 =	simm.s32 $execute0_lowered;
	[smem:$0x3FD2] =	sst s25  }
0xa6: {  	s5 =	sshll.u32 s26, $0x1;
	_ =	strace $0x80000049;
	[dreg:$0x1] =	wrdreg $0xFFFFFFFF  }
0xa7: {  	s28 =	simm.s32 $_size_execute0_lowered;
	s3 =	sadd.s32 s3, s5;
	[dreg:$0x0] =	wrdreg $0x0  }
0xa8: {  	s5 =	sshll.u32 s28, $0x1;
	[dreg:$0x2] =	wrdreg s3  }
0xa9: {  	[dreg:$0x3] =	wrdreg s5  }
0xaa: {  	[dreg:$0x4] =	wrdreg $0xC0  }
0xab: {  	_ =	task [dreg:s7], $0x5FFFF  }
0xac: {  	[dreg:$0x1] =	wrdreg $0xFFFFFFFF  }
0xad: {  	[dreg:$0x0] =	wrdreg $0x60  }
0xae: {  	[dreg:$0x2] =	wrdreg s24  }
0xaf: {  	[dreg:$0x3] =	wrdreg s2  }
0xb0: {  	[dreg:$0x4] =	wrdreg $0x9  }
0xb1: {  	_ =	task.clear_ibuf [dreg:s7], $0x5FFFF;
	_ =	strace $0x90000049  }
0xb2: {  	s29 =	simm.s32 $0x9;
	_ =	strace $0x8000004B  }
0xb3: {  	_ =	swait.ge [sflag:s29], $0x1  }
0xb4: {  	[sflag:s29] =	ssyncadd.s32 $0xFFFFFFFF  }
0xb5: {  	_ =	strace $0x9000004B  }
0xb6: {  	_ =	sfence  }
0xb7: {  	s30 =	sld [smem:$0x0];
	_ =	sdelay $0x2  }
0xb8: {  	s31 =	sshll.u32 s1, $0xD;
	s1 =	sshrl.u32 s1, $0x2  }
0xb9: {  	s3 =	sand.u32 $0x4000, s31;
	s1 =	sadd.s32 s1, s30  }
0xba: {  	s0 =	sor.u32 s3, s0;
	s1 =	sshll.u32 s1, $0x11  }
0xbb: {  	s0 =	sor.u32 s1, s0  }
0xbc: {  	s0 =	sadd.s32 $0x8F2B, s0  }
0xbd: {  	[sflag:s0] =	ssyncadd.remote.s32 $0x1  }
0xbe: {  	_ =	sfence.sel $0xFFFF  }
0xbf: {  	[dreg:$0x0] =	wrdreg $0xFFFFFFFF;
	(pc) =	sbr.abs _section_cstart, $3  }
0xc0: {  	[dreg:$0x1] =	wrdreg $0xFFFFFFFF  }
0xc1: {  	_ =	task.clear_ibuf [dreg:s7], $0x2FFFF;
	_ =	strace $0x9FFFFFFF  }
0xc2: {  	(tm) =	ssettm $0x7FFFFFFF  }
0xc3: {  	_ =	shalt  }
tec
execute0_lowered:
.L_overlay_start_1:
0x0: {  	(tag) =	ssettag $0x1  }
0x1: {  	s0 =	rddreg [dreg:$0x0]  }
0x2: {  	s1 =	rddreg [dreg:$0x1];
	s3 =	simm.s32 $0x0  }
0x3: {  	s2 =	srdreg.scid;
	s5 =	stileid.u32;
	s16 =	simm.s32 $0x200  }
0x4: {  	s17 =	simm.s32 $0x400;
	s18 =	simm.s32 $0x1;
	s19 =	simm.s32 $0x80  }
0x5: {  	s21 =	simm.s32 $0x3000;
	s31 =	simm.s32 $0x2;
	s11 =	simm.s32 $0xD800  }
0x6: {  	s14 =	simm.s32 $0x1700;
	s15 =	simm.s32 $0xE000;
	s20 =	simm.s32 $0x1780  }
0x7: {  	s22 =	simm.s32 $0xE800;
	s23 =	simm.s32 $0xF000;
	s24 =	simm.s32 $0x3  }
0x8: {  	[smem:$0x7FF] =	sst s3;
	s2 =	sand.u32 $0x1, s2;
	s4 =	sadd.s32 $0x22800, s0  }
0x9: {  	s6 =	sshll.u32 s5, $0xF;
	s5 =	sadd.s32 $0x12800, s0;
	s7 =	sshll.u32 s2, $0xE  }
0xa: {  	s8 =	sadd.s32 $0x32800, s0;
	s2 =	ssub.s32 $0x2, s2;
	s6 =	sor.u32 s7, s6  }
0xb: {  	_ =	strace $0x8000004A;
	s9 =	sshrl.u32 s2, $0x1;
	s10 =	sshrl.u32 s6, $0x3  }
0xc: {  	s7 =	sadd.s32 $0x2800, s0;
	s25 =	ssub.s32 s2, s9;
	s26 =	sadd.s32 s4, s10  }
0xd: {  	s12 =	sadd.s32 $0xFFFFFE00, s6;
	s28 =	sadd.s32 s5, s10;
	[dreg:$0x3] =	wrdreg s26  }
0xe: {  	v0 =	vlaneseq.u32;
	s13 =	sor.u32 $0x400, s6;
	s29 =	sadd.s32 s7, s10;
	[dreg:$0x4] =	wrdreg s28  }
0xf: {  	v0 =	vmul.u32 $0x10, v0;
	s30 =	sadd.s32 s10, s1;
	s0 =	smax.u32 s25, $0x1;
	[dreg:$0x5] =	wrdreg s29  }
0x10: {  	s9 =	simm.s32 $0x0;
	s2 =	sadd.s32 $0x7C0, s30;
	[dreg:$0x7] =	wrdreg s0  }
0x11: {  	v1 =	vor.u32 $0x4000, v0;
	v2 =	vor.u32 $0x2000, v0;
	s10 =	simm.s32 $0x1680;
	[dreg:$0x6] =	wrdreg s2;
	s2 =	simm.s32 $0x9000  }
.LBB2_1:
0x12: {  	[dreg:$0x8] =	wrdreg s9  }
0x13: {  	s0 =	rddreg [dreg:$0x3]  }
0x14: {  	[tilespmem:s3], [sflag:$0x1] =	stream.linear.gather [hbm4b:s0+s3], $0x200, $0x38;
	[tilespmem:$0xF200] =	vst v63  }
0x15: {  	s29 =	rddreg [dreg:$0x4]  }
0x16: {  	[tilespmem:s16], [sflag:$0x1] =	stream.linear.gather [hbm4b:s29+s3], $0x200, $0x38;
	[tilespmem:$0xF200] =	vst v63  }
0x17: {  	s30 =	rddreg [dreg:$0x5];
	s25 =	simm.s32 $0x0  }
0x18: {  	[tilespmem:s17], [sflag:$0x1] =	stream.linear.gather [hbm4b:s30+s3], $0x200, $0x38;
	[tilespmem:$0xF200] =	vst v63  }
.LBB2_2:
0x19: {  	_ =	swait.ge [sflag:s18], $0x200  }
0x1a: {  	[sflag:s18] =	ssyncset.done $0x0  }
0x1b: {  	[sflag:s18] =	ssyncadd.s32 $0xFFFFFE00  }
0x1c: {  	_ =	swait.ge [sflag:s18], $0x200  }
0x1d: {  	[sflag:s18] =	ssyncset.done $0x0  }
0x1e: {  	[sflag:s18] =	ssyncadd.s32 $0xFFFFFE00  }
0x1f: {  	_ =	swait.ge [sflag:s18], $0x200  }
0x20: {  	[sflag:s18] =	ssyncset.done $0x0  }
0x21: {  	s26 =	simm.s32 $0x0;
	[sflag:s18] =	ssyncadd.s32 $0xFFFFFE00  }
0x22: {  	v6 =	vld [tilespmem:s26+$0x400]  }
0x23: {  	v7 =	vld [tilespmem:s26+$0x0]  }
0x24: {  	v8 =	vld [tilespmem:s26+$0x200];
	_ =	sdelay $0x2  }
0x25: {  	v3 =	vtrunc.f32 v6  }
0x26: {  	v4 =	vtrunc.f32 v7;
	v3 =	vcvt.f32.s32 v3  }
0x27: {  	v5 =	vtrunc.f32 v8;
	v4 =	vcvt.f32.s32 v4  }
0x28: {  	v5 =	vcvt.f32.s32 v5;
	vm0 =	vgt.s32 v3, $0x0  }
0x29: {  	s0 =	simm.s32 $0x10;
	vm1 =	vgt.s32 v4, $0x0;
	v9 =	vnsel vm0, $0x0, v3  }
0x2a: {  	v3 =	vld [tilespmem:s0+$0x400];
	v10 =	vnsel vm1, $0x0, v4;
	vm0 =	vgt.s32 v5, $0x0;
	v9 =	vmin.u32 v9, $0x1FE  }
0x2b: {  	v4 =	vld [tilespmem:s0+$0x0];
	v11 =	vmin.u32 v10, $0x1FE;
	v5 =	vnsel vm0, $0x0, v5;
	v10 =	vcvt.s32.f32 v9  }
0x2c: {  	v12 =	vmin.u32 v5, $0x1FE;
	v13 =	vcvt.s32.f32 v11;
	v5 =	vld [tilespmem:s0+$0x200]  }
0x2d: {  	v14 =	vshll.u32 v9, $0x9;
	v9 =	vcvt.s32.f32 v12;
	v15 =	vsub.f32 v6, v10  }
0x2e: {  	v6 =	vor.u32 v14, v11;
	v13 =	vsub.f32 v7, v13;
	v7 =	vshll.u32 v12, $0x9  }
0x2f: {  	v12 =	vor.u32 v14, v12;
	v10 =	vtrunc.f32 v3;
	v9 =	vsub.f32 v8, v9;
	[tilespmem:s26+$0x2200] =	vst v15  }
0x30: {  	v14 =	vtrunc.f32 v4;
	v8 =	vor.u32 $0x40000, v6;
	v16 =	vcvt.f32.s32 v10;
	[tilespmem:s26+$0x1800] =	vst v13  }
0x31: {  	v6 =	vor.u32 $0x80000, v12;
	v10 =	vcvt.f32.s32 v14;
	[tilespmem:s26+$0x1C00] =	vst v13;
	v12 =	vtrunc.f32 v5  }
0x32: {  	v7 =	vor.u32 v11, v7;
	[tilespmem:s26+$0x1E00] =	vst v15;
	vm1 =	vgt.s32 v16, $0x0;
	v11 =	vcvt.f32.s32 v12  }
0x33: {  	s28 =	simm.s32 $0x20;
	s29 =	simm.s32 $0xC0;
	[tilespmem:s26+$0x1A00] =	vst v9;
	vm0 =	vgt.s32 v10, $0x0;
	v12 =	vnsel vm1, $0x0, v16  }
.LBB2_3:
0x34: {  	p0 =	sne.s32 s29, $0x7C0;
	v13 =	vld [tilespmem:s28+$0x400];
	v10 =	vnsel vm0, $0x0, v10;
	vm0 =	vgt.s32 v11, $0x0;
	v12 =	vmin.u32 v12, $0x1FE;
	[tilespmem:s26+$0x2000] =	vst v9  }
0x35: {  	v14 =	vld [tilespmem:s28+$0x0];
	v15 =	vmin.u32 v10, $0x1FE;
	v9 =	vnsel vm0, $0x0, v11;
	v10 =	vcvt.s32.f32 v12;
	[tilespmem:s26+$0xE00] =	vst v8  }
0x36: {  	v12 =	vshll.u32 v12, $0x9;
	v11 =	vld [tilespmem:s28+$0x200];
	v8 =	vmin.u32 v9, $0x1FE;
	v9 =	vcvt.s32.f32 v15;
	[tilespmem:s26+$0x1000] =	vst v6  }
0x37: {  	v18 =	vor.u32 v12, v15;
	v6 =	vcvt.s32.f32 v8;
	v16 =	vsub.f32 v3, v10;
	[tilespmem:s26+$0xC00] =	vst v7;
	s26 =	smov.u32 s0;
	s0 =	smov.u32 s28  }
0x38: {  	v7 =	vshll.u32 v8, $0x9;
	v19 =	vor.u32 v12, v8;
	v17 =	vsub.f32 v4, v9  }
.Ltmp0:
0x39: {  	v8 =	vor.u32 $0x40000, v18;
	v10 =	vtrunc.f32 v13;
	v9 =	vsub.f32 v5, v6;
	[tilespmem:s26+$0x2200] =	vst v16;
	v3 =	vmovc v13;
	(pc) =	sbr.rel @p0 .LBB2_3-.Ltmp0, $4  }
0x3a: {  	v6 =	vor.u32 $0x80000, v19;
	v18 =	vtrunc.f32 v14;
	v12 =	vcvt.f32.s32 v10;
	[tilespmem:s26+$0x1800] =	vst v17;
	v4 =	vmovc v14  }
0x3b: {  	v7 =	vor.u32 v15, v7;
	v10 =	vcvt.f32.s32 v18;
	v13 =	vtrunc.f32 v11;
	[tilespmem:s26+$0x1A00] =	vst v9;
	v5 =	vmovc v11  }
0x3c: {  	v11 =	vcvt.f32.s32 v13;
	vm1 =	vgt.s32 v12, $0x0;
	[tilespmem:s26+$0x1C00] =	vst v17  }
0x3d: {  	s28 =	sshra.s32 s29, $0x2;
	s29 =	sadd.s32 $0x40, s29;
	vm0 =	vgt.s32 v10, $0x0;
	v12 =	vnsel vm1, $0x0, v12;
	[tilespmem:s26+$0x1E00] =	vst v16  }
0x3e: {  	v13 =	vld [tilespmem:s28+$0x400]  }
0x3f: {  	v10 =	vnsel vm0, $0x0, v10  }
0x40: {  	[tilespmem:s26+$0x2000] =	vst v9;
	vm12 =	vgt.s32 v11, $0x0;
	v12 =	vmin.u32 v12, $0x1FE;
	v47 =	vmin.u32 v10, $0x1FE  }
0x41: {  	v9 =	vld [tilespmem:s28+$0x0];
	[tilespmem:s26+$0xE00] =	vst v8;
	v48 =	vnsel vm12, $0x0, v11;
	v49 =	vcvt.s32.f32 v12;
	v12 =	vshll.u32 v12, $0x9  }
0x42: {  	v14 =	vld [tilespmem:s28+$0x200];
	v10 =	vmin.u32 v48, $0x1FE;
	v15 =	vcvt.s32.f32 v47;
	[tilespmem:s26+$0x1000] =	vst v6;
	v51 =	vor.u32 v12, v47  }
0x43: {  	[tilespmem:s26+$0xC00] =	vst v7;
	v3 =	vsub.f32 v3, v49;
	v55 =	vor.u32 $0x40000, v51;
	v52 =	vtrunc.f32 v13  }
0x44: {  	v50 =	vcvt.s32.f32 v10;
	[tilespmem:s0+$0xE00] =	vst v55;
	v7 =	vcvt.f32.s32 v52  }
0x45: {  	v12 =	vor.u32 v12, v10;
	v10 =	vshll.u32 v10, $0x9;
	v4 =	vsub.f32 v4, v15;
	[tilespmem:s0+$0x2200] =	vst v3  }
0x46: {  	v58 =	vor.u32 $0x80000, v12;
	v8 =	vor.u32 v47, v10;
	[tilespmem:s0+$0x1E00] =	vst v3;
	vm13 =	vgt.s32 v7, $0x0  }
0x47: {  	[tilespmem:s0+$0x1000] =	vst v58;
	v53 =	vtrunc.f32 v9;
	v54 =	vtrunc.f32 v14;
	v7 =	vnsel vm13, $0x0, v7  }
0x48: {  	[tilespmem:s0+$0xC00] =	vst v8;
	v6 =	vcvt.f32.s32 v53;
	v15 =	vcvt.f32.s32 v54;
	v56 =	vmin.u32 v7, $0x1FE  }
0x49: {  	v5 =	vsub.f32 v5, v50;
	[tilespmem:s0+$0x1800] =	vst v4;
	v7 =	vcvt.s32.f32 v56  }
0x4a: {  	[tilespmem:s0+$0x1C00] =	vst v4;
	vm14 =	vgt.s32 v6, $0x0;
	vm15 =	vgt.s32 v15, $0x0  }
0x4b: {  	[tilespmem:s0+$0x1A00] =	vst v5;
	v3 =	vnsel vm14, $0x0, v6;
	v57 =	vnsel vm15, $0x0, v15;
	v7 =	vsub.f32 v13, v7  }
0x4c: {  	[tilespmem:s0+$0x2000] =	vst v5;
	v3 =	vmin.u32 v3, $0x1FE;
	v6 =	vshll.u32 v56, $0x9;
	v59 =	vmin.u32 v57, $0x1FE  }
0x4d: {  	v60 =	vcvt.s32.f32 v3;
	v63 =	vor.u32 v6, v3;
	v6 =	vor.u32 v6, v59;
	[tilespmem:s28+$0x2200] =	vst v7  }
0x4e: {  	v4 =	vshll.u32 v59, $0x9;
	v6 =	vor.u32 $0x80000, v6;
	[tilespmem:s28+$0x1E00] =	vst v7  }
0x4f: {  	v61 =	vcvt.s32.f32 v59;
	v5 =	vsub.f32 v9, v60;
	v3 =	vor.u32 v3, v4;
	[tilespmem:s28+$0x1000] =	vst v6  }
0x50: {  	[tilespmem:s28+$0xC00] =	vst v3  }
0x51: {  	v62 =	vsub.f32 v14, v61;
	[tilespmem:s28+$0x1800] =	vst v5  }
0x52: {  	[tilespmem:s28+$0x1C00] =	vst v5  }
0x53: {  	[tilespmem:s28+$0x1A00] =	vst v62  }
0x54: {  	p0 =	seq.s32 s25, $0x0;
	v5 =	vor.u32 $0x40000, v63;
	[tilespmem:s28+$0x2000] =	vst v62  }
0x55: {  	s0 =	simm.s32 @!p0 $0x2;
	[tilespmem:s28+$0xE00] =	vst v5  }
0x56: {  	_ =	swait.ge @!p0 [sflag:s0], $0x800  }
0x57: {  	[sflag:s0] =	ssyncset.done @!p0 $0x0  }
0x58: {  	[sflag:s0] =	ssyncadd.s32 @!p0 $0xFFFFF800  }
0x59: {  	_ =	swait.ge @!p0 [sflag:s0], $0x800  }
0x5a: {  	[sflag:s0] =	ssyncset.done @!p0 $0x0  }
0x5b: {  	[sflag:s0] =	ssyncadd.s32 @!p0 $0xFFFFF800  }
0x5c: {  	_ =	swait.ge @!p0 [sflag:s0], $0x800  }
0x5d: {  	[sflag:s0] =	ssyncset.done @!p0 $0x0  }
0x5e: {  	[sflag:s0] =	ssyncadd.s32 @!p0 $0xFFFFF800  }
0x5f: {  	_ =	swait.ge @!p0 [sflag:s0], $0x800  }
0x60: {  	[sflag:s0] =	ssyncset.done @!p0 $0x0  }
0x61: {  	[sflag:s0] =	ssyncadd.s32 @!p0 $0xFFFFF800  }
0x62: {  	_ =	swait.ge @!p0 [sflag:s0], $0x800  }
0x63: {  	[sflag:s0] =	ssyncset.done @!p0 $0x0  }
0x64: {  	[sflag:s0] =	ssyncadd.s32 @!p0 $0xFFFFF800  }
0x65: {  	_ =	swait.ge @!p0 [sflag:s0], $0x800  }
0x66: {  	[sflag:s0] =	ssyncset.done @!p0 $0x0  }
0x67: {  	[sflag:s0] =	ssyncadd.s32 @!p0 $0xFFFFF800  }
0x68: {  	_ =	swait.ge @!p0 [sflag:s0], $0x800  }
0x69: {  	[sflag:s0] =	ssyncset.done @!p0 $0x0  }
0x6a: {  	[sflag:s0] =	ssyncadd.s32 @!p0 $0xFFFFF800  }
0x6b: {  	_ =	swait.ge @!p0 [sflag:s0], $0x800  }
0x6c: {  	[sflag:s0] =	ssyncset.done @!p0 $0x0  }
0x6d: {  	[sflag:s0] =	ssyncadd.s32 @!p0 $0xFFFFF800  }
0x6e: {  	_ =	swait.ge @!p0 [sflag:s0], $0x800  }
0x6f: {  	[sflag:s0] =	ssyncset.done @!p0 $0x0  }
0x70: {  	[sflag:s0] =	ssyncadd.s32 @!p0 $0xFFFFF800  }
0x71: {  	_ =	swait.ge @!p0 [sflag:s0], $0x800  }
0x72: {  	[sflag:s0] =	ssyncset.done @!p0 $0x0  }
0x73: {  	[sflag:s0] =	ssyncadd.s32 @!p0 $0xFFFFF800  }
0x74: {  	_ =	swait.ge @!p0 [sflag:s0], $0x800  }
0x75: {  	[sflag:s0] =	ssyncset.done @!p0 $0x0  }
0x76: {  	[sflag:s0] =	ssyncadd.s32 @!p0 $0xFFFFF800  }
0x77: {  	_ =	swait.ge @!p0 [sflag:s0], $0x800  }
0x78: {  	[sflag:s0] =	ssyncset.done @!p0 $0x0  }
0x79: {  	s9 =	simm.s32 $0xC00;
	[sflag:s0] =	ssyncadd.s32 @!p0 $0xFFFFF800  }
0x7a: {  	[tilespmem:s21], [sflag:$0x2] =	stream.indirect.gather [hbm4b:s8+s19], $0x10, s9, s19, $0xb8;
	[tilespmem:$0xF200] =	vst v63  }
0x7b: {  	s26 =	simm.s32 $0xC80;
	s9 =	simm.s32 $0x3800  }
0x7c: {  	[tilespmem:s9], [sflag:$0x2] =	stream.indirect.gather [hbm4b:s8+s19], $0x10, s26, s19, $0xb8;
	[tilespmem:$0xF200] =	vst v63  }
0x7d: {  	s29 =	simm.s32 $0xD00;
	s30 =	simm.s32 $0x4000  }
0x7e: {  	[tilespmem:s30], [sflag:$0x2] =	stream.indirect.gather [hbm4b:s8+s19], $0x10, s29, s19, $0xb8;
	[tilespmem:$0xF200] =	vst v63  }
0x7f: {  	s9 =	simm.s32 $0xD80;
	s26 =	simm.s32 $0x4800  }
0x80: {  	[tilespmem:s26], [sflag:$0x2] =	stream.indirect.gather [hbm4b:s8+s19], $0x10, s9, s19, $0xb8;
	[tilespmem:$0xF200] =	vst v63  }
0x81: {  	s29 =	simm.s32 $0xE00;
	s30 =	simm.s32 $0x5000  }
0x82: {  	[tilespmem:s30], [sflag:$0x2] =	stream.indirect.gather [hbm4b:s8+s19], $0x10, s29, s19, $0xb8;
	[tilespmem:$0xF200] =	vst v63  }
0x83: {  	s9 =	simm.s32 $0xE80;
	s26 =	simm.s32 $0x5800  }
0x84: {  	[tilespmem:s26], [sflag:$0x2] =	stream.indirect.gather [hbm4b:s8+s19], $0x10, s9, s19, $0xb8;
	[tilespmem:$0xF200] =	vst v63  }
0x85: {  	s29 =	simm.s32 $0xF00;
	s30 =	simm.s32 $0x6000  }
0x86: {  	[tilespmem:s30], [sflag:$0x2] =	stream.indirect.gather [hbm4b:s8+s19], $0x10, s29, s19, $0xb8;
	[tilespmem:$0xF200] =	vst v63  }
0x87: {  	s9 =	simm.s32 $0xF80;
	s26 =	simm.s32 $0x6800  }
0x88: {  	[tilespmem:s26], [sflag:$0x2] =	stream.indirect.gather [hbm4b:s8+s19], $0x10, s9, s19, $0xb8;
	[tilespmem:$0xF200] =	vst v63  }
0x89: {  	s29 =	simm.s32 $0x1000;
	s30 =	simm.s32 $0x7000  }
0x8a: {  	[tilespmem:s30], [sflag:$0x2] =	stream.indirect.gather [hbm4b:s8+s19], $0x10, s29, s19, $0xb8;
	[tilespmem:$0xF200] =	vst v63  }
0x8b: {  	s9 =	simm.s32 $0x1080;
	s26 =	simm.s32 $0x7800  }
0x8c: {  	[tilespmem:s26], [sflag:$0x2] =	stream.indirect.gather [hbm4b:s8+s19], $0x10, s9, s19, $0xb8;
	[tilespmem:$0xF200] =	vst v63  }
0x8d: {  	s28 =	sshll.u32 s25, $0xA;
	s29 =	simm.s32 $0x1100;
	s30 =	simm.s32 $0x8000  }
0x8e: {  	[tilespmem:s30], [sflag:$0x2] =	stream.indirect.gather [hbm4b:s8+s19], $0x10, s29, s19, $0xb8;
	[tilespmem:$0xF200] =	vst v63  }
0x8f: {  	s9 =	simm.s32 $0x1180;
	s26 =	simm.s32 $0x8800;
	s29 =	sor.u32 s28, s6  }
0x90: {  	[tilespmem:s26], [sflag:$0x2] =	stream.indirect.gather [hbm4b:s8+s19], $0x10, s9, s19, $0xb8;
	[tilespmem:$0xF200] =	vst v63  }
0x91: {  	s26 =	sshrl.u32 s29, $0x3  }
0x92: {  	s9 =	sor.u32 $0x40, s26  }
0x93: {  	s0 =	simm.s32 $0x0;
	s30 =	simm.s32 $0x600;
	s29 =	sadd.s32 s4, s9  }
0x94: {  	[tilespmem:s30], [sflag:$0x1] =	stream.linear.gather [hbm4b:s29+s0], $0x200, $0x38;
	[tilespmem:$0xF200] =	vst v63  }
.Ltmp1:
0x95: {  	_ = 	snop;
	(pc) =	sbr.rel @p0 .LBB2_8-.Ltmp1, $4  }
0x96: {  	s29 =	sadd.s32 s5, s9;
	s30 =	simm.s32 $0x800  }
0x97: {  	[tilespmem:s30], [sflag:$0x1] =	stream.linear.gather [hbm4b:s29+s0], $0x200, $0x38;
	[tilespmem:$0xF200] =	vst v63  }
0x98: {  	s9 =	sadd.s32 s7, s9;
	s30 =	simm.s32 $0xA00  }
0x99: {  	[tilespmem:s30], [sflag:$0x1] =	stream.linear.gather [hbm4b:s9+s0], $0x200, $0x38;
	[tilespmem:$0xF200] =	vst v63  }
0x9a: {  	v3 =	vmov s0  }
0x9b: {  	v3 =	vshll.u32 v3, $0x4  }
0x9c: {  	s9 =	simm.s32 $0x2800;
	v4 =	vor.u32 v1, v3  }
0x9d: {  	v26 =	vld [tilespmem:s9+$0x400];
	v20 =	vor.u32 v0, v3  }
0x9e: {  	v48 =	vld [tilespmem:s9+$0xFFFFFC00];
	v25 =	vor.u32 v2, v3  }
0x9f: {  	v52 =	vld [tilespmem:s9+$0xFFFFFE00];
	v5 =	vor.u32 $0x4, v4  }
0xa0: {  	v60 =	vld [tilespmem:s9+$0x0];
	v6 =	vor.u32 $0x8, v4  }
0xa1: {  	v7 =	vor.u32 $0xC, v4;
	v9 =	vld.idx.msk [tilespmem:v4+s2+$0x0], $0xffff  }
0xa2: {  	v8 =	vor.u32 $0x1, v4;
	v24 =	vld.idx.msk [tilespmem:v20+s2+$0x0], $0xffff  }
0xa3: {  	v10 =	vor.u32 $0x5, v4;
	v34 =	vld.idx.msk [tilespmem:v25+s2+$0x0], $0xffff  }
0xa4: {  	v11 =	vor.u32 $0x9, v4;
	v5 =	vld.idx.msk [tilespmem:v5+s2+$0x0], $0xffff  }
0xa5: {  	v12 =	vor.u32 $0xD, v4;
	v6 =	vld.idx.msk [tilespmem:v6+s2+$0x0], $0xffff  }
0xa6: {  	v13 =	vor.u32 $0x2, v4;
	v7 =	vld.idx.msk [tilespmem:v7+s2+$0x0], $0xffff  }
0xa7: {  	v14 =	vor.u32 $0x6, v4;
	v8 =	vld.idx.msk [tilespmem:v8+s2+$0x0], $0xffff  }
0xa8: {  	v15 =	vor.u32 $0xA, v4;
	v10 =	vld.idx.msk [tilespmem:v10+s2+$0x0], $0xffff  }
0xa9: {  	v16 =	vor.u32 $0xE, v4;
	v11 =	vld.idx.msk [tilespmem:v11+s2+$0x0], $0xffff  }
0xaa: {  	v17 =	vor.u32 $0x3, v4;
	v12 =	vld.idx.msk [tilespmem:v12+s2+$0x0], $0xffff  }
0xab: {  	v18 =	vor.u32 $0x7, v4;
	v13 =	vld.idx.msk [tilespmem:v13+s2+$0x0], $0xffff  }
0xac: {  	v19 =	vor.u32 $0xB, v4;
	v14 =	vld.idx.msk [tilespmem:v14+s2+$0x0], $0xffff  }
0xad: {  	v21 =	vor.u32 $0x4, v20;
	v15 =	vld.idx.msk [tilespmem:v15+s2+$0x0], $0xffff  }
0xae: {  	v22 =	vor.u32 $0x8, v20;
	v23 =	vor.u32 $0xC, v20;
	v3 =	vor.u32 $0x4, v25;
	v16 =	vld.idx.msk [tilespmem:v16+s2+$0x0], $0xffff  }
0xaf: {  	v27 =	vor.u32 $0x8, v25;
	v28 =	vor.u32 $0xC, v25;
	v29 =	vor.u32 $0x1, v20;
	v17 =	vld.idx.msk [tilespmem:v17+s2+$0x0], $0xffff  }
0xb0: {  	v30 =	vor.u32 $0x5, v20;
	v31 =	vor.u32 $0x9, v20;
	v32 =	vor.u32 $0xD, v20;
	v18 =	vld.idx.msk [tilespmem:v18+s2+$0x0], $0xffff  }
0xb1: {  	v33 =	vor.u32 $0x2, v20;
	v35 =	vor.u32 $0x6, v20;
	v36 =	vor.u32 $0xA, v20;
	v19 =	vld.idx.msk [tilespmem:v19+s2+$0x0], $0xffff  }
0xb2: {  	v37 =	vor.u32 $0xE, v20;
	v39 =	vor.u32 $0x3, v20;
	v41 =	vor.u32 $0x7, v20;
	v21 =	vld.idx.msk [tilespmem:v21+s2+$0x0], $0xffff  }
0xb3: {  	v42 =	vor.u32 $0xB, v20;
	v43 =	vor.u32 $0x1, v25;
	v40 =	vsub.f32 $1.000000000e+00, v26;
	v23 =	vld.idx.msk [tilespmem:v23+s2+$0x0], $0xffff  }
0xb4: {  	v44 =	vor.u32 $0x5, v25;
	v45 =	vor.u32 $0x9, v25;
	v46 =	vor.u32 $0xD, v25;
	v38 =	vld.idx.msk [tilespmem:v3+s2+$0x0], $0xffff  }
0xb5: {  	v47 =	vor.u32 $0x2, v25;
	v63 =	vor.u32 $0xA, v25;
	v3 =	vld [tilespmem:s9+$0x600];
	v9 =	vmul.f32 v9, v40  }
0xb6: {  	v4 =	vor.u32 $0xF, v4;
	v28 =	vld.idx.msk [tilespmem:v28+s2+$0x0], $0xffff;
	v5 =	vmul.f32 v5, v26;
	v6 =	vmul.f32 v6, v40  }
0xb7: {  	v54 =	vor.u32 $0xE, v25;
	v30 =	vld.idx.msk [tilespmem:v30+s2+$0x0], $0xffff;
	v7 =	vmul.f32 v7, v26;
	v8 =	vmul.f32 v8, v40  }
0xb8: {  	v56 =	vor.u32 $0x3, v25;
	v32 =	vld.idx.msk [tilespmem:v32+s2+$0x0], $0xffff;
	v10 =	vmul.f32 v10, v26;
	v11 =	vmul.f32 v11, v40  }
0xb9: {  	v57 =	vor.u32 $0x7, v25;
	v22 =	vld.idx.msk [tilespmem:v22+s2+$0x0], $0xffff;
	v12 =	vmul.f32 v12, v26;
	v13 =	vmul.f32 v13, v40  }
0xba: {  	v59 =	vor.u32 $0xB, v25;
	v27 =	vld.idx.msk [tilespmem:v27+s2+$0x0], $0xffff;
	v14 =	vmul.f32 v14, v26;
	v15 =	vmul.f32 v15, v40  }
0xbb: {  	v50 =	vsub.f32 $1.000000000e+00, v52;
	v4 =	vld.idx.msk [tilespmem:v4+s2+$0x0], $0xffff;
	v16 =	vmul.f32 v16, v26;
	v21 =	vmul.f32 v21, v48  }
0xbc: {  	v20 =	vor.u32 $0xF, v20;
	v29 =	vld.idx.msk [tilespmem:v29+s2+$0x0], $0xffff;
	v23 =	vmul.f32 v23, v48;
	v30 =	vmul.f32 v30, v48  }
0xbd: {  	v31 =	vld.idx.msk [tilespmem:v31+s2+$0x0], $0xffff;
	v49 =	vsub.f32 $1.000000000e+00, v3;
	v32 =	vmul.f32 v32, v48;
	v28 =	vmul.f32 v28, v60  }
0xbe: {  	v53 =	vld.idx.msk [tilespmem:v41+s2+$0x0], $0xffff;
	v5 =	vadd.f32 v5, v9;
	v9 =	vmul.f32 v17, v40;
	v17 =	vmul.f32 v18, v26  }
0xbf: {  	v55 =	vld.idx.msk [tilespmem:v42+s2+$0x0], $0xffff;
	v6 =	vadd.f32 v7, v6;
	v7 =	vadd.f32 v10, v8;
	v8 =	vmul.f32 v19, v40  }
0xc0: {  	v18 =	vld.idx.msk [tilespmem:v33+s2+$0x0], $0xffff;
	v11 =	vadd.f32 v12, v11;
	v12 =	vadd.f32 v14, v13;
	v4 =	vmul.f32 v4, v26  }
0xc1: {  	v10 =	vld.idx.msk [tilespmem:v35+s2+$0x0], $0xffff;
	v14 =	vadd.f32 v16, v15;
	v5 =	vmul.f32 v5, v49;
	v6 =	vmul.f32 v6, v3  }
0xc2: {  	v13 =	vld.idx.msk [tilespmem:v36+s2+$0x0], $0xffff;
	v16 =	vsub.f32 $1.000000000e+00, v48;
	v7 =	vmul.f32 v7, v49;
	v11 =	vmul.f32 v11, v3  }
0xc3: {  	v15 =	vld.idx.msk [tilespmem:v37+s2+$0x0], $0xffff;
	v19 =	vor.u32 $0x6, v25;
	v12 =	vmul.f32 v12, v49;
	v14 =	vmul.f32 v14, v3  }
0xc4: {  	v44 =	vld.idx.msk [tilespmem:v44+s2+$0x0], $0xffff;
	v25 =	vor.u32 $0xF, v25;
	v22 =	vmul.f32 v22, v16;
	v29 =	vmul.f32 v29, v16  }
0xc5: {  	v26 =	vld.idx.msk [tilespmem:v39+s2+$0x0], $0xffff;
	v24 =	vmul.f32 v24, v16;
	v31 =	vmul.f32 v31, v16;
	v9 =	vadd.f32 v17, v9  }
0xc6: {  	v22 =	vadd.f32 v23, v22;
	v23 =	vadd.f32 v30, v29;
	v30 =	vld.idx.msk [tilespmem:v46+s2+$0x0], $0xffff;
	v46 =	vmul.f32 v38, v60  }
0xc7: {  	v20 =	vld.idx.msk [tilespmem:v20+s2+$0x0], $0xffff;
	v21 =	vadd.f32 v21, v24;
	v18 =	vmul.f32 v18, v16;
	v10 =	vmul.f32 v10, v48  }
0xc8: {  	v17 =	vld.idx.msk [tilespmem:v57+s2+$0x0], $0xffff;
	v29 =	vadd.f32 v32, v31;
	v13 =	vmul.f32 v13, v16;
	v15 =	vmul.f32 v15, v48  }
0xc9: {  	v58 =	vld.idx.msk [tilespmem:v43+s2+$0x0], $0xffff;
	v4 =	vadd.f32 v4, v8;
	v21 =	vmul.f32 v21, v50;
	v22 =	vmul.f32 v22, v52  }
0xca: {  	v31 =	vld.idx.msk [tilespmem:v54+s2+$0x0], $0xffff;
	v5 =	vadd.f32 v6, v5;
	v23 =	vmul.f32 v23, v50;
	v24 =	vmul.f32 v26, v16  }
0xcb: {  	v7 =	vadd.f32 v11, v7;
	v6 =	vld.idx.msk [tilespmem:v25+s2+$0x0], $0xffff;
	v26 =	vmul.f32 v53, v48;
	v16 =	vmul.f32 v55, v16  }
0xcc: {  	v45 =	vld.idx.msk [tilespmem:v45+s2+$0x0], $0xffff;
	v10 =	vadd.f32 v10, v18;
	v18 =	vmul.f32 v20, v48;
	v13 =	vadd.f32 v15, v13  }
0xcd: {  	v8 =	vld.idx.msk [tilespmem:v59+s2+$0x0], $0xffff;
	v48 =	vmul.f32 v44, v60;
	v17 =	vmul.f32 v17, v60;
	v11 =	vadd.f32 v22, v21  }
0xce: {  	v16 =	vadd.f32 v18, v16;
	v18 =	vld.idx.msk [tilespmem:v19+s2+$0x0], $0xffff;
	v19 =	vmul.f32 v29, v52;
	v10 =	vmul.f32 v10, v50  }
0xcf: {  	v20 =	vld [tilespmem:s9+$0x200];
	v15 =	vadd.f32 v26, v24;
	v13 =	vmul.f32 v13, v52;
	v25 =	vmul.f32 v30, v60  }
0xd0: {  	v24 =	vld.idx.msk [tilespmem:v47+s2+$0x0], $0xffff;
	v26 =	vsub.f32 $1.000000000e+00, v60;
	v22 =	vmul.f32 v31, v60;
	v6 =	vmul.f32 v6, v60  }
0xd1: {  	v29 =	vld.idx.msk [tilespmem:v63+s2+$0x0], $0xffff;
	v15 =	vmul.f32 v15, v50;
	v16 =	vmul.f32 v16, v52  }
0xd2: {  	v63 =	vld.idx.msk [tilespmem:v56+s2+$0x0], $0xffff;
	v62 =	vmul.f32 v34, v26;
	v27 =	vmul.f32 v27, v26  }
0xd3: {  	v47 =	vmul.f32 v58, v26;
	v50 =	vmul.f32 v45, v26;
	v19 =	vadd.f32 v19, v23  }
0xd4: {  	v8 =	vmul.f32 v8, v26;
	v61 =	vsub.f32 $1.000000000e+00, v20;
	v27 =	vadd.f32 v28, v27  }
0xd5: {  	v28 =	vadd.f32 v48, v47;
	v25 =	vadd.f32 v25, v50;
	v24 =	vmul.f32 v24, v26  }
0xd6: {  	v6 =	vadd.f32 v6, v8;
	v18 =	vmul.f32 v18, v60;
	v21 =	vmul.f32 v29, v26  }
0xd7: {  	v23 =	vmul.f32 v63, v26;
	v29 =	vadd.f32 v46, v62;
	v25 =	vmul.f32 v25, v20  }
0xd8: {  	v6 =	vmul.f32 v6, v20;
	v18 =	vadd.f32 v18, v24;
	v21 =	vadd.f32 v22, v21  }
0xd9: {  	v22 =	vmul.f32 v29, v61;
	v24 =	vmul.f32 v27, v20;
	v17 =	vadd.f32 v17, v23  }
0xda: {  	v8 =	vadd.f32 v13, v10;
	v23 =	vmul.f32 v28, v61;
	v10 =	vmul.f32 v18, v61  }
0xdb: {  	v15 =	vadd.f32 v16, v15;
	v13 =	vmul.f32 v21, v20;
	v16 =	vmul.f32 v17, v61  }
0xdc: {  	v9 =	vmul.f32 v9, v49;
	v17 =	vadd.f32 v24, v22;
	v18 =	vadd.f32 v25, v23  }
0xdd: {  	v3 =	vmul.f32 v4, v3;
	v10 =	vadd.f32 v13, v10;
	v6 =	vadd.f32 v6, v16  }
0xde: {  	v12 =	vadd.f32 v14, v12;
	v4 =	vmul.f32 v17, v11;
	v11 =	vmul.f32 v18, v19  }
0xdf: {  	v3 =	vadd.f32 v3, v9;
	v8 =	vmul.f32 v10, v8;
	v6 =	vmul.f32 v6, v15  }
0xe0: {  	v4 =	vmul.f32 v5, v4;
	v5 =	vmul.f32 v7, v11  }
0xe1: {  	v7 =	vmul.f32 v12, v8;
	v3 =	vmul.f32 v3, v6;
	_ =	sdelay $0x1  }
0xe2: {  	s9 =	simm.s32 $0x10;
	v4 =	vadd.f32 v5, v4;
	v3 =	vadd.f32 v3, v7  }
0xe3: {  	v5 =	vmov s9  }
0xe4: {  	v5 =	vshll.u32 v5, $0x4;
	v3 =	vadd.f32 v3, v4  }
0xe5: {  	v4 =	vor.u32 v1, v5  }
0xe6: {  	v6 =	vor.u32 $0x4, v4;
	v3 =	vmul.f32 $2.500000000e-01, v3  }
0xe7: {  	v7 =	vor.u32 $0x8, v4  }
0xe8: {  	s29 =	simm.s32 $0xF000;
	v8 =	vor.u32 $0xC, v4;
	v3 =	vmax.f32 v3, $0.0e+00  }
0xe9: {  	v9 =	vor.u32 $0x1, v4;
	[tilespmem:s29+$0x0] =	vst v3  }
0xea: {  	v14 =	vor.u32 $0x6, v4;
	v10 =	vld.idx.msk [tilespmem:v4+s2+$0x0], $0xffff  }
0xeb: {  	v19 =	vor.u32 $0xB, v4;
	v11 =	vld.idx.msk [tilespmem:v6+s2+$0x0], $0xffff  }
0xec: {  	v3 =	vor.u32 $0x5, v4;
	v12 =	vld.idx.msk [tilespmem:v7+s2+$0x0], $0xffff  }
0xed: {  	v6 =	vor.u32 $0x9, v4;
	v13 =	vld.idx.msk [tilespmem:v8+s2+$0x0], $0xffff  }
0xee: {  	v7 =	vor.u32 $0xD, v4;
	v9 =	vld.idx.msk [tilespmem:v9+s2+$0x0], $0xffff  }
0xef: {  	v8 =	vor.u32 $0x2, v4;
	v14 =	vld.idx.msk [tilespmem:v14+s2+$0x0], $0xffff  }
0xf0: {  	v25 =	vld.idx.msk [tilespmem:v19+s2+$0x0], $0xffff  }
0xf1: {  	v15 =	vld.idx.msk [tilespmem:v3+s2+$0x0], $0xffff;
	v3 =	vor.u32 $0xA, v4  }
0xf2: {  	v16 =	vld.idx.msk [tilespmem:v6+s2+$0x0], $0xffff;
	v6 =	vor.u32 $0xE, v4  }
0xf3: {  	v17 =	vld.idx.msk [tilespmem:v7+s2+$0x0], $0xffff;
	v7 =	vor.u32 $0x3, v4  }
0xf4: {  	s30 =	simm.s32 $0x2810;
	v18 =	vld.idx.msk [tilespmem:v8+s2+$0x0], $0xffff;
	v8 =	vor.u32 $0x7, v4  }
0xf5: {  	v29 =	vor.u32 v2, v5;
	v30 =	vld [tilespmem:s30+$0x400]  }
0xf6: {  	v21 =	vld.idx.msk [tilespmem:v3+s2+$0x0], $0xffff;
	v3 =	vor.u32 $0xF, v4;
	v4 =	vor.u32 v0, v5  }
0xf7: {  	v22 =	vld.idx.msk [tilespmem:v6+s2+$0x0], $0xffff;
	v6 =	vor.u32 $0x4, v4  }
0xf8: {  	v23 =	vld.idx.msk [tilespmem:v7+s2+$0x0], $0xffff;
	v7 =	vor.u32 $0x8, v4  }
0xf9: {  	v24 =	vld.idx.msk [tilespmem:v8+s2+$0x0], $0xffff;
	v8 =	vor.u32 $0xC, v4  }
0xfa: {  	v19 =	vor.u32 $0x8, v29;
	v5 =	vld.idx.msk [tilespmem:v29+s2+$0x0], $0xffff  }
0xfb: {  	v20 =	vor.u32 $0xC, v29;
	v26 =	vld.idx.msk [tilespmem:v3+s2+$0x0], $0xffff  }
0xfc: {  	v51 =	vor.u32 $0x1, v4;
	v28 =	vld.idx.msk [tilespmem:v6+s2+$0x0], $0xffff  }
0xfd: {  	v34 =	vor.u32 $0x5, v4;
	v31 =	vld.idx.msk [tilespmem:v7+s2+$0x0], $0xffff  }
0xfe: {  	v53 =	vor.u32 $0xD, v4;
	v32 =	vld.idx.msk [tilespmem:v8+s2+$0x0], $0xffff  }
0xff: {  	v58 =	vor.u32 $0x1, v29;
	v47 =	vor.u32 $0x5, v29;
	v48 =	vor.u32 $0x9, v29;
	v7 =	vld.idx.msk [tilespmem:v19+s2+$0x0], $0xffff  }
0x100: {  	v55 =	vsub.f32 $1.000000000e+00, v30;
	v11 =	vmul.f32 v11, v30;
	v60 =	vor.u32 $0x6, v4;
	v8 =	vld.idx.msk [tilespmem:v20+s2+$0x0], $0xffff  }
0x101: {  	v13 =	vmul.f32 v13, v30;
	v14 =	vmul.f32 v14, v30;
	v62 =	vor.u32 $0xE, v4;
	v33 =	vld.idx.msk [tilespmem:v51+s2+$0x0], $0xffff  }
0x102: {  	v10 =	vmul.f32 v10, v55;
	v59 =	vmul.f32 v12, v55;
	v3 =	vor.u32 $0x4, v29;
	v34 =	vld.idx.msk [tilespmem:v34+s2+$0x0], $0xffff  }
0x103: {  	v50 =	vor.u32 $0xD, v29;
	v9 =	vmul.f32 v9, v55;
	v15 =	vmul.f32 v15, v30;
	v36 =	vld.idx.msk [tilespmem:v53+s2+$0x0], $0xffff  }
0x104: {  	v10 =	vadd.f32 v11, v10;
	v52 =	vor.u32 $0x9, v4;
	v57 =	vor.u32 $0xF, v4;
	v51 =	vld [tilespmem:s30+$0xFFFFFC00]  }
0x105: {  	v37 =	vor.u32 $0x2, v4;
	v61 =	vor.u32 $0xA, v4;
	v63 =	vor.u32 $0x3, v4;
	v38 =	vld.idx.msk [tilespmem:v60+s2+$0x0], $0xffff  }
0x106: {  	v54 =	vor.u32 $0x7, v4;
	v56 =	vor.u32 $0xB, v4;
	v16 =	vmul.f32 v16, v55;
	v40 =	vld.idx.msk [tilespmem:v62+s2+$0x0], $0xffff  }
0x107: {  	v17 =	vmul.f32 v17, v30;
	v18 =	vmul.f32 v18, v55;
	v9 =	vadd.f32 v15, v9;
	v6 =	vld.idx.msk [tilespmem:v3+s2+$0x0], $0xffff  }
0x108: {  	v21 =	vmul.f32 v21, v55;
	v19 =	vor.u32 $0x2, v29;
	v22 =	vmul.f32 v22, v30;
	v3 =	vld [tilespmem:s30+$0x600]  }
0x109: {  	v20 =	vor.u32 $0x6, v29;
	v11 =	vmul.f32 v23, v55;
	v12 =	vmul.f32 v24, v30;
	v45 =	vld.idx.msk [tilespmem:v57+s2+$0x0], $0xffff  }
0x10a: {  	v27 =	vld.idx.msk [tilespmem:v4+s2+$0x0], $0xffff;
	v23 =	vadd.f32 v13, v59;
	v13 =	vmul.f32 v25, v55;
	v24 =	vadd.f32 v17, v16  }
0x10b: {  	v39 =	vld.idx.msk [tilespmem:v61+s2+$0x0], $0xffff;
	v25 =	vadd.f32 v14, v18;
	v17 =	vmul.f32 v26, v30;
	v61 =	vmul.f32 v28, v51  }
0x10c: {  	v35 =	vld.idx.msk [tilespmem:v52+s2+$0x0], $0xffff;
	v26 =	vor.u32 $0x3, v29;
	v52 =	vmul.f32 v32, v51;
	v53 =	vmul.f32 v34, v51  }
0x10d: {  	v44 =	vld.idx.msk [tilespmem:v56+s2+$0x0], $0xffff;
	v55 =	vmul.f32 v36, v51;
	v56 =	vmul.f32 v38, v51;
	v4 =	vsub.f32 $1.000000000e+00, v3  }
0x10e: {  	v37 =	vld.idx.msk [tilespmem:v37+s2+$0x0], $0xffff;
	v28 =	vor.u32 $0xB, v29;
	v36 =	vmul.f32 v40, v51;
	v45 =	vmul.f32 v45, v51  }
0x10f: {  	v15 =	vmul.f32 v23, v3;
	v23 =	vld [tilespmem:s30+$0xFFFFFE00];
	v14 =	vmul.f32 v10, v4;
	v10 =	vadd.f32 v22, v21  }
0x110: {  	v18 =	vmul.f32 v24, v3;
	v21 =	vsub.f32 $1.000000000e+00, v51;
	v22 =	vld.idx.msk [tilespmem:v63+s2+$0x0], $0xffff;
	v16 =	vmul.f32 v9, v4  }
0x111: {  	v41 =	vld.idx.msk [tilespmem:v54+s2+$0x0], $0xffff;
	v24 =	vor.u32 $0xA, v29;
	v9 =	vmul.f32 v25, v4;
	v10 =	vmul.f32 v10, v3  }
0x112: {  	v30 =	vld.idx.msk [tilespmem:v58+s2+$0x0], $0xffff;
	v25 =	vor.u32 $0xE, v29;
	v60 =	vmul.f32 v27, v21;
	v62 =	vmul.f32 v31, v21  }
0x113: {  	v32 =	vld.idx.msk [tilespmem:v48+s2+$0x0], $0xffff;
	v33 =	vmul.f32 v33, v21;
	v27 =	vor.u32 $0x7, v29;
	v54 =	vmul.f32 v35, v21  }
0x114: {  	v63 =	vmul.f32 v37, v21;
	v31 =	vld.idx.msk [tilespmem:v47+s2+$0x0], $0xffff;
	v29 =	vor.u32 $0xF, v29;
	v35 =	vmul.f32 v39, v21  }
0x115: {  	v34 =	vsub.f32 $1.000000000e+00, v23;
	v38 =	vadd.f32 v61, v60;
	v37 =	vmul.f32 v22, v21;
	v22 =	vld [tilespmem:s30+$0x0]  }
0x116: {  	v39 =	vmul.f32 v41, v51;
	v40 =	vadd.f32 v52, v62;
	v41 =	vadd.f32 v53, v33;
	v33 =	vld.idx.msk [tilespmem:v50+s2+$0x0], $0xffff  }
0x117: {  	s0 =	simm.s32 $0x20;
	v42 =	vmul.f32 v44, v21;
	v43 =	vadd.f32 v55, v54;
	v44 =	vadd.f32 v56, v63;
	v21 =	vld [tilespmem:s30+$0x200]  }
.LBB2_6:
0x118: {  	p0 =	sne.s32 s0, $0x1F0;
	v38 =	vmul.f32 v38, v34;
	v35 =	vadd.f32 v36, v35;
	v36 =	vadd.f32 v39, v37;
	v19 =	vld.idx.msk [tilespmem:v19+s2+$0x0], $0xffff  }
0x119: {  	v37 =	vmul.f32 v40, v23;
	v39 =	vmul.f32 v41, v34;
	v40 =	vadd.f32 v45, v42;
	v20 =	vld.idx.msk [tilespmem:v20+s2+$0x0], $0xffff  }
0x11a: {  	v41 =	vmul.f32 v43, v23;
	v42 =	vmul.f32 v44, v34;
	v43 =	vsub.f32 $1.000000000e+00, v22;
	v24 =	vld.idx.msk [tilespmem:v24+s2+$0x0], $0xffff  }
0x11b: {  	v35 =	vmul.f32 v35, v23;
	v34 =	vmul.f32 v36, v34;
	v25 =	vld.idx.msk [tilespmem:v25+s2+$0x0], $0xffff  }
0x11c: {  	v23 =	vmul.f32 v40, v23;
	v36 =	vsub.f32 $1.000000000e+00, v21;
	v5 =	vmul.f32 v5, v43;
	v26 =	vld.idx.msk [tilespmem:v26+s2+$0x0], $0xffff  }
0x11d: {  	v11 =	vadd.f32 v12, v11;
	v6 =	vmul.f32 v6, v22;
	v7 =	vmul.f32 v7, v43;
	v27 =	vld.idx.msk [tilespmem:v27+s2+$0x0], $0xffff  }
0x11e: {  	v13 =	vadd.f32 v17, v13;
	v8 =	vmul.f32 v8, v22;
	v12 =	vmul.f32 v30, v43;
	v28 =	vld.idx.msk [tilespmem:v28+s2+$0x0], $0xffff  }
0x11f: {  	v14 =	vadd.f32 v15, v14;
	v17 =	vmul.f32 v31, v22;
	v30 =	vmul.f32 v32, v43;
	v29 =	vld.idx.msk [tilespmem:v29+s2+$0x0], $0xffff  }
0x120: {  	v16 =	vadd.f32 v18, v16;
	v15 =	vmul.f32 v33, v22;
	v19 =	vmul.f32 v19, v43  }
0x121: {  	v18 =	vadd.f32 v37, v38;
	v20 =	vmul.f32 v20, v22;
	v24 =	vmul.f32 v24, v43  }
0x122: {  	v31 =	vadd.f32 v41, v39;
	v25 =	vmul.f32 v25, v22;
	v26 =	vmul.f32 v26, v43  }
0x123: {  	v5 =	vadd.f32 v6, v5;
	v6 =	vadd.f32 v8, v7;
	v7 =	vmul.f32 v27, v22  }
0x124: {  	v8 =	vadd.f32 v17, v12;
	v12 =	vadd.f32 v15, v30;
	v15 =	vmul.f32 v28, v43  }
0x125: {  	v17 =	vadd.f32 v20, v19;
	v19 =	vadd.f32 v25, v24;
	v20 =	vmul.f32 v29, v22  }
0x126: {  	v5 =	vmul.f32 v5, v36;
	v6 =	vmul.f32 v6, v21;
	v7 =	vadd.f32 v7, v26  }
0x127: {  	v8 =	vmul.f32 v8, v36;
	v12 =	vmul.f32 v12, v21;
	v15 =	vadd.f32 v20, v15  }
0x128: {  	v17 =	vmul.f32 v17, v36;
	v19 =	vmul.f32 v19, v21;
	v20 =	vadd.f32 v35, v42  }
0x129: {  	v22 =	vadd.f32 v23, v34;
	v7 =	vmul.f32 v7, v36;
	v15 =	vmul.f32 v15, v21  }
0x12a: {  	v4 =	vmul.f32 v11, v4;
	v5 =	vadd.f32 v6, v5;
	v6 =	vadd.f32 v12, v8  }
0x12b: {  	v3 =	vmul.f32 v13, v3;
	v8 =	vadd.f32 v19, v17;
	v7 =	vadd.f32 v15, v7  }
0x12c: {  	v9 =	vadd.f32 v10, v9;
	v5 =	vmul.f32 v5, v18;
	v6 =	vmul.f32 v6, v31  }
0x12d: {  	v3 =	vadd.f32 v3, v4;
	v8 =	vmul.f32 v8, v20;
	v7 =	vmul.f32 v7, v22  }
0x12e: {  	v4 =	vmul.f32 v14, v5;
	v5 =	vmul.f32 v16, v6  }
0x12f: {  	v6 =	vmul.f32 v9, v8;
	v3 =	vmul.f32 v3, v7;
	_ =	sdelay $0x1  }
0x130: {  	v4 =	vadd.f32 v5, v4;
	v3 =	vadd.f32 v3, v6  }
0x131: {  	v5 =	vmov s0  }
0x132: {  	v5 =	vshll.u32 v5, $0x4;
	v3 =	vadd.f32 v3, v4  }
0x133: {  	v4 =	vor.u32 v1, v5  }
0x134: {  	v6 =	vor.u32 $0x4, v4;
	v3 =	vmul.f32 $2.500000000e-01, v3  }
0x135: {  	v7 =	vor.u32 $0x8, v4  }
0x136: {  	s29 =	sadd.s32 $0x10, s29;
	v8 =	vor.u32 $0xC, v4;
	v3 =	vmax.f32 v3, $0.0e+00  }
0x137: {  	v9 =	vor.u32 $0x1, v4;
	[tilespmem:s29+$0x0] =	vst v3  }
0x138: {  	v3 =	vor.u32 $0x5, v4;
	v10 =	vld.idx.msk [tilespmem:v4+s2+$0x0], $0xffff  }
0x139: {  	v11 =	vld.idx.msk [tilespmem:v6+s2+$0x0], $0xffff;
	v6 =	vor.u32 $0x9, v4  }
0x13a: {  	v12 =	vld.idx.msk [tilespmem:v7+s2+$0x0], $0xffff;
	v7 =	vor.u32 $0xD, v4  }
0x13b: {  	v13 =	vld.idx.msk [tilespmem:v8+s2+$0x0], $0xffff;
	v8 =	vor.u32 $0x2, v4  }
0x13c: {  	v14 =	vor.u32 $0x6, v4;
	v9 =	vld.idx.msk [tilespmem:v9+s2+$0x0], $0xffff  }
0x13d: {  	v15 =	vld.idx.msk [tilespmem:v3+s2+$0x0], $0xffff;
	v3 =	vor.u32 $0xA, v4  }
0x13e: {  	v16 =	vld.idx.msk [tilespmem:v6+s2+$0x0], $0xffff;
	v6 =	vor.u32 $0xE, v4  }
0x13f: {  	v17 =	vld.idx.msk [tilespmem:v7+s2+$0x0], $0xffff;
	v7 =	vor.u32 $0x3, v4  }
0x140: {  	v18 =	vld.idx.msk [tilespmem:v8+s2+$0x0], $0xffff;
	v8 =	vor.u32 $0x7, v4  }
0x141: {  	v19 =	vor.u32 $0xB, v4;
	v14 =	vld.idx.msk [tilespmem:v14+s2+$0x0], $0xffff  }
0x142: {  	v21 =	vld.idx.msk [tilespmem:v3+s2+$0x0], $0xffff;
	v3 =	vor.u32 $0xF, v4  }
0x143: {  	v4 =	vor.u32 v0, v5;
	v22 =	vld.idx.msk [tilespmem:v6+s2+$0x0], $0xffff  }
0x144: {  	v6 =	vor.u32 $0x4, v4;
	v23 =	vld.idx.msk [tilespmem:v7+s2+$0x0], $0xffff  }
0x145: {  	v24 =	vld.idx.msk [tilespmem:v8+s2+$0x0], $0xffff  }
0x146: {  	v7 =	vor.u32 $0x8, v4;
	v25 =	vld.idx.msk [tilespmem:v19+s2+$0x0], $0xffff  }
0x147: {  	v8 =	vor.u32 $0xC, v4;
	v26 =	vld.idx.msk [tilespmem:v3+s2+$0x0], $0xffff  }
0x148: {  	v29 =	vor.u32 v2, v5;
	v27 =	vld.idx.msk [tilespmem:v4+s2+$0x0], $0xffff  }
0x149: {  	s30 =	sadd.s32 $0x10, s30;
	v3 =	vor.u32 $0x4, v29;
	v28 =	vld.idx.msk [tilespmem:v6+s2+$0x0], $0xffff  }
0x14a: {  	v19 =	vor.u32 $0x8, v29;
	v30 =	vld [tilespmem:s30+$0x400]  }
0x14b: {  	v20 =	vor.u32 $0xC, v29;
	v31 =	vld.idx.msk [tilespmem:v7+s2+$0x0], $0xffff  }
0x14c: {  	v33 =	vor.u32 $0x1, v4;
	v34 =	vor.u32 $0x5, v4;
	v32 =	vld.idx.msk [tilespmem:v8+s2+$0x0], $0xffff  }
0x14d: {  	v35 =	vor.u32 $0x9, v4;
	v36 =	vor.u32 $0xD, v4;
	v37 =	vor.u32 $0x2, v4;
	v5 =	vld.idx.msk [tilespmem:v29+s2+$0x0], $0xffff  }
0x14e: {  	v38 =	vor.u32 $0x6, v4;
	v39 =	vor.u32 $0xA, v4;
	v40 =	vor.u32 $0xE, v4;
	v6 =	vld.idx.msk [tilespmem:v3+s2+$0x0], $0xffff  }
0x14f: {  	v41 =	vor.u32 $0x3, v4;
	v42 =	vor.u32 $0x7, v4;
	v7 =	vld.idx.msk [tilespmem:v19+s2+$0x0], $0xffff;
	v43 =	vsub.f32 $1.000000000e+00, v30  }
0x150: {  	v46 =	vor.u32 $0x1, v29;
	v44 =	vor.u32 $0xB, v4;
	v45 =	vor.u32 $0xF, v4;
	v8 =	vld.idx.msk [tilespmem:v20+s2+$0x0], $0xffff  }
0x151: {  	v47 =	vor.u32 $0x5, v29;
	v11 =	vmul.f32 v11, v30;
	v3 =	vld [tilespmem:s30+$0x600];
	v10 =	vmul.f32 v10, v43  }
0x152: {  	v48 =	vor.u32 $0x9, v29;
	v13 =	vmul.f32 v13, v30;
	v49 =	vmul.f32 v12, v43;
	v33 =	vld.idx.msk [tilespmem:v33+s2+$0x0], $0xffff  }
0x153: {  	v50 =	vor.u32 $0xD, v29;
	v15 =	vmul.f32 v15, v30;
	v9 =	vmul.f32 v9, v43;
	v34 =	vld.idx.msk [tilespmem:v34+s2+$0x0], $0xffff  }
0x154: {  	v19 =	vor.u32 $0x2, v29;
	v17 =	vmul.f32 v17, v30;
	v16 =	vmul.f32 v16, v43;
	v35 =	vld.idx.msk [tilespmem:v35+s2+$0x0], $0xffff  }
0x155: {  	v14 =	vmul.f32 v14, v30;
	v20 =	vor.u32 $0x6, v29;
	v18 =	vmul.f32 v18, v43;
	v36 =	vld.idx.msk [tilespmem:v36+s2+$0x0], $0xffff  }
0x156: {  	v22 =	vmul.f32 v22, v30;
	v21 =	vmul.f32 v21, v43;
	v51 =	vld [tilespmem:s30+$0xFFFFFC00];
	v4 =	vsub.f32 $1.000000000e+00, v3  }
0x157: {  	v12 =	vmul.f32 v24, v30;
	v10 =	vadd.f32 v11, v10;
	v11 =	vmul.f32 v23, v43;
	v37 =	vld.idx.msk [tilespmem:v37+s2+$0x0], $0xffff  }
0x158: {  	v23 =	vadd.f32 v13, v49;
	v9 =	vadd.f32 v15, v9;
	v13 =	vmul.f32 v25, v43;
	v38 =	vld.idx.msk [tilespmem:v38+s2+$0x0], $0xffff  }
0x159: {  	v24 =	vadd.f32 v17, v16;
	v25 =	vadd.f32 v14, v18;
	v17 =	vmul.f32 v26, v30;
	v39 =	vld.idx.msk [tilespmem:v39+s2+$0x0], $0xffff  }
0x15a: {  	v15 =	vmul.f32 v23, v3;
	v14 =	vmul.f32 v10, v4;
	v10 =	vadd.f32 v22, v21;
	v40 =	vld.idx.msk [tilespmem:v40+s2+$0x0], $0xffff  }
0x15b: {  	v18 =	vmul.f32 v24, v3;
	v16 =	vmul.f32 v9, v4;
	v21 =	vsub.f32 $1.000000000e+00, v51;
	v22 =	vld.idx.msk [tilespmem:v41+s2+$0x0], $0xffff  }
0x15c: {  	v24 =	vor.u32 $0xA, v29;
	v9 =	vmul.f32 v25, v4;
	v10 =	vmul.f32 v10, v3;
	v41 =	vld.idx.msk [tilespmem:v42+s2+$0x0], $0xffff  }
0x15d: {  	v25 =	vor.u32 $0xE, v29;
	v43 =	vmul.f32 v28, v51;
	v23 =	vld [tilespmem:s30+$0xFFFFFE00];
	v42 =	vmul.f32 v27, v21  }
0x15e: {  	v26 =	vor.u32 $0x3, v29;
	v52 =	vmul.f32 v32, v51;
	v49 =	vmul.f32 v31, v21;
	v44 =	vld.idx.msk [tilespmem:v44+s2+$0x0], $0xffff  }
0x15f: {  	v53 =	vmul.f32 v34, v51;
	v33 =	vmul.f32 v33, v21;
	v27 =	vor.u32 $0x7, v29;
	v45 =	vld.idx.msk [tilespmem:v45+s2+$0x0], $0xffff  }
0x160: {  	v55 =	vmul.f32 v36, v51;
	v28 =	vor.u32 $0xB, v29;
	v54 =	vmul.f32 v35, v21;
	v30 =	vld.idx.msk [tilespmem:v46+s2+$0x0], $0xffff  }
.Ltmp2:
0x161: {  	v56 =	vmul.f32 v38, v51;
	v29 =	vor.u32 $0xF, v29;
	v46 =	vmul.f32 v37, v21;
	v31 =	vld.idx.msk [tilespmem:v47+s2+$0x0], $0xffff;
	(pc) =	sbr.rel @p0 .LBB2_6-.Ltmp2, $4  }
0x162: {  	v35 =	vmul.f32 v39, v21;
	v36 =	vmul.f32 v40, v51;
	v34 =	vsub.f32 $1.000000000e+00, v23;
	v32 =	vld.idx.msk [tilespmem:v48+s2+$0x0], $0xffff  }
0x163: {  	v38 =	vadd.f32 v43, v42;
	v37 =	vmul.f32 v22, v21;
	v39 =	vmul.f32 v41, v51;
	v22 =	vld [tilespmem:s30+$0x0]  }
0x164: {  	v40 =	vadd.f32 v52, v49;
	v41 =	vadd.f32 v53, v33;
	v42 =	vmul.f32 v44, v21;
	v33 =	vld.idx.msk [tilespmem:v50+s2+$0x0], $0xffff  }
0x165: {  	s0 =	sadd.s32 $0x10, s0;
	v43 =	vadd.f32 v55, v54;
	v44 =	vadd.f32 v56, v46;
	v45 =	vmul.f32 v45, v51;
	v21 =	vld [tilespmem:s30+$0x200]  }
0x166: {  	_ =	sdelay $0x2  }
0x167: {  	v38 =	vmul.f32 v38, v34;
	v35 =	vadd.f32 v36, v35  }
0x168: {  	v54 =	vadd.f32 v39, v37;
	v19 =	vld.idx.msk [tilespmem:v19+s2+$0x0], $0xffff;
	v55 =	vmul.f32 v40, v23;
	v56 =	vmul.f32 v41, v34  }
0x169: {  	v20 =	vld.idx.msk [tilespmem:v20+s2+$0x0], $0xffff;
	v11 =	vadd.f32 v12, v11;
	v58 =	vmul.f32 v43, v23;
	v59 =	vmul.f32 v44, v34  }
0x16a: {  	v24 =	vld.idx.msk [tilespmem:v24+s2+$0x0], $0xffff;
	v57 =	vadd.f32 v45, v42;
	v35 =	vmul.f32 v35, v23;
	v61 =	vmul.f32 v54, v34  }
0x16b: {  	v25 =	vld.idx.msk [tilespmem:v25+s2+$0x0], $0xffff;
	v60 =	vsub.f32 $1.000000000e+00, v22;
	v6 =	vmul.f32 v6, v22;
	v8 =	vmul.f32 v8, v22  }
0x16c: {  	v26 =	vld.idx.msk [tilespmem:v26+s2+$0x0], $0xffff;
	v13 =	vadd.f32 v17, v13;
	v46 =	vmul.f32 v31, v22;
	v62 =	vmul.f32 v57, v23  }
0x16d: {  	v40 =	vld.idx.msk [tilespmem:v27+s2+$0x0], $0xffff;
	v14 =	vadd.f32 v15, v14;
	v49 =	vmul.f32 v33, v22;
	v5 =	vmul.f32 v5, v60  }
0x16e: {  	v48 =	vld.idx.msk [tilespmem:v29+s2+$0x0], $0xffff;
	v16 =	vadd.f32 v18, v16;
	v7 =	vmul.f32 v7, v60;
	v44 =	vmul.f32 v30, v60  }
0x16f: {  	v45 =	vld.idx.msk [tilespmem:v28+s2+$0x0], $0xffff;
	v50 =	vadd.f32 v55, v38;
	v47 =	vmul.f32 v32, v60;
	v19 =	vmul.f32 v19, v60  }
0x170: {  	v51 =	vadd.f32 v58, v56;
	v20 =	vmul.f32 v20, v22;
	v24 =	vmul.f32 v24, v60  }
0x171: {  	v63 =	vsub.f32 $1.000000000e+00, v21;
	v25 =	vmul.f32 v25, v22;
	v26 =	vmul.f32 v26, v60  }
0x172: {  	v53 =	vmul.f32 v40, v22;
	v5 =	vadd.f32 v6, v5;
	v52 =	vadd.f32 v8, v7  }
0x173: {  	v15 =	vmul.f32 v48, v22;
	v54 =	vadd.f32 v46, v44;
	v55 =	vadd.f32 v49, v47  }
0x174: {  	v17 =	vmul.f32 v45, v60;
	v19 =	vadd.f32 v20, v19;
	v56 =	vadd.f32 v25, v24  }
0x175: {  	v7 =	vadd.f32 v53, v26;
	v5 =	vmul.f32 v5, v63;
	v6 =	vmul.f32 v52, v21  }
0x176: {  	v8 =	vmul.f32 v54, v63;
	v12 =	vmul.f32 v55, v21;
	v15 =	vadd.f32 v15, v17  }
0x177: {  	v57 =	vadd.f32 v35, v59;
	v19 =	vmul.f32 v19, v63;
	v20 =	vmul.f32 v56, v21  }
0x178: {  	v58 =	vadd.f32 v62, v61;
	v7 =	vmul.f32 v7, v63;
	v15 =	vmul.f32 v15, v21  }
0x179: {  	v4 =	vmul.f32 v11, v4;
	v5 =	vadd.f32 v6, v5;
	v59 =	vadd.f32 v12, v8  }
0x17a: {  	v3 =	vmul.f32 v13, v3;
	v60 =	vadd.f32 v20, v19;
	v7 =	vadd.f32 v15, v7  }
0x17b: {  	v9 =	vadd.f32 v10, v9;
	v5 =	vmul.f32 v5, v50;
	v6 =	vmul.f32 v59, v51  }
0x17c: {  	v3 =	vadd.f32 v3, v4;
	v8 =	vmul.f32 v60, v57;
	v7 =	vmul.f32 v7, v58  }
0x17d: {  	v61 =	vmul.f32 v14, v5;
	v62 =	vmul.f32 v16, v6  }
0x17e: {  	v63 =	vmul.f32 v9, v8;
	v3 =	vmul.f32 v3, v7;
	_ =	sdelay $0x1  }
0x17f: {  	v4 =	vadd.f32 v62, v61;
	v3 =	vadd.f32 v3, v63;
	_ =	sdelay $0x1  }
0x180: {  	v3 =	vadd.f32 v3, v4;
	_ =	sdelay $0x1  }
0x181: {  	v3 =	vmul.f32 $2.500000000e-01, v3  }
0x182: {  	s0 =	sadd.s32 s28, s12  }
0x183: {  	s9 =	sadd.s32 $0x10, s29;
	s0 =	sshrl.u32 s0, $0x3;
	v3 =	vmax.f32 v3, $0.0e+00  }
0x184: {  	s0 =	sadd.s32 s1, s0;
	[tilespmem:s9+$0x0] =	vst v3  }
0x185: {  	[hbm4b:s0+s3] =	stream.linear.scatter [tilespmem:s23], [sflag:$0x3], $0x200, $0x38;
	[tilespmem:$0xF200] =	vst v63  }
0x186: {  	_ =	swait.ge [sflag:s24], $0x200  }
0x187: {  	[sflag:s24] =	ssyncset.done $0x0  }
0x188: {  	[sflag:s24] =	ssyncadd.s32 $0xFFFFFE00  }
.LBB2_8:
0x189: {  	_ =	swait.ge [sflag:s18], $0x200  }
0x18a: {  	[sflag:s18] =	ssyncset.done $0x0  }
0x18b: {  	[sflag:s18] =	ssyncadd.s32 $0xFFFFFE00  }
0x18c: {  	_ =	swait.ge [sflag:s18], $0x200  }
0x18d: {  	[sflag:s18] =	ssyncset.done $0x0  }
0x18e: {  	[sflag:s18] =	ssyncadd.s32 $0xFFFFFE00  }
0x18f: {  	_ =	swait.ge [sflag:s18], $0x200  }
0x190: {  	[sflag:s18] =	ssyncset.done $0x0  }
0x191: {  	s29 =	simm.s32 $0x0;
	[sflag:s18] =	ssyncadd.s32 $0xFFFFFE00  }
0x192: {  	v6 =	vld [tilespmem:s29+$0xA00]  }
0x193: {  	v7 =	vld [tilespmem:s29+$0x600]  }
0x194: {  	v8 =	vld [tilespmem:s29+$0x800];
	_ =	sdelay $0x2  }
0x195: {  	v3 =	vtrunc.f32 v6  }
0x196: {  	v4 =	vtrunc.f32 v7;
	v3 =	vcvt.f32.s32 v3  }
0x197: {  	v5 =	vtrunc.f32 v8;
	v4 =	vcvt.f32.s32 v4  }
0x198: {  	v5 =	vcvt.f32.s32 v5;
	vm0 =	vgt.s32 v3, $0x0  }
0x199: {  	s28 =	simm.s32 $0x10;
	vm1 =	vgt.s32 v4, $0x0;
	v9 =	vnsel vm0, $0x0, v3  }
0x19a: {  	v3 =	vld [tilespmem:s28+$0xA00];
	v10 =	vnsel vm1, $0x0, v4;
	vm0 =	vgt.s32 v5, $0x0;
	v9 =	vmin.u32 v9, $0x1FE  }
0x19b: {  	v4 =	vld [tilespmem:s28+$0x600];
	v11 =	vmin.u32 v10, $0x1FE;
	v5 =	vnsel vm0, $0x0, v5;
	v10 =	vcvt.s32.f32 v9  }
0x19c: {  	v12 =	vmin.u32 v5, $0x1FE;
	v13 =	vcvt.s32.f32 v11;
	v5 =	vld [tilespmem:s28+$0x800]  }
0x19d: {  	v14 =	vshll.u32 v9, $0x9;
	v9 =	vcvt.s32.f32 v12;
	v15 =	vsub.f32 v6, v10  }
0x19e: {  	v6 =	vor.u32 v14, v11;
	v13 =	vsub.f32 v7, v13;
	v7 =	vshll.u32 v12, $0x9  }
0x19f: {  	v12 =	vor.u32 v14, v12;
	v10 =	vtrunc.f32 v3;
	v9 =	vsub.f32 v8, v9;
	[tilespmem:s29+$0x2E00] =	vst v15  }
0x1a0: {  	v14 =	vtrunc.f32 v4;
	v8 =	vor.u32 $0x40000, v6;
	v16 =	vcvt.f32.s32 v10;
	[tilespmem:s29+$0x2400] =	vst v13  }
0x1a1: {  	v6 =	vor.u32 $0x80000, v12;
	v10 =	vcvt.f32.s32 v14;
	[tilespmem:s29+$0x2800] =	vst v13;
	v12 =	vtrunc.f32 v5  }
0x1a2: {  	v7 =	vor.u32 v11, v7;
	[tilespmem:s29+$0x2A00] =	vst v15;
	vm1 =	vgt.s32 v16, $0x0;
	v11 =	vcvt.f32.s32 v12  }
0x1a3: {  	s0 =	sshll.u32 s25, $0x1;
	s30 =	simm.s32 $0x20;
	s9 =	simm.s32 $0xC0;
	[tilespmem:s29+$0x2600] =	vst v9;
	vm0 =	vgt.s32 v10, $0x0;
	v12 =	vnsel vm1, $0x0, v16  }
.LBB2_9:
0x1a4: {  	p0 =	sne.s32 s9, $0x7C0;
	v13 =	vld [tilespmem:s30+$0xA00];
	v10 =	vnsel vm0, $0x0, v10;
	vm0 =	vgt.s32 v11, $0x0;
	v12 =	vmin.u32 v12, $0x1FE;
	[tilespmem:s29+$0x2C00] =	vst v9  }
0x1a5: {  	v14 =	vld [tilespmem:s30+$0x600];
	v15 =	vmin.u32 v10, $0x1FE;
	v9 =	vnsel vm0, $0x0, v11;
	v10 =	vcvt.s32.f32 v12;
	[tilespmem:s29+$0x1400] =	vst v8  }
0x1a6: {  	v12 =	vshll.u32 v12, $0x9;
	v11 =	vld [tilespmem:s30+$0x800];
	v8 =	vmin.u32 v9, $0x1FE;
	v9 =	vcvt.s32.f32 v15;
	[tilespmem:s29+$0x1600] =	vst v6  }
0x1a7: {  	v18 =	vor.u32 v12, v15;
	v6 =	vcvt.s32.f32 v8;
	v16 =	vsub.f32 v3, v10;
	[tilespmem:s29+$0x1200] =	vst v7;
	s29 =	smov.u32 s28;
	s28 =	smov.u32 s30  }
0x1a8: {  	v7 =	vshll.u32 v8, $0x9;
	v19 =	vor.u32 v12, v8;
	v17 =	vsub.f32 v4, v9  }
.Ltmp3:
0x1a9: {  	v8 =	vor.u32 $0x40000, v18;
	v10 =	vtrunc.f32 v13;
	v9 =	vsub.f32 v5, v6;
	[tilespmem:s29+$0x2E00] =	vst v16;
	v3 =	vmovc v13;
	(pc) =	sbr.rel @p0 .LBB2_9-.Ltmp3, $4  }
0x1aa: {  	v6 =	vor.u32 $0x80000, v19;
	v18 =	vtrunc.f32 v14;
	v12 =	vcvt.f32.s32 v10;
	[tilespmem:s29+$0x2400] =	vst v17;
	v4 =	vmovc v14  }
0x1ab: {  	v7 =	vor.u32 v15, v7;
	v10 =	vcvt.f32.s32 v18;
	v13 =	vtrunc.f32 v11;
	[tilespmem:s29+$0x2600] =	vst v9;
	v5 =	vmovc v11  }
0x1ac: {  	v11 =	vcvt.f32.s32 v13;
	vm1 =	vgt.s32 v12, $0x0;
	[tilespmem:s29+$0x2800] =	vst v17  }
0x1ad: {  	s30 =	sshra.s32 s9, $0x2;
	s9 =	sadd.s32 $0x40, s9;
	vm0 =	vgt.s32 v10, $0x0;
	v12 =	vnsel vm1, $0x0, v12;
	[tilespmem:s29+$0x2A00] =	vst v16  }
0x1ae: {  	v13 =	vld [tilespmem:s30+$0xA00]  }
0x1af: {  	[tilespmem:s29+$0x2C00] =	vst v9;
	v10 =	vnsel vm0, $0x0, v10;
	vm13 =	vgt.s32 v11, $0x0  }
0x1b0: {  	v12 =	vmin.u32 v12, $0x1FE;
	v9 =	vld [tilespmem:s30+$0x600];
	[tilespmem:s29+$0x1400] =	vst v8;
	v8 =	vmin.u32 v10, $0x1FE;
	v10 =	vnsel vm13, $0x0, v11  }
0x1b1: {  	v11 =	vcvt.s32.f32 v12;
	v12 =	vshll.u32 v12, $0x9;
	v14 =	vld [tilespmem:s30+$0x800];
	v10 =	vmin.u32 v10, $0x1FE;
	[tilespmem:s29+$0x1600] =	vst v6  }
0x1b2: {  	v15 =	vcvt.s32.f32 v8;
	[tilespmem:s29+$0x1200] =	vst v7;
	v7 =	vor.u32 v12, v8;
	v6 =	vcvt.s32.f32 v10  }
0x1b3: {  	v3 =	vsub.f32 v3, v11;
	v7 =	vor.u32 $0x40000, v7;
	v11 =	vtrunc.f32 v13  }
0x1b4: {  	v4 =	vsub.f32 v4, v15;
	[tilespmem:s28+$0x1400] =	vst v7;
	v11 =	vcvt.f32.s32 v11  }
0x1b5: {  	v15 =	vshll.u32 v10, $0x9;
	v5 =	vsub.f32 v5, v6;
	[tilespmem:s28+$0x2E00] =	vst v3;
	v6 =	vtrunc.f32 v9  }
0x1b6: {  	v10 =	vor.u32 v12, v10;
	[tilespmem:s28+$0x2400] =	vst v4;
	v6 =	vcvt.f32.s32 v6;
	vm14 =	vgt.s32 v11, $0x0  }
0x1b7: {  	v10 =	vor.u32 $0x80000, v10;
	[tilespmem:s28+$0x2800] =	vst v4;
	v16 =	vtrunc.f32 v14;
	v4 =	vnsel vm14, $0x0, v11  }
0x1b8: {  	[tilespmem:s28+$0x2A00] =	vst v3;
	v12 =	vcvt.f32.s32 v16;
	vm1 =	vgt.s32 v6, $0x0;
	v4 =	vmin.u32 v4, $0x1FE  }
0x1b9: {  	[tilespmem:s28+$0x1600] =	vst v10;
	v3 =	vnsel vm1, $0x0, v6;
	v6 =	vcvt.s32.f32 v4  }
0x1ba: {  	v8 =	vor.u32 v8, v15;
	[tilespmem:s28+$0x2600] =	vst v5;
	vm15 =	vgt.s32 v12, $0x0;
	v3 =	vmin.u32 v3, $0x1FE  }
0x1bb: {  	[tilespmem:s28+$0x2C00] =	vst v5;
	v5 =	vnsel vm15, $0x0, v12;
	v7 =	vcvt.s32.f32 v3;
	v6 =	vsub.f32 v13, v6  }
0x1bc: {  	[tilespmem:s28+$0x1200] =	vst v8;
	v5 =	vmin.u32 v5, $0x1FE  }
0x1bd: {  	v10 =	vcvt.s32.f32 v5;
	v7 =	vsub.f32 v9, v7;
	[tilespmem:s30+$0x2E00] =	vst v6  }
0x1be: {  	[tilespmem:s30+$0x2A00] =	vst v6  }
0x1bf: {  	v8 =	vsub.f32 v14, v10;
	[tilespmem:s30+$0x2400] =	vst v7  }
0x1c0: {  	v4 =	vshll.u32 v4, $0x9;
	[tilespmem:s30+$0x2800] =	vst v7  }
0x1c1: {  	v7 =	vor.u32 v4, v3;
	[tilespmem:s30+$0x2600] =	vst v8  }
0x1c2: {  	v4 =	vor.u32 v4, v5;
	v6 =	vor.u32 $0x40000, v7;
	[tilespmem:s30+$0x2C00] =	vst v8  }
0x1c3: {  	v5 =	vshll.u32 v5, $0x9;
	v4 =	vor.u32 $0x80000, v4;
	[tilespmem:s30+$0x1400] =	vst v6  }
0x1c4: {  	v3 =	vor.u32 v3, v5;
	[tilespmem:s30+$0x1600] =	vst v4  }
0x1c5: {  	[tilespmem:s30+$0x1200] =	vst v3  }
0x1c6: {  	_ =	swait.ge [sflag:s31], $0x800  }
0x1c7: {  	[sflag:s31] =	ssyncset.done $0x0  }
0x1c8: {  	[sflag:s31] =	ssyncadd.s32 $0xFFFFF800  }
0x1c9: {  	_ =	swait.ge [sflag:s31], $0x800  }
0x1ca: {  	[sflag:s31] =	ssyncset.done $0x0  }
0x1cb: {  	[sflag:s31] =	ssyncadd.s32 $0xFFFFF800  }
0x1cc: {  	_ =	swait.ge [sflag:s31], $0x800  }
0x1cd: {  	[sflag:s31] =	ssyncset.done $0x0  }
0x1ce: {  	[sflag:s31] =	ssyncadd.s32 $0xFFFFF800  }
0x1cf: {  	_ =	swait.ge [sflag:s31], $0x800  }
0x1d0: {  	[sflag:s31] =	ssyncset.done $0x0  }
0x1d1: {  	[sflag:s31] =	ssyncadd.s32 $0xFFFFF800  }
0x1d2: {  	_ =	swait.ge [sflag:s31], $0x800  }
0x1d3: {  	[sflag:s31] =	ssyncset.done $0x0  }
0x1d4: {  	[sflag:s31] =	ssyncadd.s32 $0xFFFFF800  }
0x1d5: {  	_ =	swait.ge [sflag:s31], $0x800  }
0x1d6: {  	[sflag:s31] =	ssyncset.done $0x0  }
0x1d7: {  	[sflag:s31] =	ssyncadd.s32 $0xFFFFF800  }
0x1d8: {  	_ =	swait.ge [sflag:s31], $0x800  }
0x1d9: {  	[sflag:s31] =	ssyncset.done $0x0  }
0x1da: {  	[sflag:s31] =	ssyncadd.s32 $0xFFFFF800  }
0x1db: {  	_ =	swait.ge [sflag:s31], $0x800  }
0x1dc: {  	[sflag:s31] =	ssyncset.done $0x0  }
0x1dd: {  	[sflag:s31] =	ssyncadd.s32 $0xFFFFF800  }
0x1de: {  	_ =	swait.ge [sflag:s31], $0x800  }
0x1df: {  	[sflag:s31] =	ssyncset.done $0x0  }
0x1e0: {  	[sflag:s31] =	ssyncadd.s32 $0xFFFFF800  }
0x1e1: {  	_ =	swait.ge [sflag:s31], $0x800  }
0x1e2: {  	[sflag:s31] =	ssyncset.done $0x0  }
0x1e3: {  	[sflag:s31] =	ssyncadd.s32 $0xFFFFF800  }
0x1e4: {  	_ =	swait.ge [sflag:s31], $0x800  }
0x1e5: {  	[sflag:s31] =	ssyncset.done $0x0  }
0x1e6: {  	[sflag:s31] =	ssyncadd.s32 $0xFFFFF800  }
0x1e7: {  	_ =	swait.ge [sflag:s31], $0x800  }
0x1e8: {  	[sflag:s31] =	ssyncset.done $0x0  }
0x1e9: {  	s9 =	simm.s32 $0x1200;
	[sflag:s31] =	ssyncadd.s32 $0xFFFFF800  }
0x1ea: {  	[tilespmem:s2], [sflag:$0x2] =	stream.indirect.gather [hbm4b:s8+s19], $0x10, s9, s19, $0xb8;
	[tilespmem:$0xF200] =	vst v63  }
0x1eb: {  	s28 =	simm.s32 $0x9800;
	s30 =	simm.s32 $0x1280  }
0x1ec: {  	[tilespmem:s28], [sflag:$0x2] =	stream.indirect.gather [hbm4b:s8+s19], $0x10, s30, s19, $0xb8;
	[tilespmem:$0xF200] =	vst v63  }
0x1ed: {  	s30 =	simm.s32 $0x1300;
	s28 =	simm.s32 $0xA000  }
0x1ee: {  	[tilespmem:s28], [sflag:$0x2] =	stream.indirect.gather [hbm4b:s8+s19], $0x10, s30, s19, $0xb8;
	[tilespmem:$0xF200] =	vst v63  }
0x1ef: {  	s30 =	simm.s32 $0x1380;
	s28 =	simm.s32 $0xA800  }
0x1f0: {  	[tilespmem:s28], [sflag:$0x2] =	stream.indirect.gather [hbm4b:s8+s19], $0x10, s30, s19, $0xb8;
	[tilespmem:$0xF200] =	vst v63  }
0x1f1: {  	s30 =	simm.s32 $0x1400;
	s28 =	simm.s32 $0xB000  }
0x1f2: {  	[tilespmem:s28], [sflag:$0x2] =	stream.indirect.gather [hbm4b:s8+s19], $0x10, s30, s19, $0xb8;
	[tilespmem:$0xF200] =	vst v63  }
0x1f3: {  	s30 =	simm.s32 $0x1480;
	s28 =	simm.s32 $0xB800  }
0x1f4: {  	[tilespmem:s28], [sflag:$0x2] =	stream.indirect.gather [hbm4b:s8+s19], $0x10, s30, s19, $0xb8;
	[tilespmem:$0xF200] =	vst v63  }
0x1f5: {  	s30 =	simm.s32 $0x1500;
	s28 =	simm.s32 $0xC000  }
0x1f6: {  	[tilespmem:s28], [sflag:$0x2] =	stream.indirect.gather [hbm4b:s8+s19], $0x10, s30, s19, $0xb8;
	[tilespmem:$0xF200] =	vst v63  }
0x1f7: {  	s30 =	simm.s32 $0x1580;
	s28 =	simm.s32 $0xC800  }
0x1f8: {  	[tilespmem:s28], [sflag:$0x2] =	stream.indirect.gather [hbm4b:s8+s19], $0x10, s30, s19, $0xb8;
	[tilespmem:$0xF200] =	vst v63  }
0x1f9: {  	s0 =	smin.u32 s0, $0x1D;
	s30 =	simm.s32 $0x1600;
	s28 =	simm.s32 $0xD000  }
0x1fa: {  	[tilespmem:s28], [sflag:$0x2] =	stream.indirect.gather [hbm4b:s8+s19], $0x10, s30, s19, $0xb8;
	[tilespmem:$0xF200] =	vst v63  }
0x1fb: {  	s0 =	sshll.u32 s0, $0x9  }
0x1fc: {  	[tilespmem:s11], [sflag:$0x2] =	stream.indirect.gather [hbm4b:s8+s19], $0x10, s10, s19, $0xb8;
	[tilespmem:$0xF200] =	vst v63  }
0x1fd: {  	s0 =	sadd.s32 s0, s13  }
0x1fe: {  	[tilespmem:s15], [sflag:$0x2] =	stream.indirect.gather [hbm4b:s8+s19], $0x10, s14, s19, $0xb8;
	[tilespmem:$0xF200] =	vst v63  }
0x1ff: {  	s0 =	sshrl.u32 s0, $0x3;
	s30 =	simm.s32 $0x0  }
0x200: {  	v3 =	vmov s30;
	[tilespmem:s22], [sflag:$0x2] =	stream.indirect.gather [hbm4b:s8+s19], $0x10, s20, s19, $0xb8;
	[tilespmem:$0xF200] =	vst v63  }
0x201: {  	s28 =	sadd.s32 s4, s0;
	v3 =	vshll.u32 v3, $0x4  }
0x202: {  	v4 =	vor.u32 v1, v3;
	[tilespmem:s30], [sflag:$0x1] =	stream.linear.gather [hbm4b:s28+s30], $0x200, $0x38;
	[tilespmem:$0xF200] =	vst v63  }
0x203: {  	v5 =	vor.u32 $0x4, v4;
	s28 =	sadd.s32 s5, s0  }
0x204: {  	v6 =	vor.u32 $0x8, v4;
	[tilespmem:s16], [sflag:$0x1] =	stream.linear.gather [hbm4b:s28+s30], $0x200, $0x38;
	[tilespmem:$0xF200] =	vst v63  }
0x205: {  	v7 =	vor.u32 $0xC, v4;
	s0 =	sadd.s32 s7, s0  }
0x206: {  	v8 =	vor.u32 $0x1, v4;
	[tilespmem:s17], [sflag:$0x1] =	stream.linear.gather [hbm4b:s0+s30], $0x200, $0x38;
	[tilespmem:$0xF200] =	vst v63  }
0x207: {  	v10 =	vor.u32 $0x5, v4;
	v9 =	vld.idx.msk [tilespmem:v4+s21+$0x0], $0xffff  }
0x208: {  	v11 =	vor.u32 $0x9, v4;
	v5 =	vld.idx.msk [tilespmem:v5+s21+$0x0], $0xffff  }
0x209: {  	v12 =	vor.u32 $0xD, v4;
	v6 =	vld.idx.msk [tilespmem:v6+s21+$0x0], $0xffff  }
0x20a: {  	v13 =	vor.u32 $0x2, v4;
	v7 =	vld.idx.msk [tilespmem:v7+s21+$0x0], $0xffff  }
0x20b: {  	v14 =	vor.u32 $0x6, v4;
	v8 =	vld.idx.msk [tilespmem:v8+s21+$0x0], $0xffff  }
0x20c: {  	v15 =	vor.u32 $0xA, v4;
	v10 =	vld.idx.msk [tilespmem:v10+s21+$0x0], $0xffff  }
0x20d: {  	v16 =	vor.u32 $0xE, v4;
	v11 =	vld.idx.msk [tilespmem:v11+s21+$0x0], $0xffff  }
0x20e: {  	v17 =	vor.u32 $0x3, v4;
	v12 =	vld.idx.msk [tilespmem:v12+s21+$0x0], $0xffff  }
0x20f: {  	v18 =	vor.u32 $0x7, v4;
	v13 =	vld.idx.msk [tilespmem:v13+s21+$0x0], $0xffff  }
0x210: {  	v19 =	vor.u32 $0xB, v4;
	v14 =	vld.idx.msk [tilespmem:v14+s21+$0x0], $0xffff  }
0x211: {  	v20 =	vor.u32 v0, v3;
	v15 =	vld.idx.msk [tilespmem:v15+s21+$0x0], $0xffff  }
0x212: {  	v16 =	vld.idx.msk [tilespmem:v16+s21+$0x0], $0xffff  }
0x213: {  	v21 =	vor.u32 $0x4, v20;
	v17 =	vld.idx.msk [tilespmem:v17+s21+$0x0], $0xffff  }
0x214: {  	v22 =	vor.u32 $0x8, v20;
	v18 =	vld.idx.msk [tilespmem:v18+s21+$0x0], $0xffff  }
0x215: {  	v25 =	vor.u32 v2, v3;
	v23 =	vor.u32 $0xC, v20;
	v19 =	vld.idx.msk [tilespmem:v19+s21+$0x0], $0xffff  }
0x216: {  	s9 =	simm.s32 $0x1C00;
	v28 =	vor.u32 $0xC, v25;
	v24 =	vld.idx.msk [tilespmem:v20+s21+$0x0], $0xffff  }
0x217: {  	v30 =	vor.u32 $0x5, v20;
	v26 =	vld [tilespmem:s9+$0x400]  }
0x218: {  	v21 =	vld.idx.msk [tilespmem:v21+s21+$0x0], $0xffff  }
0x219: {  	v3 =	vor.u32 $0x4, v25;
	v32 =	vor.u32 $0xD, v20;
	v22 =	vld.idx.msk [tilespmem:v22+s21+$0x0], $0xffff  }
0x21a: {  	v27 =	vor.u32 $0x8, v25;
	v29 =	vor.u32 $0x1, v20;
	v31 =	vor.u32 $0x9, v20;
	v23 =	vld.idx.msk [tilespmem:v23+s21+$0x0], $0xffff  }
0x21b: {  	v33 =	vor.u32 $0x2, v20;
	v35 =	vor.u32 $0x6, v20;
	v36 =	vor.u32 $0xA, v20;
	v28 =	vld.idx.msk [tilespmem:v28+s21+$0x0], $0xffff  }
0x21c: {  	v37 =	vor.u32 $0xE, v20;
	v39 =	vor.u32 $0x3, v20;
	v41 =	vor.u32 $0x7, v20;
	v30 =	vld.idx.msk [tilespmem:v30+s21+$0x0], $0xffff  }
0x21d: {  	v42 =	vor.u32 $0xB, v20;
	v43 =	vor.u32 $0x1, v25;
	v44 =	vor.u32 $0x5, v25;
	v48 =	vld [tilespmem:s9+$0xFFFFFC00]  }
0x21e: {  	v45 =	vor.u32 $0x9, v25;
	v46 =	vor.u32 $0xD, v25;
	v47 =	vor.u32 $0x2, v25;
	v32 =	vld.idx.msk [tilespmem:v32+s21+$0x0], $0xffff  }
0x21f: {  	v63 =	vor.u32 $0xA, v25;
	v54 =	vor.u32 $0xE, v25;
	v60 =	vld [tilespmem:s9+$0x0];
	v5 =	vmul.f32 v5, v26  }
0x220: {  	v4 =	vor.u32 $0xF, v4;
	v38 =	vld.idx.msk [tilespmem:v3+s21+$0x0], $0xffff;
	v7 =	vmul.f32 v7, v26;
	v10 =	vmul.f32 v10, v26  }
0x221: {  	v56 =	vor.u32 $0x3, v25;
	v3 =	vld [tilespmem:s9+$0x600];
	v12 =	vmul.f32 v12, v26;
	v14 =	vmul.f32 v14, v26  }
0x222: {  	v57 =	vor.u32 $0x7, v25;
	v52 =	vld [tilespmem:s9+$0xFFFFFE00];
	v16 =	vmul.f32 v16, v26;
	v21 =	vmul.f32 v21, v48  }
0x223: {  	v34 =	vld.idx.msk [tilespmem:v25+s21+$0x0], $0xffff;
	v40 =	vsub.f32 $1.000000000e+00, v26;
	v23 =	vmul.f32 v23, v48;
	v30 =	vmul.f32 v30, v48  }
0x224: {  	v59 =	vor.u32 $0xB, v25;
	v27 =	vld.idx.msk [tilespmem:v27+s21+$0x0], $0xffff;
	v32 =	vmul.f32 v32, v48;
	v28 =	vmul.f32 v28, v60  }
0x225: {  	v20 =	vor.u32 $0xF, v20;
	v4 =	vld.idx.msk [tilespmem:v4+s21+$0x0], $0xffff;
	v9 =	vmul.f32 v9, v40;
	v6 =	vmul.f32 v6, v40  }
0x226: {  	v29 =	vld.idx.msk [tilespmem:v29+s21+$0x0], $0xffff;
	v49 =	vsub.f32 $1.000000000e+00, v3;
	v8 =	vmul.f32 v8, v40;
	v11 =	vmul.f32 v11, v40  }
0x227: {  	v31 =	vld.idx.msk [tilespmem:v31+s21+$0x0], $0xffff;
	v50 =	vsub.f32 $1.000000000e+00, v52;
	v13 =	vmul.f32 v13, v40;
	v15 =	vmul.f32 v15, v40  }
0x228: {  	v53 =	vld.idx.msk [tilespmem:v41+s21+$0x0], $0xffff;
	v5 =	vadd.f32 v5, v9;
	v9 =	vmul.f32 v17, v40;
	v17 =	vmul.f32 v18, v26  }
0x229: {  	v55 =	vld.idx.msk [tilespmem:v42+s21+$0x0], $0xffff;
	v6 =	vadd.f32 v7, v6;
	v7 =	vadd.f32 v10, v8;
	v8 =	vmul.f32 v19, v40  }
0x22a: {  	v18 =	vld.idx.msk [tilespmem:v33+s21+$0x0], $0xffff;
	v11 =	vadd.f32 v12, v11;
	v12 =	vadd.f32 v14, v13;
	v4 =	vmul.f32 v4, v26  }
0x22b: {  	v10 =	vld.idx.msk [tilespmem:v35+s21+$0x0], $0xffff;
	v14 =	vadd.f32 v16, v15;
	v5 =	vmul.f32 v5, v49;
	v6 =	vmul.f32 v6, v3  }
0x22c: {  	v13 =	vld.idx.msk [tilespmem:v36+s21+$0x0], $0xffff;
	v16 =	vsub.f32 $1.000000000e+00, v48;
	v7 =	vmul.f32 v7, v49;
	v11 =	vmul.f32 v11, v3  }
0x22d: {  	v15 =	vld.idx.msk [tilespmem:v37+s21+$0x0], $0xffff;
	v19 =	vor.u32 $0x6, v25;
	v12 =	vmul.f32 v12, v49;
	v14 =	vmul.f32 v14, v3  }
0x22e: {  	v25 =	vor.u32 $0xF, v25;
	v26 =	vld.idx.msk [tilespmem:v39+s21+$0x0], $0xffff;
	v22 =	vmul.f32 v22, v16;
	v29 =	vmul.f32 v29, v16  }
0x22f: {  	v44 =	vld.idx.msk [tilespmem:v44+s21+$0x0], $0xffff;
	v24 =	vmul.f32 v24, v16;
	v31 =	vmul.f32 v31, v16;
	v9 =	vadd.f32 v17, v9  }
0x230: {  	v22 =	vadd.f32 v23, v22;
	v23 =	vadd.f32 v30, v29;
	v30 =	vld.idx.msk [tilespmem:v46+s21+$0x0], $0xffff;
	v46 =	vmul.f32 v38, v60  }
0x231: {  	v20 =	vld.idx.msk [tilespmem:v20+s21+$0x0], $0xffff;
	v4 =	vadd.f32 v4, v8;
	v18 =	vmul.f32 v18, v16;
	v10 =	vmul.f32 v10, v48  }
0x232: {  	v17 =	vld.idx.msk [tilespmem:v57+s21+$0x0], $0xffff;
	v21 =	vadd.f32 v21, v24;
	v13 =	vmul.f32 v13, v16;
	v15 =	vmul.f32 v15, v48  }
0x233: {  	v58 =	vld.idx.msk [tilespmem:v43+s21+$0x0], $0xffff;
	v29 =	vadd.f32 v32, v31;
	v24 =	vmul.f32 v26, v16;
	v26 =	vmul.f32 v53, v48  }
0x234: {  	v45 =	vld.idx.msk [tilespmem:v45+s21+$0x0], $0xffff;
	v5 =	vadd.f32 v6, v5;
	v16 =	vmul.f32 v55, v16;
	v21 =	vmul.f32 v21, v50  }
0x235: {  	v31 =	vld.idx.msk [tilespmem:v54+s21+$0x0], $0xffff;
	v7 =	vadd.f32 v11, v7;
	v22 =	vmul.f32 v22, v52;
	v23 =	vmul.f32 v23, v50  }
0x236: {  	v8 =	vld.idx.msk [tilespmem:v59+s21+$0x0], $0xffff;
	v10 =	vadd.f32 v10, v18;
	v18 =	vmul.f32 v20, v48;
	v13 =	vadd.f32 v15, v13  }
0x237: {  	v6 =	vld.idx.msk [tilespmem:v25+s21+$0x0], $0xffff;
	v48 =	vmul.f32 v44, v60;
	v17 =	vmul.f32 v17, v60;
	v15 =	vadd.f32 v26, v24  }
0x238: {  	v16 =	vadd.f32 v18, v16;
	v18 =	vld.idx.msk [tilespmem:v19+s21+$0x0], $0xffff;
	v19 =	vmul.f32 v29, v52;
	v10 =	vmul.f32 v10, v50  }
0x239: {  	v20 =	vld [tilespmem:s9+$0x200];
	v26 =	vsub.f32 $1.000000000e+00, v60;
	v13 =	vmul.f32 v13, v52;
	v25 =	vmul.f32 v30, v60  }
0x23a: {  	v24 =	vld.idx.msk [tilespmem:v47+s21+$0x0], $0xffff;
	v11 =	vadd.f32 v22, v21;
	v22 =	vmul.f32 v31, v60;
	v15 =	vmul.f32 v15, v50  }
0x23b: {  	v29 =	vld.idx.msk [tilespmem:v63+s21+$0x0], $0xffff;
	v62 =	vmul.f32 v34, v26;
	v27 =	vmul.f32 v27, v26  }
0x23c: {  	v63 =	vld.idx.msk [tilespmem:v56+s21+$0x0], $0xffff;
	v47 =	vmul.f32 v58, v26;
	v50 =	vmul.f32 v45, v26  }
0x23d: {  	v8 =	vmul.f32 v8, v26;
	v6 =	vmul.f32 v6, v60;
	v19 =	vadd.f32 v19, v23  }
0x23e: {  	v16 =	vmul.f32 v16, v52;
	v61 =	vsub.f32 $1.000000000e+00, v20;
	v27 =	vadd.f32 v28, v27  }
0x23f: {  	v28 =	vadd.f32 v48, v47;
	v25 =	vadd.f32 v25, v50;
	v24 =	vmul.f32 v24, v26  }
0x240: {  	v6 =	vadd.f32 v6, v8;
	v18 =	vmul.f32 v18, v60;
	v21 =	vmul.f32 v29, v26  }
0x241: {  	v23 =	vmul.f32 v63, v26;
	v29 =	vadd.f32 v46, v62;
	v25 =	vmul.f32 v25, v20  }
0x242: {  	v6 =	vmul.f32 v6, v20;
	v18 =	vadd.f32 v18, v24;
	v21 =	vadd.f32 v22, v21  }
0x243: {  	v22 =	vmul.f32 v29, v61;
	v24 =	vmul.f32 v27, v20;
	v17 =	vadd.f32 v17, v23  }
0x244: {  	v8 =	vadd.f32 v13, v10;
	v23 =	vmul.f32 v28, v61;
	v10 =	vmul.f32 v18, v61  }
0x245: {  	v15 =	vadd.f32 v16, v15;
	v13 =	vmul.f32 v21, v20;
	v16 =	vmul.f32 v17, v61  }
0x246: {  	v9 =	vmul.f32 v9, v49;
	v17 =	vadd.f32 v24, v22;
	v18 =	vadd.f32 v25, v23  }
0x247: {  	v3 =	vmul.f32 v4, v3;
	v10 =	vadd.f32 v13, v10;
	v6 =	vadd.f32 v6, v16  }
0x248: {  	v12 =	vadd.f32 v14, v12;
	v4 =	vmul.f32 v17, v11;
	v11 =	vmul.f32 v18, v19  }
0x249: {  	v3 =	vadd.f32 v3, v9;
	v8 =	vmul.f32 v10, v8;
	v6 =	vmul.f32 v6, v15  }
0x24a: {  	v4 =	vmul.f32 v5, v4;
	v5 =	vmul.f32 v7, v11  }
0x24b: {  	v7 =	vmul.f32 v12, v8;
	v3 =	vmul.f32 v3, v6;
	_ =	sdelay $0x1  }
0x24c: {  	s30 =	simm.s32 $0x10;
	v4 =	vadd.f32 v5, v4;
	v3 =	vadd.f32 v3, v7  }
0x24d: {  	v5 =	vmov s30  }
0x24e: {  	v5 =	vshll.u32 v5, $0x4;
	v3 =	vadd.f32 v3, v4  }
0x24f: {  	v4 =	vor.u32 v1, v5  }
0x250: {  	v6 =	vor.u32 $0x4, v4;
	v3 =	vmul.f32 $2.500000000e-01, v3  }
0x251: {  	v7 =	vor.u32 $0x8, v4  }
0x252: {  	s28 =	simm.s32 $0xF000;
	v8 =	vor.u32 $0xC, v4;
	v3 =	vmax.f32 v3, $0.0e+00  }
0x253: {  	v9 =	vor.u32 $0x1, v4;
	[tilespmem:s28+$0x0] =	vst v3  }
0x254: {  	v14 =	vor.u32 $0x6, v4;
	v10 =	vld.idx.msk [tilespmem:v4+s21+$0x0], $0xffff  }
0x255: {  	v19 =	vor.u32 $0xB, v4;
	v11 =	vld.idx.msk [tilespmem:v6+s21+$0x0], $0xffff  }
0x256: {  	v3 =	vor.u32 $0x5, v4;
	v12 =	vld.idx.msk [tilespmem:v7+s21+$0x0], $0xffff  }
0x257: {  	v6 =	vor.u32 $0x9, v4;
	v13 =	vld.idx.msk [tilespmem:v8+s21+$0x0], $0xffff  }
0x258: {  	v7 =	vor.u32 $0xD, v4;
	v9 =	vld.idx.msk [tilespmem:v9+s21+$0x0], $0xffff  }
0x259: {  	v8 =	vor.u32 $0x2, v4;
	v14 =	vld.idx.msk [tilespmem:v14+s21+$0x0], $0xffff  }
0x25a: {  	v25 =	vld.idx.msk [tilespmem:v19+s21+$0x0], $0xffff  }
0x25b: {  	v15 =	vld.idx.msk [tilespmem:v3+s21+$0x0], $0xffff;
	v3 =	vor.u32 $0xA, v4  }
0x25c: {  	v16 =	vld.idx.msk [tilespmem:v6+s21+$0x0], $0xffff;
	v6 =	vor.u32 $0xE, v4  }
0x25d: {  	v17 =	vld.idx.msk [tilespmem:v7+s21+$0x0], $0xffff;
	v7 =	vor.u32 $0x3, v4  }
0x25e: {  	s29 =	simm.s32 $0x1C10;
	v18 =	vld.idx.msk [tilespmem:v8+s21+$0x0], $0xffff;
	v8 =	vor.u32 $0x7, v4  }
0x25f: {  	v29 =	vor.u32 v2, v5;
	v30 =	vld [tilespmem:s29+$0x400]  }
0x260: {  	v21 =	vld.idx.msk [tilespmem:v3+s21+$0x0], $0xffff;
	v3 =	vor.u32 $0xF, v4;
	v4 =	vor.u32 v0, v5  }
0x261: {  	v22 =	vld.idx.msk [tilespmem:v6+s21+$0x0], $0xffff;
	v6 =	vor.u32 $0x4, v4  }
0x262: {  	v23 =	vld.idx.msk [tilespmem:v7+s21+$0x0], $0xffff;
	v7 =	vor.u32 $0x8, v4  }
0x263: {  	v24 =	vld.idx.msk [tilespmem:v8+s21+$0x0], $0xffff;
	v8 =	vor.u32 $0xC, v4  }
0x264: {  	v19 =	vor.u32 $0x8, v29;
	v5 =	vld.idx.msk [tilespmem:v29+s21+$0x0], $0xffff  }
0x265: {  	v20 =	vor.u32 $0xC, v29;
	v26 =	vld.idx.msk [tilespmem:v3+s21+$0x0], $0xffff  }
0x266: {  	v51 =	vor.u32 $0x1, v4;
	v28 =	vld.idx.msk [tilespmem:v6+s21+$0x0], $0xffff  }
0x267: {  	v34 =	vor.u32 $0x5, v4;
	v31 =	vld.idx.msk [tilespmem:v7+s21+$0x0], $0xffff  }
0x268: {  	v53 =	vor.u32 $0xD, v4;
	v32 =	vld.idx.msk [tilespmem:v8+s21+$0x0], $0xffff  }
0x269: {  	v58 =	vor.u32 $0x1, v29;
	v47 =	vor.u32 $0x5, v29;
	v48 =	vor.u32 $0x9, v29;
	v7 =	vld.idx.msk [tilespmem:v19+s21+$0x0], $0xffff  }
0x26a: {  	v55 =	vsub.f32 $1.000000000e+00, v30;
	v11 =	vmul.f32 v11, v30;
	v60 =	vor.u32 $0x6, v4;
	v8 =	vld.idx.msk [tilespmem:v20+s21+$0x0], $0xffff  }
0x26b: {  	v13 =	vmul.f32 v13, v30;
	v14 =	vmul.f32 v14, v30;
	v62 =	vor.u32 $0xE, v4;
	v33 =	vld.idx.msk [tilespmem:v51+s21+$0x0], $0xffff  }
0x26c: {  	v10 =	vmul.f32 v10, v55;
	v59 =	vmul.f32 v12, v55;
	v3 =	vor.u32 $0x4, v29;
	v34 =	vld.idx.msk [tilespmem:v34+s21+$0x0], $0xffff  }
0x26d: {  	v50 =	vor.u32 $0xD, v29;
	v9 =	vmul.f32 v9, v55;
	v15 =	vmul.f32 v15, v30;
	v36 =	vld.idx.msk [tilespmem:v53+s21+$0x0], $0xffff  }
0x26e: {  	v10 =	vadd.f32 v11, v10;
	v52 =	vor.u32 $0x9, v4;
	v57 =	vor.u32 $0xF, v4;
	v51 =	vld [tilespmem:s29+$0xFFFFFC00]  }
0x26f: {  	v37 =	vor.u32 $0x2, v4;
	v61 =	vor.u32 $0xA, v4;
	v63 =	vor.u32 $0x3, v4;
	v38 =	vld.idx.msk [tilespmem:v60+s21+$0x0], $0xffff  }
0x270: {  	v54 =	vor.u32 $0x7, v4;
	v56 =	vor.u32 $0xB, v4;
	v16 =	vmul.f32 v16, v55;
	v40 =	vld.idx.msk [tilespmem:v62+s21+$0x0], $0xffff  }
0x271: {  	v17 =	vmul.f32 v17, v30;
	v18 =	vmul.f32 v18, v55;
	v9 =	vadd.f32 v15, v9;
	v6 =	vld.idx.msk [tilespmem:v3+s21+$0x0], $0xffff  }
0x272: {  	v21 =	vmul.f32 v21, v55;
	v19 =	vor.u32 $0x2, v29;
	v22 =	vmul.f32 v22, v30;
	v3 =	vld [tilespmem:s29+$0x600]  }
0x273: {  	v20 =	vor.u32 $0x6, v29;
	v11 =	vmul.f32 v23, v55;
	v12 =	vmul.f32 v24, v30;
	v45 =	vld.idx.msk [tilespmem:v57+s21+$0x0], $0xffff  }
0x274: {  	v27 =	vld.idx.msk [tilespmem:v4+s21+$0x0], $0xffff;
	v23 =	vadd.f32 v13, v59;
	v13 =	vmul.f32 v25, v55;
	v24 =	vadd.f32 v17, v16  }
0x275: {  	v39 =	vld.idx.msk [tilespmem:v61+s21+$0x0], $0xffff;
	v25 =	vadd.f32 v14, v18;
	v17 =	vmul.f32 v26, v30;
	v61 =	vmul.f32 v28, v51  }
0x276: {  	v35 =	vld.idx.msk [tilespmem:v52+s21+$0x0], $0xffff;
	v26 =	vor.u32 $0x3, v29;
	v52 =	vmul.f32 v32, v51;
	v53 =	vmul.f32 v34, v51  }
0x277: {  	v44 =	vld.idx.msk [tilespmem:v56+s21+$0x0], $0xffff;
	v55 =	vmul.f32 v36, v51;
	v56 =	vmul.f32 v38, v51;
	v4 =	vsub.f32 $1.000000000e+00, v3  }
0x278: {  	v37 =	vld.idx.msk [tilespmem:v37+s21+$0x0], $0xffff;
	v28 =	vor.u32 $0xB, v29;
	v36 =	vmul.f32 v40, v51;
	v45 =	vmul.f32 v45, v51  }
0x279: {  	v15 =	vmul.f32 v23, v3;
	v23 =	vld [tilespmem:s29+$0xFFFFFE00];
	v14 =	vmul.f32 v10, v4;
	v10 =	vadd.f32 v22, v21  }
0x27a: {  	v18 =	vmul.f32 v24, v3;
	v21 =	vsub.f32 $1.000000000e+00, v51;
	v22 =	vld.idx.msk [tilespmem:v63+s21+$0x0], $0xffff;
	v16 =	vmul.f32 v9, v4  }
0x27b: {  	v41 =	vld.idx.msk [tilespmem:v54+s21+$0x0], $0xffff;
	v24 =	vor.u32 $0xA, v29;
	v9 =	vmul.f32 v25, v4;
	v10 =	vmul.f32 v10, v3  }
0x27c: {  	v30 =	vld.idx.msk [tilespmem:v58+s21+$0x0], $0xffff;
	v25 =	vor.u32 $0xE, v29;
	v60 =	vmul.f32 v27, v21;
	v62 =	vmul.f32 v31, v21  }
0x27d: {  	v32 =	vld.idx.msk [tilespmem:v48+s21+$0x0], $0xffff;
	v33 =	vmul.f32 v33, v21;
	v27 =	vor.u32 $0x7, v29;
	v54 =	vmul.f32 v35, v21  }
0x27e: {  	v63 =	vmul.f32 v37, v21;
	v31 =	vld.idx.msk [tilespmem:v47+s21+$0x0], $0xffff;
	v29 =	vor.u32 $0xF, v29;
	v35 =	vmul.f32 v39, v21  }
0x27f: {  	v34 =	vsub.f32 $1.000000000e+00, v23;
	v38 =	vadd.f32 v61, v60;
	v37 =	vmul.f32 v22, v21;
	v22 =	vld [tilespmem:s29+$0x0]  }
0x280: {  	v39 =	vmul.f32 v41, v51;
	v40 =	vadd.f32 v52, v62;
	v41 =	vadd.f32 v53, v33;
	v33 =	vld.idx.msk [tilespmem:v50+s21+$0x0], $0xffff  }
0x281: {  	s0 =	simm.s32 $0x20;
	v42 =	vmul.f32 v44, v21;
	v43 =	vadd.f32 v55, v54;
	v44 =	vadd.f32 v56, v63;
	v21 =	vld [tilespmem:s29+$0x200]  }
.LBB2_11:
0x282: {  	p0 =	sne.s32 s0, $0x1F0;
	v38 =	vmul.f32 v38, v34;
	v35 =	vadd.f32 v36, v35;
	v36 =	vadd.f32 v39, v37;
	v19 =	vld.idx.msk [tilespmem:v19+s21+$0x0], $0xffff  }
0x283: {  	v37 =	vmul.f32 v40, v23;
	v39 =	vmul.f32 v41, v34;
	v40 =	vadd.f32 v45, v42;
	v20 =	vld.idx.msk [tilespmem:v20+s21+$0x0], $0xffff  }
0x284: {  	v41 =	vmul.f32 v43, v23;
	v42 =	vmul.f32 v44, v34;
	v43 =	vsub.f32 $1.000000000e+00, v22;
	v24 =	vld.idx.msk [tilespmem:v24+s21+$0x0], $0xffff  }
0x285: {  	v35 =	vmul.f32 v35, v23;
	v34 =	vmul.f32 v36, v34;
	v25 =	vld.idx.msk [tilespmem:v25+s21+$0x0], $0xffff  }
0x286: {  	v23 =	vmul.f32 v40, v23;
	v36 =	vsub.f32 $1.000000000e+00, v21;
	v5 =	vmul.f32 v5, v43;
	v26 =	vld.idx.msk [tilespmem:v26+s21+$0x0], $0xffff  }
0x287: {  	v11 =	vadd.f32 v12, v11;
	v6 =	vmul.f32 v6, v22;
	v7 =	vmul.f32 v7, v43;
	v27 =	vld.idx.msk [tilespmem:v27+s21+$0x0], $0xffff  }
0x288: {  	v13 =	vadd.f32 v17, v13;
	v8 =	vmul.f32 v8, v22;
	v12 =	vmul.f32 v30, v43;
	v28 =	vld.idx.msk [tilespmem:v28+s21+$0x0], $0xffff  }
0x289: {  	v14 =	vadd.f32 v15, v14;
	v17 =	vmul.f32 v31, v22;
	v30 =	vmul.f32 v32, v43;
	v29 =	vld.idx.msk [tilespmem:v29+s21+$0x0], $0xffff  }
0x28a: {  	v16 =	vadd.f32 v18, v16;
	v15 =	vmul.f32 v33, v22;
	v19 =	vmul.f32 v19, v43  }
0x28b: {  	v18 =	vadd.f32 v37, v38;
	v20 =	vmul.f32 v20, v22;
	v24 =	vmul.f32 v24, v43  }
0x28c: {  	v31 =	vadd.f32 v41, v39;
	v25 =	vmul.f32 v25, v22;
	v26 =	vmul.f32 v26, v43  }
0x28d: {  	v5 =	vadd.f32 v6, v5;
	v6 =	vadd.f32 v8, v7;
	v7 =	vmul.f32 v27, v22  }
0x28e: {  	v8 =	vadd.f32 v17, v12;
	v12 =	vadd.f32 v15, v30;
	v15 =	vmul.f32 v28, v43  }
0x28f: {  	v17 =	vadd.f32 v20, v19;
	v19 =	vadd.f32 v25, v24;
	v20 =	vmul.f32 v29, v22  }
0x290: {  	v5 =	vmul.f32 v5, v36;
	v6 =	vmul.f32 v6, v21;
	v7 =	vadd.f32 v7, v26  }
0x291: {  	v8 =	vmul.f32 v8, v36;
	v12 =	vmul.f32 v12, v21;
	v15 =	vadd.f32 v20, v15  }
0x292: {  	v17 =	vmul.f32 v17, v36;
	v19 =	vmul.f32 v19, v21;
	v20 =	vadd.f32 v35, v42  }
0x293: {  	v22 =	vadd.f32 v23, v34;
	v7 =	vmul.f32 v7, v36;
	v15 =	vmul.f32 v15, v21  }
0x294: {  	v4 =	vmul.f32 v11, v4;
	v5 =	vadd.f32 v6, v5;
	v6 =	vadd.f32 v12, v8  }
0x295: {  	v3 =	vmul.f32 v13, v3;
	v8 =	vadd.f32 v19, v17;
	v7 =	vadd.f32 v15, v7  }
0x296: {  	v9 =	vadd.f32 v10, v9;
	v5 =	vmul.f32 v5, v18;
	v6 =	vmul.f32 v6, v31  }
0x297: {  	v3 =	vadd.f32 v3, v4;
	v8 =	vmul.f32 v8, v20;
	v7 =	vmul.f32 v7, v22  }
0x298: {  	v4 =	vmul.f32 v14, v5;
	v5 =	vmul.f32 v16, v6  }
0x299: {  	v6 =	vmul.f32 v9, v8;
	v3 =	vmul.f32 v3, v7;
	_ =	sdelay $0x1  }
0x29a: {  	v4 =	vadd.f32 v5, v4;
	v3 =	vadd.f32 v3, v6  }
0x29b: {  	v5 =	vmov s0  }
0x29c: {  	v5 =	vshll.u32 v5, $0x4;
	v3 =	vadd.f32 v3, v4  }
0x29d: {  	v4 =	vor.u32 v1, v5  }
0x29e: {  	v6 =	vor.u32 $0x4, v4;
	v3 =	vmul.f32 $2.500000000e-01, v3  }
0x29f: {  	v7 =	vor.u32 $0x8, v4  }
0x2a0: {  	s28 =	sadd.s32 $0x10, s28;
	v8 =	vor.u32 $0xC, v4;
	v3 =	vmax.f32 v3, $0.0e+00  }
0x2a1: {  	v9 =	vor.u32 $0x1, v4;
	[tilespmem:s28+$0x0] =	vst v3  }
0x2a2: {  	v3 =	vor.u32 $0x5, v4;
	v10 =	vld.idx.msk [tilespmem:v4+s21+$0x0], $0xffff  }
0x2a3: {  	v11 =	vld.idx.msk [tilespmem:v6+s21+$0x0], $0xffff;
	v6 =	vor.u32 $0x9, v4  }
0x2a4: {  	v12 =	vld.idx.msk [tilespmem:v7+s21+$0x0], $0xffff;
	v7 =	vor.u32 $0xD, v4  }
0x2a5: {  	v13 =	vld.idx.msk [tilespmem:v8+s21+$0x0], $0xffff;
	v8 =	vor.u32 $0x2, v4  }
0x2a6: {  	v14 =	vor.u32 $0x6, v4;
	v9 =	vld.idx.msk [tilespmem:v9+s21+$0x0], $0xffff  }
0x2a7: {  	v15 =	vld.idx.msk [tilespmem:v3+s21+$0x0], $0xffff;
	v3 =	vor.u32 $0xA, v4  }
0x2a8: {  	v16 =	vld.idx.msk [tilespmem:v6+s21+$0x0], $0xffff;
	v6 =	vor.u32 $0xE, v4  }
0x2a9: {  	v17 =	vld.idx.msk [tilespmem:v7+s21+$0x0], $0xffff;
	v7 =	vor.u32 $0x3, v4  }
0x2aa: {  	v18 =	vld.idx.msk [tilespmem:v8+s21+$0x0], $0xffff;
	v8 =	vor.u32 $0x7, v4  }
0x2ab: {  	v19 =	vor.u32 $0xB, v4;
	v14 =	vld.idx.msk [tilespmem:v14+s21+$0x0], $0xffff  }
0x2ac: {  	v21 =	vld.idx.msk [tilespmem:v3+s21+$0x0], $0xffff;
	v3 =	vor.u32 $0xF, v4  }
0x2ad: {  	v4 =	vor.u32 v0, v5;
	v22 =	vld.idx.msk [tilespmem:v6+s21+$0x0], $0xffff  }
0x2ae: {  	v6 =	vor.u32 $0x4, v4;
	v23 =	vld.idx.msk [tilespmem:v7+s21+$0x0], $0xffff  }
0x2af: {  	v24 =	vld.idx.msk [tilespmem:v8+s21+$0x0], $0xffff  }
0x2b0: {  	v7 =	vor.u32 $0x8, v4;
	v25 =	vld.idx.msk [tilespmem:v19+s21+$0x0], $0xffff  }
0x2b1: {  	v8 =	vor.u32 $0xC, v4;
	v26 =	vld.idx.msk [tilespmem:v3+s21+$0x0], $0xffff  }
0x2b2: {  	v29 =	vor.u32 v2, v5;
	v27 =	vld.idx.msk [tilespmem:v4+s21+$0x0], $0xffff  }
0x2b3: {  	s29 =	sadd.s32 $0x10, s29;
	v3 =	vor.u32 $0x4, v29;
	v28 =	vld.idx.msk [tilespmem:v6+s21+$0x0], $0xffff  }
0x2b4: {  	v19 =	vor.u32 $0x8, v29;
	v30 =	vld [tilespmem:s29+$0x400]  }
0x2b5: {  	v20 =	vor.u32 $0xC, v29;
	v31 =	vld.idx.msk [tilespmem:v7+s21+$0x0], $0xffff  }
0x2b6: {  	v33 =	vor.u32 $0x1, v4;
	v34 =	vor.u32 $0x5, v4;
	v32 =	vld.idx.msk [tilespmem:v8+s21+$0x0], $0xffff  }
0x2b7: {  	v35 =	vor.u32 $0x9, v4;
	v36 =	vor.u32 $0xD, v4;
	v37 =	vor.u32 $0x2, v4;
	v5 =	vld.idx.msk [tilespmem:v29+s21+$0x0], $0xffff  }
0x2b8: {  	v38 =	vor.u32 $0x6, v4;
	v39 =	vor.u32 $0xA, v4;
	v40 =	vor.u32 $0xE, v4;
	v6 =	vld.idx.msk [tilespmem:v3+s21+$0x0], $0xffff  }
0x2b9: {  	v41 =	vor.u32 $0x3, v4;
	v42 =	vor.u32 $0x7, v4;
	v7 =	vld.idx.msk [tilespmem:v19+s21+$0x0], $0xffff;
	v43 =	vsub.f32 $1.000000000e+00, v30  }
0x2ba: {  	v46 =	vor.u32 $0x1, v29;
	v44 =	vor.u32 $0xB, v4;
	v45 =	vor.u32 $0xF, v4;
	v8 =	vld.idx.msk [tilespmem:v20+s21+$0x0], $0xffff  }
0x2bb: {  	v47 =	vor.u32 $0x5, v29;
	v11 =	vmul.f32 v11, v30;
	v3 =	vld [tilespmem:s29+$0x600];
	v10 =	vmul.f32 v10, v43  }
0x2bc: {  	v48 =	vor.u32 $0x9, v29;
	v13 =	vmul.f32 v13, v30;
	v49 =	vmul.f32 v12, v43;
	v33 =	vld.idx.msk [tilespmem:v33+s21+$0x0], $0xffff  }
0x2bd: {  	v50 =	vor.u32 $0xD, v29;
	v15 =	vmul.f32 v15, v30;
	v9 =	vmul.f32 v9, v43;
	v34 =	vld.idx.msk [tilespmem:v34+s21+$0x0], $0xffff  }
0x2be: {  	v19 =	vor.u32 $0x2, v29;
	v17 =	vmul.f32 v17, v30;
	v16 =	vmul.f32 v16, v43;
	v35 =	vld.idx.msk [tilespmem:v35+s21+$0x0], $0xffff  }
0x2bf: {  	v14 =	vmul.f32 v14, v30;
	v20 =	vor.u32 $0x6, v29;
	v18 =	vmul.f32 v18, v43;
	v36 =	vld.idx.msk [tilespmem:v36+s21+$0x0], $0xffff  }
0x2c0: {  	v22 =	vmul.f32 v22, v30;
	v21 =	vmul.f32 v21, v43;
	v51 =	vld [tilespmem:s29+$0xFFFFFC00];
	v4 =	vsub.f32 $1.000000000e+00, v3  }
0x2c1: {  	v12 =	vmul.f32 v24, v30;
	v10 =	vadd.f32 v11, v10;
	v11 =	vmul.f32 v23, v43;
	v37 =	vld.idx.msk [tilespmem:v37+s21+$0x0], $0xffff  }
0x2c2: {  	v23 =	vadd.f32 v13, v49;
	v9 =	vadd.f32 v15, v9;
	v13 =	vmul.f32 v25, v43;
	v38 =	vld.idx.msk [tilespmem:v38+s21+$0x0], $0xffff  }
0x2c3: {  	v24 =	vadd.f32 v17, v16;
	v25 =	vadd.f32 v14, v18;
	v17 =	vmul.f32 v26, v30;
	v39 =	vld.idx.msk [tilespmem:v39+s21+$0x0], $0xffff  }
0x2c4: {  	v15 =	vmul.f32 v23, v3;
	v14 =	vmul.f32 v10, v4;
	v10 =	vadd.f32 v22, v21;
	v40 =	vld.idx.msk [tilespmem:v40+s21+$0x0], $0xffff  }
0x2c5: {  	v18 =	vmul.f32 v24, v3;
	v16 =	vmul.f32 v9, v4;
	v21 =	vsub.f32 $1.000000000e+00, v51;
	v22 =	vld.idx.msk [tilespmem:v41+s21+$0x0], $0xffff  }
0x2c6: {  	v24 =	vor.u32 $0xA, v29;
	v9 =	vmul.f32 v25, v4;
	v10 =	vmul.f32 v10, v3;
	v41 =	vld.idx.msk [tilespmem:v42+s21+$0x0], $0xffff  }
0x2c7: {  	v25 =	vor.u32 $0xE, v29;
	v43 =	vmul.f32 v28, v51;
	v23 =	vld [tilespmem:s29+$0xFFFFFE00];
	v42 =	vmul.f32 v27, v21  }
0x2c8: {  	v26 =	vor.u32 $0x3, v29;
	v52 =	vmul.f32 v32, v51;
	v49 =	vmul.f32 v31, v21;
	v44 =	vld.idx.msk [tilespmem:v44+s21+$0x0], $0xffff  }
0x2c9: {  	v53 =	vmul.f32 v34, v51;
	v33 =	vmul.f32 v33, v21;
	v27 =	vor.u32 $0x7, v29;
	v45 =	vld.idx.msk [tilespmem:v45+s21+$0x0], $0xffff  }
0x2ca: {  	v55 =	vmul.f32 v36, v51;
	v28 =	vor.u32 $0xB, v29;
	v54 =	vmul.f32 v35, v21;
	v30 =	vld.idx.msk [tilespmem:v46+s21+$0x0], $0xffff  }
.Ltmp4:
0x2cb: {  	v56 =	vmul.f32 v38, v51;
	v29 =	vor.u32 $0xF, v29;
	v46 =	vmul.f32 v37, v21;
	v31 =	vld.idx.msk [tilespmem:v47+s21+$0x0], $0xffff;
	(pc) =	sbr.rel @p0 .LBB2_11-.Ltmp4, $4  }
0x2cc: {  	v35 =	vmul.f32 v39, v21;
	v36 =	vmul.f32 v40, v51;
	v34 =	vsub.f32 $1.000000000e+00, v23;
	v32 =	vld.idx.msk [tilespmem:v48+s21+$0x0], $0xffff  }
0x2cd: {  	v38 =	vadd.f32 v43, v42;
	v37 =	vmul.f32 v22, v21;
	v39 =	vmul.f32 v41, v51;
	v22 =	vld [tilespmem:s29+$0x0]  }
0x2ce: {  	v40 =	vadd.f32 v52, v49;
	v41 =	vadd.f32 v53, v33;
	v42 =	vmul.f32 v44, v21;
	v33 =	vld.idx.msk [tilespmem:v50+s21+$0x0], $0xffff  }
0x2cf: {  	s0 =	sadd.s32 $0x10, s0;
	v43 =	vadd.f32 v55, v54;
	v44 =	vadd.f32 v56, v46;
	v45 =	vmul.f32 v45, v51;
	v21 =	vld [tilespmem:s29+$0x200]  }
0x2d0: {  	_ =	sdelay $0x2  }
0x2d1: {  	v38 =	vmul.f32 v38, v34;
	v35 =	vadd.f32 v36, v35  }
0x2d2: {  	v54 =	vadd.f32 v39, v37;
	v19 =	vld.idx.msk [tilespmem:v19+s21+$0x0], $0xffff;
	v55 =	vmul.f32 v40, v23;
	v56 =	vmul.f32 v41, v34  }
0x2d3: {  	v20 =	vld.idx.msk [tilespmem:v20+s21+$0x0], $0xffff;
	v11 =	vadd.f32 v12, v11;
	v58 =	vmul.f32 v43, v23;
	v59 =	vmul.f32 v44, v34  }
0x2d4: {  	v24 =	vld.idx.msk [tilespmem:v24+s21+$0x0], $0xffff;
	v57 =	vadd.f32 v45, v42;
	v35 =	vmul.f32 v35, v23;
	v61 =	vmul.f32 v54, v34  }
0x2d5: {  	v25 =	vld.idx.msk [tilespmem:v25+s21+$0x0], $0xffff;
	v60 =	vsub.f32 $1.000000000e+00, v22;
	v6 =	vmul.f32 v6, v22;
	v8 =	vmul.f32 v8, v22  }
0x2d6: {  	v26 =	vld.idx.msk [tilespmem:v26+s21+$0x0], $0xffff;
	v13 =	vadd.f32 v17, v13;
	v46 =	vmul.f32 v31, v22;
	v62 =	vmul.f32 v57, v23  }
0x2d7: {  	v40 =	vld.idx.msk [tilespmem:v27+s21+$0x0], $0xffff;
	v14 =	vadd.f32 v15, v14;
	v49 =	vmul.f32 v33, v22;
	v5 =	vmul.f32 v5, v60  }
0x2d8: {  	v48 =	vld.idx.msk [tilespmem:v29+s21+$0x0], $0xffff;
	v16 =	vadd.f32 v18, v16;
	v7 =	vmul.f32 v7, v60;
	v44 =	vmul.f32 v30, v60  }
0x2d9: {  	v45 =	vld.idx.msk [tilespmem:v28+s21+$0x0], $0xffff;
	v50 =	vadd.f32 v55, v38;
	v47 =	vmul.f32 v32, v60;
	v19 =	vmul.f32 v19, v60  }
0x2da: {  	v51 =	vadd.f32 v58, v56;
	v20 =	vmul.f32 v20, v22;
	v24 =	vmul.f32 v24, v60  }
0x2db: {  	v63 =	vsub.f32 $1.000000000e+00, v21;
	v25 =	vmul.f32 v25, v22;
	v26 =	vmul.f32 v26, v60  }
0x2dc: {  	v53 =	vmul.f32 v40, v22;
	v5 =	vadd.f32 v6, v5;
	v52 =	vadd.f32 v8, v7  }
0x2dd: {  	v15 =	vmul.f32 v48, v22;
	v54 =	vadd.f32 v46, v44;
	v55 =	vadd.f32 v49, v47  }
0x2de: {  	v17 =	vmul.f32 v45, v60;
	v19 =	vadd.f32 v20, v19;
	v56 =	vadd.f32 v25, v24  }
0x2df: {  	v7 =	vadd.f32 v53, v26;
	v5 =	vmul.f32 v5, v63;
	v6 =	vmul.f32 v52, v21  }
0x2e0: {  	v8 =	vmul.f32 v54, v63;
	v12 =	vmul.f32 v55, v21;
	v15 =	vadd.f32 v15, v17  }
0x2e1: {  	v57 =	vadd.f32 v35, v59;
	v19 =	vmul.f32 v19, v63;
	v20 =	vmul.f32 v56, v21  }
0x2e2: {  	v58 =	vadd.f32 v62, v61;
	v7 =	vmul.f32 v7, v63;
	v15 =	vmul.f32 v15, v21  }
0x2e3: {  	v4 =	vmul.f32 v11, v4;
	v5 =	vadd.f32 v6, v5;
	v59 =	vadd.f32 v12, v8  }
0x2e4: {  	v3 =	vmul.f32 v13, v3;
	v60 =	vadd.f32 v20, v19;
	v7 =	vadd.f32 v15, v7  }
0x2e5: {  	v9 =	vadd.f32 v10, v9;
	v5 =	vmul.f32 v5, v50;
	v6 =	vmul.f32 v59, v51  }
0x2e6: {  	v3 =	vadd.f32 v3, v4;
	v8 =	vmul.f32 v60, v57;
	v7 =	vmul.f32 v7, v58  }
0x2e7: {  	v61 =	vmul.f32 v14, v5;
	v62 =	vmul.f32 v16, v6  }
0x2e8: {  	v63 =	vmul.f32 v9, v8;
	v3 =	vmul.f32 v3, v7;
	_ =	sdelay $0x1  }
0x2e9: {  	v4 =	vadd.f32 v62, v61;
	v3 =	vadd.f32 v3, v63;
	_ =	sdelay $0x1  }
0x2ea: {  	v3 =	vadd.f32 v3, v4;
	_ =	sdelay $0x1  }
0x2eb: {  	v3 =	vmul.f32 $2.500000000e-01, v3  }
0x2ec: {  	s25 =	sadd.s32 $0x1, s25  }
0x2ed: {  	s0 =	sadd.s32 $0x10, s28;
	p0 =	sne.s32 s25, $0x10;
	v3 =	vmax.f32 v3, $0.0e+00  }
.Ltmp5:
0x2ee: {  	s30 =	sadd.s32 s1, s26;
	[tilespmem:s0+$0x0] =	vst v3;
	(pc) =	sbr.rel @p0 .LBB2_2-.Ltmp5, $4  }
0x2ef: {  	[hbm4b:s30+s3] =	stream.linear.scatter [tilespmem:s23], [sflag:$0x3], $0x200, $0x38;
	[tilespmem:$0xF200] =	vst v63  }
0x2f0: {  	_ =	swait.ge [sflag:s24], $0x200  }
0x2f1: {  	[sflag:s24] =	ssyncset.done $0x0  }
0x2f2: {  	[sflag:s24] =	ssyncadd.s32 $0xFFFFFE00  }
0x2f3: {  	_ =	swait.ge [sflag:s18], $0x200  }
0x2f4: {  	[sflag:s18] =	ssyncset.done $0x0  }
0x2f5: {  	[sflag:s18] =	ssyncadd.s32 $0xFFFFFE00  }
0x2f6: {  	_ =	swait.ge [sflag:s18], $0x200  }
0x2f7: {  	[sflag:s18] =	ssyncset.done $0x0  }
0x2f8: {  	[sflag:s18] =	ssyncadd.s32 $0xFFFFFE00  }
0x2f9: {  	_ =	swait.ge [sflag:s18], $0x200  }
0x2fa: {  	[sflag:s18] =	ssyncset.done $0x0  }
0x2fb: {  	[sflag:s18] =	ssyncadd.s32 $0xFFFFFE00  }
0x2fc: {  	_ =	swait.ge [sflag:s31], $0x800  }
0x2fd: {  	[sflag:s31] =	ssyncset.done $0x0  }
0x2fe: {  	[sflag:s31] =	ssyncadd.s32 $0xFFFFF800  }
0x2ff: {  	_ =	swait.ge [sflag:s31], $0x800  }
0x300: {  	[sflag:s31] =	ssyncset.done $0x0  }
0x301: {  	[sflag:s31] =	ssyncadd.s32 $0xFFFFF800  }
0x302: {  	_ =	swait.ge [sflag:s31], $0x800  }
0x303: {  	[sflag:s31] =	ssyncset.done $0x0  }
0x304: {  	[sflag:s31] =	ssyncadd.s32 $0xFFFFF800  }
0x305: {  	_ =	swait.ge [sflag:s31], $0x800  }
0x306: {  	[sflag:s31] =	ssyncset.done $0x0  }
0x307: {  	[sflag:s31] =	ssyncadd.s32 $0xFFFFF800  }
0x308: {  	_ =	swait.ge [sflag:s31], $0x800  }
0x309: {  	[sflag:s31] =	ssyncset.done $0x0  }
0x30a: {  	[sflag:s31] =	ssyncadd.s32 $0xFFFFF800  }
0x30b: {  	_ =	swait.ge [sflag:s31], $0x800  }
0x30c: {  	[sflag:s31] =	ssyncset.done $0x0  }
0x30d: {  	[sflag:s31] =	ssyncadd.s32 $0xFFFFF800  }
0x30e: {  	_ =	swait.ge [sflag:s31], $0x800  }
0x30f: {  	[sflag:s31] =	ssyncset.done $0x0  }
0x310: {  	[sflag:s31] =	ssyncadd.s32 $0xFFFFF800  }
0x311: {  	_ =	swait.ge [sflag:s31], $0x800  }
0x312: {  	[sflag:s31] =	ssyncset.done $0x0  }
0x313: {  	[sflag:s31] =	ssyncadd.s32 $0xFFFFF800  }
0x314: {  	_ =	swait.ge [sflag:s31], $0x800  }
0x315: {  	[sflag:s31] =	ssyncset.done $0x0  }
0x316: {  	[sflag:s31] =	ssyncadd.s32 $0xFFFFF800  }
0x317: {  	_ =	swait.ge [sflag:s31], $0x800  }
0x318: {  	s0 =	simm.s32 $0x0;
	[sflag:s31] =	ssyncset.done $0x0  }
0x319: {  	v3 =	vmov s0;
	[sflag:s31] =	ssyncadd.s32 $0xFFFFF800  }
0x31a: {  	v3 =	vshll.u32 v3, $0x4;
	_ =	swait.ge [sflag:s31], $0x800  }
0x31b: {  	v4 =	vor.u32 v1, v3;
	[sflag:s31] =	ssyncset.done $0x0  }
0x31c: {  	v5 =	vor.u32 $0x4, v4;
	[sflag:s31] =	ssyncadd.s32 $0xFFFFF800  }
0x31d: {  	v6 =	vor.u32 $0x8, v4;
	_ =	swait.ge [sflag:s31], $0x800  }
0x31e: {  	v7 =	vor.u32 $0xC, v4;
	[sflag:s31] =	ssyncset.done $0x0  }
0x31f: {  	v8 =	vor.u32 $0x1, v4;
	[sflag:s31] =	ssyncadd.s32 $0xFFFFF800  }
0x320: {  	v10 =	vor.u32 $0x5, v4;
	v9 =	vld.idx.msk [tilespmem:v4+s2+$0x0], $0xffff  }
0x321: {  	v11 =	vor.u32 $0x9, v4;
	v5 =	vld.idx.msk [tilespmem:v5+s2+$0x0], $0xffff  }
0x322: {  	v12 =	vor.u32 $0xD, v4;
	v6 =	vld.idx.msk [tilespmem:v6+s2+$0x0], $0xffff  }
0x323: {  	v13 =	vor.u32 $0x2, v4;
	v7 =	vld.idx.msk [tilespmem:v7+s2+$0x0], $0xffff  }
0x324: {  	v14 =	vor.u32 $0x6, v4;
	v8 =	vld.idx.msk [tilespmem:v8+s2+$0x0], $0xffff  }
0x325: {  	v15 =	vor.u32 $0xA, v4;
	v10 =	vld.idx.msk [tilespmem:v10+s2+$0x0], $0xffff  }
0x326: {  	v16 =	vor.u32 $0xE, v4;
	v11 =	vld.idx.msk [tilespmem:v11+s2+$0x0], $0xffff  }
0x327: {  	v17 =	vor.u32 $0x3, v4;
	v12 =	vld.idx.msk [tilespmem:v12+s2+$0x0], $0xffff  }
0x328: {  	v18 =	vor.u32 $0x7, v4;
	v13 =	vld.idx.msk [tilespmem:v13+s2+$0x0], $0xffff  }
0x329: {  	v19 =	vor.u32 $0xB, v4;
	v14 =	vld.idx.msk [tilespmem:v14+s2+$0x0], $0xffff  }
0x32a: {  	v20 =	vor.u32 v0, v3;
	v15 =	vld.idx.msk [tilespmem:v15+s2+$0x0], $0xffff  }
0x32b: {  	v16 =	vld.idx.msk [tilespmem:v16+s2+$0x0], $0xffff  }
0x32c: {  	v21 =	vor.u32 $0x4, v20;
	v17 =	vld.idx.msk [tilespmem:v17+s2+$0x0], $0xffff  }
0x32d: {  	v22 =	vor.u32 $0x8, v20;
	v18 =	vld.idx.msk [tilespmem:v18+s2+$0x0], $0xffff  }
0x32e: {  	v25 =	vor.u32 v2, v3;
	v23 =	vor.u32 $0xC, v20;
	v19 =	vld.idx.msk [tilespmem:v19+s2+$0x0], $0xffff  }
0x32f: {  	s29 =	simm.s32 $0x2800;
	v28 =	vor.u32 $0xC, v25;
	v24 =	vld.idx.msk [tilespmem:v20+s2+$0x0], $0xffff  }
0x330: {  	v30 =	vor.u32 $0x5, v20;
	v26 =	vld [tilespmem:s29+$0x400]  }
0x331: {  	v21 =	vld.idx.msk [tilespmem:v21+s2+$0x0], $0xffff  }
0x332: {  	v3 =	vor.u32 $0x4, v25;
	v32 =	vor.u32 $0xD, v20;
	v22 =	vld.idx.msk [tilespmem:v22+s2+$0x0], $0xffff  }
0x333: {  	v27 =	vor.u32 $0x8, v25;
	v29 =	vor.u32 $0x1, v20;
	v31 =	vor.u32 $0x9, v20;
	v23 =	vld.idx.msk [tilespmem:v23+s2+$0x0], $0xffff  }
0x334: {  	v33 =	vor.u32 $0x2, v20;
	v35 =	vor.u32 $0x6, v20;
	v36 =	vor.u32 $0xA, v20;
	v28 =	vld.idx.msk [tilespmem:v28+s2+$0x0], $0xffff  }
0x335: {  	v37 =	vor.u32 $0xE, v20;
	v39 =	vor.u32 $0x3, v20;
	v41 =	vor.u32 $0x7, v20;
	v30 =	vld.idx.msk [tilespmem:v30+s2+$0x0], $0xffff  }
0x336: {  	v42 =	vor.u32 $0xB, v20;
	v43 =	vor.u32 $0x1, v25;
	v44 =	vor.u32 $0x5, v25;
	v48 =	vld [tilespmem:s29+$0xFFFFFC00]  }
0x337: {  	v45 =	vor.u32 $0x9, v25;
	v46 =	vor.u32 $0xD, v25;
	v47 =	vor.u32 $0x2, v25;
	v32 =	vld.idx.msk [tilespmem:v32+s2+$0x0], $0xffff  }
0x338: {  	v63 =	vor.u32 $0xA, v25;
	v54 =	vor.u32 $0xE, v25;
	v60 =	vld [tilespmem:s29+$0x0];
	v5 =	vmul.f32 v5, v26  }
0x339: {  	v4 =	vor.u32 $0xF, v4;
	v38 =	vld.idx.msk [tilespmem:v3+s2+$0x0], $0xffff;
	v7 =	vmul.f32 v7, v26;
	v10 =	vmul.f32 v10, v26  }
0x33a: {  	v56 =	vor.u32 $0x3, v25;
	v3 =	vld [tilespmem:s29+$0x600];
	v12 =	vmul.f32 v12, v26;
	v14 =	vmul.f32 v14, v26  }
0x33b: {  	v57 =	vor.u32 $0x7, v25;
	v52 =	vld [tilespmem:s29+$0xFFFFFE00];
	v16 =	vmul.f32 v16, v26;
	v21 =	vmul.f32 v21, v48  }
0x33c: {  	v34 =	vld.idx.msk [tilespmem:v25+s2+$0x0], $0xffff;
	v40 =	vsub.f32 $1.000000000e+00, v26;
	v23 =	vmul.f32 v23, v48;
	v30 =	vmul.f32 v30, v48  }
0x33d: {  	v59 =	vor.u32 $0xB, v25;
	v27 =	vld.idx.msk [tilespmem:v27+s2+$0x0], $0xffff;
	v32 =	vmul.f32 v32, v48;
	v28 =	vmul.f32 v28, v60  }
0x33e: {  	v20 =	vor.u32 $0xF, v20;
	v4 =	vld.idx.msk [tilespmem:v4+s2+$0x0], $0xffff;
	v9 =	vmul.f32 v9, v40;
	v6 =	vmul.f32 v6, v40  }
0x33f: {  	v29 =	vld.idx.msk [tilespmem:v29+s2+$0x0], $0xffff;
	v49 =	vsub.f32 $1.000000000e+00, v3;
	v8 =	vmul.f32 v8, v40;
	v11 =	vmul.f32 v11, v40  }
0x340: {  	v31 =	vld.idx.msk [tilespmem:v31+s2+$0x0], $0xffff;
	v50 =	vsub.f32 $1.000000000e+00, v52;
	v13 =	vmul.f32 v13, v40;
	v15 =	vmul.f32 v15, v40  }
0x341: {  	v53 =	vld.idx.msk [tilespmem:v41+s2+$0x0], $0xffff;
	v5 =	vadd.f32 v5, v9;
	v9 =	vmul.f32 v17, v40;
	v17 =	vmul.f32 v18, v26  }
0x342: {  	v55 =	vld.idx.msk [tilespmem:v42+s2+$0x0], $0xffff;
	v6 =	vadd.f32 v7, v6;
	v7 =	vadd.f32 v10, v8;
	v8 =	vmul.f32 v19, v40  }
0x343: {  	v18 =	vld.idx.msk [tilespmem:v33+s2+$0x0], $0xffff;
	v11 =	vadd.f32 v12, v11;
	v12 =	vadd.f32 v14, v13;
	v4 =	vmul.f32 v4, v26  }
0x344: {  	v10 =	vld.idx.msk [tilespmem:v35+s2+$0x0], $0xffff;
	v14 =	vadd.f32 v16, v15;
	v5 =	vmul.f32 v5, v49;
	v6 =	vmul.f32 v6, v3  }
0x345: {  	v13 =	vld.idx.msk [tilespmem:v36+s2+$0x0], $0xffff;
	v16 =	vsub.f32 $1.000000000e+00, v48;
	v7 =	vmul.f32 v7, v49;
	v11 =	vmul.f32 v11, v3  }
0x346: {  	v15 =	vld.idx.msk [tilespmem:v37+s2+$0x0], $0xffff;
	v19 =	vor.u32 $0x6, v25;
	v12 =	vmul.f32 v12, v49;
	v14 =	vmul.f32 v14, v3  }
0x347: {  	v25 =	vor.u32 $0xF, v25;
	v26 =	vld.idx.msk [tilespmem:v39+s2+$0x0], $0xffff;
	v22 =	vmul.f32 v22, v16;
	v29 =	vmul.f32 v29, v16  }
0x348: {  	v44 =	vld.idx.msk [tilespmem:v44+s2+$0x0], $0xffff;
	v24 =	vmul.f32 v24, v16;
	v31 =	vmul.f32 v31, v16;
	v9 =	vadd.f32 v17, v9  }
0x349: {  	v22 =	vadd.f32 v23, v22;
	v23 =	vadd.f32 v30, v29;
	v30 =	vld.idx.msk [tilespmem:v46+s2+$0x0], $0xffff;
	v46 =	vmul.f32 v38, v60  }
0x34a: {  	v20 =	vld.idx.msk [tilespmem:v20+s2+$0x0], $0xffff;
	v4 =	vadd.f32 v4, v8;
	v18 =	vmul.f32 v18, v16;
	v10 =	vmul.f32 v10, v48  }
0x34b: {  	v17 =	vld.idx.msk [tilespmem:v57+s2+$0x0], $0xffff;
	v21 =	vadd.f32 v21, v24;
	v13 =	vmul.f32 v13, v16;
	v15 =	vmul.f32 v15, v48  }
0x34c: {  	v58 =	vld.idx.msk [tilespmem:v43+s2+$0x0], $0xffff;
	v29 =	vadd.f32 v32, v31;
	v24 =	vmul.f32 v26, v16;
	v26 =	vmul.f32 v53, v48  }
0x34d: {  	v45 =	vld.idx.msk [tilespmem:v45+s2+$0x0], $0xffff;
	v5 =	vadd.f32 v6, v5;
	v16 =	vmul.f32 v55, v16;
	v21 =	vmul.f32 v21, v50  }
0x34e: {  	v31 =	vld.idx.msk [tilespmem:v54+s2+$0x0], $0xffff;
	v7 =	vadd.f32 v11, v7;
	v22 =	vmul.f32 v22, v52;
	v23 =	vmul.f32 v23, v50  }
0x34f: {  	v8 =	vld.idx.msk [tilespmem:v59+s2+$0x0], $0xffff;
	v10 =	vadd.f32 v10, v18;
	v18 =	vmul.f32 v20, v48;
	v13 =	vadd.f32 v15, v13  }
0x350: {  	v6 =	vld.idx.msk [tilespmem:v25+s2+$0x0], $0xffff;
	v48 =	vmul.f32 v44, v60;
	v17 =	vmul.f32 v17, v60;
	v15 =	vadd.f32 v26, v24  }
0x351: {  	v16 =	vadd.f32 v18, v16;
	v18 =	vld.idx.msk [tilespmem:v19+s2+$0x0], $0xffff;
	v19 =	vmul.f32 v29, v52;
	v10 =	vmul.f32 v10, v50  }
0x352: {  	v20 =	vld [tilespmem:s29+$0x200];
	v26 =	vsub.f32 $1.000000000e+00, v60;
	v13 =	vmul.f32 v13, v52;
	v25 =	vmul.f32 v30, v60  }
0x353: {  	v24 =	vld.idx.msk [tilespmem:v47+s2+$0x0], $0xffff;
	v11 =	vadd.f32 v22, v21;
	v22 =	vmul.f32 v31, v60;
	v15 =	vmul.f32 v15, v50  }
0x354: {  	v29 =	vld.idx.msk [tilespmem:v63+s2+$0x0], $0xffff;
	v62 =	vmul.f32 v34, v26;
	v27 =	vmul.f32 v27, v26  }
0x355: {  	v63 =	vld.idx.msk [tilespmem:v56+s2+$0x0], $0xffff;
	v47 =	vmul.f32 v58, v26;
	v50 =	vmul.f32 v45, v26  }
0x356: {  	v8 =	vmul.f32 v8, v26;
	v6 =	vmul.f32 v6, v60;
	v19 =	vadd.f32 v19, v23  }
0x357: {  	v16 =	vmul.f32 v16, v52;
	v61 =	vsub.f32 $1.000000000e+00, v20;
	v27 =	vadd.f32 v28, v27  }
0x358: {  	v28 =	vadd.f32 v48, v47;
	v25 =	vadd.f32 v25, v50;
	v24 =	vmul.f32 v24, v26  }
0x359: {  	v6 =	vadd.f32 v6, v8;
	v18 =	vmul.f32 v18, v60;
	v21 =	vmul.f32 v29, v26  }
0x35a: {  	v23 =	vmul.f32 v63, v26;
	v29 =	vadd.f32 v46, v62;
	v25 =	vmul.f32 v25, v20  }
0x35b: {  	v6 =	vmul.f32 v6, v20;
	v18 =	vadd.f32 v18, v24;
	v21 =	vadd.f32 v22, v21  }
0x35c: {  	v22 =	vmul.f32 v29, v61;
	v24 =	vmul.f32 v27, v20;
	v17 =	vadd.f32 v17, v23  }
0x35d: {  	v8 =	vadd.f32 v13, v10;
	v23 =	vmul.f32 v28, v61;
	v10 =	vmul.f32 v18, v61  }
0x35e: {  	v15 =	vadd.f32 v16, v15;
	v13 =	vmul.f32 v21, v20;
	v16 =	vmul.f32 v17, v61  }
0x35f: {  	v9 =	vmul.f32 v9, v49;
	v17 =	vadd.f32 v24, v22;
	v18 =	vadd.f32 v25, v23  }
0x360: {  	v3 =	vmul.f32 v4, v3;
	v10 =	vadd.f32 v13, v10;
	v6 =	vadd.f32 v6, v16  }
0x361: {  	v12 =	vadd.f32 v14, v12;
	v4 =	vmul.f32 v17, v11;
	v11 =	vmul.f32 v18, v19  }
0x362: {  	v3 =	vadd.f32 v3, v9;
	v8 =	vmul.f32 v10, v8;
	v6 =	vmul.f32 v6, v15  }
0x363: {  	v4 =	vmul.f32 v5, v4;
	v5 =	vmul.f32 v7, v11  }
0x364: {  	v7 =	vmul.f32 v12, v8;
	v3 =	vmul.f32 v3, v6;
	_ =	sdelay $0x1  }
0x365: {  	s30 =	simm.s32 $0x10;
	v4 =	vadd.f32 v5, v4;
	v3 =	vadd.f32 v3, v7  }
0x366: {  	v5 =	vmov s30  }
0x367: {  	v5 =	vshll.u32 v5, $0x4;
	v3 =	vadd.f32 v3, v4  }
0x368: {  	v4 =	vor.u32 v1, v5  }
0x369: {  	v6 =	vor.u32 $0x4, v4;
	v3 =	vmul.f32 $2.500000000e-01, v3  }
0x36a: {  	v7 =	vor.u32 $0x8, v4  }
0x36b: {  	s25 =	simm.s32 $0xF000;
	v8 =	vor.u32 $0xC, v4;
	v3 =	vmax.f32 v3, $0.0e+00  }
0x36c: {  	v9 =	vor.u32 $0x1, v4;
	[tilespmem:s25+$0x0] =	vst v3  }
0x36d: {  	v14 =	vor.u32 $0x6, v4;
	v10 =	vld.idx.msk [tilespmem:v4+s2+$0x0], $0xffff  }
0x36e: {  	v19 =	vor.u32 $0xB, v4;
	v11 =	vld.idx.msk [tilespmem:v6+s2+$0x0], $0xffff  }
0x36f: {  	v3 =	vor.u32 $0x5, v4;
	v12 =	vld.idx.msk [tilespmem:v7+s2+$0x0], $0xffff  }
0x370: {  	v6 =	vor.u32 $0x9, v4;
	v13 =	vld.idx.msk [tilespmem:v8+s2+$0x0], $0xffff  }
0x371: {  	v7 =	vor.u32 $0xD, v4;
	v9 =	vld.idx.msk [tilespmem:v9+s2+$0x0], $0xffff  }
0x372: {  	v8 =	vor.u32 $0x2, v4;
	v14 =	vld.idx.msk [tilespmem:v14+s2+$0x0], $0xffff  }
0x373: {  	v25 =	vld.idx.msk [tilespmem:v19+s2+$0x0], $0xffff  }
0x374: {  	v15 =	vld.idx.msk [tilespmem:v3+s2+$0x0], $0xffff;
	v3 =	vor.u32 $0xA, v4  }
0x375: {  	v16 =	vld.idx.msk [tilespmem:v6+s2+$0x0], $0xffff;
	v6 =	vor.u32 $0xE, v4  }
0x376: {  	v17 =	vld.idx.msk [tilespmem:v7+s2+$0x0], $0xffff;
	v7 =	vor.u32 $0x3, v4  }
0x377: {  	s26 =	simm.s32 $0x2810;
	v18 =	vld.idx.msk [tilespmem:v8+s2+$0x0], $0xffff;
	v8 =	vor.u32 $0x7, v4  }
0x378: {  	v29 =	vor.u32 v2, v5;
	v30 =	vld [tilespmem:s26+$0x400]  }
0x379: {  	v21 =	vld.idx.msk [tilespmem:v3+s2+$0x0], $0xffff;
	v3 =	vor.u32 $0xF, v4;
	v4 =	vor.u32 v0, v5  }
0x37a: {  	v22 =	vld.idx.msk [tilespmem:v6+s2+$0x0], $0xffff;
	v6 =	vor.u32 $0x4, v4  }
0x37b: {  	v23 =	vld.idx.msk [tilespmem:v7+s2+$0x0], $0xffff;
	v7 =	vor.u32 $0x8, v4  }
0x37c: {  	v24 =	vld.idx.msk [tilespmem:v8+s2+$0x0], $0xffff;
	v8 =	vor.u32 $0xC, v4  }
0x37d: {  	v19 =	vor.u32 $0x8, v29;
	v5 =	vld.idx.msk [tilespmem:v29+s2+$0x0], $0xffff  }
0x37e: {  	v20 =	vor.u32 $0xC, v29;
	v26 =	vld.idx.msk [tilespmem:v3+s2+$0x0], $0xffff  }
0x37f: {  	v51 =	vor.u32 $0x1, v4;
	v28 =	vld.idx.msk [tilespmem:v6+s2+$0x0], $0xffff  }
0x380: {  	v34 =	vor.u32 $0x5, v4;
	v31 =	vld.idx.msk [tilespmem:v7+s2+$0x0], $0xffff  }
0x381: {  	v53 =	vor.u32 $0xD, v4;
	v32 =	vld.idx.msk [tilespmem:v8+s2+$0x0], $0xffff  }
0x382: {  	v58 =	vor.u32 $0x1, v29;
	v47 =	vor.u32 $0x5, v29;
	v48 =	vor.u32 $0x9, v29;
	v7 =	vld.idx.msk [tilespmem:v19+s2+$0x0], $0xffff  }
0x383: {  	v55 =	vsub.f32 $1.000000000e+00, v30;
	v11 =	vmul.f32 v11, v30;
	v60 =	vor.u32 $0x6, v4;
	v8 =	vld.idx.msk [tilespmem:v20+s2+$0x0], $0xffff  }
0x384: {  	v13 =	vmul.f32 v13, v30;
	v14 =	vmul.f32 v14, v30;
	v62 =	vor.u32 $0xE, v4;
	v33 =	vld.idx.msk [tilespmem:v51+s2+$0x0], $0xffff  }
0x385: {  	v10 =	vmul.f32 v10, v55;
	v59 =	vmul.f32 v12, v55;
	v3 =	vor.u32 $0x4, v29;
	v34 =	vld.idx.msk [tilespmem:v34+s2+$0x0], $0xffff  }
0x386: {  	v50 =	vor.u32 $0xD, v29;
	v9 =	vmul.f32 v9, v55;
	v15 =	vmul.f32 v15, v30;
	v36 =	vld.idx.msk [tilespmem:v53+s2+$0x0], $0xffff  }
0x387: {  	v10 =	vadd.f32 v11, v10;
	v52 =	vor.u32 $0x9, v4;
	v57 =	vor.u32 $0xF, v4;
	v51 =	vld [tilespmem:s26+$0xFFFFFC00]  }
0x388: {  	v37 =	vor.u32 $0x2, v4;
	v61 =	vor.u32 $0xA, v4;
	v63 =	vor.u32 $0x3, v4;
	v38 =	vld.idx.msk [tilespmem:v60+s2+$0x0], $0xffff  }
0x389: {  	v54 =	vor.u32 $0x7, v4;
	v56 =	vor.u32 $0xB, v4;
	v16 =	vmul.f32 v16, v55;
	v40 =	vld.idx.msk [tilespmem:v62+s2+$0x0], $0xffff  }
0x38a: {  	v17 =	vmul.f32 v17, v30;
	v18 =	vmul.f32 v18, v55;
	v9 =	vadd.f32 v15, v9;
	v6 =	vld.idx.msk [tilespmem:v3+s2+$0x0], $0xffff  }
0x38b: {  	v21 =	vmul.f32 v21, v55;
	v19 =	vor.u32 $0x2, v29;
	v22 =	vmul.f32 v22, v30;
	v3 =	vld [tilespmem:s26+$0x600]  }
0x38c: {  	v20 =	vor.u32 $0x6, v29;
	v11 =	vmul.f32 v23, v55;
	v12 =	vmul.f32 v24, v30;
	v45 =	vld.idx.msk [tilespmem:v57+s2+$0x0], $0xffff  }
0x38d: {  	v27 =	vld.idx.msk [tilespmem:v4+s2+$0x0], $0xffff;
	v23 =	vadd.f32 v13, v59;
	v13 =	vmul.f32 v25, v55;
	v24 =	vadd.f32 v17, v16  }
0x38e: {  	v39 =	vld.idx.msk [tilespmem:v61+s2+$0x0], $0xffff;
	v25 =	vadd.f32 v14, v18;
	v17 =	vmul.f32 v26, v30;
	v61 =	vmul.f32 v28, v51  }
0x38f: {  	v35 =	vld.idx.msk [tilespmem:v52+s2+$0x0], $0xffff;
	v26 =	vor.u32 $0x3, v29;
	v52 =	vmul.f32 v32, v51;
	v53 =	vmul.f32 v34, v51  }
0x390: {  	v44 =	vld.idx.msk [tilespmem:v56+s2+$0x0], $0xffff;
	v55 =	vmul.f32 v36, v51;
	v56 =	vmul.f32 v38, v51;
	v4 =	vsub.f32 $1.000000000e+00, v3  }
0x391: {  	v37 =	vld.idx.msk [tilespmem:v37+s2+$0x0], $0xffff;
	v28 =	vor.u32 $0xB, v29;
	v36 =	vmul.f32 v40, v51;
	v45 =	vmul.f32 v45, v51  }
0x392: {  	v15 =	vmul.f32 v23, v3;
	v23 =	vld [tilespmem:s26+$0xFFFFFE00];
	v14 =	vmul.f32 v10, v4;
	v10 =	vadd.f32 v22, v21  }
0x393: {  	v18 =	vmul.f32 v24, v3;
	v21 =	vsub.f32 $1.000000000e+00, v51;
	v22 =	vld.idx.msk [tilespmem:v63+s2+$0x0], $0xffff;
	v16 =	vmul.f32 v9, v4  }
0x394: {  	v41 =	vld.idx.msk [tilespmem:v54+s2+$0x0], $0xffff;
	v24 =	vor.u32 $0xA, v29;
	v9 =	vmul.f32 v25, v4;
	v10 =	vmul.f32 v10, v3  }
0x395: {  	v30 =	vld.idx.msk [tilespmem:v58+s2+$0x0], $0xffff;
	v25 =	vor.u32 $0xE, v29;
	v60 =	vmul.f32 v27, v21;
	v62 =	vmul.f32 v31, v21  }
0x396: {  	v32 =	vld.idx.msk [tilespmem:v48+s2+$0x0], $0xffff;
	v33 =	vmul.f32 v33, v21;
	v27 =	vor.u32 $0x7, v29;
	v54 =	vmul.f32 v35, v21  }
0x397: {  	v63 =	vmul.f32 v37, v21;
	v31 =	vld.idx.msk [tilespmem:v47+s2+$0x0], $0xffff;
	v29 =	vor.u32 $0xF, v29;
	v35 =	vmul.f32 v39, v21  }
0x398: {  	v34 =	vsub.f32 $1.000000000e+00, v23;
	v38 =	vadd.f32 v61, v60;
	v37 =	vmul.f32 v22, v21;
	v22 =	vld [tilespmem:s26+$0x0]  }
0x399: {  	v39 =	vmul.f32 v41, v51;
	v40 =	vadd.f32 v52, v62;
	v41 =	vadd.f32 v53, v33;
	v33 =	vld.idx.msk [tilespmem:v50+s2+$0x0], $0xffff  }
0x39a: {  	s0 =	simm.s32 $0x20;
	v42 =	vmul.f32 v44, v21;
	v43 =	vadd.f32 v55, v54;
	v44 =	vadd.f32 v56, v63;
	v21 =	vld [tilespmem:s26+$0x200]  }
.LBB2_14:
0x39b: {  	p0 =	sne.s32 s0, $0x1F0;
	v38 =	vmul.f32 v38, v34;
	v35 =	vadd.f32 v36, v35;
	v36 =	vadd.f32 v39, v37;
	v19 =	vld.idx.msk [tilespmem:v19+s2+$0x0], $0xffff  }
0x39c: {  	v37 =	vmul.f32 v40, v23;
	v39 =	vmul.f32 v41, v34;
	v40 =	vadd.f32 v45, v42;
	v20 =	vld.idx.msk [tilespmem:v20+s2+$0x0], $0xffff  }
0x39d: {  	v41 =	vmul.f32 v43, v23;
	v42 =	vmul.f32 v44, v34;
	v43 =	vsub.f32 $1.000000000e+00, v22;
	v24 =	vld.idx.msk [tilespmem:v24+s2+$0x0], $0xffff  }
0x39e: {  	v35 =	vmul.f32 v35, v23;
	v34 =	vmul.f32 v36, v34;
	v25 =	vld.idx.msk [tilespmem:v25+s2+$0x0], $0xffff  }
0x39f: {  	v23 =	vmul.f32 v40, v23;
	v36 =	vsub.f32 $1.000000000e+00, v21;
	v5 =	vmul.f32 v5, v43;
	v26 =	vld.idx.msk [tilespmem:v26+s2+$0x0], $0xffff  }
0x3a0: {  	v11 =	vadd.f32 v12, v11;
	v6 =	vmul.f32 v6, v22;
	v7 =	vmul.f32 v7, v43;
	v27 =	vld.idx.msk [tilespmem:v27+s2+$0x0], $0xffff  }
0x3a1: {  	v13 =	vadd.f32 v17, v13;
	v8 =	vmul.f32 v8, v22;
	v12 =	vmul.f32 v30, v43;
	v28 =	vld.idx.msk [tilespmem:v28+s2+$0x0], $0xffff  }
0x3a2: {  	v14 =	vadd.f32 v15, v14;
	v17 =	vmul.f32 v31, v22;
	v30 =	vmul.f32 v32, v43;
	v29 =	vld.idx.msk [tilespmem:v29+s2+$0x0], $0xffff  }
0x3a3: {  	v16 =	vadd.f32 v18, v16;
	v15 =	vmul.f32 v33, v22;
	v19 =	vmul.f32 v19, v43  }
0x3a4: {  	v18 =	vadd.f32 v37, v38;
	v20 =	vmul.f32 v20, v22;
	v24 =	vmul.f32 v24, v43  }
0x3a5: {  	v31 =	vadd.f32 v41, v39;
	v25 =	vmul.f32 v25, v22;
	v26 =	vmul.f32 v26, v43  }
0x3a6: {  	v5 =	vadd.f32 v6, v5;
	v6 =	vadd.f32 v8, v7;
	v7 =	vmul.f32 v27, v22  }
0x3a7: {  	v8 =	vadd.f32 v17, v12;
	v12 =	vadd.f32 v15, v30;
	v15 =	vmul.f32 v28, v43  }
0x3a8: {  	v17 =	vadd.f32 v20, v19;
	v19 =	vadd.f32 v25, v24;
	v20 =	vmul.f32 v29, v22  }
0x3a9: {  	v5 =	vmul.f32 v5, v36;
	v6 =	vmul.f32 v6, v21;
	v7 =	vadd.f32 v7, v26  }
0x3aa: {  	v8 =	vmul.f32 v8, v36;
	v12 =	vmul.f32 v12, v21;
	v15 =	vadd.f32 v20, v15  }
0x3ab: {  	v17 =	vmul.f32 v17, v36;
	v19 =	vmul.f32 v19, v21;
	v20 =	vadd.f32 v35, v42  }
0x3ac: {  	v22 =	vadd.f32 v23, v34;
	v7 =	vmul.f32 v7, v36;
	v15 =	vmul.f32 v15, v21  }
0x3ad: {  	v4 =	vmul.f32 v11, v4;
	v5 =	vadd.f32 v6, v5;
	v6 =	vadd.f32 v12, v8  }
0x3ae: {  	v3 =	vmul.f32 v13, v3;
	v8 =	vadd.f32 v19, v17;
	v7 =	vadd.f32 v15, v7  }
0x3af: {  	v9 =	vadd.f32 v10, v9;
	v5 =	vmul.f32 v5, v18;
	v6 =	vmul.f32 v6, v31  }
0x3b0: {  	v3 =	vadd.f32 v3, v4;
	v8 =	vmul.f32 v8, v20;
	v7 =	vmul.f32 v7, v22  }
0x3b1: {  	v4 =	vmul.f32 v14, v5;
	v5 =	vmul.f32 v16, v6  }
0x3b2: {  	v6 =	vmul.f32 v9, v8;
	v3 =	vmul.f32 v3, v7;
	_ =	sdelay $0x1  }
0x3b3: {  	v4 =	vadd.f32 v5, v4;
	v3 =	vadd.f32 v3, v6  }
0x3b4: {  	v5 =	vmov s0  }
0x3b5: {  	v5 =	vshll.u32 v5, $0x4;
	v3 =	vadd.f32 v3, v4  }
0x3b6: {  	v4 =	vor.u32 v1, v5  }
0x3b7: {  	v6 =	vor.u32 $0x4, v4;
	v3 =	vmul.f32 $2.500000000e-01, v3  }
0x3b8: {  	v7 =	vor.u32 $0x8, v4  }
0x3b9: {  	s25 =	sadd.s32 $0x10, s25;
	v8 =	vor.u32 $0xC, v4;
	v3 =	vmax.f32 v3, $0.0e+00  }
0x3ba: {  	v9 =	vor.u32 $0x1, v4;
	[tilespmem:s25+$0x0] =	vst v3  }
0x3bb: {  	v3 =	vor.u32 $0x5, v4;
	v10 =	vld.idx.msk [tilespmem:v4+s2+$0x0], $0xffff  }
0x3bc: {  	v11 =	vld.idx.msk [tilespmem:v6+s2+$0x0], $0xffff;
	v6 =	vor.u32 $0x9, v4  }
0x3bd: {  	v12 =	vld.idx.msk [tilespmem:v7+s2+$0x0], $0xffff;
	v7 =	vor.u32 $0xD, v4  }
0x3be: {  	v13 =	vld.idx.msk [tilespmem:v8+s2+$0x0], $0xffff;
	v8 =	vor.u32 $0x2, v4  }
0x3bf: {  	v14 =	vor.u32 $0x6, v4;
	v9 =	vld.idx.msk [tilespmem:v9+s2+$0x0], $0xffff  }
0x3c0: {  	v15 =	vld.idx.msk [tilespmem:v3+s2+$0x0], $0xffff;
	v3 =	vor.u32 $0xA, v4  }
0x3c1: {  	v16 =	vld.idx.msk [tilespmem:v6+s2+$0x0], $0xffff;
	v6 =	vor.u32 $0xE, v4  }
0x3c2: {  	v17 =	vld.idx.msk [tilespmem:v7+s2+$0x0], $0xffff;
	v7 =	vor.u32 $0x3, v4  }
0x3c3: {  	v18 =	vld.idx.msk [tilespmem:v8+s2+$0x0], $0xffff;
	v8 =	vor.u32 $0x7, v4  }
0x3c4: {  	v19 =	vor.u32 $0xB, v4;
	v14 =	vld.idx.msk [tilespmem:v14+s2+$0x0], $0xffff  }
0x3c5: {  	v21 =	vld.idx.msk [tilespmem:v3+s2+$0x0], $0xffff;
	v3 =	vor.u32 $0xF, v4  }
0x3c6: {  	v4 =	vor.u32 v0, v5;
	v22 =	vld.idx.msk [tilespmem:v6+s2+$0x0], $0xffff  }
0x3c7: {  	v6 =	vor.u32 $0x4, v4;
	v23 =	vld.idx.msk [tilespmem:v7+s2+$0x0], $0xffff  }
0x3c8: {  	v24 =	vld.idx.msk [tilespmem:v8+s2+$0x0], $0xffff  }
0x3c9: {  	v7 =	vor.u32 $0x8, v4;
	v25 =	vld.idx.msk [tilespmem:v19+s2+$0x0], $0xffff  }
0x3ca: {  	v8 =	vor.u32 $0xC, v4;
	v26 =	vld.idx.msk [tilespmem:v3+s2+$0x0], $0xffff  }
0x3cb: {  	v29 =	vor.u32 v2, v5;
	v27 =	vld.idx.msk [tilespmem:v4+s2+$0x0], $0xffff  }
0x3cc: {  	s26 =	sadd.s32 $0x10, s26;
	v3 =	vor.u32 $0x4, v29;
	v28 =	vld.idx.msk [tilespmem:v6+s2+$0x0], $0xffff  }
0x3cd: {  	v19 =	vor.u32 $0x8, v29;
	v30 =	vld [tilespmem:s26+$0x400]  }
0x3ce: {  	v20 =	vor.u32 $0xC, v29;
	v31 =	vld.idx.msk [tilespmem:v7+s2+$0x0], $0xffff  }
0x3cf: {  	v33 =	vor.u32 $0x1, v4;
	v34 =	vor.u32 $0x5, v4;
	v32 =	vld.idx.msk [tilespmem:v8+s2+$0x0], $0xffff  }
0x3d0: {  	v35 =	vor.u32 $0x9, v4;
	v36 =	vor.u32 $0xD, v4;
	v37 =	vor.u32 $0x2, v4;
	v5 =	vld.idx.msk [tilespmem:v29+s2+$0x0], $0xffff  }
0x3d1: {  	v38 =	vor.u32 $0x6, v4;
	v39 =	vor.u32 $0xA, v4;
	v40 =	vor.u32 $0xE, v4;
	v6 =	vld.idx.msk [tilespmem:v3+s2+$0x0], $0xffff  }
0x3d2: {  	v41 =	vor.u32 $0x3, v4;
	v42 =	vor.u32 $0x7, v4;
	v7 =	vld.idx.msk [tilespmem:v19+s2+$0x0], $0xffff;
	v43 =	vsub.f32 $1.000000000e+00, v30  }
0x3d3: {  	v46 =	vor.u32 $0x1, v29;
	v44 =	vor.u32 $0xB, v4;
	v45 =	vor.u32 $0xF, v4;
	v8 =	vld.idx.msk [tilespmem:v20+s2+$0x0], $0xffff  }
0x3d4: {  	v47 =	vor.u32 $0x5, v29;
	v11 =	vmul.f32 v11, v30;
	v3 =	vld [tilespmem:s26+$0x600];
	v10 =	vmul.f32 v10, v43  }
0x3d5: {  	v48 =	vor.u32 $0x9, v29;
	v13 =	vmul.f32 v13, v30;
	v49 =	vmul.f32 v12, v43;
	v33 =	vld.idx.msk [tilespmem:v33+s2+$0x0], $0xffff  }
0x3d6: {  	v50 =	vor.u32 $0xD, v29;
	v15 =	vmul.f32 v15, v30;
	v9 =	vmul.f32 v9, v43;
	v34 =	vld.idx.msk [tilespmem:v34+s2+$0x0], $0xffff  }
0x3d7: {  	v19 =	vor.u32 $0x2, v29;
	v17 =	vmul.f32 v17, v30;
	v16 =	vmul.f32 v16, v43;
	v35 =	vld.idx.msk [tilespmem:v35+s2+$0x0], $0xffff  }
0x3d8: {  	v14 =	vmul.f32 v14, v30;
	v20 =	vor.u32 $0x6, v29;
	v18 =	vmul.f32 v18, v43;
	v36 =	vld.idx.msk [tilespmem:v36+s2+$0x0], $0xffff  }
0x3d9: {  	v22 =	vmul.f32 v22, v30;
	v21 =	vmul.f32 v21, v43;
	v51 =	vld [tilespmem:s26+$0xFFFFFC00];
	v4 =	vsub.f32 $1.000000000e+00, v3  }
0x3da: {  	v12 =	vmul.f32 v24, v30;
	v10 =	vadd.f32 v11, v10;
	v11 =	vmul.f32 v23, v43;
	v37 =	vld.idx.msk [tilespmem:v37+s2+$0x0], $0xffff  }
0x3db: {  	v23 =	vadd.f32 v13, v49;
	v9 =	vadd.f32 v15, v9;
	v13 =	vmul.f32 v25, v43;
	v38 =	vld.idx.msk [tilespmem:v38+s2+$0x0], $0xffff  }
0x3dc: {  	v24 =	vadd.f32 v17, v16;
	v25 =	vadd.f32 v14, v18;
	v17 =	vmul.f32 v26, v30;
	v39 =	vld.idx.msk [tilespmem:v39+s2+$0x0], $0xffff  }
0x3dd: {  	v15 =	vmul.f32 v23, v3;
	v14 =	vmul.f32 v10, v4;
	v10 =	vadd.f32 v22, v21;
	v40 =	vld.idx.msk [tilespmem:v40+s2+$0x0], $0xffff  }
0x3de: {  	v18 =	vmul.f32 v24, v3;
	v16 =	vmul.f32 v9, v4;
	v21 =	vsub.f32 $1.000000000e+00, v51;
	v22 =	vld.idx.msk [tilespmem:v41+s2+$0x0], $0xffff  }
0x3df: {  	v24 =	vor.u32 $0xA, v29;
	v9 =	vmul.f32 v25, v4;
	v10 =	vmul.f32 v10, v3;
	v41 =	vld.idx.msk [tilespmem:v42+s2+$0x0], $0xffff  }
0x3e0: {  	v25 =	vor.u32 $0xE, v29;
	v43 =	vmul.f32 v28, v51;
	v23 =	vld [tilespmem:s26+$0xFFFFFE00];
	v42 =	vmul.f32 v27, v21  }
0x3e1: {  	v26 =	vor.u32 $0x3, v29;
	v52 =	vmul.f32 v32, v51;
	v49 =	vmul.f32 v31, v21;
	v44 =	vld.idx.msk [tilespmem:v44+s2+$0x0], $0xffff  }
0x3e2: {  	v53 =	vmul.f32 v34, v51;
	v33 =	vmul.f32 v33, v21;
	v27 =	vor.u32 $0x7, v29;
	v45 =	vld.idx.msk [tilespmem:v45+s2+$0x0], $0xffff  }
0x3e3: {  	v55 =	vmul.f32 v36, v51;
	v28 =	vor.u32 $0xB, v29;
	v54 =	vmul.f32 v35, v21;
	v30 =	vld.idx.msk [tilespmem:v46+s2+$0x0], $0xffff  }
.Ltmp6:
0x3e4: {  	v56 =	vmul.f32 v38, v51;
	v29 =	vor.u32 $0xF, v29;
	v46 =	vmul.f32 v37, v21;
	v31 =	vld.idx.msk [tilespmem:v47+s2+$0x0], $0xffff;
	(pc) =	sbr.rel @p0 .LBB2_14-.Ltmp6, $4  }
0x3e5: {  	v35 =	vmul.f32 v39, v21;
	v36 =	vmul.f32 v40, v51;
	v34 =	vsub.f32 $1.000000000e+00, v23;
	v32 =	vld.idx.msk [tilespmem:v48+s2+$0x0], $0xffff  }
0x3e6: {  	v38 =	vadd.f32 v43, v42;
	v37 =	vmul.f32 v22, v21;
	v39 =	vmul.f32 v41, v51;
	v22 =	vld [tilespmem:s26+$0x0]  }
0x3e7: {  	v40 =	vadd.f32 v52, v49;
	v41 =	vadd.f32 v53, v33;
	v42 =	vmul.f32 v44, v21;
	v33 =	vld.idx.msk [tilespmem:v50+s2+$0x0], $0xffff  }
0x3e8: {  	s0 =	sadd.s32 $0x10, s0;
	v43 =	vadd.f32 v55, v54;
	v44 =	vadd.f32 v56, v46;
	v45 =	vmul.f32 v45, v51;
	v21 =	vld [tilespmem:s26+$0x200]  }
0x3e9: {  	_ =	sdelay $0x2  }
0x3ea: {  	v38 =	vmul.f32 v38, v34;
	v35 =	vadd.f32 v36, v35  }
0x3eb: {  	v54 =	vadd.f32 v39, v37;
	v19 =	vld.idx.msk [tilespmem:v19+s2+$0x0], $0xffff;
	v55 =	vmul.f32 v40, v23;
	v56 =	vmul.f32 v41, v34  }
0x3ec: {  	v20 =	vld.idx.msk [tilespmem:v20+s2+$0x0], $0xffff;
	v11 =	vadd.f32 v12, v11;
	v58 =	vmul.f32 v43, v23;
	v59 =	vmul.f32 v44, v34  }
0x3ed: {  	v24 =	vld.idx.msk [tilespmem:v24+s2+$0x0], $0xffff;
	v57 =	vadd.f32 v45, v42;
	v35 =	vmul.f32 v35, v23;
	v61 =	vmul.f32 v54, v34  }
0x3ee: {  	v25 =	vld.idx.msk [tilespmem:v25+s2+$0x0], $0xffff;
	v60 =	vsub.f32 $1.000000000e+00, v22;
	v6 =	vmul.f32 v6, v22;
	v8 =	vmul.f32 v8, v22  }
0x3ef: {  	v26 =	vld.idx.msk [tilespmem:v26+s2+$0x0], $0xffff;
	v13 =	vadd.f32 v17, v13;
	v46 =	vmul.f32 v31, v22;
	v62 =	vmul.f32 v57, v23  }
0x3f0: {  	v40 =	vld.idx.msk [tilespmem:v27+s2+$0x0], $0xffff;
	v14 =	vadd.f32 v15, v14;
	v49 =	vmul.f32 v33, v22;
	v5 =	vmul.f32 v5, v60  }
0x3f1: {  	v48 =	vld.idx.msk [tilespmem:v29+s2+$0x0], $0xffff;
	v16 =	vadd.f32 v18, v16;
	v7 =	vmul.f32 v7, v60;
	v44 =	vmul.f32 v30, v60  }
0x3f2: {  	v45 =	vld.idx.msk [tilespmem:v28+s2+$0x0], $0xffff;
	v50 =	vadd.f32 v55, v38;
	v47 =	vmul.f32 v32, v60;
	v19 =	vmul.f32 v19, v60  }
0x3f3: {  	v51 =	vadd.f32 v58, v56;
	v20 =	vmul.f32 v20, v22;
	v24 =	vmul.f32 v24, v60  }
0x3f4: {  	v63 =	vsub.f32 $1.000000000e+00, v21;
	v25 =	vmul.f32 v25, v22;
	v26 =	vmul.f32 v26, v60  }
0x3f5: {  	v53 =	vmul.f32 v40, v22;
	v5 =	vadd.f32 v6, v5;
	v52 =	vadd.f32 v8, v7  }
0x3f6: {  	v15 =	vmul.f32 v48, v22;
	v54 =	vadd.f32 v46, v44;
	v55 =	vadd.f32 v49, v47  }
0x3f7: {  	v17 =	vmul.f32 v45, v60;
	v19 =	vadd.f32 v20, v19;
	v56 =	vadd.f32 v25, v24  }
0x3f8: {  	v7 =	vadd.f32 v53, v26;
	v5 =	vmul.f32 v5, v63;
	v6 =	vmul.f32 v52, v21  }
0x3f9: {  	v8 =	vmul.f32 v54, v63;
	v12 =	vmul.f32 v55, v21;
	v15 =	vadd.f32 v15, v17  }
0x3fa: {  	v57 =	vadd.f32 v35, v59;
	v19 =	vmul.f32 v19, v63;
	v20 =	vmul.f32 v56, v21  }
0x3fb: {  	v58 =	vadd.f32 v62, v61;
	v7 =	vmul.f32 v7, v63;
	v15 =	vmul.f32 v15, v21  }
0x3fc: {  	v4 =	vmul.f32 v11, v4;
	v5 =	vadd.f32 v6, v5;
	v59 =	vadd.f32 v12, v8  }
0x3fd: {  	v3 =	vmul.f32 v13, v3;
	v60 =	vadd.f32 v20, v19;
	v7 =	vadd.f32 v15, v7  }
0x3fe: {  	v9 =	vadd.f32 v10, v9;
	v5 =	vmul.f32 v5, v50;
	v6 =	vmul.f32 v59, v51  }
0x3ff: {  	v3 =	vadd.f32 v3, v4;
	v8 =	vmul.f32 v60, v57;
	v7 =	vmul.f32 v7, v58  }
0x400: {  	v61 =	vmul.f32 v14, v5;
	v62 =	vmul.f32 v16, v6  }
0x401: {  	v63 =	vmul.f32 v9, v8;
	v3 =	vmul.f32 v3, v7;
	_ =	sdelay $0x1  }
0x402: {  	v4 =	vadd.f32 v62, v61;
	v3 =	vadd.f32 v3, v63;
	_ =	sdelay $0x1  }
0x403: {  	v3 =	vadd.f32 v3, v4;
	_ =	sdelay $0x1  }
0x404: {  	v3 =	vmul.f32 $2.500000000e-01, v3;
	_ =	sdelay $0x1  }
0x405: {  	s0 =	sadd.s32 $0x10, s25;
	v3 =	vmax.f32 v3, $0.0e+00  }
0x406: {  	s29 =	rddreg [dreg:$0x6];
	[tilespmem:s0+$0x0] =	vst v3  }
0x407: {  	[hbm4b:s29+s3] =	stream.linear.scatter [tilespmem:s23], [sflag:$0x3], $0x200, $0x38;
	[tilespmem:$0xF200] =	vst v63  }
0x408: {  	_ =	swait.ge [sflag:s24], $0x200  }
0x409: {  	s9 =	rddreg [dreg:$0x8]  }
0x40a: {  	s30 =	rddreg [dreg:$0x7];
	s9 =	sadd.s32 $0x1, s9  }
0x40b: {  	p0 =	sne.s32 s9, s30  }
.Ltmp7:
0x40c: {  	_ = 	snop;
	(pc) =	sbr.rel @p0 .LBB2_1-.Ltmp7, $3  }
0x40d: {  	_ =	sdelay $0x1  }
0x40e: {  	[sflag:s24] =	ssyncset.done $0x0  }
0x40f: {  	[sflag:s24] =	ssyncadd.s32 $0xFFFFFE00  }
0x410: {  	_ =	sfence.sel $0x180000  }
0x411: {  	[bflag:$0x0] =	sbarrier.arrive $0xFFFF  }
0x412: {  	_ =	strace $0x9000004A  }
0x413: {  	s0 =	stileid.u32;
	[bflag:$0x2] =	sbarrier.arrive $0xFFFF  }
0x414: {  	p0 =	sne.s32 s0, $0x0;
	s0 =	rddreg [dreg:$0x2]  }
0x415: {  	s0 =	sadd.s32 @!p0 $0x100000, s0  }
0x416: {  	[sflag:s0] =	ssyncadd.tile.s32 @!p0 $0x1;
	_ =	shalt  }
.Lfunc_end2:
_tile_overlayer_lowered:
.L_overlay_start_2:
0x417: {  	(tag) =	ssettag $0x2  }
0x418: {  	s0 =	rddreg [dreg:$0x0];
	s2 =	stileid.u32  }
0x419: {  	s1 =	rddreg [dreg:$0x1];
	p0 =	sne.s32 s2, $0x0  }
0x41a: {  	s3 =	rddreg [dreg:$0x2];
	[bflag:$0x3] =	sbarrier.arrive $0xFFFF;
	s2 =	simm.s32 @!p0 $0x1C03  }
0x41b: {  	[timem:s3], [sflag:s2] =	dma.local @!p0 [hbm:s0], s1  }
0x41c: {  	s0 =	simm.s32 @!p0 $0x3  }
0x41d: {  	_ =	swait.ge @!p0 [sflag:s0], s1  }
0x41e: {  	s1 =	ssub.s32 @!p0 $0x0, s1;
	[sflag:s0] =	ssyncset.done @!p0 $0x0  }
0x41f: {  	[sflag:s0] =	ssyncadd.s32 @!p0 s1  }
0x420: {  	[bflag:$0x3] =	sbarrier.arrive $0xFFFF  }
0x421: {  	_ =	shalt  }

// kernel: sparse-core-data-format-call.cloned.1.call-start
scs
called_computation_lowered:
.L_overlay_start_0:
0x0: {  	s1 =	sld [smem:$0x3FD9]  }
0x1: {  	s2 =	sld [smem:$0x3FFE];
	_ =	sdelay $0x1  }
0x2: {  	s3 =	srdreg.scid  }
0x3: {  	s0 =	sand.u32 $0x1, s3  }
0x4: {  	s17 =	sshll.u32 s0, $0xA;
	s1 =	sadd.s32 s2, s1  }
0x5: {  	s1 =	sadd.s32 s1, s17  }
0x6: {  	[smem:$0x3FC3] =	sst s1  }
0x7: {  	_ = 	snop  }
0x8: {  	(tm) =	ssettm $0x1  }
0x9: {  	s18 =	sld [smem:$0x3FFB];
	_ =	sdelay $0x3  }
0xa: {  	_ =	strace s18  }
0xb: {  	s1 =	sld [smem:$0x3FFC];
	_ =	sdelay $0x3  }
0xc: {  	_ =	strace s1  }
0xd: {  	s1 =	sld [smem:$0x3FFD];
	_ =	sdelay $0x3  }
0xe: {  	_ =	strace s1  }
0xf: {  	_ =	strace $0x8FFFFFFF  }
0x10: {  	s19 =	sld [smem:$0x3FDB];
	_ =	sdelay $0x1  }
0x11: {  	s20 =	simm.s32 $_scs_section_size  }
0x12: {  	s4 =	simm.s32 $_size__tile_overlayer_lowered;
	s5 =	simm.s32 $_tile_overlayer_lowered  }
0x13: {  	s23 =	simm.s32 $0x1BFF;
	s22 =	sshll.u32 s5, $0x1;
	s1 =	sadd.s32 s20, s19  }
0x14: {  	s6 =	simm.s32 $0x0;
	s21 =	sshll.u32 s4, $0x1;
	s4 =	sadd.s32 s22, s1  }
0x15: {  	[timem:s6], [sflag:s23] =	dma.local [hbm:s4], s21  }
0x16: {  	_ =	swait.ge [sflag:s23], s21  }
0x17: {  	s2 =	ssub.s32 $0x0, s21;
	[sflag:s23] =	ssyncset.done $0x0  }
0x18: {  	[sflag:s23] =	ssyncadd.s32 s2;
	_ =	sdelay $0x1  }
0x19: {  	s24 =	simm.s32 $0x1B8B  }
0x1a: {  	_ =	swait.ge [sflag:s24], $0x1  }
0x1b: {  	[sflag:s24] =	ssyncset.done $0x0  }
0x1c: {  	s26 =	simm.s32 $0x1B8E;
	s25 =	sld [smem:$0x3FFE];
	[sflag:s24] =	ssyncadd.s32 $0xFFFFFFFF  }
0x1d: {  	s27 =	simm.s32 $execute0_lowered;
	[smem:$0x3FD2] =	sst s26  }
0x1e: {  	s4 =	sshll.u32 s27, $0x1;
	_ =	strace $0x80000046;
	[dreg:$0x1] =	wrdreg $0xFFFFFFFF  }
0x1f: {  	s28 =	simm.s32 $_size_execute0_lowered;
	s1 =	sadd.s32 s1, s4;
	[dreg:$0x0] =	wrdreg $0x0  }
0x20: {  	s4 =	sshll.u32 s28, $0x1;
	[dreg:$0x2] =	wrdreg s1  }
0x21: {  	[dreg:$0x3] =	wrdreg s4  }
0x22: {  	[dreg:$0x4] =	wrdreg $0xC0  }
0x23: {  	_ =	task [dreg:s6], $0x5FFFF  }
0x24: {  	[dreg:$0x1] =	wrdreg $0xFFFFFFFF  }
0x25: {  	[dreg:$0x0] =	wrdreg $0x60  }
0x26: {  	[dreg:$0x2] =	wrdreg s25  }
0x27: {  	[dreg:$0x3] =	wrdreg $0x9  }
0x28: {  	_ =	task.clear_ibuf [dreg:s6], $0x4FFFF;
	_ =	strace $0x90000046  }
0x29: {  	s29 =	simm.s32 $0x9;
	_ =	strace $0x80000048  }
0x2a: {  	_ =	swait.ge [sflag:s29], $0x1  }
0x2b: {  	[sflag:s29] =	ssyncadd.s32 $0xFFFFFFFF  }
0x2c: {  	_ =	strace $0x90000048  }
0x2d: {  	_ =	sfence  }
0x2e: {  	s30 =	sld [smem:$0x0];
	_ =	sdelay $0x2  }
0x2f: {  	s31 =	sshll.u32 s3, $0xD;
	s3 =	sshrl.u32 s3, $0x2  }
0x30: {  	s2 =	sand.u32 $0x4000, s31;
	s1 =	sadd.s32 s3, s30  }
0x31: {  	s0 =	sor.u32 s2, s0;
	s1 =	sshll.u32 s1, $0x11  }
0x32: {  	s0 =	sor.u32 s1, s0  }
0x33: {  	s0 =	sadd.s32 $0x8F2B, s0  }
0x34: {  	[sflag:s0] =	ssyncadd.remote.s32 $0x1  }
0x35: {  	_ =	sfence.sel $0xFFFF  }
0x36: {  	[dreg:$0x0] =	wrdreg $0xFFFFFFFF;
	(pc) =	sbr.abs _section_cstart, $3  }
0x37: {  	[dreg:$0x1] =	wrdreg $0xFFFFFFFF  }
0x38: {  	_ =	task.clear_ibuf [dreg:s6], $0x2FFFF;
	_ =	strace $0x9FFFFFFF  }
0x39: {  	(tm) =	ssettm $0x7FFFFFFF  }
tec
execute0_lowered:
.L_overlay_start_1:
0x0: {  	(tag) =	ssettag $0x1  }
0x1: {  	s0 =	srdreg.scid  }
0x2: {  	s2 =	stileid.u32;
	s0 =	sshll.u32 s0, $0x4  }
0x3: {  	s1 =	rddreg [dreg:$0x0];
	_ =	strace $0x80000047;
	s0 =	sand.u32 $0x10, s0  }
0x4: {  	s31 =	simm.s32 $0x1;
	s5 =	simm.s32 $0x2;
	s0 =	sor.u32 s2, s0  }
0x5: {  	s13 =	simm.s32 $0x0;
	s7 =	sadd.s32 $0x1C1E00, s1;
	s6 =	sshll.u32 s0, $0xA  }
0x6: {  	s10 =	simm.s32 $0x0;
	s1 =	sadd.s32 $0x341E00, s1;
	s0 =	ssub.s32 $0xC0000, s6  }
0x7: {  	s11 =	simm.s32 $0x0;
	[dreg:$0x4] =	wrdreg s1;
	s4 =	sand.u32 $0x7C00, s0  }
.Ltmp0:
0x8: {  	p0 =	sne.s32 s4, $0x0;
	s4 =	simm.s32 $0x1;
	(pc) =	sbr.rel .LBB1_1-.Ltmp0, $4  }
0x9: {  	[dreg:$0x3] =	wrdreg s7;
	s0 =	sshrl.u32 s0, $0xF;
	s4 =	simm.s32 @!p0 $0x0  }
0xa: {  	[sflag:s31] =	ssyncpa.u1 $0x0;
	[dreg:$0x2] =	wrdreg s6;
	s8 =	sadd.s32 s4, s0  }
0xb: {  	[sflag:s5] =	ssyncpa.u1 $0x0;
	s9 =	sadd.s32 $0x1, s8;
	[dreg:$0x5] =	wrdreg s8  }
0xc: {  	s2 =	simm.s32 $0x0;
	s12 =	smov.u32 s6;
	[dreg:$0x6] =	wrdreg s9  }
.LBB1_7:
0xd: {  	s0 =	sadd.s32 $0x8000, s12  }
0xe: {  	s2 =	sadd.s32 $0x10, s10;
	s3 =	smov.u32 s10;
	p1 =	sgt.s32 s0, $0xBFFFF  }
0xf: {  	s3 =	smov.u32 @p1 s2  }
0x10: {  	s0 =	smov.u32 @p1 s6;
	p1 =	sgt.s32 s3, $0xF  }
0x11: {  	s3 =	simm.s32 @p1 $0x0;
	p1 =	sne.s32 s11, s9  }
.Ltmp1:
0x12: {  	p0 =	slt.u32 s11, $0x2;
	(pc) =	sbr.rel @!p1 .LBB1_8-.Ltmp1, $4  }
0x13: {  	s1 =	simm.s32 @!p0 $0x2  }
0x14: {  	s13 =	smov.u32 s12;
	_ =	swait.ge @!p0 [sflag:s1], $0x4000  }
0x15: {  	s2 =	smov.u32 s10;
	[sflag:s1] =	ssyncset.done @!p0 $0x0;
	s12 =	smov.u32 s0  }
0x16: {  	s11 =	sadd.s32 $0x1, s11;
	[sflag:s1] =	ssyncadd.s32 @!p0 $0xFFFFC000;
	s10 =	smov.u32 s3  }
.LBB1_1:
0x17: {  	p0 =	sge.u32 s11, s8  }
0x18: {  	s0 =	sshrl.u32 @!p0 s10, $0x3  }
0x19: {  	s1 =	sshll.u32 @!p0 s12, $0x3;
	s4 =	sshll.u32 @!p0 s10, $0x7;
	s0 =	smul.u32 @!p0 $0x600000, s0  }
0x1a: {  	s5 =	sand.u32 @!p0 $0x7F, s12;
	s1 =	sand.u32 @!p0 $0xFFFFFC00, s1;
	s4 =	sand.u32 @!p0 $0x380, s4  }
0x1b: {  	s0 =	sadd.s32 @!p0 s0, s1;
	s1 =	sor.u32 @!p0 s5, s4  }
0x1c: {  	s1 =	sor.u32 @!p0 s0, s1  }
0x1d: {  	s4 =	smulhi.u32 @!p0 $0xAAAAAAAB, s1;
	_ =	sdelay $0x1  }
0x1e: {  	s0 =	smulhi.u32 @!p0 $0xAAAAAAAB, s0;
	s4 =	sshrl.u32 @!p0 s4, $0x13  }
0x1f: {  	s4 =	smul.u32 @!p0 $0xC0000, s4  }
0x20: {  	s31 =	sadd.s32 $0xFFFFFFFF, s11;
	s5 =	sxor.u32 @!p0 $0xFFFFFFFF, s11;
	s0 =	sshrl.u32 @!p0 s0, $0x13  }
0x21: {  	s5 =	sshll.u32 @!p0 s5, $0xE;
	s0 =	sand.u32 @!p0 $0xF, s0;
	s1 =	ssub.s32 @!p0 s1, s4  }
0x22: {  	s0 =	smul.u32 @!p0 $0x18000, s0;
	s4 =	sshrl.u32 @!p0 s1, $0x3;
	s1 =	sand.u32 @!p0 $0x7, s1  }
0x23: {  	s5 =	sand.u32 @!p0 $0x4000, s5;
	s4 =	sadd.s32 @!p0 s7, s4;
	s1 =	sshll.u32 @!p0 s1, $0x12  }
0x24: {  	s0 =	sadd.s32 @!p0 s0, s4;
	s1 =	sor.u32 @!p0 $0x2000, s1;
	s4 =	simm.s32 @!p0 $0x600000  }
0x25: {  	[tilespmem:s5], [sflag:$0x1] =	stream.strided.gather @!p0 [hbm4b:s0+s1], $0x4000, s4, s1, $0x38;
	[tilespmem:$0x10800] =	vst v63  }
0x26: {  	p0 =	sge.u32 s31, s8  }
.Ltmp2:
0x27: {  	_ = 	snop;
	(pc) =	sbr.rel @p0 .LBB1_7-.Ltmp2, $1  }
0x28: {  	_ =	sdelay $0x3  }
0x29: {  	[dreg:$0x9] =	wrdreg s13  }
0x2a: {  	[dreg:$0x8] =	wrdreg s2;
	s0 =	sand.u32 $0x1, s11  }
0x2b: {  	[dreg:$0x7] =	wrdreg s12;
	s31 =	simm.s32 $0x1;
	s1 =	smul.u32 $0x11000, s0  }
0x2c: {  	_ =	swait.ge [sflag:s31], $0x4000  }
0x2d: {  	s16 =	simm.s32 $0x0;
	[sflag:s31] =	ssyncset.done $0x0;
	s1 =	sshrl.u32 s1, $0x2  }
0x2e: {  	s15 =	sshll.u32 s0, $0xE;
	[sflag:s31] =	ssyncadd.s32 $0xFFFFC000;
	s14 =	sor.u32 $0x8000, s1  }
.LBB1_3:
0x2f: {  	s0 =	sshll.u32 s16, $0xA  }
0x30: {  	s1 =	sshll.u32 s16, $0x7;
	s0 =	sand.u32 $0x2000, s0  }
0x31: {  	s1 =	sand.u32 $0x380, s1;
	s0 =	sadd.s32 s0, s15  }
0x32: {  	s0 =	sadd.s32 s1, s0  }
0x33: {  	s17 =	sadd.s32 s16, s14;
	p0 =	por $0x1, $0x1;
	s18 =	simm.s32 $0x0;
	v0 =	vmov s0  }
.LBB1_4:
0x34: {  	s0 =	smul.u32 $0x44, s18;
	s1 =	sshll.u32 s18, $0x3;
	s4 =	sor.u32 $0x80, s18  }
0x35: {  	s9 =	sor.u32 $0x90, s18;
	s22 =	sor.u32 $0xA0, s18;
	s25 =	sor.u32 $0xB0, s18  }
0x36: {  	s2 =	sor.u32 $0xC0, s18;
	s3 =	sor.u32 $0xD0, s18;
	s7 =	smul.u32 $0x44, s4  }
0x37: {  	p1 =	por p0, p0;
	s29 =	sand.u32 $0x3FFFFFF8, s1;
	s13 =	smul.u32 $0x44, s9  }
0x38: {  	s8 =	sshll.u32 s4, $0x3;
	s21 =	sshll.u32 s9, $0x3;
	s5 =	smul.u32 $0x44, s22  }
0x39: {  	s24 =	sshll.u32 s22, $0x3;
	s27 =	smul.u32 $0x44, s25;
	s28 =	sshll.u32 s25, $0x3  }
0x3a: {  	s4 =	sshll.u32 s2, $0x3;
	s25 =	smul.u32 $0x44, s3;
	s0 =	sshra.s32 s0, $0x2  }
0x3b: {  	s30 =	sand.u32 $0x3FFFFFF8, s8;
	s31 =	sand.u32 $0x1400, s21;
	s1 =	sand.u32 $0x1400, s24  }
0x3c: {  	s24 =	smul.u32 $0x44, s2;
	s8 =	sand.u32 $0x1400, s4;
	s0 =	sadd.s32 s0, s14  }
0x3d: {  	s12 =	sshra.s32 s7, $0x2;
	s23 =	sshra.s32 s13, $0x2;
	s26 =	sshra.s32 s5, $0x2  }
0x3e: {  	s5 =	sshra.s32 s27, $0x2;
	s7 =	sshll.u32 s3, $0x3;
	s9 =	sshra.s32 s25, $0x2  }
0x3f: {  	s3 =	sor.u32 $0x100, s18;
	v55 =	vld.idx.msk [tilespmem:v0+s31+$0x10 ss:$0x1], $0xffff;
	s31 =	sor.u32 $0x140, s18;
	s19 =	sadd.s32 s16, s0  }
0x40: {  	s20 =	sadd.s32 s12, s17;
	s21 =	sadd.s32 s23, s17;
	s22 =	sadd.s32 s26, s17  }
0x41: {  	s0 =	sand.u32 $0x1400, s28;
	s23 =	sadd.s32 s5, s17;
	s6 =	sshra.s32 s24, $0x2  }
0x42: {  	v1 =	vld.idx.msk [tilespmem:v0+s29+$0x0 ss:$0x1], $0xffff;
	s26 =	sor.u32 $0xE0, s18;
	s5 =	sand.u32 $0x1400, s7;
	s25 =	sadd.s32 s9, s17  }
0x43: {  	v2 =	vld.idx.msk [tilespmem:v0+s29+$0x10 ss:$0x1], $0xffff;
	s28 =	sor.u32 $0xF0, s18;
	s24 =	sadd.s32 s6, s17;
	s27 =	smul.u32 $0x44, s26  }
0x44: {  	v3 =	vld.idx.msk [tilespmem:v0+s29+$0x20 ss:$0x1], $0xffff;
	s12 =	sshll.u32 s26, $0x3;
	s2 =	smul.u32 $0x44, s28;
	s28 =	sshll.u32 s28, $0x3  }
0x45: {  	s6 =	smul.u32 $0x44, s3;
	s3 =	sshll.u32 s3, $0x3;
	s4 =	sand.u32 $0x1400, s12  }
0x46: {  	v4 =	vld.idx.msk [tilespmem:v0+s29+$0x30 ss:$0x1], $0xffff;
	s7 =	sand.u32 $0x1400, s28;
	s3 =	sand.u32 $0x3FFFFFF8, s3;
	s13 =	sshra.s32 s27, $0x2  }
0x47: {  	v5 =	vld.idx.msk [tilespmem:v0+s29+$0x40 ss:$0x1], $0xffff;
	s27 =	sshra.s32 s2, $0x2;
	s2 =	sor.u32 $0x110, s18;
	s28 =	sshra.s32 s6, $0x2;
	[tilespmem:s19+$0x0 ss:$0x11] =	vst.msk $0xffff, v1  }
0x48: {  	v1 =	vld.idx.msk [tilespmem:v0+s29+$0x50 ss:$0x1], $0xffff;
	[tilespmem:s19+$0x110 ss:$0x11] =	vst.msk $0xffff, v2;
	s26 =	sadd.s32 s13, s17;
	s27 =	sadd.s32 s27, s17;
	s6 =	smul.u32 $0x44, s2  }
0x49: {  	v2 =	vld.idx.msk [tilespmem:v0+s29+$0x60 ss:$0x1], $0xffff;
	[tilespmem:s19+$0x220 ss:$0x11] =	vst.msk $0xffff, v3;
	s28 =	sadd.s32 s28, s17;
	s2 =	sshll.u32 s2, $0x3;
	s13 =	sor.u32 $0x120, s18  }
0x4a: {  	v3 =	vld.idx.msk [tilespmem:v0+s29+$0x70 ss:$0x1], $0xffff;
	[tilespmem:s21+$0x0 ss:$0x11] =	vst.msk $0xffff, v55;
	s21 =	sor.u32 $0x170, s18;
	s2 =	sand.u32 $0x1800, s2;
	s12 =	smul.u32 $0x44, s13  }
0x4b: {  	v54 =	vld.idx.msk [tilespmem:v0+s30+$0x0 ss:$0x1], $0xffff;
	[tilespmem:s19+$0x330 ss:$0x11] =	vst.msk $0xffff, v4;
	s9 =	sshll.u32 s13, $0x3;
	s13 =	sor.u32 $0x130, s18;
	s6 =	sshra.s32 s6, $0x2  }
0x4c: {  	[tilespmem:s19+$0x440 ss:$0x11] =	vst.msk $0xffff, v5;
	s29 =	sadd.s32 s6, s17;
	s6 =	sand.u32 $0x1800, s9;
	s12 =	sshra.s32 s12, $0x2  }
0x4d: {  	s9 =	smul.u32 $0x44, s13;
	s13 =	sshll.u32 s13, $0x3;
	s30 =	sadd.s32 s12, s17;
	[tilespmem:s19+$0x550 ss:$0x11] =	vst.msk $0xffff, v1;
	v1 =	vld.idx.msk [tilespmem:v0+s1+$0x20 ss:$0x1], $0xffff  }
0x4e: {  	s1 =	sand.u32 $0x1800, s13;
	s12 =	smul.u32 $0x44, s31;
	[tilespmem:s19+$0x660 ss:$0x11] =	vst.msk $0xffff, v2;
	v2 =	vld.idx.msk [tilespmem:v0+s0+$0x30 ss:$0x1], $0xffff;
	s13 =	sshll.u32 s31, $0x3  }
0x4f: {  	s31 =	sor.u32 $0x150, s18;
	[tilespmem:s19+$0x770 ss:$0x11] =	vst.msk $0xffff, v3;
	v3 =	vld.idx.msk [tilespmem:v0+s8+$0x40 ss:$0x1], $0xffff;
	s9 =	sshra.s32 s9, $0x2;
	s8 =	sand.u32 $0x1800, s13  }
0x50: {  	v56 =	vld.idx.msk [tilespmem:v0+s5+$0x50 ss:$0x1], $0xffff;
	[tilespmem:s20+$0x0 ss:$0x11] =	vst.msk $0xffff, v54;
	s19 =	smul.u32 $0x44, s31;
	s20 =	sshll.u32 s31, $0x3;
	s31 =	sor.u32 $0x160, s18  }
0x51: {  	v57 =	vld.idx.msk [tilespmem:v0+s4+$0x60 ss:$0x1], $0xffff;
	s0 =	sadd.s32 s9, s17;
	s12 =	sshra.s32 s12, $0x2;
	s4 =	sand.u32 $0x1800, s20  }
0x52: {  	s5 =	sadd.s32 s12, s17;
	s12 =	sshra.s32 s19, $0x2;
	s19 =	smul.u32 $0x44, s31  }
0x53: {  	s20 =	sshll.u32 s31, $0x3;
	s31 =	sor.u32 $0x180, s18;
	[tilespmem:s22+$0x0 ss:$0x11] =	vst.msk $0xffff, v1;
	v1 =	vld.idx.msk [tilespmem:v0+s7+$0x70 ss:$0x1], $0xffff;
	s7 =	sadd.s32 s12, s17  }
0x54: {  	[tilespmem:s23+$0x0 ss:$0x11] =	vst.msk $0xffff, v2;
	v2 =	vld.idx.msk [tilespmem:v0+s3+$0x0 ss:$0x1], $0xffff;
	s3 =	sand.u32 $0x1800, s20;
	s22 =	sshra.s32 s19, $0x2;
	s23 =	smul.u32 $0x44, s21  }
0x55: {  	[tilespmem:s24+$0x0 ss:$0x11] =	vst.msk $0xffff, v3;
	v3 =	vld.idx.msk [tilespmem:v0+s2+$0x10 ss:$0x1], $0xffff;
	s24 =	sshll.u32 s21, $0x3;
	s20 =	smul.u32 $0x44, s31;
	s21 =	sshll.u32 s31, $0x3  }
0x56: {  	[tilespmem:s25+$0x0 ss:$0x11] =	vst.msk $0xffff, v56;
	v58 =	vld.idx.msk [tilespmem:v0+s6+$0x20 ss:$0x1], $0xffff;
	s2 =	sadd.s32 s22, s17;
	s6 =	sand.u32 $0x1800, s24;
	s22 =	sor.u32 $0x190, s18  }
0x57: {  	[tilespmem:s26+$0x0 ss:$0x11] =	vst.msk $0xffff, v57;
	v59 =	vld.idx.msk [tilespmem:v0+s1+$0x30 ss:$0x1], $0xffff;
	s19 =	sshra.s32 s23, $0x2;
	s23 =	sand.u32 $0x3FFFFFF8, s21;
	s24 =	sshra.s32 s20, $0x2  }
0x58: {  	s25 =	smul.u32 $0x44, s22;
	s1 =	sadd.s32 s19, s17;
	s19 =	sor.u32 $0x1B0, s18;
	[tilespmem:s27+$0x0 ss:$0x11] =	vst.msk $0xffff, v1;
	v1 =	vld.idx.msk [tilespmem:v0+s8+$0x40 ss:$0x1], $0xffff  }
0x59: {  	s26 =	sshll.u32 s22, $0x3;
	s22 =	sshll.u32 s19, $0x3;
	[tilespmem:s28+$0x0 ss:$0x11] =	vst.msk $0xffff, v2;
	v2 =	vld.idx.msk [tilespmem:v0+s4+$0x50 ss:$0x1], $0xffff;
	s4 =	sadd.s32 s24, s17  }
0x5a: {  	s27 =	sor.u32 $0x1A0, s18;
	[tilespmem:s29+$0x0 ss:$0x11] =	vst.msk $0xffff, v3;
	v3 =	vld.idx.msk [tilespmem:v0+s3+$0x60 ss:$0x1], $0xffff;
	s28 =	sand.u32 $0x1C00, s26;
	s29 =	sshra.s32 s25, $0x2  }
0x5b: {  	[tilespmem:s30+$0x0 ss:$0x11] =	vst.msk $0xffff, v58;
	v60 =	vld.idx.msk [tilespmem:v0+s6+$0x70 ss:$0x1], $0xffff;
	s24 =	sand.u32 $0x1C00, s22;
	s25 =	sor.u32 $0x1C0, s18;
	s26 =	smul.u32 $0x44, s19  }
0x5c: {  	[tilespmem:s0+$0x0 ss:$0x11] =	vst.msk $0xffff, v59;
	v61 =	vld.idx.msk [tilespmem:v0+s23+$0x0 ss:$0x1], $0xffff;
	s31 =	smul.u32 $0x44, s27;
	s6 =	sadd.s32 s29, s17;
	s13 =	sshll.u32 s27, $0x3  }
0x5d: {  	s27 =	sshll.u32 s25, $0x3;
	s19 =	smul.u32 $0x44, s25;
	s20 =	sand.u32 $0x1C00, s13;
	[tilespmem:s5+$0x0 ss:$0x11] =	vst.msk $0xffff, v1;
	v1 =	vld.idx.msk [tilespmem:v0+s28+$0x10 ss:$0x1], $0xffff  }
0x5e: {  	s29 =	sand.u32 $0x1C00, s27;
	s21 =	sshra.s32 s31, $0x2;
	[tilespmem:s7+$0x0 ss:$0x11] =	vst.msk $0xffff, v2;
	v2 =	vld.idx.msk [tilespmem:v0+s20+$0x20 ss:$0x1], $0xffff;
	s28 =	sor.u32 $0x1D0, s18  }
0x5f: {  	s31 =	sor.u32 $0x1E0, s18;
	s23 =	sadd.s32 s21, s17;
	[tilespmem:s2+$0x0 ss:$0x11] =	vst.msk $0xffff, v3;
	v3 =	vld.idx.msk [tilespmem:v0+s24+$0x30 ss:$0x1], $0xffff;
	s30 =	sshll.u32 s28, $0x3  }
0x60: {  	[tilespmem:s1+$0x0 ss:$0x11] =	vst.msk $0xffff, v60;
	v62 =	vld.idx.msk [tilespmem:v0+s29+$0x40 ss:$0x1], $0xffff;
	s13 =	sshll.u32 s31, $0x3;
	s18 =	sor.u32 $0x1F0, s18;
	s12 =	sand.u32 $0x1C00, s30  }
0x61: {  	[tilespmem:s4+$0x0 ss:$0x11] =	vst.msk $0xffff, v61;
	s20 =	sand.u32 $0x1C00, s13;
	s24 =	smul.u32 $0x44, s31;
	s21 =	sshll.u32 s18, $0x3;
	v63 =	vld.idx.msk [tilespmem:v0+s12+$0x50 ss:$0x1], $0xffff  }
0x62: {  	s0 =	sshra.s32 s26, $0x2;
	s22 =	smul.u32 $0x44, s28;
	s2 =	sand.u32 $0x1C00, s21;
	[tilespmem:s6+$0x0 ss:$0x11] =	vst.msk $0xffff, v1;
	v1 =	vld.idx.msk [tilespmem:v0+s20+$0x60 ss:$0x1], $0xffff  }
0x63: {  	s0 =	sadd.s32 s0, s17;
	s26 =	smul.u32 $0x44, s18;
	[tilespmem:s23+$0x0 ss:$0x11] =	vst.msk $0xffff, v2;
	v2 =	vld.idx.msk [tilespmem:v0+s2+$0x70 ss:$0x1], $0xffff;
	s23 =	sshra.s32 s19, $0x2  }
.Ltmp3:
0x64: {  	s1 =	sshra.s32 s22, $0x2;
	[tilespmem:s0+$0x0 ss:$0x11] =	vst.msk $0xffff, v3;
	s25 =	sadd.s32 s23, s17;
	(pc) =	sbr.rel @p1 .LBB1_4-.Ltmp3, $4  }
0x65: {  	s28 =	sshra.s32 s24, $0x2;
	s27 =	sadd.s32 s1, s17;
	[tilespmem:s25+$0x0 ss:$0x11] =	vst.msk $0xffff, v62  }
0x66: {  	s29 =	sadd.s32 s28, s17;
	s30 =	sshra.s32 s26, $0x2;
	[tilespmem:s27+$0x0 ss:$0x11] =	vst.msk $0xffff, v63  }
0x67: {  	s31 =	sadd.s32 s30, s17;
	[tilespmem:s29+$0x0 ss:$0x11] =	vst.msk $0xffff, v1  }
0x68: {  	p0 =	por $0x0, $0x0;
	s18 =	simm.s32 $0x200;
	[tilespmem:s31+$0x0 ss:$0x11] =	vst.msk $0xffff, v2  }
0x69: {  	s16 =	sadd.s32 $0x1, s16  }
0x6a: {  	p0 =	sne.s32 s16, $0x10  }
.Ltmp4:
0x6b: {  	_ = 	snop;
	(pc) =	sbr.rel @p0 .LBB1_3-.Ltmp4, $1  }
0x6c: {  	_ =	sdelay $0x3  }
0x6d: {  	s0 =	rddreg [dreg:$0x9]  }
0x6e: {  	s3 =	rddreg [dreg:$0x8]  }
0x6f: {  	s0 =	sshll.u32 s0, $0x7;
	s1 =	sshll.u32 s3, $0x3  }
0x70: {  	s2 =	sand.u32 $0xFFFFFC00, s0;
	s1 =	sand.u32 $0xFFFFFC00, s1  }
0x71: {  	s0 =	sand.u32 $0x380, s0;
	s1 =	sadd.s32 s1, s2  }
0x72: {  	s0 =	sor.u32 s0, s1  }
0x73: {  	s0 =	sshrl.u32 s0, $0x7  }
0x74: {  	s29 =	rddreg [dreg:$0x4];
	s25 =	smulhi.u32 $0xAAAAAB, s0  }
0x75: {  	s6 =	rddreg [dreg:$0x2]  }
0x76: {  	s7 =	rddreg [dreg:$0x3];
	s1 =	sshrl.u32 s25, $0xB  }
0x77: {  	s31 =	simm.s32 $0x80;
	s8 =	rddreg [dreg:$0x5];
	s1 =	smul.u32 $0xC0000, s1  }
.Ltmp5:
0x78: {  	s9 =	rddreg [dreg:$0x6];
	s26 =	sshrl.u32 s3, $0x3;
	(pc) =	sbr.rel .LBB1_7-.Ltmp5, $4  }
0x79: {  	s28 =	sand.u32 $0x7, s3;
	s27 =	sand.u32 $0xF, s26;
	s0 =	ssub.s32 s0, s1  }
0x7a: {  	s2 =	sshll.u32 s28, $0x12;
	s1 =	sadd.s32 s29, s27;
	s0 =	sshll.u32 s0, $0x4  }
0x7b: {  	s12 =	rddreg [dreg:$0x7];
	s30 =	sor.u32 $0x10, s2;
	s0 =	sadd.s32 s0, s1  }
0x7c: {  	[hbm4b:s0+s30] =	stream.strided.scatter [tilespmem:s14], [sflag:$0x2], $0x4000, s31, s30, $0x8;
	[tilespmem:$0x10800] =	vst v63  }
.LBB1_8:
0x7d: {  	_ =	sfence.sel $0x180000  }
0x7e: {  	s0 =	simm.s32 $0x1;
	[bflag:$0x0] =	sbarrier.arrive $0xFFFF  }
0x7f: {  	s30 =	simm.s32 $0x2;
	[sflag:s0] =	ssyncpa.u1 $0x1  }
0x80: {  	[sflag:s30] =	ssyncpa.u1 $0x1  }
0x81: {  	_ =	strace $0x90000047  }
0x82: {  	s31 =	stileid.u32;
	[bflag:$0x2] =	sbarrier.arrive $0xFFFF  }
0x83: {  	p0 =	sne.s32 s31, $0x0;
	s0 =	rddreg [dreg:$0x1]  }
0x84: {  	s0 =	sadd.s32 @!p0 $0x100000, s0  }
0x85: {  	[sflag:s0] =	ssyncadd.tile.s32 @!p0 $0x1;
	_ =	shalt  }
.Lfunc_end1:
_tile_overlayer_lowered:
.L_overlay_start_2:
0x86: {  	(tag) =	ssettag $0x2  }
0x87: {  	s0 =	rddreg [dreg:$0x0];
	s2 =	stileid.u32  }
0x88: {  	s1 =	rddreg [dreg:$0x1];
	p0 =	sne.s32 s2, $0x0  }
0x89: {  	s3 =	rddreg [dreg:$0x2];
	[bflag:$0x3] =	sbarrier.arrive $0xFFFF;
	s2 =	simm.s32 @!p0 $0x1C01  }
0x8a: {  	[timem:s3], [sflag:s2] =	dma.local @!p0 [hbm:s0], s1  }
0x8b: {  	s0 =	simm.s32 @!p0 $0x1  }
0x8c: {  	_ =	swait.ge @!p0 [sflag:s0], s1  }
0x8d: {  	s1 =	ssub.s32 @!p0 $0x0, s1;
	[sflag:s0] =	ssyncset.done @!p0 $0x0  }
0x8e: {  	[sflag:s0] =	ssyncadd.s32 @!p0 s1  }
0x8f: {  	[bflag:$0x3] =	sbarrier.arrive $0xFFFF  }
0x90: {  	_ =	shalt  }

</sc_bundles>
